<compile_context>
chip_gen: v7x
topology: tpu7x:2x2x1
jax: 0.10.2.dev20260603
libtpu: 0.0.44.dev20260713+nightly
codegen_flags: <defaults>
</compile_context>

<pallas_src>
import functools

import jax
import jax.numpy as jnp
from jax import lax
from jax.experimental import pallas as pl
from jax.experimental.pallas import tpu as pltpu
from jax.experimental.pallas import tpu_sc as plsc

NC = 2
NS = 16
LANES = 16
CHUNK = 112
NBUF = 4
PREF = 2


def _sc_scatter(xs, src, tgt, val, n, d, k_chunks):
    mesh = plsc.VectorSubcoreMesh(core_axis_name="c", subcore_axis_name="s")
    dh = d // NC
    n_pad = -(-n // (NS * 8)) * (NS * 8)
    rows_per_tile = n_pad // NS

    @functools.partial(
        pl.kernel,
        out_type=jax.ShapeDtypeStruct((NC, n_pad, dh), jnp.float32),
        mesh=mesh,
        compiler_params=pltpu.CompilerParams(use_tc_tiling_on_sc=False),
        scratch_types=[
            pltpu.VMEM((k_chunks, CHUNK), jnp.int32),
            pltpu.VMEM((k_chunks, CHUNK), jnp.int32),
            pltpu.VMEM((k_chunks, CHUNK), jnp.float32),
            pltpu.VMEM((NBUF, CHUNK, dh), jnp.float32),
            pltpu.VMEM_SHARED((n_pad, dh), jnp.float32),
            pltpu.SemaphoreType.DMA((NBUF,)),
            pltpu.SemaphoreType.DMA((NBUF,)),
        ],
    )
    def body(xs_hbm, src_hbm, tgt_hbm, val_hbm, out_hbm,
             src_v, tgt_v, val_v, rows_v, acc, gsem, ssem):
        cid = lax.axis_index("c")
        sid = lax.axis_index("s")

        pltpu.sync_copy(src_hbm.at[sid], src_v)
        pltpu.sync_copy(tgt_hbm.at[sid], tgt_v)
        pltpu.sync_copy(val_hbm.at[sid], val_v)

        off = cid * n

        def offs(k, _):
            for g in range(CHUNK // LANES):
                sl = pl.ds(g * LANES, LANES)
                src_v[k, sl] = src_v[k, sl] + off
            return 0

        lax.fori_loop(0, k_chunks, offs, 0)

        zeros = jnp.zeros((LANES,), jnp.float32)

        def zrow(i, _):
            for q in range(dh // LANES):
                rows_v[0, i, pl.ds(q * LANES, LANES)] = zeros
            return 0

        lax.fori_loop(0, CHUNK, zrow, 0)

        base = sid * rows_per_tile
        full = rows_per_tile // CHUNK
        rem = rows_per_tile - full * CHUNK
        for t in range(full):
            pltpu.sync_copy(rows_v.at[0], acc.at[pl.ds(base + t * CHUNK, CHUNK)])
        if rem:
            pltpu.sync_copy(rows_v.at[0, pl.ds(0, rem)],
                            acc.at[pl.ds(base + full * CHUNK, rem)])
        plsc.subcore_barrier()

        def g_start(k, b):
            pltpu.async_copy(xs_hbm.at[src_v.at[k]], rows_v.at[b], gsem.at[b])

        def g_wait(b):
            pltpu.make_async_copy(xs_hbm.at[src_v.at[0]], rows_v.at[b],
                                  gsem.at[b]).wait()

        def s_start(k, b):
            pltpu.async_copy(rows_v.at[b], acc.at[tgt_v.at[k]], ssem.at[b],
                             add=True)

        def s_wait(b):
            pltpu.make_async_copy(rows_v.at[b], acc.at[tgt_v.at[0]],
                                  ssem.at[b]).wait()

        def scale(k, b):
            def edge_group(g, _):
                vals = val_v[k, pl.ds(g * LANES, LANES)]
                for t in range(LANES):
                    v = vals[t]
                    row = g * LANES + t
                    for q in range(dh // LANES):
                        sl = pl.ds(q * LANES, LANES)
                        rows_v[b, row, sl] = rows_v[b, row, sl] * v
                return 0

            lax.fori_loop(0, CHUNK // LANES, edge_group, 0)

        for j in range(PREF):
            g_start(j, j % NBUF)

        def outer(kk, _):
            for b0 in range(NBUF):
                k = kk * NBUF + b0

                @pl.when(k >= NBUF - PREF)
                def _():
                    s_wait((b0 + PREF) % NBUF)

                @pl.when(k + PREF < k_chunks)
                def _():
                    g_start(k + PREF, (b0 + PREF) % NBUF)

                g_wait(b0)
                scale(k, b0)
                s_start(k, b0)
            return 0

        lax.fori_loop(0, k_chunks // NBUF, outer, 0)
        for j in range(NBUF - PREF):
            s_wait((k_chunks - (NBUF - PREF) + j) % NBUF)
        plsc.subcore_barrier()

        pltpu.sync_copy(acc.at[pl.ds(base, rows_per_tile)],
                        out_hbm.at[cid, pl.ds(base, rows_per_tile)])

    return body(xs, src, tgt, val)


def kernel(x, edge_index, edge_values):
    n, d = x.shape
    e = edge_values.shape[0]
    dh = d // NC
    per_tile = -(-e // NS)
    k_chunks = -(-per_tile // CHUNK)
    k_chunks = max(-(-k_chunks // NBUF) * NBUF, NBUF)
    e_pad = NS * k_chunks * CHUNK

    xs = jnp.transpose(x.reshape(n, NC, dh), (1, 0, 2)).reshape(NC * n, dh)

    tgt = edge_index[0]
    src = edge_index[1]
    pad = e_pad - e
    if pad:
        src = jnp.concatenate([src, jnp.zeros((pad,), jnp.int32)])
        tgt = jnp.concatenate([tgt, jnp.zeros((pad,), jnp.int32)])
        edge_values = jnp.concatenate([edge_values, jnp.zeros((pad,), jnp.float32)])
    src = src.reshape(NS, k_chunks, CHUNK)
    tgt = tgt.reshape(NS, k_chunks, CHUNK)
    val = edge_values.reshape(NS, k_chunks, CHUNK)

    halves = _sc_scatter(xs, src, tgt, val, n, d, k_chunks)
    return jnp.concatenate([halves[0, :n], halves[1, :n]], axis=1)

# --- scband reference (transcript-rebuilt; emitter-appended) ---
"""Pipeline reference for scband-higher-order-message-passing-36842229465189 (READ-ONLY COPY).

The authoritative reference and input builder live on the scoring server;
editing this copy changes nothing except your own understanding.
"""

import jax, jax.numpy as jnp
import numpy as np

N = 10000
E = 320000
D = 128

def setup_inputs(seed: int = 0) -> dict:
    key = jax.random.key(seed)
    k1, k2, k3 = jax.random.split(key, 3)
    x = jax.random.normal(k1, (N, D), dtype=jnp.float32)
    edge_index = jax.random.randint(k2, (2, E), 0, N, dtype=jnp.int32)
    edge_values = jax.random.normal(k3, (E,), dtype=jnp.float32)
    return {"x": x, "edge_index": edge_index, "edge_values": edge_values}

def reference(x, edge_index, edge_values):
    # Faithful translation of HigherOrderMessagePassing.propagate with
    # aggregate_sign=True, aggregate_value=True, aggregate='sum'.
    # a = sparse_coo(edge_index, edge_values, (N, N)); target, source = a.indices()
    target = edge_index[0]
    source = edge_index[1]
    # message: gather rows of x at source indices
    messages = jnp.take(x, source, axis=0)
    # multiply by the sparse matrix values (sign * magnitude combined)
    messages = edge_values[:, None] * messages
    # aggregate: scatter-add messages into target rows
    out = jax.ops.segment_sum(messages, target, num_segments=N)
    # update: identity
    return out

if __name__ == "__main__":
    import jax
    _d = setup_inputs()
    print(jax.jit(kernel)(*tuple(_d.values())))

</pallas_src>

<mosaic_0001>
#map = affine_map<(d0, d1) -> (0, 0)>
#map1 = affine_map<(d0, d1) -> (0, 0, 0)>
module attributes {stable_mosaic.version = 14 : i64} {
  func.func @body(%arg0: i32, %arg1: i32, %arg2: memref<20000x64xf32, #tpu.memory_space<hbm>>, %arg3: memref<16x180x112xi32, #tpu.memory_space<hbm>>, %arg4: memref<16x180x112xi32, #tpu.memory_space<hbm>>, %arg5: memref<16x180x112xf32, #tpu.memory_space<hbm>>, %arg6: memref<2x10112x64xf32, #tpu.memory_space<hbm>>, %arg7: memref<180x112xi32, #tpu.memory_space<vmem>>, %arg8: memref<180x112xi32, #tpu.memory_space<vmem>>, %arg9: memref<180x112xf32, #tpu.memory_space<vmem>>, %arg10: memref<4x112x64xf32, #tpu.memory_space<vmem>>, %arg11: memref<10112x64xf32, #tpu.memory_space<vmem_shared>>, %arg12: memref<4x!tpu.dma_semaphore, #tpu.memory_space<semaphore_mem>>, %arg13: memref<4x!tpu.dma_semaphore, #tpu.memory_space<semaphore_mem>>) attributes {dimension_semantics = [#tpu.dimension_semantics<core_parallel>, #tpu.dimension_semantics<subcore_parallel>], iteration_bounds = array<i64: 2, 16>, scalar_prefetch = 0 : i64, scratch_operands = 7 : i64, tpu.core_type = #tpu.core_type<sc_vector_subcore>, window_params = [{transform_indices = #map}, {transform_indices = #map1}, {transform_indices = #map1}, {transform_indices = #map1}, {transform_indices = #map1}]} {
    "tpu.region"() ({
      %run_scoped3A_99 = tpu.sem_alloc : memref<!tpu.dma_semaphore, #tpu.memory_space<semaphore_mem>>
      %dma_start3A_100 = arith.constant 0 : i32
      %dma_start3A_101 = arith.constant 0 : i32
      %dma_start3A_102 = tpu.memref_slice %arg3[%arg1, %dma_start3A_100, %dma_start3A_101] : memref<16x180x112xi32, #tpu.memory_space<hbm>> -> memref<1x180x112xi32, #tpu.memory_space<hbm>>
      %dma_start3A_103 = tpu.memref_squeeze %dma_start3A_102 : memref<1x180x112xi32, #tpu.memory_space<hbm>> -> memref<180x112xi32, #tpu.memory_space<hbm>>
      %dma_start3A_104 = arith.constant 0 : i32
      %dma_start3A_105 = arith.constant 0 : i32
      %dma_start3A_106 = tpu.memref_slice %arg3[%arg1, %dma_start3A_104, %dma_start3A_105] : memref<16x180x112xi32, #tpu.memory_space<hbm>> -> memref<1x180x112xi32, #tpu.memory_space<hbm>>
      %dma_start3A_107 = tpu.memref_squeeze %dma_start3A_106 : memref<1x180x112xi32, #tpu.memory_space<hbm>> -> memref<180x112xi32, #tpu.memory_space<hbm>>
      tpu.enqueue_dma source(%dma_start3A_107 : memref<180x112xi32, #tpu.memory_space<hbm>>) target(%arg7 : memref<180x112xi32, #tpu.memory_space<vmem>>) target_semaphore(%run_scoped3A_99 : memref<!tpu.dma_semaphore, #tpu.memory_space<semaphore_mem>>)
      %dma_wait3A_108 = arith.constant 0 : i32
      %dma_wait3A_109 = arith.constant 0 : i32
      %dma_wait3A_110 = tpu.memref_slice %arg3[%arg1, %dma_wait3A_108, %dma_wait3A_109] : memref<16x180x112xi32, #tpu.memory_space<hbm>> -> memref<1x180x112xi32, #tpu.memory_space<hbm>>
      %dma_wait3A_111 = tpu.memref_squeeze %dma_wait3A_110 : memref<1x180x112xi32, #tpu.memory_space<hbm>> -> memref<180x112xi32, #tpu.memory_space<hbm>>
      %dma_wait3A_112 = arith.constant 0 : i32
      %dma_wait3A_113 = arith.constant 0 : i32
      %dma_wait3A_114 = tpu.memref_slice %arg3[%arg1, %dma_wait3A_112, %dma_wait3A_113] : memref<16x180x112xi32, #tpu.memory_space<hbm>> -> memref<1x180x112xi32, #tpu.memory_space<hbm>>
      %dma_wait3A_115 = tpu.memref_squeeze %dma_wait3A_114 : memref<1x180x112xi32, #tpu.memory_space<hbm>> -> memref<180x112xi32, #tpu.memory_space<hbm>>
      tpu.wait_dma2 semaphore(%run_scoped3A_99 : memref<!tpu.dma_semaphore, #tpu.memory_space<semaphore_mem>>) src(%dma_wait3A_115 : memref<180x112xi32, #tpu.memory_space<hbm>>) dst(%arg7 : memref<180x112xi32, #tpu.memory_space<vmem>>)
      tpu.yield
    }) : () -> ()
    "tpu.region"() ({
      %run_scoped3A_99 = tpu.sem_alloc : memref<!tpu.dma_semaphore, #tpu.memory_space<semaphore_mem>>
      %dma_start3A_100 = arith.constant 0 : i32
      %dma_start3A_101 = arith.constant 0 : i32
      %dma_start3A_102 = tpu.memref_slice %arg4[%arg1, %dma_start3A_100, %dma_start3A_101] : memref<16x180x112xi32, #tpu.memory_space<hbm>> -> memref<1x180x112xi32, #tpu.memory_space<hbm>>
      %dma_start3A_103 = tpu.memref_squeeze %dma_start3A_102 : memref<1x180x112xi32, #tpu.memory_space<hbm>> -> memref<180x112xi32, #tpu.memory_space<hbm>>
      %dma_start3A_104 = arith.constant 0 : i32
      %dma_start3A_105 = arith.constant 0 : i32
      %dma_start3A_106 = tpu.memref_slice %arg4[%arg1, %dma_start3A_104, %dma_start3A_105] : memref<16x180x112xi32, #tpu.memory_space<hbm>> -> memref<1x180x112xi32, #tpu.memory_space<hbm>>
      %dma_start3A_107 = tpu.memref_squeeze %dma_start3A_106 : memref<1x180x112xi32, #tpu.memory_space<hbm>> -> memref<180x112xi32, #tpu.memory_space<hbm>>
      tpu.enqueue_dma source(%dma_start3A_107 : memref<180x112xi32, #tpu.memory_space<hbm>>) target(%arg8 : memref<180x112xi32, #tpu.memory_space<vmem>>) target_semaphore(%run_scoped3A_99 : memref<!tpu.dma_semaphore, #tpu.memory_space<semaphore_mem>>)
      %dma_wait3A_108 = arith.constant 0 : i32
      %dma_wait3A_109 = arith.constant 0 : i32
      %dma_wait3A_110 = tpu.memref_slice %arg4[%arg1, %dma_wait3A_108, %dma_wait3A_109] : memref<16x180x112xi32, #tpu.memory_space<hbm>> -> memref<1x180x112xi32, #tpu.memory_space<hbm>>
      %dma_wait3A_111 = tpu.memref_squeeze %dma_wait3A_110 : memref<1x180x112xi32, #tpu.memory_space<hbm>> -> memref<180x112xi32, #tpu.memory_space<hbm>>
      %dma_wait3A_112 = arith.constant 0 : i32
      %dma_wait3A_113 = arith.constant 0 : i32
      %dma_wait3A_114 = tpu.memref_slice %arg4[%arg1, %dma_wait3A_112, %dma_wait3A_113] : memref<16x180x112xi32, #tpu.memory_space<hbm>> -> memref<1x180x112xi32, #tpu.memory_space<hbm>>
      %dma_wait3A_115 = tpu.memref_squeeze %dma_wait3A_114 : memref<1x180x112xi32, #tpu.memory_space<hbm>> -> memref<180x112xi32, #tpu.memory_space<hbm>>
      tpu.wait_dma2 semaphore(%run_scoped3A_99 : memref<!tpu.dma_semaphore, #tpu.memory_space<semaphore_mem>>) src(%dma_wait3A_115 : memref<180x112xi32, #tpu.memory_space<hbm>>) dst(%arg8 : memref<180x112xi32, #tpu.memory_space<vmem>>)
      tpu.yield
    }) : () -> ()
    "tpu.region"() ({
      %run_scoped3A_99 = tpu.sem_alloc : memref<!tpu.dma_semaphore, #tpu.memory_space<semaphore_mem>>
      %dma_start3A_100 = arith.constant 0 : i32
      %dma_start3A_101 = arith.constant 0 : i32
      %dma_start3A_102 = tpu.memref_slice %arg5[%arg1, %dma_start3A_100, %dma_start3A_101] : memref<16x180x112xf32, #tpu.memory_space<hbm>> -> memref<1x180x112xf32, #tpu.memory_space<hbm>>
      %dma_start3A_103 = tpu.memref_squeeze %dma_start3A_102 : memref<1x180x112xf32, #tpu.memory_space<hbm>> -> memref<180x112xf32, #tpu.memory_space<hbm>>
      %dma_start3A_104 = arith.constant 0 : i32
      %dma_start3A_105 = arith.constant 0 : i32
      %dma_start3A_106 = tpu.memref_slice %arg5[%arg1, %dma_start3A_104, %dma_start3A_105] : memref<16x180x112xf32, #tpu.memory_space<hbm>> -> memref<1x180x112xf32, #tpu.memory_space<hbm>>
      %dma_start3A_107 = tpu.memref_squeeze %dma_start3A_106 : memref<1x180x112xf32, #tpu.memory_space<hbm>> -> memref<180x112xf32, #tpu.memory_space<hbm>>
      tpu.enqueue_dma source(%dma_start3A_107 : memref<180x112xf32, #tpu.memory_space<hbm>>) target(%arg9 : memref<180x112xf32, #tpu.memory_space<vmem>>) target_semaphore(%run_scoped3A_99 : memref<!tpu.dma_semaphore, #tpu.memory_space<semaphore_mem>>)
      %dma_wait3A_108 = arith.constant 0 : i32
      %dma_wait3A_109 = arith.constant 0 : i32
      %dma_wait3A_110 = tpu.memref_slice %arg5[%arg1, %dma_wait3A_108, %dma_wait3A_109] : memref<16x180x112xf32, #tpu.memory_space<hbm>> -> memref<1x180x112xf32, #tpu.memory_space<hbm>>
      %dma_wait3A_111 = tpu.memref_squeeze %dma_wait3A_110 : memref<1x180x112xf32, #tpu.memory_space<hbm>> -> memref<180x112xf32, #tpu.memory_space<hbm>>
      %dma_wait3A_112 = arith.constant 0 : i32
      %dma_wait3A_113 = arith.constant 0 : i32
      %dma_wait3A_114 = tpu.memref_slice %arg5[%arg1, %dma_wait3A_112, %dma_wait3A_113] : memref<16x180x112xf32, #tpu.memory_space<hbm>> -> memref<1x180x112xf32, #tpu.memory_space<hbm>>
      %dma_wait3A_115 = tpu.memref_squeeze %dma_wait3A_114 : memref<1x180x112xf32, #tpu.memory_space<hbm>> -> memref<180x112xf32, #tpu.memory_space<hbm>>
      tpu.wait_dma2 semaphore(%run_scoped3A_99 : memref<!tpu.dma_semaphore, #tpu.memory_space<semaphore_mem>>) src(%dma_wait3A_115 : memref<180x112xf32, #tpu.memory_space<hbm>>) dst(%arg9 : memref<180x112xf32, #tpu.memory_space<vmem>>)
      tpu.yield
    }) : () -> ()
    %mul3A = arith.constant 10000 : i32
    %mul3A_0 = arith.muli %arg0, %mul3A : i32
    %scan3A = arith.constant 0 : i32
    %scan3A_1 = arith.constant 0 : i32
    %scan3A_2 = arith.constant 180 : i32
    %scan3A_3 = arith.addi %scan3A_1, %scan3A_2 : i32
    %scan3A_4 = arith.constant 1 : i32
    %scan3A_5 = scf.for %scan3A_99 = %scan3A_1 to %scan3A_3 step %scan3A_4 iter_args(%scan3A_100 = %scan3A) -> (i32)  : i32 {
      %get3A = arith.index_cast %scan3A_99 : i32 to index
      %get3A_101 = arith.constant 0 : index
      %get3A_102 = tpu.vector_load %arg7[%get3A, %get3A_101] {strides = array<i32>} : memref<180x112xi32, #tpu.memory_space<vmem>>, vector<1x16xi32>,
      %get3A_103 = vector.shape_cast %get3A_102 : vector<1x16xi32> to vector<16xi32>
      %add3A_104 = vector.broadcast %mul3A_0 : i32 to vector<16xi32>
      %add3A_105 = arith.addi %get3A_103, %add3A_104 : vector<16xi32>
      %swap3A = arith.index_cast %scan3A_99 : i32 to index
      %swap3A_106 = arith.constant 0 : index
      %swap3A_107 = tpu.vector_load %arg7[%swap3A, %swap3A_106] {strides = array<i32>} : memref<180x112xi32, #tpu.memory_space<vmem>>, vector<1x16xi32>,
      %swap3A_108 = vector.shape_cast %swap3A_107 : vector<1x16xi32> to vector<16xi32>
      %swap3A_109 = vector.shape_cast %add3A_105 : vector<16xi32> to vector<1x16xi32>
      tpu.vector_store %arg7[%swap3A, %swap3A_106], %swap3A_109 {strides = array<i32>} : memref<180x112xi32, #tpu.memory_space<vmem>>, vector<1x16xi32>,
      %get3A_110 = arith.index_cast %scan3A_99 : i32 to index
      %get3A_111 = arith.constant 16 : index
      %get3A_112 = tpu.vector_load %arg7[%get3A_110, %get3A_111] {strides = array<i32>} : memref<180x112xi32, #tpu.memory_space<vmem>>, vector<1x16xi32>,
      %get3A_113 = vector.shape_cast %get3A_112 : vector<1x16xi32> to vector<16xi32>
      %add3A_114 = vector.broadcast %mul3A_0 : i32 to vector<16xi32>
      %add3A_115 = arith.addi %get3A_113, %add3A_114 : vector<16xi32>
      %swap3A_116 = arith.index_cast %scan3A_99 : i32 to index
      %swap3A_117 = arith.constant 16 : index
      %swap3A_118 = tpu.vector_load %arg7[%swap3A_116, %swap3A_117] {strides = array<i32>} : memref<180x112xi32, #tpu.memory_space<vmem>>, vector<1x16xi32>,
      %swap3A_119 = vector.shape_cast %swap3A_118 : vector<1x16xi32> to vector<16xi32>
      %swap3A_120 = vector.shape_cast %add3A_115 : vector<16xi32> to vector<1x16xi32>
      tpu.vector_store %arg7[%swap3A_116, %swap3A_117], %swap3A_120 {strides = array<i32>} : memref<180x112xi32, #tpu.memory_space<vmem>>, vector<1x16xi32>,
      %get3A_121 = arith.index_cast %scan3A_99 : i32 to index
      %get3A_122 = arith.constant 32 : index
      %get3A_123 = tpu.vector_load %arg7[%get3A_121, %get3A_122] {strides = array<i32>} : memref<180x112xi32, #tpu.memory_space<vmem>>, vector<1x16xi32>,
      %get3A_124 = vector.shape_cast %get3A_123 : vector<1x16xi32> to vector<16xi32>
      %add3A_125 = vector.broadcast %mul3A_0 : i32 to vector<16xi32>
      %add3A_126 = arith.addi %get3A_124, %add3A_125 : vector<16xi32>
      %swap3A_127 = arith.index_cast %scan3A_99 : i32 to index
      %swap3A_128 = arith.constant 32 : index
      %swap3A_129 = tpu.vector_load %arg7[%swap3A_127, %swap3A_128] {strides = array<i32>} : memref<180x112xi32, #tpu.memory_space<vmem>>, vector<1x16xi32>,
      %swap3A_130 = vector.shape_cast %swap3A_129 : vector<1x16xi32> to vector<16xi32>
      %swap3A_131 = vector.shape_cast %add3A_126 : vector<16xi32> to vector<1x16xi32>
      tpu.vector_store %arg7[%swap3A_127, %swap3A_128], %swap3A_131 {strides = array<i32>} : memref<180x112xi32, #tpu.memory_space<vmem>>, vector<1x16xi32>,
      %get3A_132 = arith.index_cast %scan3A_99 : i32 to index
      %get3A_133 = arith.constant 48 : index
      %get3A_134 = tpu.vector_load %arg7[%get3A_132, %get3A_133] {strides = array<i32>} : memref<180x112xi32, #tpu.memory_space<vmem>>, vector<1x16xi32>,
      %get3A_135 = vector.shape_cast %get3A_134 : vector<1x16xi32> to vector<16xi32>
      %add3A_136 = vector.broadcast %mul3A_0 : i32 to vector<16xi32>
      %add3A_137 = arith.addi %get3A_135, %add3A_136 : vector<16xi32>
      %swap3A_138 = arith.index_cast %scan3A_99 : i32 to index
      %swap3A_139 = arith.constant 48 : index
      %swap3A_140 = tpu.vector_load %arg7[%swap3A_138, %swap3A_139] {strides = array<i32>} : memref<180x112xi32, #tpu.memory_space<vmem>>, vector<1x16xi32>,
      %swap3A_141 = vector.shape_cast %swap3A_140 : vector<1x16xi32> to vector<16xi32>
      %swap3A_142 = vector.shape_cast %add3A_137 : vector<16xi32> to vector<1x16xi32>
      tpu.vector_store %arg7[%swap3A_138, %swap3A_139], %swap3A_142 {strides = array<i32>} : memref<180x112xi32, #tpu.memory_space<vmem>>, vector<1x16xi32>,
      %get3A_143 = arith.index_cast %scan3A_99 : i32 to index
      %get3A_144 = arith.constant 64 : index
      %get3A_145 = tpu.vector_load %arg7[%get3A_143, %get3A_144] {strides = array<i32>} : memref<180x112xi32, #tpu.memory_space<vmem>>, vector<1x16xi32>,
      %get3A_146 = vector.shape_cast %get3A_145 : vector<1x16xi32> to vector<16xi32>
      %add3A_147 = vector.broadcast %mul3A_0 : i32 to vector<16xi32>
      %add3A_148 = arith.addi %get3A_146, %add3A_147 : vector<16xi32>
      %swap3A_149 = arith.index_cast %scan3A_99 : i32 to index
      %swap3A_150 = arith.constant 64 : index
      %swap3A_151 = tpu.vector_load %arg7[%swap3A_149, %swap3A_150] {strides = array<i32>} : memref<180x112xi32, #tpu.memory_space<vmem>>, vector<1x16xi32>,
      %swap3A_152 = vector.shape_cast %swap3A_151 : vector<1x16xi32> to vector<16xi32>
      %swap3A_153 = vector.shape_cast %add3A_148 : vector<16xi32> to vector<1x16xi32>
      tpu.vector_store %arg7[%swap3A_149, %swap3A_150], %swap3A_153 {strides = array<i32>} : memref<180x112xi32, #tpu.memory_space<vmem>>, vector<1x16xi32>,
      %get3A_154 = arith.index_cast %scan3A_99 : i32 to index
      %get3A_155 = arith.constant 80 : index
      %get3A_156 = tpu.vector_load %arg7[%get3A_154, %get3A_155] {strides = array<i32>} : memref<180x112xi32, #tpu.memory_space<vmem>>, vector<1x16xi32>,
      %get3A_157 = vector.shape_cast %get3A_156 : vector<1x16xi32> to vector<16xi32>
      %add3A_158 = vector.broadcast %mul3A_0 : i32 to vector<16xi32>
      %add3A_159 = arith.addi %get3A_157, %add3A_158 : vector<16xi32>
      %swap3A_160 = arith.index_cast %scan3A_99 : i32 to index
      %swap3A_161 = arith.constant 80 : index
      %swap3A_162 = tpu.vector_load %arg7[%swap3A_160, %swap3A_161] {strides = array<i32>} : memref<180x112xi32, #tpu.memory_space<vmem>>, vector<1x16xi32>,
      %swap3A_163 = vector.shape_cast %swap3A_162 : vector<1x16xi32> to vector<16xi32>
      %swap3A_164 = vector.shape_cast %add3A_159 : vector<16xi32> to vector<1x16xi32>
      tpu.vector_store %arg7[%swap3A_160, %swap3A_161], %swap3A_164 {strides = array<i32>} : memref<180x112xi32, #tpu.memory_space<vmem>>, vector<1x16xi32>,
      %get3A_165 = arith.index_cast %scan3A_99 : i32 to index
      %get3A_166 = arith.constant 96 : index
      %get3A_167 = tpu.vector_load %arg7[%get3A_165, %get3A_166] {strides = array<i32>} : memref<180x112xi32, #tpu.memory_space<vmem>>, vector<1x16xi32>,
      %get3A_168 = vector.shape_cast %get3A_167 : vector<1x16xi32> to vector<16xi32>
      %add3A_169 = vector.broadcast %mul3A_0 : i32 to vector<16xi32>
      %add3A_170 = arith.addi %get3A_168, %add3A_169 : vector<16xi32>
      %swap3A_171 = arith.index_cast %scan3A_99 : i32 to index
      %swap3A_172 = arith.constant 96 : index
      %swap3A_173 = tpu.vector_load %arg7[%swap3A_171, %swap3A_172] {strides = array<i32>} : memref<180x112xi32, #tpu.memory_space<vmem>>, vector<1x16xi32>,
      %swap3A_174 = vector.shape_cast %swap3A_173 : vector<1x16xi32> to vector<16xi32>
      %swap3A_175 = vector.shape_cast %add3A_170 : vector<16xi32> to vector<1x16xi32>
      tpu.vector_store %arg7[%swap3A_171, %swap3A_172], %swap3A_175 {strides = array<i32>} : memref<180x112xi32, #tpu.memory_space<vmem>>, vector<1x16xi32>,
      %scan3A_176 = arith.constant 0 : i32
      scf.yield %scan3A_176 : i32
    }
    %scan3A_6 = arith.constant 180 : i32
    %broadcast_in_dim3A = arith.constant 0.000000e+00 : f32
    %broadcast_in_dim3A_7 = vector.broadcast %broadcast_in_dim3A : f32 to vector<16xf32>
    %scan3A_8 = arith.constant 0 : i32
    %scan3A_9 = arith.constant 0 : i32
    %scan3A_10 = arith.constant 112 : i32
    %scan3A_11 = arith.addi %scan3A_9, %scan3A_10 : i32
    %scan3A_12 = arith.constant 1 : i32
    %scan3A_13 = scf.for %scan3A_99 = %scan3A_9 to %scan3A_11 step %scan3A_12 iter_args(%scan3A_100 = %scan3A_8) -> (i32)  : i32 {
      %swap3A = arith.constant 0 : i32
      %swap3A_101 = arith.index_cast %swap3A : i32 to index
      %swap3A_102 = arith.index_cast %scan3A_99 : i32 to index
      %swap3A_103 = arith.constant 0 : index
      %swap3A_104 = tpu.vector_load %arg10[%swap3A_101, %swap3A_102, %swap3A_103] {strides = array<i32>} : memref<4x112x64xf32, #tpu.memory_space<vmem>>, vector<1x1x16xf32>,
      %swap3A_105 = vector.shape_cast %swap3A_104 : vector<1x1x16xf32> to vector<16xf32>
      %swap3A_106 = vector.shape_cast %broadcast_in_dim3A_7 : vector<16xf32> to vector<1x1x16xf32>
      tpu.vector_store %arg10[%swap3A_101, %swap3A_102, %swap3A_103], %swap3A_106 {strides = array<i32>} : memref<4x112x64xf32, #tpu.memory_space<vmem>>, vector<1x1x16xf32>,
      %swap3A_107 = arith.constant 0 : i32
      %swap3A_108 = arith.index_cast %swap3A_107 : i32 to index
      %swap3A_109 = arith.index_cast %scan3A_99 : i32 to index
      %swap3A_110 = arith.constant 16 : index
      %swap3A_111 = tpu.vector_load %arg10[%swap3A_108, %swap3A_109, %swap3A_110] {strides = array<i32>} : memref<4x112x64xf32, #tpu.memory_space<vmem>>, vector<1x1x16xf32>,
      %swap3A_112 = vector.shape_cast %swap3A_111 : vector<1x1x16xf32> to vector<16xf32>
      %swap3A_113 = vector.shape_cast %broadcast_in_dim3A_7 : vector<16xf32> to vector<1x1x16xf32>
      tpu.vector_store %arg10[%swap3A_108, %swap3A_109, %swap3A_110], %swap3A_113 {strides = array<i32>} : memref<4x112x64xf32, #tpu.memory_space<vmem>>, vector<1x1x16xf32>,
      %swap3A_114 = arith.constant 0 : i32
      %swap3A_115 = arith.index_cast %swap3A_114 : i32 to index
      %swap3A_116 = arith.index_cast %scan3A_99 : i32 to index
      %swap3A_117 = arith.constant 32 : index
      %swap3A_118 = tpu.vector_load %arg10[%swap3A_115, %swap3A_116, %swap3A_117] {strides = array<i32>} : memref<4x112x64xf32, #tpu.memory_space<vmem>>, vector<1x1x16xf32>,
      %swap3A_119 = vector.shape_cast %swap3A_118 : vector<1x1x16xf32> to vector<16xf32>
      %swap3A_120 = vector.shape_cast %broadcast_in_dim3A_7 : vector<16xf32> to vector<1x1x16xf32>
      tpu.vector_store %arg10[%swap3A_115, %swap3A_116, %swap3A_117], %swap3A_120 {strides = array<i32>} : memref<4x112x64xf32, #tpu.memory_space<vmem>>, vector<1x1x16xf32>,
      %swap3A_121 = arith.constant 0 : i32
      %swap3A_122 = arith.index_cast %swap3A_121 : i32 to index
      %swap3A_123 = arith.index_cast %scan3A_99 : i32 to index
      %swap3A_124 = arith.constant 48 : index
      %swap3A_125 = tpu.vector_load %arg10[%swap3A_122, %swap3A_123, %swap3A_124] {strides = array<i32>} : memref<4x112x64xf32, #tpu.memory_space<vmem>>, vector<1x1x16xf32>,
      %swap3A_126 = vector.shape_cast %swap3A_125 : vector<1x1x16xf32> to vector<16xf32>
      %swap3A_127 = vector.shape_cast %broadcast_in_dim3A_7 : vector<16xf32> to vector<1x1x16xf32>
      tpu.vector_store %arg10[%swap3A_122, %swap3A_123, %swap3A_124], %swap3A_127 {strides = array<i32>} : memref<4x112x64xf32, #tpu.memory_space<vmem>>, vector<1x1x16xf32>,
      %scan3A_128 = arith.constant 0 : i32
      scf.yield %scan3A_128 : i32
    }
    %scan3A_14 = arith.constant 112 : i32
    %mul3A_15 = arith.constant 632 : i32
    %mul3A_16 = arith.muli %arg1, %mul3A_15 : i32
    %add3A = arith.constant 0 : i32
    %add3A_17 = arith.addi %mul3A_16, %add3A : i32
    %run_scoped3A = arith.constant 0 : i32
    "tpu.region"() ({
      %run_scoped3A_99 = tpu.sem_alloc : memref<!tpu.dma_semaphore, #tpu.memory_space<semaphore_mem>>
      %dma_start3A_100 = arith.constant 0 : i32
      %dma_start3A_101 = arith.constant 0 : i32
      %dma_start3A_102 = tpu.memref_slice %arg10[%run_scoped3A, %dma_start3A_100, %dma_start3A_101] : memref<4x112x64xf32, #tpu.memory_space<vmem>> -> memref<1x112x64xf32, #tpu.memory_space<vmem>>
      %dma_start3A_103 = tpu.memref_squeeze %dma_start3A_102 : memref<1x112x64xf32, #tpu.memory_space<vmem>> -> memref<112x64xf32, #tpu.memory_space<vmem>>
      %dma_start3A_104 = arith.constant 0 : i32
      %dma_start3A_105 = tpu.memref_slice %arg11[%add3A_17, %dma_start3A_104] : memref<10112x64xf32, #tpu.memory_space<vmem_shared>> -> memref<112x64xf32, #tpu.memory_space<vmem_shared>>
      %dma_start3A_106 = arith.constant 0 : i32
      %dma_start3A_107 = tpu.memref_slice %arg11[%add3A_17, %dma_start3A_106] : memref<10112x64xf32, #tpu.memory_space<vmem_shared>> -> memref<112x64xf32, #tpu.memory_space<vmem_shared>>
      %dma_start3A_108 = arith.constant 0 : i32
      %dma_start3A_109 = arith.constant 0 : i32
      %dma_start3A_110 = tpu.memref_slice %arg10[%run_scoped3A, %dma_start3A_108, %dma_start3A_109] : memref<4x112x64xf32, #tpu.memory_space<vmem>> -> memref<1x112x64xf32, #tpu.memory_space<vmem>>
      %dma_start3A_111 = tpu.memref_squeeze %dma_start3A_110 : memref<1x112x64xf32, #tpu.memory_space<vmem>> -> memref<112x64xf32, #tpu.memory_space<vmem>>
      tpu.enqueue_dma source(%dma_start3A_111 : memref<112x64xf32, #tpu.memory_space<vmem>>) target(%dma_start3A_107 : memref<112x64xf32, #tpu.memory_space<vmem_shared>>) target_semaphore(%run_scoped3A_99 : memref<!tpu.dma_semaphore, #tpu.memory_space<semaphore_mem>>)
      %dma_wait3A_112 = arith.constant 0 : i32
      %dma_wait3A_113 = arith.constant 0 : i32
      %dma_wait3A_114 = tpu.memref_slice %arg10[%run_scoped3A, %dma_wait3A_112, %dma_wait3A_113] : memref<4x112x64xf32, #tpu.memory_space<vmem>> -> memref<1x112x64xf32, #tpu.memory_space<vmem>>
      %dma_wait3A_115 = tpu.memref_squeeze %dma_wait3A_114 : memref<1x112x64xf32, #tpu.memory_space<vmem>> -> memref<112x64xf32, #tpu.memory_space<vmem>>
      %dma_wait3A_116 = arith.constant 0 : i32
      %dma_wait3A_117 = tpu.memref_slice %arg11[%add3A_17, %dma_wait3A_116] : memref<10112x64xf32, #tpu.memory_space<vmem_shared>> -> memref<112x64xf32, #tpu.memory_space<vmem_shared>>
      %dma_wait3A_118 = arith.constant 0 : i32
      %dma_wait3A_119 = tpu.memref_slice %arg11[%add3A_17, %dma_wait3A_118] : memref<10112x64xf32, #tpu.memory_space<vmem_shared>> -> memref<112x64xf32, #tpu.memory_space<vmem_shared>>
      %dma_wait3A_120 = arith.constant 0 : i32
      %dma_wait3A_121 = arith.constant 0 : i32
      %dma_wait3A_122 = tpu.memref_slice %arg10[%run_scoped3A, %dma_wait3A_120, %dma_wait3A_121] : memref<4x112x64xf32, #tpu.memory_space<vmem>> -> memref<1x112x64xf32, #tpu.memory_space<vmem>>
      %dma_wait3A_123 = tpu.memref_squeeze %dma_wait3A_122 : memref<1x112x64xf32, #tpu.memory_space<vmem>> -> memref<112x64xf32, #tpu.memory_space<vmem>>
      tpu.wait_dma2 semaphore(%run_scoped3A_99 : memref<!tpu.dma_semaphore, #tpu.memory_space<semaphore_mem>>) src(%dma_wait3A_123 : memref<112x64xf32, #tpu.memory_space<vmem>>) dst(%dma_wait3A_119 : memref<112x64xf32, #tpu.memory_space<vmem_shared>>)
      tpu.yield
    }) : () -> ()
    %add3A_18 = arith.constant 112 : i32
    %add3A_19 = arith.addi %mul3A_16, %add3A_18 : i32
    %run_scoped3A_20 = arith.constant 0 : i32
    "tpu.region"() ({
      %run_scoped3A_99 = tpu.sem_alloc : memref<!tpu.dma_semaphore, #tpu.memory_space<semaphore_mem>>
      %dma_start3A_100 = arith.constant 0 : i32
      %dma_start3A_101 = arith.constant 0 : i32
      %dma_start3A_102 = tpu.memref_slice %arg10[%run_scoped3A_20, %dma_start3A_100, %dma_start3A_101] : memref<4x112x64xf32, #tpu.memory_space<vmem>> -> memref<1x112x64xf32, #tpu.memory_space<vmem>>
      %dma_start3A_103 = tpu.memref_squeeze %dma_start3A_102 : memref<1x112x64xf32, #tpu.memory_space<vmem>> -> memref<112x64xf32, #tpu.memory_space<vmem>>
      %dma_start3A_104 = arith.constant 0 : i32
      %dma_start3A_105 = tpu.memref_slice %arg11[%add3A_19, %dma_start3A_104] : memref<10112x64xf32, #tpu.memory_space<vmem_shared>> -> memref<112x64xf32, #tpu.memory_space<vmem_shared>>
      %dma_start3A_106 = arith.constant 0 : i32
      %dma_start3A_107 = tpu.memref_slice %arg11[%add3A_19, %dma_start3A_106] : memref<10112x64xf32, #tpu.memory_space<vmem_shared>> -> memref<112x64xf32, #tpu.memory_space<vmem_shared>>
      %dma_start3A_108 = arith.constant 0 : i32
      %dma_start3A_109 = arith.constant 0 : i32
      %dma_start3A_110 = tpu.memref_slice %arg10[%run_scoped3A_20, %dma_start3A_108, %dma_start3A_109] : memref<4x112x64xf32, #tpu.memory_space<vmem>> -> memref<1x112x64xf32, #tpu.memory_space<vmem>>
      %dma_start3A_111 = tpu.memref_squeeze %dma_start3A_110 : memref<1x112x64xf32, #tpu.memory_space<vmem>> -> memref<112x64xf32, #tpu.memory_space<vmem>>
      tpu.enqueue_dma source(%dma_start3A_111 : memref<112x64xf32, #tpu.memory_space<vmem>>) target(%dma_start3A_107 : memref<112x64xf32, #tpu.memory_space<vmem_shared>>) target_semaphore(%run_scoped3A_99 : memref<!tpu.dma_semaphore, #tpu.memory_space<semaphore_mem>>)
      %dma_wait3A_112 = arith.constant 0 : i32
      %dma_wait3A_113 = arith.constant 0 : i32
      %dma_wait3A_114 = tpu.memref_slice %arg10[%run_scoped3A_20, %dma_wait3A_112, %dma_wait3A_113] : memref<4x112x64xf32, #tpu.memory_space<vmem>> -> memref<1x112x64xf32, #tpu.memory_space<vmem>>
      %dma_wait3A_115 = tpu.memref_squeeze %dma_wait3A_114 : memref<1x112x64xf32, #tpu.memory_space<vmem>> -> memref<112x64xf32, #tpu.memory_space<vmem>>
      %dma_wait3A_116 = arith.constant 0 : i32
      %dma_wait3A_117 = tpu.memref_slice %arg11[%add3A_19, %dma_wait3A_116] : memref<10112x64xf32, #tpu.memory_space<vmem_shared>> -> memref<112x64xf32, #tpu.memory_space<vmem_shared>>
      %dma_wait3A_118 = arith.constant 0 : i32
      %dma_wait3A_119 = tpu.memref_slice %arg11[%add3A_19, %dma_wait3A_118] : memref<10112x64xf32, #tpu.memory_space<vmem_shared>> -> memref<112x64xf32, #tpu.memory_space<vmem_shared>>
      %dma_wait3A_120 = arith.constant 0 : i32
      %dma_wait3A_121 = arith.constant 0 : i32
      %dma_wait3A_122 = tpu.memref_slice %arg10[%run_scoped3A_20, %dma_wait3A_120, %dma_wait3A_121] : memref<4x112x64xf32, #tpu.memory_space<vmem>> -> memref<1x112x64xf32, #tpu.memory_space<vmem>>
      %dma_wait3A_123 = tpu.memref_squeeze %dma_wait3A_122 : memref<1x112x64xf32, #tpu.memory_space<vmem>> -> memref<112x64xf32, #tpu.memory_space<vmem>>
      tpu.wait_dma2 semaphore(%run_scoped3A_99 : memref<!tpu.dma_semaphore, #tpu.memory_space<semaphore_mem>>) src(%dma_wait3A_123 : memref<112x64xf32, #tpu.memory_space<vmem>>) dst(%dma_wait3A_119 : memref<112x64xf32, #tpu.memory_space<vmem_shared>>)
      tpu.yield
    }) : () -> ()
    %add3A_21 = arith.constant 224 : i32
    %add3A_22 = arith.addi %mul3A_16, %add3A_21 : i32
    %run_scoped3A_23 = arith.constant 0 : i32
    "tpu.region"() ({
      %run_scoped3A_99 = tpu.sem_alloc : memref<!tpu.dma_semaphore, #tpu.memory_space<semaphore_mem>>
      %dma_start3A_100 = arith.constant 0 : i32
      %dma_start3A_101 = arith.constant 0 : i32
      %dma_start3A_102 = tpu.memref_slice %arg10[%run_scoped3A_23, %dma_start3A_100, %dma_start3A_101] : memref<4x112x64xf32, #tpu.memory_space<vmem>> -> memref<1x112x64xf32, #tpu.memory_space<vmem>>
      %dma_start3A_103 = tpu.memref_squeeze %dma_start3A_102 : memref<1x112x64xf32, #tpu.memory_space<vmem>> -> memref<112x64xf32, #tpu.memory_space<vmem>>
      %dma_start3A_104 = arith.constant 0 : i32
      %dma_start3A_105 = tpu.memref_slice %arg11[%add3A_22, %dma_start3A_104] : memref<10112x64xf32, #tpu.memory_space<vmem_shared>> -> memref<112x64xf32, #tpu.memory_space<vmem_shared>>
      %dma_start3A_106 = arith.constant 0 : i32
      %dma_start3A_107 = tpu.memref_slice %arg11[%add3A_22, %dma_start3A_106] : memref<10112x64xf32, #tpu.memory_space<vmem_shared>> -> memref<112x64xf32, #tpu.memory_space<vmem_shared>>
      %dma_start3A_108 = arith.constant 0 : i32
      %dma_start3A_109 = arith.constant 0 : i32
      %dma_start3A_110 = tpu.memref_slice %arg10[%run_scoped3A_23, %dma_start3A_108, %dma_start3A_109] : memref<4x112x64xf32, #tpu.memory_space<vmem>> -> memref<1x112x64xf32, #tpu.memory_space<vmem>>
      %dma_start3A_111 = tpu.memref_squeeze %dma_start3A_110 : memref<1x112x64xf32, #tpu.memory_space<vmem>> -> memref<112x64xf32, #tpu.memory_space<vmem>>
      tpu.enqueue_dma source(%dma_start3A_111 : memref<112x64xf32, #tpu.memory_space<vmem>>) target(%dma_start3A_107 : memref<112x64xf32, #tpu.memory_space<vmem_shared>>) target_semaphore(%run_scoped3A_99 : memref<!tpu.dma_semaphore, #tpu.memory_space<semaphore_mem>>)
      %dma_wait3A_112 = arith.constant 0 : i32
      %dma_wait3A_113 = arith.constant 0 : i32
      %dma_wait3A_114 = tpu.memref_slice %arg10[%run_scoped3A_23, %dma_wait3A_112, %dma_wait3A_113] : memref<4x112x64xf32, #tpu.memory_space<vmem>> -> memref<1x112x64xf32, #tpu.memory_space<vmem>>
      %dma_wait3A_115 = tpu.memref_squeeze %dma_wait3A_114 : memref<1x112x64xf32, #tpu.memory_space<vmem>> -> memref<112x64xf32, #tpu.memory_space<vmem>>
      %dma_wait3A_116 = arith.constant 0 : i32
      %dma_wait3A_117 = tpu.memref_slice %arg11[%add3A_22, %dma_wait3A_116] : memref<10112x64xf32, #tpu.memory_space<vmem_shared>> -> memref<112x64xf32, #tpu.memory_space<vmem_shared>>
      %dma_wait3A_118 = arith.constant 0 : i32
      %dma_wait3A_119 = tpu.memref_slice %arg11[%add3A_22, %dma_wait3A_118] : memref<10112x64xf32, #tpu.memory_space<vmem_shared>> -> memref<112x64xf32, #tpu.memory_space<vmem_shared>>
      %dma_wait3A_120 = arith.constant 0 : i32
      %dma_wait3A_121 = arith.constant 0 : i32
      %dma_wait3A_122 = tpu.memref_slice %arg10[%run_scoped3A_23, %dma_wait3A_120, %dma_wait3A_121] : memref<4x112x64xf32, #tpu.memory_space<vmem>> -> memref<1x112x64xf32, #tpu.memory_space<vmem>>
      %dma_wait3A_123 = tpu.memref_squeeze %dma_wait3A_122 : memref<1x112x64xf32, #tpu.memory_space<vmem>> -> memref<112x64xf32, #tpu.memory_space<vmem>>
      tpu.wait_dma2 semaphore(%run_scoped3A_99 : memref<!tpu.dma_semaphore, #tpu.memory_space<semaphore_mem>>) src(%dma_wait3A_123 : memref<112x64xf32, #tpu.memory_space<vmem>>) dst(%dma_wait3A_119 : memref<112x64xf32, #tpu.memory_space<vmem_shared>>)
      tpu.yield
    }) : () -> ()
    %add3A_24 = arith.constant 336 : i32
    %add3A_25 = arith.addi %mul3A_16, %add3A_24 : i32
    %run_scoped3A_26 = arith.constant 0 : i32
    "tpu.region"() ({
      %run_scoped3A_99 = tpu.sem_alloc : memref<!tpu.dma_semaphore, #tpu.memory_space<semaphore_mem>>
      %dma_start3A_100 = arith.constant 0 : i32
      %dma_start3A_101 = arith.constant 0 : i32
      %dma_start3A_102 = tpu.memref_slice %arg10[%run_scoped3A_26, %dma_start3A_100, %dma_start3A_101] : memref<4x112x64xf32, #tpu.memory_space<vmem>> -> memref<1x112x64xf32, #tpu.memory_space<vmem>>
      %dma_start3A_103 = tpu.memref_squeeze %dma_start3A_102 : memref<1x112x64xf32, #tpu.memory_space<vmem>> -> memref<112x64xf32, #tpu.memory_space<vmem>>
      %dma_start3A_104 = arith.constant 0 : i32
      %dma_start3A_105 = tpu.memref_slice %arg11[%add3A_25, %dma_start3A_104] : memref<10112x64xf32, #tpu.memory_space<vmem_shared>> -> memref<112x64xf32, #tpu.memory_space<vmem_shared>>
      %dma_start3A_106 = arith.constant 0 : i32
      %dma_start3A_107 = tpu.memref_slice %arg11[%add3A_25, %dma_start3A_106] : memref<10112x64xf32, #tpu.memory_space<vmem_shared>> -> memref<112x64xf32, #tpu.memory_space<vmem_shared>>
      %dma_start3A_108 = arith.constant 0 : i32
      %dma_start3A_109 = arith.constant 0 : i32
      %dma_start3A_110 = tpu.memref_slice %arg10[%run_scoped3A_26, %dma_start3A_108, %dma_start3A_109] : memref<4x112x64xf32, #tpu.memory_space<vmem>> -> memref<1x112x64xf32, #tpu.memory_space<vmem>>
      %dma_start3A_111 = tpu.memref_squeeze %dma_start3A_110 : memref<1x112x64xf32, #tpu.memory_space<vmem>> -> memref<112x64xf32, #tpu.memory_space<vmem>>
      tpu.enqueue_dma source(%dma_start3A_111 : memref<112x64xf32, #tpu.memory_space<vmem>>) target(%dma_start3A_107 : memref<112x64xf32, #tpu.memory_space<vmem_shared>>) target_semaphore(%run_scoped3A_99 : memref<!tpu.dma_semaphore, #tpu.memory_space<semaphore_mem>>)
      %dma_wait3A_112 = arith.constant 0 : i32
      %dma_wait3A_113 = arith.constant 0 : i32
      %dma_wait3A_114 = tpu.memref_slice %arg10[%run_scoped3A_26, %dma_wait3A_112, %dma_wait3A_113] : memref<4x112x64xf32, #tpu.memory_space<vmem>> -> memref<1x112x64xf32, #tpu.memory_space<vmem>>
      %dma_wait3A_115 = tpu.memref_squeeze %dma_wait3A_114 : memref<1x112x64xf32, #tpu.memory_space<vmem>> -> memref<112x64xf32, #tpu.memory_space<vmem>>
      %dma_wait3A_116 = arith.constant 0 : i32
      %dma_wait3A_117 = tpu.memref_slice %arg11[%add3A_25, %dma_wait3A_116] : memref<10112x64xf32, #tpu.memory_space<vmem_shared>> -> memref<112x64xf32, #tpu.memory_space<vmem_shared>>
      %dma_wait3A_118 = arith.constant 0 : i32
      %dma_wait3A_119 = tpu.memref_slice %arg11[%add3A_25, %dma_wait3A_118] : memref<10112x64xf32, #tpu.memory_space<vmem_shared>> -> memref<112x64xf32, #tpu.memory_space<vmem_shared>>
      %dma_wait3A_120 = arith.constant 0 : i32
      %dma_wait3A_121 = arith.constant 0 : i32
      %dma_wait3A_122 = tpu.memref_slice %arg10[%run_scoped3A_26, %dma_wait3A_120, %dma_wait3A_121] : memref<4x112x64xf32, #tpu.memory_space<vmem>> -> memref<1x112x64xf32, #tpu.memory_space<vmem>>
      %dma_wait3A_123 = tpu.memref_squeeze %dma_wait3A_122 : memref<1x112x64xf32, #tpu.memory_space<vmem>> -> memref<112x64xf32, #tpu.memory_space<vmem>>
      tpu.wait_dma2 semaphore(%run_scoped3A_99 : memref<!tpu.dma_semaphore, #tpu.memory_space<semaphore_mem>>) src(%dma_wait3A_123 : memref<112x64xf32, #tpu.memory_space<vmem>>) dst(%dma_wait3A_119 : memref<112x64xf32, #tpu.memory_space<vmem_shared>>)
      tpu.yield
    }) : () -> ()
    %add3A_27 = arith.constant 448 : i32
    %add3A_28 = arith.addi %mul3A_16, %add3A_27 : i32
    %run_scoped3A_29 = arith.constant 0 : i32
    "tpu.region"() ({
      %run_scoped3A_99 = tpu.sem_alloc : memref<!tpu.dma_semaphore, #tpu.memory_space<semaphore_mem>>
      %dma_start3A_100 = arith.constant 0 : i32
      %dma_start3A_101 = arith.constant 0 : i32
      %dma_start3A_102 = tpu.memref_slice %arg10[%run_scoped3A_29, %dma_start3A_100, %dma_start3A_101] : memref<4x112x64xf32, #tpu.memory_space<vmem>> -> memref<1x112x64xf32, #tpu.memory_space<vmem>>
      %dma_start3A_103 = tpu.memref_squeeze %dma_start3A_102 : memref<1x112x64xf32, #tpu.memory_space<vmem>> -> memref<112x64xf32, #tpu.memory_space<vmem>>
      %dma_start3A_104 = arith.constant 0 : i32
      %dma_start3A_105 = tpu.memref_slice %arg11[%add3A_28, %dma_start3A_104] : memref<10112x64xf32, #tpu.memory_space<vmem_shared>> -> memref<112x64xf32, #tpu.memory_space<vmem_shared>>
      %dma_start3A_106 = arith.constant 0 : i32
      %dma_start3A_107 = tpu.memref_slice %arg11[%add3A_28, %dma_start3A_106] : memref<10112x64xf32, #tpu.memory_space<vmem_shared>> -> memref<112x64xf32, #tpu.memory_space<vmem_shared>>
      %dma_start3A_108 = arith.constant 0 : i32
      %dma_start3A_109 = arith.constant 0 : i32
      %dma_start3A_110 = tpu.memref_slice %arg10[%run_scoped3A_29, %dma_start3A_108, %dma_start3A_109] : memref<4x112x64xf32, #tpu.memory_space<vmem>> -> memref<1x112x64xf32, #tpu.memory_space<vmem>>
      %dma_start3A_111 = tpu.memref_squeeze %dma_start3A_110 : memref<1x112x64xf32, #tpu.memory_space<vmem>> -> memref<112x64xf32, #tpu.memory_space<vmem>>
      tpu.enqueue_dma source(%dma_start3A_111 : memref<112x64xf32, #tpu.memory_space<vmem>>) target(%dma_start3A_107 : memref<112x64xf32, #tpu.memory_space<vmem_shared>>) target_semaphore(%run_scoped3A_99 : memref<!tpu.dma_semaphore, #tpu.memory_space<semaphore_mem>>)
      %dma_wait3A_112 = arith.constant 0 : i32
      %dma_wait3A_113 = arith.constant 0 : i32
      %dma_wait3A_114 = tpu.memref_slice %arg10[%run_scoped3A_29, %dma_wait3A_112, %dma_wait3A_113] : memref<4x112x64xf32, #tpu.memory_space<vmem>> -> memref<1x112x64xf32, #tpu.memory_space<vmem>>
      %dma_wait3A_115 = tpu.memref_squeeze %dma_wait3A_114 : memref<1x112x64xf32, #tpu.memory_space<vmem>> -> memref<112x64xf32, #tpu.memory_space<vmem>>
      %dma_wait3A_116 = arith.constant 0 : i32
      %dma_wait3A_117 = tpu.memref_slice %arg11[%add3A_28, %dma_wait3A_116] : memref<10112x64xf32, #tpu.memory_space<vmem_shared>> -> memref<112x64xf32, #tpu.memory_space<vmem_shared>>
      %dma_wait3A_118 = arith.constant 0 : i32
      %dma_wait3A_119 = tpu.memref_slice %arg11[%add3A_28, %dma_wait3A_118] : memref<10112x64xf32, #tpu.memory_space<vmem_shared>> -> memref<112x64xf32, #tpu.memory_space<vmem_shared>>
      %dma_wait3A_120 = arith.constant 0 : i32
      %dma_wait3A_121 = arith.constant 0 : i32
      %dma_wait3A_122 = tpu.memref_slice %arg10[%run_scoped3A_29, %dma_wait3A_120, %dma_wait3A_121] : memref<4x112x64xf32, #tpu.memory_space<vmem>> -> memref<1x112x64xf32, #tpu.memory_space<vmem>>
      %dma_wait3A_123 = tpu.memref_squeeze %dma_wait3A_122 : memref<1x112x64xf32, #tpu.memory_space<vmem>> -> memref<112x64xf32, #tpu.memory_space<vmem>>
      tpu.wait_dma2 semaphore(%run_scoped3A_99 : memref<!tpu.dma_semaphore, #tpu.memory_space<semaphore_mem>>) src(%dma_wait3A_123 : memref<112x64xf32, #tpu.memory_space<vmem>>) dst(%dma_wait3A_119 : memref<112x64xf32, #tpu.memory_space<vmem_shared>>)
      tpu.yield
    }) : () -> ()
    %add3A_30 = arith.constant 560 : i32
    %add3A_31 = arith.addi %mul3A_16, %add3A_30 : i32
    %run_scoped3A_32 = arith.constant 0 : i32
    "tpu.region"() ({
      %run_scoped3A_99 = tpu.sem_alloc : memref<!tpu.dma_semaphore, #tpu.memory_space<semaphore_mem>>
      %dma_start3A_100 = arith.constant 0 : i32
      %dma_start3A_101 = arith.constant 0 : i32
      %dma_start3A_102 = tpu.memref_slice %arg10[%run_scoped3A_32, %dma_start3A_100, %dma_start3A_101] : memref<4x112x64xf32, #tpu.memory_space<vmem>> -> memref<1x72x64xf32, #tpu.memory_space<vmem>>
      %dma_start3A_103 = tpu.memref_squeeze %dma_start3A_102 : memref<1x72x64xf32, #tpu.memory_space<vmem>> -> memref<72x64xf32, #tpu.memory_space<vmem>>
      %dma_start3A_104 = arith.constant 0 : i32
      %dma_start3A_105 = tpu.memref_slice %arg11[%add3A_31, %dma_start3A_104] : memref<10112x64xf32, #tpu.memory_space<vmem_shared>> -> memref<72x64xf32, #tpu.memory_space<vmem_shared>>
      %dma_start3A_106 = arith.constant 0 : i32
      %dma_start3A_107 = tpu.memref_slice %arg11[%add3A_31, %dma_start3A_106] : memref<10112x64xf32, #tpu.memory_space<vmem_shared>> -> memref<72x64xf32, #tpu.memory_space<vmem_shared>>
      %dma_start3A_108 = arith.constant 0 : i32
      %dma_start3A_109 = arith.constant 0 : i32
      %dma_start3A_110 = tpu.memref_slice %arg10[%run_scoped3A_32, %dma_start3A_108, %dma_start3A_109] : memref<4x112x64xf32, #tpu.memory_space<vmem>> -> memref<1x72x64xf32, #tpu.memory_space<vmem>>
      %dma_start3A_111 = tpu.memref_squeeze %dma_start3A_110 : memref<1x72x64xf32, #tpu.memory_space<vmem>> -> memref<72x64xf32, #tpu.memory_space<vmem>>
      tpu.enqueue_dma source(%dma_start3A_111 : memref<72x64xf32, #tpu.memory_space<vmem>>) target(%dma_start3A_107 : memref<72x64xf32, #tpu.memory_space<vmem_shared>>) target_semaphore(%run_scoped3A_99 : memref<!tpu.dma_semaphore, #tpu.memory_space<semaphore_mem>>)
      %dma_wait3A_112 = arith.constant 0 : i32
      %dma_wait3A_113 = arith.constant 0 : i32
      %dma_wait3A_114 = tpu.memref_slice %arg10[%run_scoped3A_32, %dma_wait3A_112, %dma_wait3A_113] : memref<4x112x64xf32, #tpu.memory_space<vmem>> -> memref<1x72x64xf32, #tpu.memory_space<vmem>>
      %dma_wait3A_115 = tpu.memref_squeeze %dma_wait3A_114 : memref<1x72x64xf32, #tpu.memory_space<vmem>> -> memref<72x64xf32, #tpu.memory_space<vmem>>
      %dma_wait3A_116 = arith.constant 0 : i32
      %dma_wait3A_117 = tpu.memref_slice %arg11[%add3A_31, %dma_wait3A_116] : memref<10112x64xf32, #tpu.memory_space<vmem_shared>> -> memref<72x64xf32, #tpu.memory_space<vmem_shared>>
      %dma_wait3A_118 = arith.constant 0 : i32
      %dma_wait3A_119 = tpu.memref_slice %arg11[%add3A_31, %dma_wait3A_118] : memref<10112x64xf32, #tpu.memory_space<vmem_shared>> -> memref<72x64xf32, #tpu.memory_space<vmem_shared>>
      %dma_wait3A_120 = arith.constant 0 : i32
      %dma_wait3A_121 = arith.constant 0 : i32
      %dma_wait3A_122 = tpu.memref_slice %arg10[%run_scoped3A_32, %dma_wait3A_120, %dma_wait3A_121] : memref<4x112x64xf32, #tpu.memory_space<vmem>> -> memref<1x72x64xf32, #tpu.memory_space<vmem>>
      %dma_wait3A_123 = tpu.memref_squeeze %dma_wait3A_122 : memref<1x72x64xf32, #tpu.memory_space<vmem>> -> memref<72x64xf32, #tpu.memory_space<vmem>>
      tpu.wait_dma2 semaphore(%run_scoped3A_99 : memref<!tpu.dma_semaphore, #tpu.memory_space<semaphore_mem>>) src(%dma_wait3A_123 : memref<72x64xf32, #tpu.memory_space<vmem>>) dst(%dma_wait3A_119 : memref<72x64xf32, #tpu.memory_space<vmem_shared>>)
      tpu.yield
    }) : () -> ()
    %barrier3A = arith.constant 0 : index
    tpu.barrier barrier_id(%barrier3A)
    %dma_start3A = arith.constant 0 : i32
    %dma_start3A_33 = arith.constant 0 : i32
    %dma_start3A_34 = arith.constant 0 : i32
    %dma_start3A_35 = arith.constant 0 : i32
    %dma_start3A_36 = arith.constant 0 : i32
    %dma_start3A_37 = tpu.memref_slice %arg10[%dma_start3A_33, %dma_start3A_35, %dma_start3A_36] : memref<4x112x64xf32, #tpu.memory_space<vmem>> -> memref<1x112x64xf32, #tpu.memory_space<vmem>>
    %dma_start3A_38 = tpu.memref_squeeze %dma_start3A_37 : memref<1x112x64xf32, #tpu.memory_space<vmem>> -> memref<112x64xf32, #tpu.memory_space<vmem>>
    %dma_start3A_39 = arith.constant 0 : i32
    %dma_start3A_40 = tpu.memref_slice %arg7[%dma_start3A, %dma_start3A_39] : memref<180x112xi32, #tpu.memory_space<vmem>> -> memref<1x112xi32, #tpu.memory_space<vmem>>
    %dma_start3A_41 = tpu.memref_squeeze %dma_start3A_40 : memref<1x112xi32, #tpu.memory_space<vmem>> -> memref<112xi32, #tpu.memory_space<vmem>>
    %dma_start3A_42 = arith.constant 0 : i32
    %dma_start3A_43 = arith.constant 0 : i32
    %dma_start3A_44 = tpu.memref_slice %arg2[%dma_start3A_42, %dma_start3A_43] : memref<20000x64xf32, #tpu.memory_space<hbm>> -> memref<20000x64xf32, #tpu.memory_space<hbm>>
    %dma_start3A_45 = tpu.memref_slice %arg12[%dma_start3A_34] : memref<4x!tpu.dma_semaphore, #tpu.memory_space<semaphore_mem>> -> memref<1x!tpu.dma_semaphore, #tpu.memory_space<semaphore_mem>>
    %dma_start3A_46 = tpu.memref_squeeze %dma_start3A_45 : memref<1x!tpu.dma_semaphore, #tpu.memory_space<semaphore_mem>> -> memref<!tpu.dma_semaphore, #tpu.memory_space<semaphore_mem>>
    tpu.enqueue_indirect_dma source(%dma_start3A_44 : memref<20000x64xf32, #tpu.memory_space<hbm>>) target(%dma_start3A_38 : memref<112x64xf32, #tpu.memory_space<vmem>>) offsets(%dma_start3A_41 : memref<112xi32, #tpu.memory_space<vmem>>) semaphore(%dma_start3A_46 : memref<!tpu.dma_semaphore, #tpu.memory_space<semaphore_mem>>)
    %dma_start3A_47 = arith.constant 1 : i32
    %dma_start3A_48 = arith.constant 1 : i32
    %dma_start3A_49 = arith.constant 1 : i32
    %dma_start3A_50 = arith.constant 0 : i32
    %dma_start3A_51 = arith.constant 0 : i32
    %dma_start3A_52 = tpu.memref_slice %arg10[%dma_start3A_48, %dma_start3A_50, %dma_start3A_51] : memref<4x112x64xf32, #tpu.memory_space<vmem>> -> memref<1x112x64xf32, #tpu.memory_space<vmem>>
    %dma_start3A_53 = tpu.memref_squeeze %dma_start3A_52 : memref<1x112x64xf32, #tpu.memory_space<vmem>> -> memref<112x64xf32, #tpu.memory_space<vmem>>
    %dma_start3A_54 = arith.constant 0 : i32
    %dma_start3A_55 = tpu.memref_slice %arg7[%dma_start3A_47, %dma_start3A_54] : memref<180x112xi32, #tpu.memory_space<vmem>> -> memref<1x112xi32, #tpu.memory_space<vmem>>
    %dma_start3A_56 = tpu.memref_squeeze %dma_start3A_55 : memref<1x112xi32, #tpu.memory_space<vmem>> -> memref<112xi32, #tpu.memory_space<vmem>>
    %dma_start3A_57 = arith.constant 0 : i32
    %dma_start3A_58 = arith.constant 0 : i32
    %dma_start3A_59 = tpu.memref_slice %arg2[%dma_start3A_57, %dma_start3A_58] : memref<20000x64xf32, #tpu.memory_space<hbm>> -> memref<20000x64xf32, #tpu.memory_space<hbm>>
    %dma_start3A_60 = tpu.memref_slice %arg12[%dma_start3A_49] : memref<4x!tpu.dma_semaphore, #tpu.memory_space<semaphore_mem>> -> memref<1x!tpu.dma_semaphore, #tpu.memory_space<semaphore_mem>>
    %dma_start3A_61 = tpu.memref_squeeze %dma_start3A_60 : memref<1x!tpu.dma_semaphore, #tpu.memory_space<semaphore_mem>> -> memref<!tpu.dma_semaphore, #tpu.memory_space<semaphore_mem>>
    tpu.enqueue_indirect_dma source(%dma_start3A_59 : memref<20000x64xf32, #tpu.memory_space<hbm>>) target(%dma_start3A_53 : memref<112x64xf32, #tpu.memory_space<vmem>>) offsets(%dma_start3A_56 : memref<112xi32, #tpu.memory_space<vmem>>) semaphore(%dma_start3A_61 : memref<!tpu.dma_semaphore, #tpu.memory_space<semaphore_mem>>)
    %scan3A_62 = arith.constant 0 : i32
    %scan3A_63 = arith.constant 0 : i32
    %scan3A_64 = arith.constant 45 : i32
    %scan3A_65 = arith.addi %scan3A_63, %scan3A_64 : i32
    %scan3A_66 = arith.constant 1 : i32
    %scan3A_67 = scf.for %scan3A_99 = %scan3A_63 to %scan3A_65 step %scan3A_66 iter_args(%scan3A_100 = %scan3A_62) -> (i32)  : i32 {
      %mul3A_101 = arith.constant 4 : i32
      %mul3A_102 = arith.muli %scan3A_99, %mul3A_101 : i32
      %add3A_103 = arith.constant 0 : i32
      %add3A_104 = arith.addi %mul3A_102, %add3A_103 : i32
      %ge3A = arith.constant 2 : i32
      %ge3A_105 = arith.cmpi sge, %add3A_104, %ge3A : i32
      %convert_element_type3A = arith.extui %ge3A_105 : i1 to i32
      %cond3A = arith.constant 0 : i32
      %cond3A_106 = arith.cmpi ne, %convert_element_type3A, %cond3A : i32
      scf.if %cond3A_106 {
        %dma_wait3A_306 = arith.constant 2 : i32
        %dma_wait3A_307 = arith.constant 0 : i32
        %dma_wait3A_308 = arith.constant 2 : i32
        %dma_wait3A_309 = arith.constant 0 : i32
        %dma_wait3A_310 = arith.constant 0 : i32
        %dma_wait3A_311 = tpu.memref_slice %arg10[%dma_wait3A_306, %dma_wait3A_309, %dma_wait3A_310] : memref<4x112x64xf32, #tpu.memory_space<vmem>> -> memref<1x112x64xf32, #tpu.memory_space<vmem>>
        %dma_wait3A_312 = tpu.memref_squeeze %dma_wait3A_311 : memref<1x112x64xf32, #tpu.memory_space<vmem>> -> memref<112x64xf32, #tpu.memory_space<vmem>>
        %dma_wait3A_313 = arith.constant 0 : i32
        %dma_wait3A_314 = tpu.memref_slice %arg8[%dma_wait3A_307, %dma_wait3A_313] : memref<180x112xi32, #tpu.memory_space<vmem>> -> memref<1x112xi32, #tpu.memory_space<vmem>>
        %dma_wait3A_315 = tpu.memref_squeeze %dma_wait3A_314 : memref<1x112xi32, #tpu.memory_space<vmem>> -> memref<112xi32, #tpu.memory_space<vmem>>
        %dma_wait3A_316 = arith.constant 0 : i32
        %dma_wait3A_317 = arith.constant 0 : i32
        %dma_wait3A_318 = tpu.memref_slice %arg11[%dma_wait3A_316, %dma_wait3A_317] : memref<10112x64xf32, #tpu.memory_space<vmem_shared>> -> memref<10112x64xf32, #tpu.memory_space<vmem_shared>>
        %dma_wait3A_319 = tpu.memref_slice %arg13[%dma_wait3A_308] : memref<4x!tpu.dma_semaphore, #tpu.memory_space<semaphore_mem>> -> memref<1x!tpu.dma_semaphore, #tpu.memory_space<semaphore_mem>>
        %dma_wait3A_320 = tpu.memref_squeeze %dma_wait3A_319 : memref<1x!tpu.dma_semaphore, #tpu.memory_space<semaphore_mem>> -> memref<!tpu.dma_semaphore, #tpu.memory_space<semaphore_mem>>
        tpu.wait_indirect_dma semaphore(%dma_wait3A_320 : memref<!tpu.dma_semaphore, #tpu.memory_space<semaphore_mem>>) src(%dma_wait3A_312 : memref<112x64xf32, #tpu.memory_space<vmem>>) dst(%dma_wait3A_318 : memref<10112x64xf32, #tpu.memory_space<vmem_shared>>)
      } else {
      }
      %add3A_107 = arith.constant 2 : i32
      %add3A_108 = arith.addi %add3A_104, %add3A_107 : i32
      %lt3A = arith.constant 180 : i32
      %lt3A_109 = arith.cmpi slt, %add3A_108, %lt3A : i32
      %convert_element_type3A_110 = arith.extui %lt3A_109 : i1 to i32
      %cond3A_111 = arith.constant 0 : i32
      %cond3A_112 = arith.cmpi ne, %convert_element_type3A_110, %cond3A_111 : i32
      scf.if %cond3A_112 {
        %add3A_306 = arith.constant 2 : i32
        %add3A_307 = arith.addi %add3A_104, %add3A_306 : i32
        %dma_start3A_308 = arith.constant 2 : i32
        %dma_start3A_309 = arith.constant 2 : i32
        %dma_start3A_310 = arith.constant 0 : i32
        %dma_start3A_311 = arith.constant 0 : i32
        %dma_start3A_312 = tpu.memref_slice %arg10[%dma_start3A_308, %dma_start3A_310, %dma_start3A_311] : memref<4x112x64xf32, #tpu.memory_space<vmem>> -> memref<1x112x64xf32, #tpu.memory_space<vmem>>
        %dma_start3A_313 = tpu.memref_squeeze %dma_start3A_312 : memref<1x112x64xf32, #tpu.memory_space<vmem>> -> memref<112x64xf32, #tpu.memory_space<vmem>>
        %dma_start3A_314 = arith.constant 0 : i32
        %dma_start3A_315 = tpu.memref_slice %arg7[%add3A_307, %dma_start3A_314] : memref<180x112xi32, #tpu.memory_space<vmem>> -> memref<1x112xi32, #tpu.memory_space<vmem>>
        %dma_start3A_316 = tpu.memref_squeeze %dma_start3A_315 : memref<1x112xi32, #tpu.memory_space<vmem>> -> memref<112xi32, #tpu.memory_space<vmem>>
        %dma_start3A_317 = arith.constant 0 : i32
        %dma_start3A_318 = arith.constant 0 : i32
        %dma_start3A_319 = tpu.memref_slice %arg2[%dma_start3A_317, %dma_start3A_318] : memref<20000x64xf32, #tpu.memory_space<hbm>> -> memref<20000x64xf32, #tpu.memory_space<hbm>>
        %dma_start3A_320 = tpu.memref_slice %arg12[%dma_start3A_309] : memref<4x!tpu.dma_semaphore, #tpu.memory_space<semaphore_mem>> -> memref<1x!tpu.dma_semaphore, #tpu.memory_space<semaphore_mem>>
        %dma_start3A_321 = tpu.memref_squeeze %dma_start3A_320 : memref<1x!tpu.dma_semaphore, #tpu.memory_space<semaphore_mem>> -> memref<!tpu.dma_semaphore, #tpu.memory_space<semaphore_mem>>
        tpu.enqueue_indirect_dma source(%dma_start3A_319 : memref<20000x64xf32, #tpu.memory_space<hbm>>) target(%dma_start3A_313 : memref<112x64xf32, #tpu.memory_space<vmem>>) offsets(%dma_start3A_316 : memref<112xi32, #tpu.memory_space<vmem>>) semaphore(%dma_start3A_321 : memref<!tpu.dma_semaphore, #tpu.memory_space<semaphore_mem>>)
      } else {
      }
      %dma_wait3A_113 = arith.constant 0 : i32
      %dma_wait3A_114 = arith.constant 0 : i32
      %dma_wait3A_115 = arith.constant 0 : i32
      %dma_wait3A_116 = arith.constant 0 : i32
      %dma_wait3A_117 = arith.constant 0 : i32
      %dma_wait3A_118 = tpu.memref_slice %arg10[%dma_wait3A_114, %dma_wait3A_116, %dma_wait3A_117] : memref<4x112x64xf32, #tpu.memory_space<vmem>> -> memref<1x112x64xf32, #tpu.memory_space<vmem>>
      %dma_wait3A_119 = tpu.memref_squeeze %dma_wait3A_118 : memref<1x112x64xf32, #tpu.memory_space<vmem>> -> memref<112x64xf32, #tpu.memory_space<vmem>>
      %dma_wait3A_120 = arith.constant 0 : i32
      %dma_wait3A_121 = tpu.memref_slice %arg7[%dma_wait3A_113, %dma_wait3A_120] : memref<180x112xi32, #tpu.memory_space<vmem>> -> memref<1x112xi32, #tpu.memory_space<vmem>>
      %dma_wait3A_122 = tpu.memref_squeeze %dma_wait3A_121 : memref<1x112xi32, #tpu.memory_space<vmem>> -> memref<112xi32, #tpu.memory_space<vmem>>
      %dma_wait3A_123 = arith.constant 0 : i32
      %dma_wait3A_124 = arith.constant 0 : i32
      %dma_wait3A_125 = tpu.memref_slice %arg2[%dma_wait3A_123, %dma_wait3A_124] : memref<20000x64xf32, #tpu.memory_space<hbm>> -> memref<20000x64xf32, #tpu.memory_space<hbm>>
      %dma_wait3A_126 = tpu.memref_slice %arg12[%dma_wait3A_115] : memref<4x!tpu.dma_semaphore, #tpu.memory_space<semaphore_mem>> -> memref<1x!tpu.dma_semaphore, #tpu.memory_space<semaphore_mem>>
      %dma_wait3A_127 = tpu.memref_squeeze %dma_wait3A_126 : memref<1x!tpu.dma_semaphore, #tpu.memory_space<semaphore_mem>> -> memref<!tpu.dma_semaphore, #tpu.memory_space<semaphore_mem>>
      tpu.wait_indirect_dma semaphore(%dma_wait3A_127 : memref<!tpu.dma_semaphore, #tpu.memory_space<semaphore_mem>>) src(%dma_wait3A_125 : memref<20000x64xf32, #tpu.memory_space<hbm>>) dst(%dma_wait3A_119 : memref<112x64xf32, #tpu.memory_space<vmem>>)
      %scan3A_128 = arith.constant 0 : i32
      %scan3A_129 = arith.constant 0 : i32
      %scan3A_130 = arith.constant 7 : i32
      %scan3A_131 = arith.addi %scan3A_129, %scan3A_130 : i32
      %scan3A_132 = arith.constant 1 : i32
      %scan3A_133 = scf.for %scan3A_306 = %scan3A_129 to %scan3A_131 step %scan3A_132 iter_args(%scan3A_307 = %scan3A_128) -> (i32)  : i32 {
        %mul3A_308 = arith.constant 16 : i32
        %mul3A_309 = arith.muli %scan3A_306, %mul3A_308 : i32
        %get3A = arith.index_cast %add3A_104 : i32 to index
        %get3A_310 = arith.index_cast %mul3A_309 : i32 to index
        %get3A_311 = tpu.vector_load %arg9[%get3A, %get3A_310] {strides = array<i32>} : memref<180x112xf32, #tpu.memory_space<vmem>>, vector<1x16xf32>,
        %get3A_312 = vector.shape_cast %get3A_311 : vector<1x16xf32> to vector<16xf32>
        %slice3A = vector.extract_strided_slice %get3A_312 {offsets = [0], sizes = [1], strides = [1]} : vector<16xf32> to vector<1xf32>
        %squeeze3A = vector.extract %slice3A[0] : f32 from vector<1xf32>
        %mul3A_313 = arith.constant 16 : i32
        %mul3A_314 = arith.muli %scan3A_306, %mul3A_313 : i32
        %add3A_315 = arith.constant 0 : i32
        %add3A_316 = arith.addi %mul3A_314, %add3A_315 : i32
        %get3A_317 = arith.constant 0 : i32
        %get3A_318 = arith.index_cast %get3A_317 : i32 to index
        %get3A_319 = arith.index_cast %add3A_316 : i32 to index
        %get3A_320 = arith.constant 0 : index
        %get3A_321 = tpu.vector_load %arg10[%get3A_318, %get3A_319, %get3A_320] {strides = array<i32>} : memref<4x112x64xf32, #tpu.memory_space<vmem>>, vector<1x1x16xf32>,
        %get3A_322 = vector.shape_cast %get3A_321 : vector<1x1x16xf32> to vector<16xf32>
        %mul3A_323 = vector.broadcast %squeeze3A : f32 to vector<16xf32>
        %mul3A_324 = arith.mulf %get3A_322, %mul3A_323 : vector<16xf32>
        %swap3A = arith.constant 0 : i32
        %swap3A_325 = arith.index_cast %swap3A : i32 to index
        %swap3A_326 = arith.index_cast %add3A_316 : i32 to index
        %swap3A_327 = arith.constant 0 : index
        %swap3A_328 = tpu.vector_load %arg10[%swap3A_325, %swap3A_326, %swap3A_327] {strides = array<i32>} : memref<4x112x64xf32, #tpu.memory_space<vmem>>, vector<1x1x16xf32>,
        %swap3A_329 = vector.shape_cast %swap3A_328 : vector<1x1x16xf32> to vector<16xf32>
        %swap3A_330 = vector.shape_cast %mul3A_324 : vector<16xf32> to vector<1x1x16xf32>
        tpu.vector_store %arg10[%swap3A_325, %swap3A_326, %swap3A_327], %swap3A_330 {strides = array<i32>} : memref<4x112x64xf32, #tpu.memory_space<vmem>>, vector<1x1x16xf32>,
        %get3A_331 = arith.constant 0 : i32
        %get3A_332 = arith.index_cast %get3A_331 : i32 to index
        %get3A_333 = arith.index_cast %add3A_316 : i32 to index
        %get3A_334 = arith.constant 16 : index
        %get3A_335 = tpu.vector_load %arg10[%get3A_332, %get3A_333, %get3A_334] {strides = array<i32>} : memref<4x112x64xf32, #tpu.memory_space<vmem>>, vector<1x1x16xf32>,
        %get3A_336 = vector.shape_cast %get3A_335 : vector<1x1x16xf32> to vector<16xf32>
        %mul3A_337 = vector.broadcast %squeeze3A : f32 to vector<16xf32>
        %mul3A_338 = arith.mulf %get3A_336, %mul3A_337 : vector<16xf32>
        %swap3A_339 = arith.constant 0 : i32
        %swap3A_340 = arith.index_cast %swap3A_339 : i32 to index
        %swap3A_341 = arith.index_cast %add3A_316 : i32 to index
        %swap3A_342 = arith.constant 16 : index
        %swap3A_343 = tpu.vector_load %arg10[%swap3A_340, %swap3A_341, %swap3A_342] {strides = array<i32>} : memref<4x112x64xf32, #tpu.memory_space<vmem>>, vector<1x1x16xf32>,
        %swap3A_344 = vector.shape_cast %swap3A_343 : vector<1x1x16xf32> to vector<16xf32>
        %swap3A_345 = vector.shape_cast %mul3A_338 : vector<16xf32> to vector<1x1x16xf32>
        tpu.vector_store %arg10[%swap3A_340, %swap3A_341, %swap3A_342], %swap3A_345 {strides = array<i32>} : memref<4x112x64xf32, #tpu.memory_space<vmem>>, vector<1x1x16xf32>,
        %get3A_346 = arith.constant 0 : i32
        %get3A_347 = arith.index_cast %get3A_346 : i32 to index
        %get3A_348 = arith.index_cast %add3A_316 : i32 to index
        %get3A_349 = arith.constant 32 : index
        %get3A_350 = tpu.vector_load %arg10[%get3A_347, %get3A_348, %get3A_349] {strides = array<i32>} : memref<4x112x64xf32, #tpu.memory_space<vmem>>, vector<1x1x16xf32>,
        %get3A_351 = vector.shape_cast %get3A_350 : vector<1x1x16xf32> to vector<16xf32>
        %mul3A_352 = vector.broadcast %squeeze3A : f32 to vector<16xf32>
        %mul3A_353 = arith.mulf %get3A_351, %mul3A_352 : vector<16xf32>
        %swap3A_354 = arith.constant 0 : i32
        %swap3A_355 = arith.index_cast %swap3A_354 : i32 to index
        %swap3A_356 = arith.index_cast %add3A_316 : i32 to index
        %swap3A_357 = arith.constant 32 : index
        %swap3A_358 = tpu.vector_load %arg10[%swap3A_355, %swap3A_356, %swap3A_357] {strides = array<i32>} : memref<4x112x64xf32, #tpu.memory_space<vmem>>, vector<1x1x16xf32>,
        %swap3A_359 = vector.shape_cast %swap3A_358 : vector<1x1x16xf32> to vector<16xf32>
        %swap3A_360 = vector.shape_cast %mul3A_353 : vector<16xf32> to vector<1x1x16xf32>
        tpu.vector_store %arg10[%swap3A_355, %swap3A_356, %swap3A_357], %swap3A_360 {strides = array<i32>} : memref<4x112x64xf32, #tpu.memory_space<vmem>>, vector<1x1x16xf32>,
        %get3A_361 = arith.constant 0 : i32
        %get3A_362 = arith.index_cast %get3A_361 : i32 to index
        %get3A_363 = arith.index_cast %add3A_316 : i32 to index
        %get3A_364 = arith.constant 48 : index
        %get3A_365 = tpu.vector_load %arg10[%get3A_362, %get3A_363, %get3A_364] {strides = array<i32>} : memref<4x112x64xf32, #tpu.memory_space<vmem>>, vector<1x1x16xf32>,
        %get3A_366 = vector.shape_cast %get3A_365 : vector<1x1x16xf32> to vector<16xf32>
        %mul3A_367 = vector.broadcast %squeeze3A : f32 to vector<16xf32>
        %mul3A_368 = arith.mulf %get3A_366, %mul3A_367 : vector<16xf32>
        %swap3A_369 = arith.constant 0 : i32
        %swap3A_370 = arith.index_cast %swap3A_369 : i32 to index
        %swap3A_371 = arith.index_cast %add3A_316 : i32 to index
        %swap3A_372 = arith.constant 48 : index
        %swap3A_373 = tpu.vector_load %arg10[%swap3A_370, %swap3A_371, %swap3A_372] {strides = array<i32>} : memref<4x112x64xf32, #tpu.memory_space<vmem>>, vector<1x1x16xf32>,
        %swap3A_374 = vector.shape_cast %swap3A_373 : vector<1x1x16xf32> to vector<16xf32>
        %swap3A_375 = vector.shape_cast %mul3A_368 : vector<16xf32> to vector<1x1x16xf32>
        tpu.vector_store %arg10[%swap3A_370, %swap3A_371, %swap3A_372], %swap3A_375 {strides = array<i32>} : memref<4x112x64xf32, #tpu.memory_space<vmem>>, vector<1x1x16xf32>,
        %slice3A_376 = vector.extract_strided_slice %get3A_312 {offsets = [1], sizes = [1], strides = [1]} : vector<16xf32> to vector<1xf32>
        %squeeze3A_377 = vector.extract %slice3A_376[0] : f32 from vector<1xf32>
        %mul3A_378 = arith.constant 16 : i32
        %mul3A_379 = arith.muli %scan3A_306, %mul3A_378 : i32
        %add3A_380 = arith.constant 1 : i32
        %add3A_381 = arith.addi %mul3A_379, %add3A_380 : i32
        %get3A_382 = arith.constant 0 : i32
        %get3A_383 = arith.index_cast %get3A_382 : i32 to index
        %get3A_384 = arith.index_cast %add3A_381 : i32 to index
        %get3A_385 = arith.constant 0 : index
        %get3A_386 = tpu.vector_load %arg10[%get3A_383, %get3A_384, %get3A_385] {strides = array<i32>} : memref<4x112x64xf32, #tpu.memory_space<vmem>>, vector<1x1x16xf32>,
        %get3A_387 = vector.shape_cast %get3A_386 : vector<1x1x16xf32> to vector<16xf32>
        %mul3A_388 = vector.broadcast %squeeze3A_377 : f32 to vector<16xf32>
        %mul3A_389 = arith.mulf %get3A_387, %mul3A_388 : vector<16xf32>
        %swap3A_390 = arith.constant 0 : i32
        %swap3A_391 = arith.index_cast %swap3A_390 : i32 to index
        %swap3A_392 = arith.index_cast %add3A_381 : i32 to index
        %swap3A_393 = arith.constant 0 : index
        %swap3A_394 = tpu.vector_load %arg10[%swap3A_391, %swap3A_392, %swap3A_393] {strides = array<i32>} : memref<4x112x64xf32, #tpu.memory_space<vmem>>, vector<1x1x16xf32>,
        %swap3A_395 = vector.shape_cast %swap3A_394 : vector<1x1x16xf32> to vector<16xf32>
        %swap3A_396 = vector.shape_cast %mul3A_389 : vector<16xf32> to vector<1x1x16xf32>
        tpu.vector_store %arg10[%swap3A_391, %swap3A_392, %swap3A_393], %swap3A_396 {strides = array<i32>} : memref<4x112x64xf32, #tpu.memory_space<vmem>>, vector<1x1x16xf32>,
        %get3A_397 = arith.constant 0 : i32
        %get3A_398 = arith.index_cast %get3A_397 : i32 to index
        %get3A_399 = arith.index_cast %add3A_381 : i32 to index
        %get3A_400 = arith.constant 16 : index
        %get3A_401 = tpu.vector_load %arg10[%get3A_398, %get3A_399, %get3A_400] {strides = array<i32>} : memref<4x112x64xf32, #tpu.memory_space<vmem>>, vector<1x1x16xf32>,
        %get3A_402 = vector.shape_cast %get3A_401 : vector<1x1x16xf32> to vector<16xf32>
        %mul3A_403 = vector.broadcast %squeeze3A_377 : f32 to vector<16xf32>
        %mul3A_404 = arith.mulf %get3A_402, %mul3A_403 : vector<16xf32>
        %swap3A_405 = arith.constant 0 : i32
        %swap3A_406 = arith.index_cast %swap3A_405 : i32 to index
        %swap3A_407 = arith.index_cast %add3A_381 : i32 to index
        %swap3A_408 = arith.constant 16 : index
        %swap3A_409 = tpu.vector_load %arg10[%swap3A_406, %swap3A_407, %swap3A_408] {strides = array<i32>} : memref<4x112x64xf32, #tpu.memory_space<vmem>>, vector<1x1x16xf32>,
        %swap3A_410 = vector.shape_cast %swap3A_409 : vector<1x1x16xf32> to vector<16xf32>
        %swap3A_411 = vector.shape_cast %mul3A_404 : vector<16xf32> to vector<1x1x16xf32>
        tpu.vector_store %arg10[%swap3A_406, %swap3A_407, %swap3A_408], %swap3A_411 {strides = array<i32>} : memref<4x112x64xf32, #tpu.memory_space<vmem>>, vector<1x1x16xf32>,
        %get3A_412 = arith.constant 0 : i32
        %get3A_413 = arith.index_cast %get3A_412 : i32 to index
        %get3A_414 = arith.index_cast %add3A_381 : i32 to index
        %get3A_415 = arith.constant 32 : index
        %get3A_416 = tpu.vector_load %arg10[%get3A_413, %get3A_414, %get3A_415] {strides = array<i32>} : memref<4x112x64xf32, #tpu.memory_space<vmem>>, vector<1x1x16xf32>,
        %get3A_417 = vector.shape_cast %get3A_416 : vector<1x1x16xf32> to vector<16xf32>
        %mul3A_418 = vector.broadcast %squeeze3A_377 : f32 to vector<16xf32>
        %mul3A_419 = arith.mulf %get3A_417, %mul3A_418 : vector<16xf32>
        %swap3A_420 = arith.constant 0 : i32
        %swap3A_421 = arith.index_cast %swap3A_420 : i32 to index
        %swap3A_422 = arith.index_cast %add3A_381 : i32 to index
        %swap3A_423 = arith.constant 32 : index
        %swap3A_424 = tpu.vector_load %arg10[%swap3A_421, %swap3A_422, %swap3A_423] {strides = array<i32>} : memref<4x112x64xf32, #tpu.memory_space<vmem>>, vector<1x1x16xf32>,
        %swap3A_425 = vector.shape_cast %swap3A_424 : vector<1x1x16xf32> to vector<16xf32>
        %swap3A_426 = vector.shape_cast %mul3A_419 : vector<16xf32> to vector<1x1x16xf32>
        tpu.vector_store %arg10[%swap3A_421, %swap3A_422, %swap3A_423], %swap3A_426 {strides = array<i32>} : memref<4x112x64xf32, #tpu.memory_space<vmem>>, vector<1x1x16xf32>,
        %get3A_427 = arith.constant 0 : i32
        %get3A_428 = arith.index_cast %get3A_427 : i32 to index
        %get3A_429 = arith.index_cast %add3A_381 : i32 to index
        %get3A_430 = arith.constant 48 : index
        %get3A_431 = tpu.vector_load %arg10[%get3A_428, %get3A_429, %get3A_430] {strides = array<i32>} : memref<4x112x64xf32, #tpu.memory_space<vmem>>, vector<1x1x16xf32>,
        %get3A_432 = vector.shape_cast %get3A_431 : vector<1x1x16xf32> to vector<16xf32>
        %mul3A_433 = vector.broadcast %squeeze3A_377 : f32 to vector<16xf32>
        %mul3A_434 = arith.mulf %get3A_432, %mul3A_433 : vector<16xf32>
        %swap3A_435 = arith.constant 0 : i32
        %swap3A_436 = arith.index_cast %swap3A_435 : i32 to index
        %swap3A_437 = arith.index_cast %add3A_381 : i32 to index
        %swap3A_438 = arith.constant 48 : index
        %swap3A_439 = tpu.vector_load %arg10[%swap3A_436, %swap3A_437, %swap3A_438] {strides = array<i32>} : memref<4x112x64xf32, #tpu.memory_space<vmem>>, vector<1x1x16xf32>,
        %swap3A_440 = vector.shape_cast %swap3A_439 : vector<1x1x16xf32> to vector<16xf32>
        %swap3A_441 = vector.shape_cast %mul3A_434 : vector<16xf32> to vector<1x1x16xf32>
        tpu.vector_store %arg10[%swap3A_436, %swap3A_437, %swap3A_438], %swap3A_441 {strides = array<i32>} : memref<4x112x64xf32, #tpu.memory_space<vmem>>, vector<1x1x16xf32>,
        %slice3A_442 = vector.extract_strided_slice %get3A_312 {offsets = [2], sizes = [1], strides = [1]} : vector<16xf32> to vector<1xf32>
        %squeeze3A_443 = vector.extract %slice3A_442[0] : f32 from vector<1xf32>
        %mul3A_444 = arith.constant 16 : i32
        %mul3A_445 = arith.muli %scan3A_306, %mul3A_444 : i32
        %add3A_446 = arith.constant 2 : i32
        %add3A_447 = arith.addi %mul3A_445, %add3A_446 : i32
        %get3A_448 = arith.constant 0 : i32
        %get3A_449 = arith.index_cast %get3A_448 : i32 to index
        %get3A_450 = arith.index_cast %add3A_447 : i32 to index
        %get3A_451 = arith.constant 0 : index
        %get3A_452 = tpu.vector_load %arg10[%get3A_449, %get3A_450, %get3A_451] {strides = array<i32>} : memref<4x112x64xf32, #tpu.memory_space<vmem>>, vector<1x1x16xf32>,
        %get3A_453 = vector.shape_cast %get3A_452 : vector<1x1x16xf32> to vector<16xf32>
        %mul3A_454 = vector.broadcast %squeeze3A_443 : f32 to vector<16xf32>
        %mul3A_455 = arith.mulf %get3A_453, %mul3A_454 : vector<16xf32>
        %swap3A_456 = arith.constant 0 : i32
        %swap3A_457 = arith.index_cast %swap3A_456 : i32 to index
        %swap3A_458 = arith.index_cast %add3A_447 : i32 to index
        %swap3A_459 = arith.constant 0 : index
        %swap3A_460 = tpu.vector_load %arg10[%swap3A_457, %swap3A_458, %swap3A_459] {strides = array<i32>} : memref<4x112x64xf32, #tpu.memory_space<vmem>>, vector<1x1x16xf32>,
        %swap3A_461 = vector.shape_cast %swap3A_460 : vector<1x1x16xf32> to vector<16xf32>
        %swap3A_462 = vector.shape_cast %mul3A_455 : vector<16xf32> to vector<1x1x16xf32>
        tpu.vector_store %arg10[%swap3A_457, %swap3A_458, %swap3A_459], %swap3A_462 {strides = array<i32>} : memref<4x112x64xf32, #tpu.memory_space<vmem>>, vector<1x1x16xf32>,
        %get3A_463 = arith.constant 0 : i32
        %get3A_464 = arith.index_cast %get3A_463 : i32 to index
        %get3A_465 = arith.index_cast %add3A_447 : i32 to index
        %get3A_466 = arith.constant 16 : index
        %get3A_467 = tpu.vector_load %arg10[%get3A_464, %get3A_465, %get3A_466] {strides = array<i32>} : memref<4x112x64xf32, #tpu.memory_space<vmem>>, vector<1x1x16xf32>,
        %get3A_468 = vector.shape_cast %get3A_467 : vector<1x1x16xf32> to vector<16xf32>
        %mul3A_469 = vector.broadcast %squeeze3A_443 : f32 to vector<16xf32>
        %mul3A_470 = arith.mulf %get3A_468, %mul3A_469 : vector<16xf32>
        %swap3A_471 = arith.constant 0 : i32
        %swap3A_472 = arith.index_cast %swap3A_471 : i32 to index
        %swap3A_473 = arith.index_cast %add3A_447 : i32 to index
        %swap3A_474 = arith.constant 16 : index
        %swap3A_475 = tpu.vector_load %arg10[%swap3A_472, %swap3A_473, %swap3A_474] {strides = array<i32>} : memref<4x112x64xf32, #tpu.memory_space<vmem>>, vector<1x1x16xf32>,
        %swap3A_476 = vector.shape_cast %swap3A_475 : vector<1x1x16xf32> to vector<16xf32>
        %swap3A_477 = vector.shape_cast %mul3A_470 : vector<16xf32> to vector<1x1x16xf32>
        tpu.vector_store %arg10[%swap3A_472, %swap3A_473, %swap3A_474], %swap3A_477 {strides = array<i32>} : memref<4x112x64xf32, #tpu.memory_space<vmem>>, vector<1x1x16xf32>,
        %get3A_478 = arith.constant 0 : i32
        %get3A_479 = arith.index_cast %get3A_478 : i32 to index
        %get3A_480 = arith.index_cast %add3A_447 : i32 to index
        %get3A_481 = arith.constant 32 : index
        %get3A_482 = tpu.vector_load %arg10[%get3A_479, %get3A_480, %get3A_481] {strides = array<i32>} : memref<4x112x64xf32, #tpu.memory_space<vmem>>, vector<1x1x16xf32>,
        %get3A_483 = vector.shape_cast %get3A_482 : vector<1x1x16xf32> to vector<16xf32>
        %mul3A_484 = vector.broadcast %squeeze3A_443 : f32 to vector<16xf32>
        %mul3A_485 = arith.mulf %get3A_483, %mul3A_484 : vector<16xf32>
        %swap3A_486 = arith.constant 0 : i32
        %swap3A_487 = arith.index_cast %swap3A_486 : i32 to index
        %swap3A_488 = arith.index_cast %add3A_447 : i32 to index
        %swap3A_489 = arith.constant 32 : index
        %swap3A_490 = tpu.vector_load %arg10[%swap3A_487, %swap3A_488, %swap3A_489] {strides = array<i32>} : memref<4x112x64xf32, #tpu.memory_space<vmem>>, vector<1x1x16xf32>,
        %swap3A_491 = vector.shape_cast %swap3A_490 : vector<1x1x16xf32> to vector<16xf32>
        %swap3A_492 = vector.shape_cast %mul3A_485 : vector<16xf32> to vector<1x1x16xf32>
        tpu.vector_store %arg10[%swap3A_487, %swap3A_488, %swap3A_489], %swap3A_492 {strides = array<i32>} : memref<4x112x64xf32, #tpu.memory_space<vmem>>, vector<1x1x16xf32>,
        %get3A_493 = arith.constant 0 : i32
        %get3A_494 = arith.index_cast %get3A_493 : i32 to index
        %get3A_495 = arith.index_cast %add3A_447 : i32 to index
        %get3A_496 = arith.constant 48 : index
        %get3A_497 = tpu.vector_load %arg10[%get3A_494, %get3A_495, %get3A_496] {strides = array<i32>} : memref<4x112x64xf32, #tpu.memory_space<vmem>>, vector<1x1x16xf32>,
        %get3A_498 = vector.shape_cast %get3A_497 : vector<1x1x16xf32> to vector<16xf32>
        %mul3A_499 = vector.broadcast %squeeze3A_443 : f32 to vector<16xf32>
        %mul3A_500 = arith.mulf %get3A_498, %mul3A_499 : vector<16xf32>
        %swap3A_501 = arith.constant 0 : i32
        %swap3A_502 = arith.index_cast %swap3A_501 : i32 to index
        %swap3A_503 = arith.index_cast %add3A_447 : i32 to index
        %swap3A_504 = arith.constant 48 : index
        %swap3A_505 = tpu.vector_load %arg10[%swap3A_502, %swap3A_503, %swap3A_504] {strides = array<i32>} : memref<4x112x64xf32, #tpu.memory_space<vmem>>, vector<1x1x16xf32>,
        %swap3A_506 = vector.shape_cast %swap3A_505 : vector<1x1x16xf32> to vector<16xf32>
        %swap3A_507 = vector.shape_cast %mul3A_500 : vector<16xf32> to vector<1x1x16xf32>
        tpu.vector_store %arg10[%swap3A_502, %swap3A_503, %swap3A_504], %swap3A_507 {strides = array<i32>} : memref<4x112x64xf32, #tpu.memory_space<vmem>>, vector<1x1x16xf32>,
        %slice3A_508 = vector.extract_strided_slice %get3A_312 {offsets = [3], sizes = [1], strides = [1]} : vector<16xf32> to vector<1xf32>
        %squeeze3A_509 = vector.extract %slice3A_508[0] : f32 from vector<1xf32>
        %mul3A_510 = arith.constant 16 : i32
        %mul3A_511 = arith.muli %scan3A_306, %mul3A_510 : i32
        %add3A_512 = arith.constant 3 : i32
        %add3A_513 = arith.addi %mul3A_511, %add3A_512 : i32
        %get3A_514 = arith.constant 0 : i32
        %get3A_515 = arith.index_cast %get3A_514 : i32 to index
        %get3A_516 = arith.index_cast %add3A_513 : i32 to index
        %get3A_517 = arith.constant 0 : index
        %get3A_518 = tpu.vector_load %arg10[%get3A_515, %get3A_516, %get3A_517] {strides = array<i32>} : memref<4x112x64xf32, #tpu.memory_space<vmem>>, vector<1x1x16xf32>,
        %get3A_519 = vector.shape_cast %get3A_518 : vector<1x1x16xf32> to vector<16xf32>
        %mul3A_520 = vector.broadcast %squeeze3A_509 : f32 to vector<16xf32>
        %mul3A_521 = arith.mulf %get3A_519, %mul3A_520 : vector<16xf32>
        %swap3A_522 = arith.constant 0 : i32
        %swap3A_523 = arith.index_cast %swap3A_522 : i32 to index
        %swap3A_524 = arith.index_cast %add3A_513 : i32 to index
        %swap3A_525 = arith.constant 0 : index
        %swap3A_526 = tpu.vector_load %arg10[%swap3A_523, %swap3A_524, %swap3A_525] {strides = array<i32>} : memref<4x112x64xf32, #tpu.memory_space<vmem>>, vector<1x1x16xf32>,
        %swap3A_527 = vector.shape_cast %swap3A_526 : vector<1x1x16xf32> to vector<16xf32>
        %swap3A_528 = vector.shape_cast %mul3A_521 : vector<16xf32> to vector<1x1x16xf32>
        tpu.vector_store %arg10[%swap3A_523, %swap3A_524, %swap3A_525], %swap3A_528 {strides = array<i32>} : memref<4x112x64xf32, #tpu.memory_space<vmem>>, vector<1x1x16xf32>,
        %get3A_529 = arith.constant 0 : i32
        %get3A_530 = arith.index_cast %get3A_529 : i32 to index
        %get3A_531 = arith.index_cast %add3A_513 : i32 to index
        %get3A_532 = arith.constant 16 : index
        %get3A_533 = tpu.vector_load %arg10[%get3A_530, %get3A_531, %get3A_532] {strides = array<i32>} : memref<4x112x64xf32, #tpu.memory_space<vmem>>, vector<1x1x16xf32>,
        %get3A_534 = vector.shape_cast %get3A_533 : vector<1x1x16xf32> to vector<16xf32>
        %mul3A_535 = vector.broadcast %squeeze3A_509 : f32 to vector<16xf32>
        %mul3A_536 = arith.mulf %get3A_534, %mul3A_535 : vector<16xf32>
        %swap3A_537 = arith.constant 0 : i32
        %swap3A_538 = arith.index_cast %swap3A_537 : i32 to index
        %swap3A_539 = arith.index_cast %add3A_513 : i32 to index
        %swap3A_540 = arith.constant 16 : index
        %swap3A_541 = tpu.vector_load %arg10[%swap3A_538, %swap3A_539, %swap3A_540] {strides = array<i32>} : memref<4x112x64xf32, #tpu.memory_space<vmem>>, vector<1x1x16xf32>,
        %swap3A_542 = vector.shape_cast %swap3A_541 : vector<1x1x16xf32> to vector<16xf32>
        %swap3A_543 = vector.shape_cast %mul3A_536 : vector<16xf32> to vector<1x1x16xf32>
        tpu.vector_store %arg10[%swap3A_538, %swap3A_539, %swap3A_540], %swap3A_543 {strides = array<i32>} : memref<4x112x64xf32, #tpu.memory_space<vmem>>, vector<1x1x16xf32>,
        %get3A_544 = arith.constant 0 : i32
        %get3A_545 = arith.index_cast %get3A_544 : i32 to index
        %get3A_546 = arith.index_cast %add3A_513 : i32 to index
        %get3A_547 = arith.constant 32 : index
        %get3A_548 = tpu.vector_load %arg10[%get3A_545, %get3A_546, %get3A_547] {strides = array<i32>} : memref<4x112x64xf32, #tpu.memory_space<vmem>>, vector<1x1x16xf32>,
        %get3A_549 = vector.shape_cast %get3A_548 : vector<1x1x16xf32> to vector<16xf32>
        %mul3A_550 = vector.broadcast %squeeze3A_509 : f32 to vector<16xf32>
        %mul3A_551 = arith.mulf %get3A_549, %mul3A_550 : vector<16xf32>
        %swap3A_552 = arith.constant 0 : i32
        %swap3A_553 = arith.index_cast %swap3A_552 : i32 to index
        %swap3A_554 = arith.index_cast %add3A_513 : i32 to index
        %swap3A_555 = arith.constant 32 : index
        %swap3A_556 = tpu.vector_load %arg10[%swap3A_553, %swap3A_554, %swap3A_555] {strides = array<i32>} : memref<4x112x64xf32, #tpu.memory_space<vmem>>, vector<1x1x16xf32>,
        %swap3A_557 = vector.shape_cast %swap3A_556 : vector<1x1x16xf32> to vector<16xf32>
        %swap3A_558 = vector.shape_cast %mul3A_551 : vector<16xf32> to vector<1x1x16xf32>
        tpu.vector_store %arg10[%swap3A_553, %swap3A_554, %swap3A_555], %swap3A_558 {strides = array<i32>} : memref<4x112x64xf32, #tpu.memory_space<vmem>>, vector<1x1x16xf32>,
        %get3A_559 = arith.constant 0 : i32
        %get3A_560 = arith.index_cast %get3A_559 : i32 to index
        %get3A_561 = arith.index_cast %add3A_513 : i32 to index
        %get3A_562 = arith.constant 48 : index
        %get3A_563 = tpu.vector_load %arg10[%get3A_560, %get3A_561, %get3A_562] {strides = array<i32>} : memref<4x112x64xf32, #tpu.memory_space<vmem>>, vector<1x1x16xf32>,
        %get3A_564 = vector.shape_cast %get3A_563 : vector<1x1x16xf32> to vector<16xf32>
        %mul3A_565 = vector.broadcast %squeeze3A_509 : f32 to vector<16xf32>
        %mul3A_566 = arith.mulf %get3A_564, %mul3A_565 : vector<16xf32>
        %swap3A_567 = arith.constant 0 : i32
        %swap3A_568 = arith.index_cast %swap3A_567 : i32 to index
        %swap3A_569 = arith.index_cast %add3A_513 : i32 to index
        %swap3A_570 = arith.constant 48 : index
        %swap3A_571 = tpu.vector_load %arg10[%swap3A_568, %swap3A_569, %swap3A_570] {strides = array<i32>} : memref<4x112x64xf32, #tpu.memory_space<vmem>>, vector<1x1x16xf32>,
        %swap3A_572 = vector.shape_cast %swap3A_571 : vector<1x1x16xf32> to vector<16xf32>
        %swap3A_573 = vector.shape_cast %mul3A_566 : vector<16xf32> to vector<1x1x16xf32>
        tpu.vector_store %arg10[%swap3A_568, %swap3A_569, %swap3A_570], %swap3A_573 {strides = array<i32>} : memref<4x112x64xf32, #tpu.memory_space<vmem>>, vector<1x1x16xf32>,
        %slice3A_574 = vector.extract_strided_slice %get3A_312 {offsets = [4], sizes = [1], strides = [1]} : vector<16xf32> to vector<1xf32>
        %squeeze3A_575 = vector.extract %slice3A_574[0] : f32 from vector<1xf32>
        %mul3A_576 = arith.constant 16 : i32
        %mul3A_577 = arith.muli %scan3A_306, %mul3A_576 : i32
        %add3A_578 = arith.constant 4 : i32
        %add3A_579 = arith.addi %mul3A_577, %add3A_578 : i32
        %get3A_580 = arith.constant 0 : i32
        %get3A_581 = arith.index_cast %get3A_580 : i32 to index
        %get3A_582 = arith.index_cast %add3A_579 : i32 to index
        %get3A_583 = arith.constant 0 : index
        %get3A_584 = tpu.vector_load %arg10[%get3A_581, %get3A_582, %get3A_583] {strides = array<i32>} : memref<4x112x64xf32, #tpu.memory_space<vmem>>, vector<1x1x16xf32>,
        %get3A_585 = vector.shape_cast %get3A_584 : vector<1x1x16xf32> to vector<16xf32>
        %mul3A_586 = vector.broadcast %squeeze3A_575 : f32 to vector<16xf32>
        %mul3A_587 = arith.mulf %get3A_585, %mul3A_586 : vector<16xf32>
        %swap3A_588 = arith.constant 0 : i32
        %swap3A_589 = arith.index_cast %swap3A_588 : i32 to index
        %swap3A_590 = arith.index_cast %add3A_579 : i32 to index
        %swap3A_591 = arith.constant 0 : index
        %swap3A_592 = tpu.vector_load %arg10[%swap3A_589, %swap3A_590, %swap3A_591] {strides = array<i32>} : memref<4x112x64xf32, #tpu.memory_space<vmem>>, vector<1x1x16xf32>,
        %swap3A_593 = vector.shape_cast %swap3A_592 : vector<1x1x16xf32> to vector<16xf32>
        %swap3A_594 = vector.shape_cast %mul3A_587 : vector<16xf32> to vector<1x1x16xf32>
        tpu.vector_store %arg10[%swap3A_589, %swap3A_590, %swap3A_591], %swap3A_594 {strides = array<i32>} : memref<4x112x64xf32, #tpu.memory_space<vmem>>, vector<1x1x16xf32>,
        %get3A_595 = arith.constant 0 : i32
        %get3A_596 = arith.index_cast %get3A_595 : i32 to index
        %get3A_597 = arith.index_cast %add3A_579 : i32 to index
        %get3A_598 = arith.constant 16 : index
        %get3A_599 = tpu.vector_load %arg10[%get3A_596, %get3A_597, %get3A_598] {strides = array<i32>} : memref<4x112x64xf32, #tpu.memory_space<vmem>>, vector<1x1x16xf32>,
        %get3A_600 = vector.shape_cast %get3A_599 : vector<1x1x16xf32> to vector<16xf32>
        %mul3A_601 = vector.broadcast %squeeze3A_575 : f32 to vector<16xf32>
        %mul3A_602 = arith.mulf %get3A_600, %mul3A_601 : vector<16xf32>
        %swap3A_603 = arith.constant 0 : i32
        %swap3A_604 = arith.index_cast %swap3A_603 : i32 to index
        %swap3A_605 = arith.index_cast %add3A_579 : i32 to index
        %swap3A_606 = arith.constant 16 : index
        %swap3A_607 = tpu.vector_load %arg10[%swap3A_604, %swap3A_605, %swap3A_606] {strides = array<i32>} : memref<4x112x64xf32, #tpu.memory_space<vmem>>, vector<1x1x16xf32>,
        %swap3A_608 = vector.shape_cast %swap3A_607 : vector<1x1x16xf32> to vector<16xf32>
        %swap3A_609 = vector.shape_cast %mul3A_602 : vector<16xf32> to vector<1x1x16xf32>
        tpu.vector_store %arg10[%swap3A_604, %swap3A_605, %swap3A_606], %swap3A_609 {strides = array<i32>} : memref<4x112x64xf32, #tpu.memory_space<vmem>>, vector<1x1x16xf32>,
        %get3A_610 = arith.constant 0 : i32
        %get3A_611 = arith.index_cast %get3A_610 : i32 to index
        %get3A_612 = arith.index_cast %add3A_579 : i32 to index
        %get3A_613 = arith.constant 32 : index
        %get3A_614 = tpu.vector_load %arg10[%get3A_611, %get3A_612, %get3A_613] {strides = array<i32>} : memref<4x112x64xf32, #tpu.memory_space<vmem>>, vector<1x1x16xf32>,
        %get3A_615 = vector.shape_cast %get3A_614 : vector<1x1x16xf32> to vector<16xf32>
        %mul3A_616 = vector.broadcast %squeeze3A_575 : f32 to vector<16xf32>
        %mul3A_617 = arith.mulf %get3A_615, %mul3A_616 : vector<16xf32>
        %swap3A_618 = arith.constant 0 : i32
        %swap3A_619 = arith.index_cast %swap3A_618 : i32 to index
        %swap3A_620 = arith.index_cast %add3A_579 : i32 to index
        %swap3A_621 = arith.constant 32 : index
        %swap3A_622 = tpu.vector_load %arg10[%swap3A_619, %swap3A_620, %swap3A_621] {strides = array<i32>} : memref<4x112x64xf32, #tpu.memory_space<vmem>>, vector<1x1x16xf32>,
        %swap3A_623 = vector.shape_cast %swap3A_622 : vector<1x1x16xf32> to vector<16xf32>
        %swap3A_624 = vector.shape_cast %mul3A_617 : vector<16xf32> to vector<1x1x16xf32>
        tpu.vector_store %arg10[%swap3A_619, %swap3A_620, %swap3A_621], %swap3A_624 {strides = array<i32>} : memref<4x112x64xf32, #tpu.memory_space<vmem>>, vector<1x1x16xf32>,
        %get3A_625 = arith.constant 0 : i32
        %get3A_626 = arith.index_cast %get3A_625 : i32 to index
        %get3A_627 = arith.index_cast %add3A_579 : i32 to index
        %get3A_628 = arith.constant 48 : index
        %get3A_629 = tpu.vector_load %arg10[%get3A_626, %get3A_627, %get3A_628] {strides = array<i32>} : memref<4x112x64xf32, #tpu.memory_space<vmem>>, vector<1x1x16xf32>,
        %get3A_630 = vector.shape_cast %get3A_629 : vector<1x1x16xf32> to vector<16xf32>
        %mul3A_631 = vector.broadcast %squeeze3A_575 : f32 to vector<16xf32>
        %mul3A_632 = arith.mulf %get3A_630, %mul3A_631 : vector<16xf32>
        %swap3A_633 = arith.constant 0 : i32
        %swap3A_634 = arith.index_cast %swap3A_633 : i32 to index
        %swap3A_635 = arith.index_cast %add3A_579 : i32 to index
        %swap3A_636 = arith.constant 48 : index
        %swap3A_637 = tpu.vector_load %arg10[%swap3A_634, %swap3A_635, %swap3A_636] {strides = array<i32>} : memref<4x112x64xf32, #tpu.memory_space<vmem>>, vector<1x1x16xf32>,
        %swap3A_638 = vector.shape_cast %swap3A_637 : vector<1x1x16xf32> to vector<16xf32>
        %swap3A_639 = vector.shape_cast %mul3A_632 : vector<16xf32> to vector<1x1x16xf32>
        tpu.vector_store %arg10[%swap3A_634, %swap3A_635, %swap3A_636], %swap3A_639 {strides = array<i32>} : memref<4x112x64xf32, #tpu.memory_space<vmem>>, vector<1x1x16xf32>,
        %slice3A_640 = vector.extract_strided_slice %get3A_312 {offsets = [5], sizes = [1], strides = [1]} : vector<16xf32> to vector<1xf32>
        %squeeze3A_641 = vector.extract %slice3A_640[0] : f32 from vector<1xf32>
        %mul3A_642 = arith.constant 16 : i32
        %mul3A_643 = arith.muli %scan3A_306, %mul3A_642 : i32
        %add3A_644 = arith.constant 5 : i32
        %add3A_645 = arith.addi %mul3A_643, %add3A_644 : i32
        %get3A_646 = arith.constant 0 : i32
        %get3A_647 = arith.index_cast %get3A_646 : i32 to index
        %get3A_648 = arith.index_cast %add3A_645 : i32 to index
        %get3A_649 = arith.constant 0 : index
        %get3A_650 = tpu.vector_load %arg10[%get3A_647, %get3A_648, %get3A_649] {strides = array<i32>} : memref<4x112x64xf32, #tpu.memory_space<vmem>>, vector<1x1x16xf32>,
        %get3A_651 = vector.shape_cast %get3A_650 : vector<1x1x16xf32> to vector<16xf32>
        %mul3A_652 = vector.broadcast %squeeze3A_641 : f32 to vector<16xf32>
        %mul3A_653 = arith.mulf %get3A_651, %mul3A_652 : vector<16xf32>
        %swap3A_654 = arith.constant 0 : i32
        %swap3A_655 = arith.index_cast %swap3A_654 : i32 to index
        %swap3A_656 = arith.index_cast %add3A_645 : i32 to index
        %swap3A_657 = arith.constant 0 : index
        %swap3A_658 = tpu.vector_load %arg10[%swap3A_655, %swap3A_656, %swap3A_657] {strides = array<i32>} : memref<4x112x64xf32, #tpu.memory_space<vmem>>, vector<1x1x16xf32>,
        %swap3A_659 = vector.shape_cast %swap3A_658 : vector<1x1x16xf32> to vector<16xf32>
        %swap3A_660 = vector.shape_cast %mul3A_653 : vector<16xf32> to vector<1x1x16xf32>
        tpu.vector_store %arg10[%swap3A_655, %swap3A_656, %swap3A_657], %swap3A_660 {strides = array<i32>} : memref<4x112x64xf32, #tpu.memory_space<vmem>>, vector<1x1x16xf32>,
        %get3A_661 = arith.constant 0 : i32
        %get3A_662 = arith.index_cast %get3A_661 : i32 to index
        %get3A_663 = arith.index_cast %add3A_645 : i32 to index
        %get3A_664 = arith.constant 16 : index
        %get3A_665 = tpu.vector_load %arg10[%get3A_662, %get3A_663, %get3A_664] {strides = array<i32>} : memref<4x112x64xf32, #tpu.memory_space<vmem>>, vector<1x1x16xf32>,
        %get3A_666 = vector.shape_cast %get3A_665 : vector<1x1x16xf32> to vector<16xf32>
        %mul3A_667 = vector.broadcast %squeeze3A_641 : f32 to vector<16xf32>
        %mul3A_668 = arith.mulf %get3A_666, %mul3A_667 : vector<16xf32>
        %swap3A_669 = arith.constant 0 : i32
        %swap3A_670 = arith.index_cast %swap3A_669 : i32 to index
        %swap3A_671 = arith.index_cast %add3A_645 : i32 to index
        %swap3A_672 = arith.constant 16 : index
        %swap3A_673 = tpu.vector_load %arg10[%swap3A_670, %swap3A_671, %swap3A_672] {strides = array<i32>} : memref<4x112x64xf32, #tpu.memory_space<vmem>>, vector<1x1x16xf32>,
        %swap3A_674 = vector.shape_cast %swap3A_673 : vector<1x1x16xf32> to vector<16xf32>
        %swap3A_675 = vector.shape_cast %mul3A_668 : vector<16xf32> to vector<1x1x16xf32>
        tpu.vector_store %arg10[%swap3A_670, %swap3A_671, %swap3A_672], %swap3A_675 {strides = array<i32>} : memref<4x112x64xf32, #tpu.memory_space<vmem>>, vector<1x1x16xf32>,
        %get3A_676 = arith.constant 0 : i32
        %get3A_677 = arith.index_cast %get3A_676 : i32 to index
        %get3A_678 = arith.index_cast %add3A_645 : i32 to index
        %get3A_679 = arith.constant 32 : index
        %get3A_680 = tpu.vector_load %arg10[%get3A_677, %get3A_678, %get3A_679] {strides = array<i32>} : memref<4x112x64xf32, #tpu.memory_space<vmem>>, vector<1x1x16xf32>,
        %get3A_681 = vector.shape_cast %get3A_680 : vector<1x1x16xf32> to vector<16xf32>
        %mul3A_682 = vector.broadcast %squeeze3A_641 : f32 to vector<16xf32>
        %mul3A_683 = arith.mulf %get3A_681, %mul3A_682 : vector<16xf32>
        %swap3A_684 = arith.constant 0 : i32
        %swap3A_685 = arith.index_cast %swap3A_684 : i32 to index
        %swap3A_686 = arith.index_cast %add3A_645 : i32 to index
        %swap3A_687 = arith.constant 32 : index
        %swap3A_688 = tpu.vector_load %arg10[%swap3A_685, %swap3A_686, %swap3A_687] {strides = array<i32>} : memref<4x112x64xf32, #tpu.memory_space<vmem>>, vector<1x1x16xf32>,
        %swap3A_689 = vector.shape_cast %swap3A_688 : vector<1x1x16xf32> to vector<16xf32>
        %swap3A_690 = vector.shape_cast %mul3A_683 : vector<16xf32> to vector<1x1x16xf32>
        tpu.vector_store %arg10[%swap3A_685, %swap3A_686, %swap3A_687], %swap3A_690 {strides = array<i32>} : memref<4x112x64xf32, #tpu.memory_space<vmem>>, vector<1x1x16xf32>,
        %get3A_691 = arith.constant 0 : i32
        %get3A_692 = arith.index_cast %get3A_691 : i32 to index
        %get3A_693 = arith.index_cast %add3A_645 : i32 to index
        %get3A_694 = arith.constant 48 : index
        %get3A_695 = tpu.vector_load %arg10[%get3A_692, %get3A_693, %get3A_694] {strides = array<i32>} : memref<4x112x64xf32, #tpu.memory_space<vmem>>, vector<1x1x16xf32>,
        %get3A_696 = vector.shape_cast %get3A_695 : vector<1x1x16xf32> to vector<16xf32>
        %mul3A_697 = vector.broadcast %squeeze3A_641 : f32 to vector<16xf32>
        %mul3A_698 = arith.mulf %get3A_696, %mul3A_697 : vector<16xf32>
        %swap3A_699 = arith.constant 0 : i32
        %swap3A_700 = arith.index_cast %swap3A_699 : i32 to index
        %swap3A_701 = arith.index_cast %add3A_645 : i32 to index
        %swap3A_702 = arith.constant 48 : index
        %swap3A_703 = tpu.vector_load %arg10[%swap3A_700, %swap3A_701, %swap3A_702] {strides = array<i32>} : memref<4x112x64xf32, #tpu.memory_space<vmem>>, vector<1x1x16xf32>,
        %swap3A_704 = vector.shape_cast %swap3A_703 : vector<1x1x16xf32> to vector<16xf32>
        %swap3A_705 = vector.shape_cast %mul3A_698 : vector<16xf32> to vector<1x1x16xf32>
        tpu.vector_store %arg10[%swap3A_700, %swap3A_701, %swap3A_702], %swap3A_705 {strides = array<i32>} : memref<4x112x64xf32, #tpu.memory_space<vmem>>, vector<1x1x16xf32>,
        %slice3A_706 = vector.extract_strided_slice %get3A_312 {offsets = [6], sizes = [1], strides = [1]} : vector<16xf32> to vector<1xf32>
        %squeeze3A_707 = vector.extract %slice3A_706[0] : f32 from vector<1xf32>
        %mul3A_708 = arith.constant 16 : i32
        %mul3A_709 = arith.muli %scan3A_306, %mul3A_708 : i32
        %add3A_710 = arith.constant 6 : i32
        %add3A_711 = arith.addi %mul3A_709, %add3A_710 : i32
        %get3A_712 = arith.constant 0 : i32
        %get3A_713 = arith.index_cast %get3A_712 : i32 to index
        %get3A_714 = arith.index_cast %add3A_711 : i32 to index
        %get3A_715 = arith.constant 0 : index
        %get3A_716 = tpu.vector_load %arg10[%get3A_713, %get3A_714, %get3A_715] {strides = array<i32>} : memref<4x112x64xf32, #tpu.memory_space<vmem>>, vector<1x1x16xf32>,
        %get3A_717 = vector.shape_cast %get3A_716 : vector<1x1x16xf32> to vector<16xf32>
        %mul3A_718 = vector.broadcast %squeeze3A_707 : f32 to vector<16xf32>
        %mul3A_719 = arith.mulf %get3A_717, %mul3A_718 : vector<16xf32>
        %swap3A_720 = arith.constant 0 : i32
        %swap3A_721 = arith.index_cast %swap3A_720 : i32 to index
        %swap3A_722 = arith.index_cast %add3A_711 : i32 to index
        %swap3A_723 = arith.constant 0 : index
        %swap3A_724 = tpu.vector_load %arg10[%swap3A_721, %swap3A_722, %swap3A_723] {strides = array<i32>} : memref<4x112x64xf32, #tpu.memory_space<vmem>>, vector<1x1x16xf32>,
        %swap3A_725 = vector.shape_cast %swap3A_724 : vector<1x1x16xf32> to vector<16xf32>
        %swap3A_726 = vector.shape_cast %mul3A_719 : vector<16xf32> to vector<1x1x16xf32>
        tpu.vector_store %arg10[%swap3A_721, %swap3A_722, %swap3A_723], %swap3A_726 {strides = array<i32>} : memref<4x112x64xf32, #tpu.memory_space<vmem>>, vector<1x1x16xf32>,
        %get3A_727 = arith.constant 0 : i32
        %get3A_728 = arith.index_cast %get3A_727 : i32 to index
        %get3A_729 = arith.index_cast %add3A_711 : i32 to index
        %get3A_730 = arith.constant 16 : index
        %get3A_731 = tpu.vector_load %arg10[%get3A_728, %get3A_729, %get3A_730] {strides = array<i32>} : memref<4x112x64xf32, #tpu.memory_space<vmem>>, vector<1x1x16xf32>,
        %get3A_732 = vector.shape_cast %get3A_731 : vector<1x1x16xf32> to vector<16xf32>
        %mul3A_733 = vector.broadcast %squeeze3A_707 : f32 to vector<16xf32>
        %mul3A_734 = arith.mulf %get3A_732, %mul3A_733 : vector<16xf32>
        %swap3A_735 = arith.constant 0 : i32
        %swap3A_736 = arith.index_cast %swap3A_735 : i32 to index
        %swap3A_737 = arith.index_cast %add3A_711 : i32 to index
        %swap3A_738 = arith.constant 16 : index
        %swap3A_739 = tpu.vector_load %arg10[%swap3A_736, %swap3A_737, %swap3A_738] {strides = array<i32>} : memref<4x112x64xf32, #tpu.memory_space<vmem>>, vector<1x1x16xf32>,
        %swap3A_740 = vector.shape_cast %swap3A_739 : vector<1x1x16xf32> to vector<16xf32>
        %swap3A_741 = vector.shape_cast %mul3A_734 : vector<16xf32> to vector<1x1x16xf32>
        tpu.vector_store %arg10[%swap3A_736, %swap3A_737, %swap3A_738], %swap3A_741 {strides = array<i32>} : memref<4x112x64xf32, #tpu.memory_space<vmem>>, vector<1x1x16xf32>,
        %get3A_742 = arith.constant 0 : i32
        %get3A_743 = arith.index_cast %get3A_742 : i32 to index
        %get3A_744 = arith.index_cast %add3A_711 : i32 to index
        %get3A_745 = arith.constant 32 : index
        %get3A_746 = tpu.vector_load %arg10[%get3A_743, %get3A_744, %get3A_745] {strides = array<i32>} : memref<4x112x64xf32, #tpu.memory_space<vmem>>, vector<1x1x16xf32>,
        %get3A_747 = vector.shape_cast %get3A_746 : vector<1x1x16xf32> to vector<16xf32>
        %mul3A_748 = vector.broadcast %squeeze3A_707 : f32 to vector<16xf32>
        %mul3A_749 = arith.mulf %get3A_747, %mul3A_748 : vector<16xf32>
        %swap3A_750 = arith.constant 0 : i32
        %swap3A_751 = arith.index_cast %swap3A_750 : i32 to index
        %swap3A_752 = arith.index_cast %add3A_711 : i32 to index
        %swap3A_753 = arith.constant 32 : index
        %swap3A_754 = tpu.vector_load %arg10[%swap3A_751, %swap3A_752, %swap3A_753] {strides = array<i32>} : memref<4x112x64xf32, #tpu.memory_space<vmem>>, vector<1x1x16xf32>,
        %swap3A_755 = vector.shape_cast %swap3A_754 : vector<1x1x16xf32> to vector<16xf32>
        %swap3A_756 = vector.shape_cast %mul3A_749 : vector<16xf32> to vector<1x1x16xf32>
        tpu.vector_store %arg10[%swap3A_751, %swap3A_752, %swap3A_753], %swap3A_756 {strides = array<i32>} : memref<4x112x64xf32, #tpu.memory_space<vmem>>, vector<1x1x16xf32>,
        %get3A_757 = arith.constant 0 : i32
        %get3A_758 = arith.index_cast %get3A_757 : i32 to index
        %get3A_759 = arith.index_cast %add3A_711 : i32 to index
        %get3A_760 = arith.constant 48 : index
        %get3A_761 = tpu.vector_load %arg10[%get3A_758, %get3A_759, %get3A_760] {strides = array<i32>} : memref<4x112x64xf32, #tpu.memory_space<vmem>>, vector<1x1x16xf32>,
        %get3A_762 = vector.shape_cast %get3A_761 : vector<1x1x16xf32> to vector<16xf32>
        %mul3A_763 = vector.broadcast %squeeze3A_707 : f32 to vector<16xf32>
        %mul3A_764 = arith.mulf %get3A_762, %mul3A_763 : vector<16xf32>
        %swap3A_765 = arith.constant 0 : i32
        %swap3A_766 = arith.index_cast %swap3A_765 : i32 to index
        %swap3A_767 = arith.index_cast %add3A_711 : i32 to index
        %swap3A_768 = arith.constant 48 : index
        %swap3A_769 = tpu.vector_load %arg10[%swap3A_766, %swap3A_767, %swap3A_768] {strides = array<i32>} : memref<4x112x64xf32, #tpu.memory_space<vmem>>, vector<1x1x16xf32>,
        %swap3A_770 = vector.shape_cast %swap3A_769 : vector<1x1x16xf32> to vector<16xf32>
        %swap3A_771 = vector.shape_cast %mul3A_764 : vector<16xf32> to vector<1x1x16xf32>
        tpu.vector_store %arg10[%swap3A_766, %swap3A_767, %swap3A_768], %swap3A_771 {strides = array<i32>} : memref<4x112x64xf32, #tpu.memory_space<vmem>>, vector<1x1x16xf32>,
        %slice3A_772 = vector.extract_strided_slice %get3A_312 {offsets = [7], sizes = [1], strides = [1]} : vector<16xf32> to vector<1xf32>
        %squeeze3A_773 = vector.extract %slice3A_772[0] : f32 from vector<1xf32>
        %mul3A_774 = arith.constant 16 : i32
        %mul3A_775 = arith.muli %scan3A_306, %mul3A_774 : i32
        %add3A_776 = arith.constant 7 : i32
        %add3A_777 = arith.addi %mul3A_775, %add3A_776 : i32
        %get3A_778 = arith.constant 0 : i32
        %get3A_779 = arith.index_cast %get3A_778 : i32 to index
        %get3A_780 = arith.index_cast %add3A_777 : i32 to index
        %get3A_781 = arith.constant 0 : index
        %get3A_782 = tpu.vector_load %arg10[%get3A_779, %get3A_780, %get3A_781] {strides = array<i32>} : memref<4x112x64xf32, #tpu.memory_space<vmem>>, vector<1x1x16xf32>,
        %get3A_783 = vector.shape_cast %get3A_782 : vector<1x1x16xf32> to vector<16xf32>
        %mul3A_784 = vector.broadcast %squeeze3A_773 : f32 to vector<16xf32>
        %mul3A_785 = arith.mulf %get3A_783, %mul3A_784 : vector<16xf32>
        %swap3A_786 = arith.constant 0 : i32
        %swap3A_787 = arith.index_cast %swap3A_786 : i32 to index
        %swap3A_788 = arith.index_cast %add3A_777 : i32 to index
        %swap3A_789 = arith.constant 0 : index
        %swap3A_790 = tpu.vector_load %arg10[%swap3A_787, %swap3A_788, %swap3A_789] {strides = array<i32>} : memref<4x112x64xf32, #tpu.memory_space<vmem>>, vector<1x1x16xf32>,
        %swap3A_791 = vector.shape_cast %swap3A_790 : vector<1x1x16xf32> to vector<16xf32>
        %swap3A_792 = vector.shape_cast %mul3A_785 : vector<16xf32> to vector<1x1x16xf32>
        tpu.vector_store %arg10[%swap3A_787, %swap3A_788, %swap3A_789], %swap3A_792 {strides = array<i32>} : memref<4x112x64xf32, #tpu.memory_space<vmem>>, vector<1x1x16xf32>,
        %get3A_793 = arith.constant 0 : i32
        %get3A_794 = arith.index_cast %get3A_793 : i32 to index
        %get3A_795 = arith.index_cast %add3A_777 : i32 to index
        %get3A_796 = arith.constant 16 : index
        %get3A_797 = tpu.vector_load %arg10[%get3A_794, %get3A_795, %get3A_796] {strides = array<i32>} : memref<4x112x64xf32, #tpu.memory_space<vmem>>, vector<1x1x16xf32>,
        %get3A_798 = vector.shape_cast %get3A_797 : vector<1x1x16xf32> to vector<16xf32>
        %mul3A_799 = vector.broadcast %squeeze3A_773 : f32 to vector<16xf32>
        %mul3A_800 = arith.mulf %get3A_798, %mul3A_799 : vector<16xf32>
        %swap3A_801 = arith.constant 0 : i32
        %swap3A_802 = arith.index_cast %swap3A_801 : i32 to index
        %swap3A_803 = arith.index_cast %add3A_777 : i32 to index
        %swap3A_804 = arith.constant 16 : index
        %swap3A_805 = tpu.vector_load %arg10[%swap3A_802, %swap3A_803, %swap3A_804] {strides = array<i32>} : memref<4x112x64xf32, #tpu.memory_space<vmem>>, vector<1x1x16xf32>,
        %swap3A_806 = vector.shape_cast %swap3A_805 : vector<1x1x16xf32> to vector<16xf32>
        %swap3A_807 = vector.shape_cast %mul3A_800 : vector<16xf32> to vector<1x1x16xf32>
        tpu.vector_store %arg10[%swap3A_802, %swap3A_803, %swap3A_804], %swap3A_807 {strides = array<i32>} : memref<4x112x64xf32, #tpu.memory_space<vmem>>, vector<1x1x16xf32>,
        %get3A_808 = arith.constant 0 : i32
        %get3A_809 = arith.index_cast %get3A_808 : i32 to index
        %get3A_810 = arith.index_cast %add3A_777 : i32 to index
        %get3A_811 = arith.constant 32 : index
        %get3A_812 = tpu.vector_load %arg10[%get3A_809, %get3A_810, %get3A_811] {strides = array<i32>} : memref<4x112x64xf32, #tpu.memory_space<vmem>>, vector<1x1x16xf32>,
        %get3A_813 = vector.shape_cast %get3A_812 : vector<1x1x16xf32> to vector<16xf32>
        %mul3A_814 = vector.broadcast %squeeze3A_773 : f32 to vector<16xf32>
        %mul3A_815 = arith.mulf %get3A_813, %mul3A_814 : vector<16xf32>
        %swap3A_816 = arith.constant 0 : i32
        %swap3A_817 = arith.index_cast %swap3A_816 : i32 to index
        %swap3A_818 = arith.index_cast %add3A_777 : i32 to index
        %swap3A_819 = arith.constant 32 : index
        %swap3A_820 = tpu.vector_load %arg10[%swap3A_817, %swap3A_818, %swap3A_819] {strides = array<i32>} : memref<4x112x64xf32, #tpu.memory_space<vmem>>, vector<1x1x16xf32>,
        %swap3A_821 = vector.shape_cast %swap3A_820 : vector<1x1x16xf32> to vector<16xf32>
        %swap3A_822 = vector.shape_cast %mul3A_815 : vector<16xf32> to vector<1x1x16xf32>
        tpu.vector_store %arg10[%swap3A_817, %swap3A_818, %swap3A_819], %swap3A_822 {strides = array<i32>} : memref<4x112x64xf32, #tpu.memory_space<vmem>>, vector<1x1x16xf32>,
        %get3A_823 = arith.constant 0 : i32
        %get3A_824 = arith.index_cast %get3A_823 : i32 to index
        %get3A_825 = arith.index_cast %add3A_777 : i32 to index
        %get3A_826 = arith.constant 48 : index
        %get3A_827 = tpu.vector_load %arg10[%get3A_824, %get3A_825, %get3A_826] {strides = array<i32>} : memref<4x112x64xf32, #tpu.memory_space<vmem>>, vector<1x1x16xf32>,
        %get3A_828 = vector.shape_cast %get3A_827 : vector<1x1x16xf32> to vector<16xf32>
        %mul3A_829 = vector.broadcast %squeeze3A_773 : f32 to vector<16xf32>
        %mul3A_830 = arith.mulf %get3A_828, %mul3A_829 : vector<16xf32>
        %swap3A_831 = arith.constant 0 : i32
        %swap3A_832 = arith.index_cast %swap3A_831 : i32 to index
        %swap3A_833 = arith.index_cast %add3A_777 : i32 to index
        %swap3A_834 = arith.constant 48 : index
        %swap3A_835 = tpu.vector_load %arg10[%swap3A_832, %swap3A_833, %swap3A_834] {strides = array<i32>} : memref<4x112x64xf32, #tpu.memory_space<vmem>>, vector<1x1x16xf32>,
        %swap3A_836 = vector.shape_cast %swap3A_835 : vector<1x1x16xf32> to vector<16xf32>
        %swap3A_837 = vector.shape_cast %mul3A_830 : vector<16xf32> to vector<1x1x16xf32>
        tpu.vector_store %arg10[%swap3A_832, %swap3A_833, %swap3A_834], %swap3A_837 {strides = array<i32>} : memref<4x112x64xf32, #tpu.memory_space<vmem>>, vector<1x1x16xf32>,
        %slice3A_838 = vector.extract_strided_slice %get3A_312 {offsets = [8], sizes = [1], strides = [1]} : vector<16xf32> to vector<1xf32>
        %squeeze3A_839 = vector.extract %slice3A_838[0] : f32 from vector<1xf32>
        %mul3A_840 = arith.constant 16 : i32
        %mul3A_841 = arith.muli %scan3A_306, %mul3A_840 : i32
        %add3A_842 = arith.constant 8 : i32
        %add3A_843 = arith.addi %mul3A_841, %add3A_842 : i32
        %get3A_844 = arith.constant 0 : i32
        %get3A_845 = arith.index_cast %get3A_844 : i32 to index
        %get3A_846 = arith.index_cast %add3A_843 : i32 to index
        %get3A_847 = arith.constant 0 : index
        %get3A_848 = tpu.vector_load %arg10[%get3A_845, %get3A_846, %get3A_847] {strides = array<i32>} : memref<4x112x64xf32, #tpu.memory_space<vmem>>, vector<1x1x16xf32>,
        %get3A_849 = vector.shape_cast %get3A_848 : vector<1x1x16xf32> to vector<16xf32>
        %mul3A_850 = vector.broadcast %squeeze3A_839 : f32 to vector<16xf32>
        %mul3A_851 = arith.mulf %get3A_849, %mul3A_850 : vector<16xf32>
        %swap3A_852 = arith.constant 0 : i32
        %swap3A_853 = arith.index_cast %swap3A_852 : i32 to index
        %swap3A_854 = arith.index_cast %add3A_843 : i32 to index
        %swap3A_855 = arith.constant 0 : index
        %swap3A_856 = tpu.vector_load %arg10[%swap3A_853, %swap3A_854, %swap3A_855] {strides = array<i32>} : memref<4x112x64xf32, #tpu.memory_space<vmem>>, vector<1x1x16xf32>,
        %swap3A_857 = vector.shape_cast %swap3A_856 : vector<1x1x16xf32> to vector<16xf32>
        %swap3A_858 = vector.shape_cast %mul3A_851 : vector<16xf32> to vector<1x1x16xf32>
        tpu.vector_store %arg10[%swap3A_853, %swap3A_854, %swap3A_855], %swap3A_858 {strides = array<i32>} : memref<4x112x64xf32, #tpu.memory_space<vmem>>, vector<1x1x16xf32>,
        %get3A_859 = arith.constant 0 : i32
        %get3A_860 = arith.index_cast %get3A_859 : i32 to index
        %get3A_861 = arith.index_cast %add3A_843 : i32 to index
        %get3A_862 = arith.constant 16 : index
        %get3A_863 = tpu.vector_load %arg10[%get3A_860, %get3A_861, %get3A_862] {strides = array<i32>} : memref<4x112x64xf32, #tpu.memory_space<vmem>>, vector<1x1x16xf32>,
        %get3A_864 = vector.shape_cast %get3A_863 : vector<1x1x16xf32> to vector<16xf32>
        %mul3A_865 = vector.broadcast %squeeze3A_839 : f32 to vector<16xf32>
        %mul3A_866 = arith.mulf %get3A_864, %mul3A_865 : vector<16xf32>
        %swap3A_867 = arith.constant 0 : i32
        %swap3A_868 = arith.index_cast %swap3A_867 : i32 to index
        %swap3A_869 = arith.index_cast %add3A_843 : i32 to index
        %swap3A_870 = arith.constant 16 : index
        %swap3A_871 = tpu.vector_load %arg10[%swap3A_868, %swap3A_869, %swap3A_870] {strides = array<i32>} : memref<4x112x64xf32, #tpu.memory_space<vmem>>, vector<1x1x16xf32>,
        %swap3A_872 = vector.shape_cast %swap3A_871 : vector<1x1x16xf32> to vector<16xf32>
        %swap3A_873 = vector.shape_cast %mul3A_866 : vector<16xf32> to vector<1x1x16xf32>
        tpu.vector_store %arg10[%swap3A_868, %swap3A_869, %swap3A_870], %swap3A_873 {strides = array<i32>} : memref<4x112x64xf32, #tpu.memory_space<vmem>>, vector<1x1x16xf32>,
        %get3A_874 = arith.constant 0 : i32
        %get3A_875 = arith.index_cast %get3A_874 : i32 to index
        %get3A_876 = arith.index_cast %add3A_843 : i32 to index
        %get3A_877 = arith.constant 32 : index
        %get3A_878 = tpu.vector_load %arg10[%get3A_875, %get3A_876, %get3A_877] {strides = array<i32>} : memref<4x112x64xf32, #tpu.memory_space<vmem>>, vector<1x1x16xf32>,
        %get3A_879 = vector.shape_cast %get3A_878 : vector<1x1x16xf32> to vector<16xf32>
        %mul3A_880 = vector.broadcast %squeeze3A_839 : f32 to vector<16xf32>
        %mul3A_881 = arith.mulf %get3A_879, %mul3A_880 : vector<16xf32>
        %swap3A_882 = arith.constant 0 : i32
        %swap3A_883 = arith.index_cast %swap3A_882 : i32 to index
        %swap3A_884 = arith.index_cast %add3A_843 : i32 to index
        %swap3A_885 = arith.constant 32 : index
        %swap3A_886 = tpu.vector_load %arg10[%swap3A_883, %swap3A_884, %swap3A_885] {strides = array<i32>} : memref<4x112x64xf32, #tpu.memory_space<vmem>>, vector<1x1x16xf32>,
        %swap3A_887 = vector.shape_cast %swap3A_886 : vector<1x1x16xf32> to vector<16xf32>
        %swap3A_888 = vector.shape_cast %mul3A_881 : vector<16xf32> to vector<1x1x16xf32>
        tpu.vector_store %arg10[%swap3A_883, %swap3A_884, %swap3A_885], %swap3A_888 {strides = array<i32>} : memref<4x112x64xf32, #tpu.memory_space<vmem>>, vector<1x1x16xf32>,
        %get3A_889 = arith.constant 0 : i32
        %get3A_890 = arith.index_cast %get3A_889 : i32 to index
        %get3A_891 = arith.index_cast %add3A_843 : i32 to index
        %get3A_892 = arith.constant 48 : index
        %get3A_893 = tpu.vector_load %arg10[%get3A_890, %get3A_891, %get3A_892] {strides = array<i32>} : memref<4x112x64xf32, #tpu.memory_space<vmem>>, vector<1x1x16xf32>,
        %get3A_894 = vector.shape_cast %get3A_893 : vector<1x1x16xf32> to vector<16xf32>
        %mul3A_895 = vector.broadcast %squeeze3A_839 : f32 to vector<16xf32>
        %mul3A_896 = arith.mulf %get3A_894, %mul3A_895 : vector<16xf32>
        %swap3A_897 = arith.constant 0 : i32
        %swap3A_898 = arith.index_cast %swap3A_897 : i32 to index
        %swap3A_899 = arith.index_cast %add3A_843 : i32 to index
        %swap3A_900 = arith.constant 48 : index
        %swap3A_901 = tpu.vector_load %arg10[%swap3A_898, %swap3A_899, %swap3A_900] {strides = array<i32>} : memref<4x112x64xf32, #tpu.memory_space<vmem>>, vector<1x1x16xf32>,
        %swap3A_902 = vector.shape_cast %swap3A_901 : vector<1x1x16xf32> to vector<16xf32>
        %swap3A_903 = vector.shape_cast %mul3A_896 : vector<16xf32> to vector<1x1x16xf32>
        tpu.vector_store %arg10[%swap3A_898, %swap3A_899, %swap3A_900], %swap3A_903 {strides = array<i32>} : memref<4x112x64xf32, #tpu.memory_space<vmem>>, vector<1x1x16xf32>,
        %slice3A_904 = vector.extract_strided_slice %get3A_312 {offsets = [9], sizes = [1], strides = [1]} : vector<16xf32> to vector<1xf32>
        %squeeze3A_905 = vector.extract %slice3A_904[0] : f32 from vector<1xf32>
        %mul3A_906 = arith.constant 16 : i32
        %mul3A_907 = arith.muli %scan3A_306, %mul3A_906 : i32
        %add3A_908 = arith.constant 9 : i32
        %add3A_909 = arith.addi %mul3A_907, %add3A_908 : i32
        %get3A_910 = arith.constant 0 : i32
        %get3A_911 = arith.index_cast %get3A_910 : i32 to index
        %get3A_912 = arith.index_cast %add3A_909 : i32 to index
        %get3A_913 = arith.constant 0 : index
        %get3A_914 = tpu.vector_load %arg10[%get3A_911, %get3A_912, %get3A_913] {strides = array<i32>} : memref<4x112x64xf32, #tpu.memory_space<vmem>>, vector<1x1x16xf32>,
        %get3A_915 = vector.shape_cast %get3A_914 : vector<1x1x16xf32> to vector<16xf32>
        %mul3A_916 = vector.broadcast %squeeze3A_905 : f32 to vector<16xf32>
        %mul3A_917 = arith.mulf %get3A_915, %mul3A_916 : vector<16xf32>
        %swap3A_918 = arith.constant 0 : i32
        %swap3A_919 = arith.index_cast %swap3A_918 : i32 to index
        %swap3A_920 = arith.index_cast %add3A_909 : i32 to index
        %swap3A_921 = arith.constant 0 : index
        %swap3A_922 = tpu.vector_load %arg10[%swap3A_919, %swap3A_920, %swap3A_921] {strides = array<i32>} : memref<4x112x64xf32, #tpu.memory_space<vmem>>, vector<1x1x16xf32>,
        %swap3A_923 = vector.shape_cast %swap3A_922 : vector<1x1x16xf32> to vector<16xf32>
        %swap3A_924 = vector.shape_cast %mul3A_917 : vector<16xf32> to vector<1x1x16xf32>
        tpu.vector_store %arg10[%swap3A_919, %swap3A_920, %swap3A_921], %swap3A_924 {strides = array<i32>} : memref<4x112x64xf32, #tpu.memory_space<vmem>>, vector<1x1x16xf32>,
        %get3A_925 = arith.constant 0 : i32
        %get3A_926 = arith.index_cast %get3A_925 : i32 to index
        %get3A_927 = arith.index_cast %add3A_909 : i32 to index
        %get3A_928 = arith.constant 16 : index
        %get3A_929 = tpu.vector_load %arg10[%get3A_926, %get3A_927, %get3A_928] {strides = array<i32>} : memref<4x112x64xf32, #tpu.memory_space<vmem>>, vector<1x1x16xf32>,
        %get3A_930 = vector.shape_cast %get3A_929 : vector<1x1x16xf32> to vector<16xf32>
        %mul3A_931 = vector.broadcast %squeeze3A_905 : f32 to vector<16xf32>
        %mul3A_932 = arith.mulf %get3A_930, %mul3A_931 : vector<16xf32>
        %swap3A_933 = arith.constant 0 : i32
        %swap3A_934 = arith.index_cast %swap3A_933 : i32 to index
        %swap3A_935 = arith.index_cast %add3A_909 : i32 to index
        %swap3A_936 = arith.constant 16 : index
        %swap3A_937 = tpu.vector_load %arg10[%swap3A_934, %swap3A_935, %swap3A_936] {strides = array<i32>} : memref<4x112x64xf32, #tpu.memory_space<vmem>>, vector<1x1x16xf32>,
        %swap3A_938 = vector.shape_cast %swap3A_937 : vector<1x1x16xf32> to vector<16xf32>
        %swap3A_939 = vector.shape_cast %mul3A_932 : vector<16xf32> to vector<1x1x16xf32>
        tpu.vector_store %arg10[%swap3A_934, %swap3A_935, %swap3A_936], %swap3A_939 {strides = array<i32>} : memref<4x112x64xf32, #tpu.memory_space<vmem>>, vector<1x1x16xf32>,
        %get3A_940 = arith.constant 0 : i32
        %get3A_941 = arith.index_cast %get3A_940 : i32 to index
        %get3A_942 = arith.index_cast %add3A_909 : i32 to index
        %get3A_943 = arith.constant 32 : index
        %get3A_944 = tpu.vector_load %arg10[%get3A_941, %get3A_942, %get3A_943] {strides = array<i32>} : memref<4x112x64xf32, #tpu.memory_space<vmem>>, vector<1x1x16xf32>,
        %get3A_945 = vector.shape_cast %get3A_944 : vector<1x1x16xf32> to vector<16xf32>
        %mul3A_946 = vector.broadcast %squeeze3A_905 : f32 to vector<16xf32>
        %mul3A_947 = arith.mulf %get3A_945, %mul3A_946 : vector<16xf32>
        %swap3A_948 = arith.constant 0 : i32
        %swap3A_949 = arith.index_cast %swap3A_948 : i32 to index
        %swap3A_950 = arith.index_cast %add3A_909 : i32 to index
        %swap3A_951 = arith.constant 32 : index
        %swap3A_952 = tpu.vector_load %arg10[%swap3A_949, %swap3A_950, %swap3A_951] {strides = array<i32>} : memref<4x112x64xf32, #tpu.memory_space<vmem>>, vector<1x1x16xf32>,
        %swap3A_953 = vector.shape_cast %swap3A_952 : vector<1x1x16xf32> to vector<16xf32>
        %swap3A_954 = vector.shape_cast %mul3A_947 : vector<16xf32> to vector<1x1x16xf32>
        tpu.vector_store %arg10[%swap3A_949, %swap3A_950, %swap3A_951], %swap3A_954 {strides = array<i32>} : memref<4x112x64xf32, #tpu.memory_space<vmem>>, vector<1x1x16xf32>,
        %get3A_955 = arith.constant 0 : i32
        %get3A_956 = arith.index_cast %get3A_955 : i32 to index
        %get3A_957 = arith.index_cast %add3A_909 : i32 to index
        %get3A_958 = arith.constant 48 : index
        %get3A_959 = tpu.vector_load %arg10[%get3A_956, %get3A_957, %get3A_958] {strides = array<i32>} : memref<4x112x64xf32, #tpu.memory_space<vmem>>, vector<1x1x16xf32>,
        %get3A_960 = vector.shape_cast %get3A_959 : vector<1x1x16xf32> to vector<16xf32>
        %mul3A_961 = vector.broadcast %squeeze3A_905 : f32 to vector<16xf32>
        %mul3A_962 = arith.mulf %get3A_960, %mul3A_961 : vector<16xf32>
        %swap3A_963 = arith.constant 0 : i32
        %swap3A_964 = arith.index_cast %swap3A_963 : i32 to index
        %swap3A_965 = arith.index_cast %add3A_909 : i32 to index
        %swap3A_966 = arith.constant 48 : index
        %swap3A_967 = tpu.vector_load %arg10[%swap3A_964, %swap3A_965, %swap3A_966] {strides = array<i32>} : memref<4x112x64xf32, #tpu.memory_space<vmem>>, vector<1x1x16xf32>,
        %swap3A_968 = vector.shape_cast %swap3A_967 : vector<1x1x16xf32> to vector<16xf32>
        %swap3A_969 = vector.shape_cast %mul3A_962 : vector<16xf32> to vector<1x1x16xf32>
        tpu.vector_store %arg10[%swap3A_964, %swap3A_965, %swap3A_966], %swap3A_969 {strides = array<i32>} : memref<4x112x64xf32, #tpu.memory_space<vmem>>, vector<1x1x16xf32>,
        %slice3A_970 = vector.extract_strided_slice %get3A_312 {offsets = [10], sizes = [1], strides = [1]} : vector<16xf32> to vector<1xf32>
        %squeeze3A_971 = vector.extract %slice3A_970[0] : f32 from vector<1xf32>
        %mul3A_972 = arith.constant 16 : i32
        %mul3A_973 = arith.muli %scan3A_306, %mul3A_972 : i32
        %add3A_974 = arith.constant 10 : i32
        %add3A_975 = arith.addi %mul3A_973, %add3A_974 : i32
        %get3A_976 = arith.constant 0 : i32
        %get3A_977 = arith.index_cast %get3A_976 : i32 to index
        %get3A_978 = arith.index_cast %add3A_975 : i32 to index
        %get3A_979 = arith.constant 0 : index
        %get3A_980 = tpu.vector_load %arg10[%get3A_977, %get3A_978, %get3A_979] {strides = array<i32>} : memref<4x112x64xf32, #tpu.memory_space<vmem>>, vector<1x1x16xf32>,
        %get3A_981 = vector.shape_cast %get3A_980 : vector<1x1x16xf32> to vector<16xf32>
        %mul3A_982 = vector.broadcast %squeeze3A_971 : f32 to vector<16xf32>
        %mul3A_983 = arith.mulf %get3A_981, %mul3A_982 : vector<16xf32>
        %swap3A_984 = arith.constant 0 : i32
        %swap3A_985 = arith.index_cast %swap3A_984 : i32 to index
        %swap3A_986 = arith.index_cast %add3A_975 : i32 to index
        %swap3A_987 = arith.constant 0 : index
        %swap3A_988 = tpu.vector_load %arg10[%swap3A_985, %swap3A_986, %swap3A_987] {strides = array<i32>} : memref<4x112x64xf32, #tpu.memory_space<vmem>>, vector<1x1x16xf32>,
        %swap3A_989 = vector.shape_cast %swap3A_988 : vector<1x1x16xf32> to vector<16xf32>
        %swap3A_990 = vector.shape_cast %mul3A_983 : vector<16xf32> to vector<1x1x16xf32>
        tpu.vector_store %arg10[%swap3A_985, %swap3A_986, %swap3A_987], %swap3A_990 {strides = array<i32>} : memref<4x112x64xf32, #tpu.memory_space<vmem>>, vector<1x1x16xf32>,
        %get3A_991 = arith.constant 0 : i32
        %get3A_992 = arith.index_cast %get3A_991 : i32 to index
        %get3A_993 = arith.index_cast %add3A_975 : i32 to index
        %get3A_994 = arith.constant 16 : index
        %get3A_995 = tpu.vector_load %arg10[%get3A_992, %get3A_993, %get3A_994] {strides = array<i32>} : memref<4x112x64xf32, #tpu.memory_space<vmem>>, vector<1x1x16xf32>,
        %get3A_996 = vector.shape_cast %get3A_995 : vector<1x1x16xf32> to vector<16xf32>
        %mul3A_997 = vector.broadcast %squeeze3A_971 : f32 to vector<16xf32>
        %mul3A_998 = arith.mulf %get3A_996, %mul3A_997 : vector<16xf32>
        %swap3A_999 = arith.constant 0 : i32
        %swap3A_1000 = arith.index_cast %swap3A_999 : i32 to index
        %swap3A_1001 = arith.index_cast %add3A_975 : i32 to index
        %swap3A_1002 = arith.constant 16 : index
        %swap3A_1003 = tpu.vector_load %arg10[%swap3A_1000, %swap3A_1001, %swap3A_1002] {strides = array<i32>} : memref<4x112x64xf32, #tpu.memory_space<vmem>>, vector<1x1x16xf32>,
        %swap3A_1004 = vector.shape_cast %swap3A_1003 : vector<1x1x16xf32> to vector<16xf32>
        %swap3A_1005 = vector.shape_cast %mul3A_998 : vector<16xf32> to vector<1x1x16xf32>
        tpu.vector_store %arg10[%swap3A_1000, %swap3A_1001, %swap3A_1002], %swap3A_1005 {strides = array<i32>} : memref<4x112x64xf32, #tpu.memory_space<vmem>>, vector<1x1x16xf32>,
        %get3A_1006 = arith.constant 0 : i32
        %get3A_1007 = arith.index_cast %get3A_1006 : i32 to index
        %get3A_1008 = arith.index_cast %add3A_975 : i32 to index
        %get3A_1009 = arith.constant 32 : index
        %get3A_1010 = tpu.vector_load %arg10[%get3A_1007, %get3A_1008, %get3A_1009] {strides = array<i32>} : memref<4x112x64xf32, #tpu.memory_space<vmem>>, vector<1x1x16xf32>,
        %get3A_1011 = vector.shape_cast %get3A_1010 : vector<1x1x16xf32> to vector<16xf32>
        %mul3A_1012 = vector.broadcast %squeeze3A_971 : f32 to vector<16xf32>
        %mul3A_1013 = arith.mulf %get3A_1011, %mul3A_1012 : vector<16xf32>
        %swap3A_1014 = arith.constant 0 : i32
        %swap3A_1015 = arith.index_cast %swap3A_1014 : i32 to index
        %swap3A_1016 = arith.index_cast %add3A_975 : i32 to index
        %swap3A_1017 = arith.constant 32 : index
        %swap3A_1018 = tpu.vector_load %arg10[%swap3A_1015, %swap3A_1016, %swap3A_1017] {strides = array<i32>} : memref<4x112x64xf32, #tpu.memory_space<vmem>>, vector<1x1x16xf32>,
        %swap3A_1019 = vector.shape_cast %swap3A_1018 : vector<1x1x16xf32> to vector<16xf32>
        %swap3A_1020 = vector.shape_cast %mul3A_1013 : vector<16xf32> to vector<1x1x16xf32>
        tpu.vector_store %arg10[%swap3A_1015, %swap3A_1016, %swap3A_1017], %swap3A_1020 {strides = array<i32>} : memref<4x112x64xf32, #tpu.memory_space<vmem>>, vector<1x1x16xf32>,
        %get3A_1021 = arith.constant 0 : i32
        %get3A_1022 = arith.index_cast %get3A_1021 : i32 to index
        %get3A_1023 = arith.index_cast %add3A_975 : i32 to index
        %get3A_1024 = arith.constant 48 : index
        %get3A_1025 = tpu.vector_load %arg10[%get3A_1022, %get3A_1023, %get3A_1024] {strides = array<i32>} : memref<4x112x64xf32, #tpu.memory_space<vmem>>, vector<1x1x16xf32>,
        %get3A_1026 = vector.shape_cast %get3A_1025 : vector<1x1x16xf32> to vector<16xf32>
        %mul3A_1027 = vector.broadcast %squeeze3A_971 : f32 to vector<16xf32>
        %mul3A_1028 = arith.mulf %get3A_1026, %mul3A_1027 : vector<16xf32>
        %swap3A_1029 = arith.constant 0 : i32
        %swap3A_1030 = arith.index_cast %swap3A_1029 : i32 to index
        %swap3A_1031 = arith.index_cast %add3A_975 : i32 to index
        %swap3A_1032 = arith.constant 48 : index
        %swap3A_1033 = tpu.vector_load %arg10[%swap3A_1030, %swap3A_1031, %swap3A_1032] {strides = array<i32>} : memref<4x112x64xf32, #tpu.memory_space<vmem>>, vector<1x1x16xf32>,
        %swap3A_1034 = vector.shape_cast %swap3A_1033 : vector<1x1x16xf32> to vector<16xf32>
        %swap3A_1035 = vector.shape_cast %mul3A_1028 : vector<16xf32> to vector<1x1x16xf32>
        tpu.vector_store %arg10[%swap3A_1030, %swap3A_1031, %swap3A_1032], %swap3A_1035 {strides = array<i32>} : memref<4x112x64xf32, #tpu.memory_space<vmem>>, vector<1x1x16xf32>,
        %slice3A_1036 = vector.extract_strided_slice %get3A_312 {offsets = [11], sizes = [1], strides = [1]} : vector<16xf32> to vector<1xf32>
        %squeeze3A_1037 = vector.extract %slice3A_1036[0] : f32 from vector<1xf32>
        %mul3A_1038 = arith.constant 16 : i32
        %mul3A_1039 = arith.muli %scan3A_306, %mul3A_1038 : i32
        %add3A_1040 = arith.constant 11 : i32
        %add3A_1041 = arith.addi %mul3A_1039, %add3A_1040 : i32
        %get3A_1042 = arith.constant 0 : i32
        %get3A_1043 = arith.index_cast %get3A_1042 : i32 to index
        %get3A_1044 = arith.index_cast %add3A_1041 : i32 to index
        %get3A_1045 = arith.constant 0 : index
        %get3A_1046 = tpu.vector_load %arg10[%get3A_1043, %get3A_1044, %get3A_1045] {strides = array<i32>} : memref<4x112x64xf32, #tpu.memory_space<vmem>>, vector<1x1x16xf32>,
        %get3A_1047 = vector.shape_cast %get3A_1046 : vector<1x1x16xf32> to vector<16xf32>
        %mul3A_1048 = vector.broadcast %squeeze3A_1037 : f32 to vector<16xf32>
        %mul3A_1049 = arith.mulf %get3A_1047, %mul3A_1048 : vector<16xf32>
        %swap3A_1050 = arith.constant 0 : i32
        %swap3A_1051 = arith.index_cast %swap3A_1050 : i32 to index
        %swap3A_1052 = arith.index_cast %add3A_1041 : i32 to index
        %swap3A_1053 = arith.constant 0 : index
        %swap3A_1054 = tpu.vector_load %arg10[%swap3A_1051, %swap3A_1052, %swap3A_1053] {strides = array<i32>} : memref<4x112x64xf32, #tpu.memory_space<vmem>>, vector<1x1x16xf32>,
        %swap3A_1055 = vector.shape_cast %swap3A_1054 : vector<1x1x16xf32> to vector<16xf32>
        %swap3A_1056 = vector.shape_cast %mul3A_1049 : vector<16xf32> to vector<1x1x16xf32>
        tpu.vector_store %arg10[%swap3A_1051, %swap3A_1052, %swap3A_1053], %swap3A_1056 {strides = array<i32>} : memref<4x112x64xf32, #tpu.memory_space<vmem>>, vector<1x1x16xf32>,
        %get3A_1057 = arith.constant 0 : i32
        %get3A_1058 = arith.index_cast %get3A_1057 : i32 to index
        %get3A_1059 = arith.index_cast %add3A_1041 : i32 to index
        %get3A_1060 = arith.constant 16 : index
        %get3A_1061 = tpu.vector_load %arg10[%get3A_1058, %get3A_1059, %get3A_1060] {strides = array<i32>} : memref<4x112x64xf32, #tpu.memory_space<vmem>>, vector<1x1x16xf32>,
        %get3A_1062 = vector.shape_cast %get3A_1061 : vector<1x1x16xf32> to vector<16xf32>
        %mul3A_1063 = vector.broadcast %squeeze3A_1037 : f32 to vector<16xf32>
        %mul3A_1064 = arith.mulf %get3A_1062, %mul3A_1063 : vector<16xf32>
        %swap3A_1065 = arith.constant 0 : i32
        %swap3A_1066 = arith.index_cast %swap3A_1065 : i32 to index
        %swap3A_1067 = arith.index_cast %add3A_1041 : i32 to index
        %swap3A_1068 = arith.constant 16 : index
        %swap3A_1069 = tpu.vector_load %arg10[%swap3A_1066, %swap3A_1067, %swap3A_1068] {strides = array<i32>} : memref<4x112x64xf32, #tpu.memory_space<vmem>>, vector<1x1x16xf32>,
        %swap3A_1070 = vector.shape_cast %swap3A_1069 : vector<1x1x16xf32> to vector<16xf32>
        %swap3A_1071 = vector.shape_cast %mul3A_1064 : vector<16xf32> to vector<1x1x16xf32>
        tpu.vector_store %arg10[%swap3A_1066, %swap3A_1067, %swap3A_1068], %swap3A_1071 {strides = array<i32>} : memref<4x112x64xf32, #tpu.memory_space<vmem>>, vector<1x1x16xf32>,
        %get3A_1072 = arith.constant 0 : i32
        %get3A_1073 = arith.index_cast %get3A_1072 : i32 to index
        %get3A_1074 = arith.index_cast %add3A_1041 : i32 to index
        %get3A_1075 = arith.constant 32 : index
        %get3A_1076 = tpu.vector_load %arg10[%get3A_1073, %get3A_1074, %get3A_1075] {strides = array<i32>} : memref<4x112x64xf32, #tpu.memory_space<vmem>>, vector<1x1x16xf32>,
        %get3A_1077 = vector.shape_cast %get3A_1076 : vector<1x1x16xf32> to vector<16xf32>
        %mul3A_1078 = vector.broadcast %squeeze3A_1037 : f32 to vector<16xf32>
        %mul3A_1079 = arith.mulf %get3A_1077, %mul3A_1078 : vector<16xf32>
        %swap3A_1080 = arith.constant 0 : i32
        %swap3A_1081 = arith.index_cast %swap3A_1080 : i32 to index
        %swap3A_1082 = arith.index_cast %add3A_1041 : i32 to index
        %swap3A_1083 = arith.constant 32 : index
        %swap3A_1084 = tpu.vector_load %arg10[%swap3A_1081, %swap3A_1082, %swap3A_1083] {strides = array<i32>} : memref<4x112x64xf32, #tpu.memory_space<vmem>>, vector<1x1x16xf32>,
        %swap3A_1085 = vector.shape_cast %swap3A_1084 : vector<1x1x16xf32> to vector<16xf32>
        %swap3A_1086 = vector.shape_cast %mul3A_1079 : vector<16xf32> to vector<1x1x16xf32>
        tpu.vector_store %arg10[%swap3A_1081, %swap3A_1082, %swap3A_1083], %swap3A_1086 {strides = array<i32>} : memref<4x112x64xf32, #tpu.memory_space<vmem>>, vector<1x1x16xf32>,
        %get3A_1087 = arith.constant 0 : i32
        %get3A_1088 = arith.index_cast %get3A_1087 : i32 to index
        %get3A_1089 = arith.index_cast %add3A_1041 : i32 to index
        %get3A_1090 = arith.constant 48 : index
        %get3A_1091 = tpu.vector_load %arg10[%get3A_1088, %get3A_1089, %get3A_1090] {strides = array<i32>} : memref<4x112x64xf32, #tpu.memory_space<vmem>>, vector<1x1x16xf32>,
        %get3A_1092 = vector.shape_cast %get3A_1091 : vector<1x1x16xf32> to vector<16xf32>
        %mul3A_1093 = vector.broadcast %squeeze3A_1037 : f32 to vector<16xf32>
        %mul3A_1094 = arith.mulf %get3A_1092, %mul3A_1093 : vector<16xf32>
        %swap3A_1095 = arith.constant 0 : i32
        %swap3A_1096 = arith.index_cast %swap3A_1095 : i32 to index
        %swap3A_1097 = arith.index_cast %add3A_1041 : i32 to index
        %swap3A_1098 = arith.constant 48 : index
        %swap3A_1099 = tpu.vector_load %arg10[%swap3A_1096, %swap3A_1097, %swap3A_1098] {strides = array<i32>} : memref<4x112x64xf32, #tpu.memory_space<vmem>>, vector<1x1x16xf32>,
        %swap3A_1100 = vector.shape_cast %swap3A_1099 : vector<1x1x16xf32> to vector<16xf32>
        %swap3A_1101 = vector.shape_cast %mul3A_1094 : vector<16xf32> to vector<1x1x16xf32>
        tpu.vector_store %arg10[%swap3A_1096, %swap3A_1097, %swap3A_1098], %swap3A_1101 {strides = array<i32>} : memref<4x112x64xf32, #tpu.memory_space<vmem>>, vector<1x1x16xf32>,
        %slice3A_1102 = vector.extract_strided_slice %get3A_312 {offsets = [12], sizes = [1], strides = [1]} : vector<16xf32> to vector<1xf32>
        %squeeze3A_1103 = vector.extract %slice3A_1102[0] : f32 from vector<1xf32>
        %mul3A_1104 = arith.constant 16 : i32
        %mul3A_1105 = arith.muli %scan3A_306, %mul3A_1104 : i32
        %add3A_1106 = arith.constant 12 : i32
        %add3A_1107 = arith.addi %mul3A_1105, %add3A_1106 : i32
        %get3A_1108 = arith.constant 0 : i32
        %get3A_1109 = arith.index_cast %get3A_1108 : i32 to index
        %get3A_1110 = arith.index_cast %add3A_1107 : i32 to index
        %get3A_1111 = arith.constant 0 : index
        %get3A_1112 = tpu.vector_load %arg10[%get3A_1109, %get3A_1110, %get3A_1111] {strides = array<i32>} : memref<4x112x64xf32, #tpu.memory_space<vmem>>, vector<1x1x16xf32>,
        %get3A_1113 = vector.shape_cast %get3A_1112 : vector<1x1x16xf32> to vector<16xf32>
        %mul3A_1114 = vector.broadcast %squeeze3A_1103 : f32 to vector<16xf32>
        %mul3A_1115 = arith.mulf %get3A_1113, %mul3A_1114 : vector<16xf32>
        %swap3A_1116 = arith.constant 0 : i32
        %swap3A_1117 = arith.index_cast %swap3A_1116 : i32 to index
        %swap3A_1118 = arith.index_cast %add3A_1107 : i32 to index
        %swap3A_1119 = arith.constant 0 : index
        %swap3A_1120 = tpu.vector_load %arg10[%swap3A_1117, %swap3A_1118, %swap3A_1119] {strides = array<i32>} : memref<4x112x64xf32, #tpu.memory_space<vmem>>, vector<1x1x16xf32>,
        %swap3A_1121 = vector.shape_cast %swap3A_1120 : vector<1x1x16xf32> to vector<16xf32>
        %swap3A_1122 = vector.shape_cast %mul3A_1115 : vector<16xf32> to vector<1x1x16xf32>
        tpu.vector_store %arg10[%swap3A_1117, %swap3A_1118, %swap3A_1119], %swap3A_1122 {strides = array<i32>} : memref<4x112x64xf32, #tpu.memory_space<vmem>>, vector<1x1x16xf32>,
        %get3A_1123 = arith.constant 0 : i32
        %get3A_1124 = arith.index_cast %get3A_1123 : i32 to index
        %get3A_1125 = arith.index_cast %add3A_1107 : i32 to index
        %get3A_1126 = arith.constant 16 : index
        %get3A_1127 = tpu.vector_load %arg10[%get3A_1124, %get3A_1125, %get3A_1126] {strides = array<i32>} : memref<4x112x64xf32, #tpu.memory_space<vmem>>, vector<1x1x16xf32>,
        %get3A_1128 = vector.shape_cast %get3A_1127 : vector<1x1x16xf32> to vector<16xf32>
        %mul3A_1129 = vector.broadcast %squeeze3A_1103 : f32 to vector<16xf32>
        %mul3A_1130 = arith.mulf %get3A_1128, %mul3A_1129 : vector<16xf32>
        %swap3A_1131 = arith.constant 0 : i32
        %swap3A_1132 = arith.index_cast %swap3A_1131 : i32 to index
        %swap3A_1133 = arith.index_cast %add3A_1107 : i32 to index
        %swap3A_1134 = arith.constant 16 : index
        %swap3A_1135 = tpu.vector_load %arg10[%swap3A_1132, %swap3A_1133, %swap3A_1134] {strides = array<i32>} : memref<4x112x64xf32, #tpu.memory_space<vmem>>, vector<1x1x16xf32>,
        %swap3A_1136 = vector.shape_cast %swap3A_1135 : vector<1x1x16xf32> to vector<16xf32>
        %swap3A_1137 = vector.shape_cast %mul3A_1130 : vector<16xf32> to vector<1x1x16xf32>
        tpu.vector_store %arg10[%swap3A_1132, %swap3A_1133, %swap3A_1134], %swap3A_1137 {strides = array<i32>} : memref<4x112x64xf32, #tpu.memory_space<vmem>>, vector<1x1x16xf32>,
        %get3A_1138 = arith.constant 0 : i32
        %get3A_1139 = arith.index_cast %get3A_1138 : i32 to index
        %get3A_1140 = arith.index_cast %add3A_1107 : i32 to index
        %get3A_1141 = arith.constant 32 : index
        %get3A_1142 = tpu.vector_load %arg10[%get3A_1139, %get3A_1140, %get3A_1141] {strides = array<i32>} : memref<4x112x64xf32, #tpu.memory_space<vmem>>, vector<1x1x16xf32>,
        %get3A_1143 = vector.shape_cast %get3A_1142 : vector<1x1x16xf32> to vector<16xf32>
        %mul3A_1144 = vector.broadcast %squeeze3A_1103 : f32 to vector<16xf32>
        %mul3A_1145 = arith.mulf %get3A_1143, %mul3A_1144 : vector<16xf32>
        %swap3A_1146 = arith.constant 0 : i32
        %swap3A_1147 = arith.index_cast %swap3A_1146 : i32 to index
        %swap3A_1148 = arith.index_cast %add3A_1107 : i32 to index
        %swap3A_1149 = arith.constant 32 : index
        %swap3A_1150 = tpu.vector_load %arg10[%swap3A_1147, %swap3A_1148, %swap3A_1149] {strides = array<i32>} : memref<4x112x64xf32, #tpu.memory_space<vmem>>, vector<1x1x16xf32>,
        %swap3A_1151 = vector.shape_cast %swap3A_1150 : vector<1x1x16xf32> to vector<16xf32>
        %swap3A_1152 = vector.shape_cast %mul3A_1145 : vector<16xf32> to vector<1x1x16xf32>
        tpu.vector_store %arg10[%swap3A_1147, %swap3A_1148, %swap3A_1149], %swap3A_1152 {strides = array<i32>} : memref<4x112x64xf32, #tpu.memory_space<vmem>>, vector<1x1x16xf32>,
        %get3A_1153 = arith.constant 0 : i32
        %get3A_1154 = arith.index_cast %get3A_1153 : i32 to index
        %get3A_1155 = arith.index_cast %add3A_1107 : i32 to index
        %get3A_1156 = arith.constant 48 : index
        %get3A_1157 = tpu.vector_load %arg10[%get3A_1154, %get3A_1155, %get3A_1156] {strides = array<i32>} : memref<4x112x64xf32, #tpu.memory_space<vmem>>, vector<1x1x16xf32>,
        %get3A_1158 = vector.shape_cast %get3A_1157 : vector<1x1x16xf32> to vector<16xf32>
        %mul3A_1159 = vector.broadcast %squeeze3A_1103 : f32 to vector<16xf32>
        %mul3A_1160 = arith.mulf %get3A_1158, %mul3A_1159 : vector<16xf32>
        %swap3A_1161 = arith.constant 0 : i32
        %swap3A_1162 = arith.index_cast %swap3A_1161 : i32 to index
        %swap3A_1163 = arith.index_cast %add3A_1107 : i32 to index
        %swap3A_1164 = arith.constant 48 : index
        %swap3A_1165 = tpu.vector_load %arg10[%swap3A_1162, %swap3A_1163, %swap3A_1164] {strides = array<i32>} : memref<4x112x64xf32, #tpu.memory_space<vmem>>, vector<1x1x16xf32>,
        %swap3A_1166 = vector.shape_cast %swap3A_1165 : vector<1x1x16xf32> to vector<16xf32>
        %swap3A_1167 = vector.shape_cast %mul3A_1160 : vector<16xf32> to vector<1x1x16xf32>
        tpu.vector_store %arg10[%swap3A_1162, %swap3A_1163, %swap3A_1164], %swap3A_1167 {strides = array<i32>} : memref<4x112x64xf32, #tpu.memory_space<vmem>>, vector<1x1x16xf32>,
        %slice3A_1168 = vector.extract_strided_slice %get3A_312 {offsets = [13], sizes = [1], strides = [1]} : vector<16xf32> to vector<1xf32>
        %squeeze3A_1169 = vector.extract %slice3A_1168[0] : f32 from vector<1xf32>
        %mul3A_1170 = arith.constant 16 : i32
        %mul3A_1171 = arith.muli %scan3A_306, %mul3A_1170 : i32
        %add3A_1172 = arith.constant 13 : i32
        %add3A_1173 = arith.addi %mul3A_1171, %add3A_1172 : i32
        %get3A_1174 = arith.constant 0 : i32
        %get3A_1175 = arith.index_cast %get3A_1174 : i32 to index
        %get3A_1176 = arith.index_cast %add3A_1173 : i32 to index
        %get3A_1177 = arith.constant 0 : index
        %get3A_1178 = tpu.vector_load %arg10[%get3A_1175, %get3A_1176, %get3A_1177] {strides = array<i32>} : memref<4x112x64xf32, #tpu.memory_space<vmem>>, vector<1x1x16xf32>,
        %get3A_1179 = vector.shape_cast %get3A_1178 : vector<1x1x16xf32> to vector<16xf32>
        %mul3A_1180 = vector.broadcast %squeeze3A_1169 : f32 to vector<16xf32>
        %mul3A_1181 = arith.mulf %get3A_1179, %mul3A_1180 : vector<16xf32>
        %swap3A_1182 = arith.constant 0 : i32
        %swap3A_1183 = arith.index_cast %swap3A_1182 : i32 to index
        %swap3A_1184 = arith.index_cast %add3A_1173 : i32 to index
        %swap3A_1185 = arith.constant 0 : index
        %swap3A_1186 = tpu.vector_load %arg10[%swap3A_1183, %swap3A_1184, %swap3A_1185] {strides = array<i32>} : memref<4x112x64xf32, #tpu.memory_space<vmem>>, vector<1x1x16xf32>,
        %swap3A_1187 = vector.shape_cast %swap3A_1186 : vector<1x1x16xf32> to vector<16xf32>
        %swap3A_1188 = vector.shape_cast %mul3A_1181 : vector<16xf32> to vector<1x1x16xf32>
        tpu.vector_store %arg10[%swap3A_1183, %swap3A_1184, %swap3A_1185], %swap3A_1188 {strides = array<i32>} : memref<4x112x64xf32, #tpu.memory_space<vmem>>, vector<1x1x16xf32>,
        %get3A_1189 = arith.constant 0 : i32
        %get3A_1190 = arith.index_cast %get3A_1189 : i32 to index
        %get3A_1191 = arith.index_cast %add3A_1173 : i32 to index
        %get3A_1192 = arith.constant 16 : index
        %get3A_1193 = tpu.vector_load %arg10[%get3A_1190, %get3A_1191, %get3A_1192] {strides = array<i32>} : memref<4x112x64xf32, #tpu.memory_space<vmem>>, vector<1x1x16xf32>,
        %get3A_1194 = vector.shape_cast %get3A_1193 : vector<1x1x16xf32> to vector<16xf32>
        %mul3A_1195 = vector.broadcast %squeeze3A_1169 : f32 to vector<16xf32>
        %mul3A_1196 = arith.mulf %get3A_1194, %mul3A_1195 : vector<16xf32>
        %swap3A_1197 = arith.constant 0 : i32
        %swap3A_1198 = arith.index_cast %swap3A_1197 : i32 to index
        %swap3A_1199 = arith.index_cast %add3A_1173 : i32 to index
        %swap3A_1200 = arith.constant 16 : index
        %swap3A_1201 = tpu.vector_load %arg10[%swap3A_1198, %swap3A_1199, %swap3A_1200] {strides = array<i32>} : memref<4x112x64xf32, #tpu.memory_space<vmem>>, vector<1x1x16xf32>,
        %swap3A_1202 = vector.shape_cast %swap3A_1201 : vector<1x1x16xf32> to vector<16xf32>
        %swap3A_1203 = vector.shape_cast %mul3A_1196 : vector<16xf32> to vector<1x1x16xf32>
        tpu.vector_store %arg10[%swap3A_1198, %swap3A_1199, %swap3A_1200], %swap3A_1203 {strides = array<i32>} : memref<4x112x64xf32, #tpu.memory_space<vmem>>, vector<1x1x16xf32>,
        %get3A_1204 = arith.constant 0 : i32
        %get3A_1205 = arith.index_cast %get3A_1204 : i32 to index
        %get3A_1206 = arith.index_cast %add3A_1173 : i32 to index
        %get3A_1207 = arith.constant 32 : index
        %get3A_1208 = tpu.vector_load %arg10[%get3A_1205, %get3A_1206, %get3A_1207] {strides = array<i32>} : memref<4x112x64xf32, #tpu.memory_space<vmem>>, vector<1x1x16xf32>,
        %get3A_1209 = vector.shape_cast %get3A_1208 : vector<1x1x16xf32> to vector<16xf32>
        %mul3A_1210 = vector.broadcast %squeeze3A_1169 : f32 to vector<16xf32>
        %mul3A_1211 = arith.mulf %get3A_1209, %mul3A_1210 : vector<16xf32>
        %swap3A_1212 = arith.constant 0 : i32
        %swap3A_1213 = arith.index_cast %swap3A_1212 : i32 to index
        %swap3A_1214 = arith.index_cast %add3A_1173 : i32 to index
        %swap3A_1215 = arith.constant 32 : index
        %swap3A_1216 = tpu.vector_load %arg10[%swap3A_1213, %swap3A_1214, %swap3A_1215] {strides = array<i32>} : memref<4x112x64xf32, #tpu.memory_space<vmem>>, vector<1x1x16xf32>,
        %swap3A_1217 = vector.shape_cast %swap3A_1216 : vector<1x1x16xf32> to vector<16xf32>
        %swap3A_1218 = vector.shape_cast %mul3A_1211 : vector<16xf32> to vector<1x1x16xf32>
        tpu.vector_store %arg10[%swap3A_1213, %swap3A_1214, %swap3A_1215], %swap3A_1218 {strides = array<i32>} : memref<4x112x64xf32, #tpu.memory_space<vmem>>, vector<1x1x16xf32>,
        %get3A_1219 = arith.constant 0 : i32
        %get3A_1220 = arith.index_cast %get3A_1219 : i32 to index
        %get3A_1221 = arith.index_cast %add3A_1173 : i32 to index
        %get3A_1222 = arith.constant 48 : index
        %get3A_1223 = tpu.vector_load %arg10[%get3A_1220, %get3A_1221, %get3A_1222] {strides = array<i32>} : memref<4x112x64xf32, #tpu.memory_space<vmem>>, vector<1x1x16xf32>,
        %get3A_1224 = vector.shape_cast %get3A_1223 : vector<1x1x16xf32> to vector<16xf32>
        %mul3A_1225 = vector.broadcast %squeeze3A_1169 : f32 to vector<16xf32>
        %mul3A_1226 = arith.mulf %get3A_1224, %mul3A_1225 : vector<16xf32>
        %swap3A_1227 = arith.constant 0 : i32
        %swap3A_1228 = arith.index_cast %swap3A_1227 : i32 to index
        %swap3A_1229 = arith.index_cast %add3A_1173 : i32 to index
        %swap3A_1230 = arith.constant 48 : index
        %swap3A_1231 = tpu.vector_load %arg10[%swap3A_1228, %swap3A_1229, %swap3A_1230] {strides = array<i32>} : memref<4x112x64xf32, #tpu.memory_space<vmem>>, vector<1x1x16xf32>,
        %swap3A_1232 = vector.shape_cast %swap3A_1231 : vector<1x1x16xf32> to vector<16xf32>
        %swap3A_1233 = vector.shape_cast %mul3A_1226 : vector<16xf32> to vector<1x1x16xf32>
        tpu.vector_store %arg10[%swap3A_1228, %swap3A_1229, %swap3A_1230], %swap3A_1233 {strides = array<i32>} : memref<4x112x64xf32, #tpu.memory_space<vmem>>, vector<1x1x16xf32>,
        %slice3A_1234 = vector.extract_strided_slice %get3A_312 {offsets = [14], sizes = [1], strides = [1]} : vector<16xf32> to vector<1xf32>
        %squeeze3A_1235 = vector.extract %slice3A_1234[0] : f32 from vector<1xf32>
        %mul3A_1236 = arith.constant 16 : i32
        %mul3A_1237 = arith.muli %scan3A_306, %mul3A_1236 : i32
        %add3A_1238 = arith.constant 14 : i32
        %add3A_1239 = arith.addi %mul3A_1237, %add3A_1238 : i32
        %get3A_1240 = arith.constant 0 : i32
        %get3A_1241 = arith.index_cast %get3A_1240 : i32 to index
        %get3A_1242 = arith.index_cast %add3A_1239 : i32 to index
        %get3A_1243 = arith.constant 0 : index
        %get3A_1244 = tpu.vector_load %arg10[%get3A_1241, %get3A_1242, %get3A_1243] {strides = array<i32>} : memref<4x112x64xf32, #tpu.memory_space<vmem>>, vector<1x1x16xf32>,
        %get3A_1245 = vector.shape_cast %get3A_1244 : vector<1x1x16xf32> to vector<16xf32>
        %mul3A_1246 = vector.broadcast %squeeze3A_1235 : f32 to vector<16xf32>
        %mul3A_1247 = arith.mulf %get3A_1245, %mul3A_1246 : vector<16xf32>
        %swap3A_1248 = arith.constant 0 : i32
        %swap3A_1249 = arith.index_cast %swap3A_1248 : i32 to index
        %swap3A_1250 = arith.index_cast %add3A_1239 : i32 to index
        %swap3A_1251 = arith.constant 0 : index
        %swap3A_1252 = tpu.vector_load %arg10[%swap3A_1249, %swap3A_1250, %swap3A_1251] {strides = array<i32>} : memref<4x112x64xf32, #tpu.memory_space<vmem>>, vector<1x1x16xf32>,
        %swap3A_1253 = vector.shape_cast %swap3A_1252 : vector<1x1x16xf32> to vector<16xf32>
        %swap3A_1254 = vector.shape_cast %mul3A_1247 : vector<16xf32> to vector<1x1x16xf32>
        tpu.vector_store %arg10[%swap3A_1249, %swap3A_1250, %swap3A_1251], %swap3A_1254 {strides = array<i32>} : memref<4x112x64xf32, #tpu.memory_space<vmem>>, vector<1x1x16xf32>,
        %get3A_1255 = arith.constant 0 : i32
        %get3A_1256 = arith.index_cast %get3A_1255 : i32 to index
        %get3A_1257 = arith.index_cast %add3A_1239 : i32 to index
        %get3A_1258 = arith.constant 16 : index
        %get3A_1259 = tpu.vector_load %arg10[%get3A_1256, %get3A_1257, %get3A_1258] {strides = array<i32>} : memref<4x112x64xf32, #tpu.memory_space<vmem>>, vector<1x1x16xf32>,
        %get3A_1260 = vector.shape_cast %get3A_1259 : vector<1x1x16xf32> to vector<16xf32>
        %mul3A_1261 = vector.broadcast %squeeze3A_1235 : f32 to vector<16xf32>
        %mul3A_1262 = arith.mulf %get3A_1260, %mul3A_1261 : vector<16xf32>
        %swap3A_1263 = arith.constant 0 : i32
        %swap3A_1264 = arith.index_cast %swap3A_1263 : i32 to index
        %swap3A_1265 = arith.index_cast %add3A_1239 : i32 to index
        %swap3A_1266 = arith.constant 16 : index
        %swap3A_1267 = tpu.vector_load %arg10[%swap3A_1264, %swap3A_1265, %swap3A_1266] {strides = array<i32>} : memref<4x112x64xf32, #tpu.memory_space<vmem>>, vector<1x1x16xf32>,
        %swap3A_1268 = vector.shape_cast %swap3A_1267 : vector<1x1x16xf32> to vector<16xf32>
        %swap3A_1269 = vector.shape_cast %mul3A_1262 : vector<16xf32> to vector<1x1x16xf32>
        tpu.vector_store %arg10[%swap3A_1264, %swap3A_1265, %swap3A_1266], %swap3A_1269 {strides = array<i32>} : memref<4x112x64xf32, #tpu.memory_space<vmem>>, vector<1x1x16xf32>,
        %get3A_1270 = arith.constant 0 : i32
        %get3A_1271 = arith.index_cast %get3A_1270 : i32 to index
        %get3A_1272 = arith.index_cast %add3A_1239 : i32 to index
        %get3A_1273 = arith.constant 32 : index
        %get3A_1274 = tpu.vector_load %arg10[%get3A_1271, %get3A_1272, %get3A_1273] {strides = array<i32>} : memref<4x112x64xf32, #tpu.memory_space<vmem>>, vector<1x1x16xf32>,
        %get3A_1275 = vector.shape_cast %get3A_1274 : vector<1x1x16xf32> to vector<16xf32>
        %mul3A_1276 = vector.broadcast %squeeze3A_1235 : f32 to vector<16xf32>
        %mul3A_1277 = arith.mulf %get3A_1275, %mul3A_1276 : vector<16xf32>
        %swap3A_1278 = arith.constant 0 : i32
        %swap3A_1279 = arith.index_cast %swap3A_1278 : i32 to index
        %swap3A_1280 = arith.index_cast %add3A_1239 : i32 to index
        %swap3A_1281 = arith.constant 32 : index
        %swap3A_1282 = tpu.vector_load %arg10[%swap3A_1279, %swap3A_1280, %swap3A_1281] {strides = array<i32>} : memref<4x112x64xf32, #tpu.memory_space<vmem>>, vector<1x1x16xf32>,
        %swap3A_1283 = vector.shape_cast %swap3A_1282 : vector<1x1x16xf32> to vector<16xf32>
        %swap3A_1284 = vector.shape_cast %mul3A_1277 : vector<16xf32> to vector<1x1x16xf32>
        tpu.vector_store %arg10[%swap3A_1279, %swap3A_1280, %swap3A_1281], %swap3A_1284 {strides = array<i32>} : memref<4x112x64xf32, #tpu.memory_space<vmem>>, vector<1x1x16xf32>,
        %get3A_1285 = arith.constant 0 : i32
        %get3A_1286 = arith.index_cast %get3A_1285 : i32 to index
        %get3A_1287 = arith.index_cast %add3A_1239 : i32 to index
        %get3A_1288 = arith.constant 48 : index
        %get3A_1289 = tpu.vector_load %arg10[%get3A_1286, %get3A_1287, %get3A_1288] {strides = array<i32>} : memref<4x112x64xf32, #tpu.memory_space<vmem>>, vector<1x1x16xf32>,
        %get3A_1290 = vector.shape_cast %get3A_1289 : vector<1x1x16xf32> to vector<16xf32>
        %mul3A_1291 = vector.broadcast %squeeze3A_1235 : f32 to vector<16xf32>
        %mul3A_1292 = arith.mulf %get3A_1290, %mul3A_1291 : vector<16xf32>
        %swap3A_1293 = arith.constant 0 : i32
        %swap3A_1294 = arith.index_cast %swap3A_1293 : i32 to index
        %swap3A_1295 = arith.index_cast %add3A_1239 : i32 to index
        %swap3A_1296 = arith.constant 48 : index
        %swap3A_1297 = tpu.vector_load %arg10[%swap3A_1294, %swap3A_1295, %swap3A_1296] {strides = array<i32>} : memref<4x112x64xf32, #tpu.memory_space<vmem>>, vector<1x1x16xf32>,
        %swap3A_1298 = vector.shape_cast %swap3A_1297 : vector<1x1x16xf32> to vector<16xf32>
        %swap3A_1299 = vector.shape_cast %mul3A_1292 : vector<16xf32> to vector<1x1x16xf32>
        tpu.vector_store %arg10[%swap3A_1294, %swap3A_1295, %swap3A_1296], %swap3A_1299 {strides = array<i32>} : memref<4x112x64xf32, #tpu.memory_space<vmem>>, vector<1x1x16xf32>,
        %slice3A_1300 = vector.extract_strided_slice %get3A_312 {offsets = [15], sizes = [1], strides = [1]} : vector<16xf32> to vector<1xf32>
        %squeeze3A_1301 = vector.extract %slice3A_1300[0] : f32 from vector<1xf32>
        %mul3A_1302 = arith.constant 16 : i32
        %mul3A_1303 = arith.muli %scan3A_306, %mul3A_1302 : i32
        %add3A_1304 = arith.constant 15 : i32
        %add3A_1305 = arith.addi %mul3A_1303, %add3A_1304 : i32
        %get3A_1306 = arith.constant 0 : i32
        %get3A_1307 = arith.index_cast %get3A_1306 : i32 to index
        %get3A_1308 = arith.index_cast %add3A_1305 : i32 to index
        %get3A_1309 = arith.constant 0 : index
        %get3A_1310 = tpu.vector_load %arg10[%get3A_1307, %get3A_1308, %get3A_1309] {strides = array<i32>} : memref<4x112x64xf32, #tpu.memory_space<vmem>>, vector<1x1x16xf32>,
        %get3A_1311 = vector.shape_cast %get3A_1310 : vector<1x1x16xf32> to vector<16xf32>
        %mul3A_1312 = vector.broadcast %squeeze3A_1301 : f32 to vector<16xf32>
        %mul3A_1313 = arith.mulf %get3A_1311, %mul3A_1312 : vector<16xf32>
        %swap3A_1314 = arith.constant 0 : i32
        %swap3A_1315 = arith.index_cast %swap3A_1314 : i32 to index
        %swap3A_1316 = arith.index_cast %add3A_1305 : i32 to index
        %swap3A_1317 = arith.constant 0 : index
        %swap3A_1318 = tpu.vector_load %arg10[%swap3A_1315, %swap3A_1316, %swap3A_1317] {strides = array<i32>} : memref<4x112x64xf32, #tpu.memory_space<vmem>>, vector<1x1x16xf32>,
        %swap3A_1319 = vector.shape_cast %swap3A_1318 : vector<1x1x16xf32> to vector<16xf32>
        %swap3A_1320 = vector.shape_cast %mul3A_1313 : vector<16xf32> to vector<1x1x16xf32>
        tpu.vector_store %arg10[%swap3A_1315, %swap3A_1316, %swap3A_1317], %swap3A_1320 {strides = array<i32>} : memref<4x112x64xf32, #tpu.memory_space<vmem>>, vector<1x1x16xf32>,
        %get3A_1321 = arith.constant 0 : i32
        %get3A_1322 = arith.index_cast %get3A_1321 : i32 to index
        %get3A_1323 = arith.index_cast %add3A_1305 : i32 to index
        %get3A_1324 = arith.constant 16 : index
        %get3A_1325 = tpu.vector_load %arg10[%get3A_1322, %get3A_1323, %get3A_1324] {strides = array<i32>} : memref<4x112x64xf32, #tpu.memory_space<vmem>>, vector<1x1x16xf32>,
        %get3A_1326 = vector.shape_cast %get3A_1325 : vector<1x1x16xf32> to vector<16xf32>
        %mul3A_1327 = vector.broadcast %squeeze3A_1301 : f32 to vector<16xf32>
        %mul3A_1328 = arith.mulf %get3A_1326, %mul3A_1327 : vector<16xf32>
        %swap3A_1329 = arith.constant 0 : i32
        %swap3A_1330 = arith.index_cast %swap3A_1329 : i32 to index
        %swap3A_1331 = arith.index_cast %add3A_1305 : i32 to index
        %swap3A_1332 = arith.constant 16 : index
        %swap3A_1333 = tpu.vector_load %arg10[%swap3A_1330, %swap3A_1331, %swap3A_1332] {strides = array<i32>} : memref<4x112x64xf32, #tpu.memory_space<vmem>>, vector<1x1x16xf32>,
        %swap3A_1334 = vector.shape_cast %swap3A_1333 : vector<1x1x16xf32> to vector<16xf32>
        %swap3A_1335 = vector.shape_cast %mul3A_1328 : vector<16xf32> to vector<1x1x16xf32>
        tpu.vector_store %arg10[%swap3A_1330, %swap3A_1331, %swap3A_1332], %swap3A_1335 {strides = array<i32>} : memref<4x112x64xf32, #tpu.memory_space<vmem>>, vector<1x1x16xf32>,
        %get3A_1336 = arith.constant 0 : i32
        %get3A_1337 = arith.index_cast %get3A_1336 : i32 to index
        %get3A_1338 = arith.index_cast %add3A_1305 : i32 to index
        %get3A_1339 = arith.constant 32 : index
        %get3A_1340 = tpu.vector_load %arg10[%get3A_1337, %get3A_1338, %get3A_1339] {strides = array<i32>} : memref<4x112x64xf32, #tpu.memory_space<vmem>>, vector<1x1x16xf32>,
        %get3A_1341 = vector.shape_cast %get3A_1340 : vector<1x1x16xf32> to vector<16xf32>
        %mul3A_1342 = vector.broadcast %squeeze3A_1301 : f32 to vector<16xf32>
        %mul3A_1343 = arith.mulf %get3A_1341, %mul3A_1342 : vector<16xf32>
        %swap3A_1344 = arith.constant 0 : i32
        %swap3A_1345 = arith.index_cast %swap3A_1344 : i32 to index
        %swap3A_1346 = arith.index_cast %add3A_1305 : i32 to index
        %swap3A_1347 = arith.constant 32 : index
        %swap3A_1348 = tpu.vector_load %arg10[%swap3A_1345, %swap3A_1346, %swap3A_1347] {strides = array<i32>} : memref<4x112x64xf32, #tpu.memory_space<vmem>>, vector<1x1x16xf32>,
        %swap3A_1349 = vector.shape_cast %swap3A_1348 : vector<1x1x16xf32> to vector<16xf32>
        %swap3A_1350 = vector.shape_cast %mul3A_1343 : vector<16xf32> to vector<1x1x16xf32>
        tpu.vector_store %arg10[%swap3A_1345, %swap3A_1346, %swap3A_1347], %swap3A_1350 {strides = array<i32>} : memref<4x112x64xf32, #tpu.memory_space<vmem>>, vector<1x1x16xf32>,
        %get3A_1351 = arith.constant 0 : i32
        %get3A_1352 = arith.index_cast %get3A_1351 : i32 to index
        %get3A_1353 = arith.index_cast %add3A_1305 : i32 to index
        %get3A_1354 = arith.constant 48 : index
        %get3A_1355 = tpu.vector_load %arg10[%get3A_1352, %get3A_1353, %get3A_1354] {strides = array<i32>} : memref<4x112x64xf32, #tpu.memory_space<vmem>>, vector<1x1x16xf32>,
        %get3A_1356 = vector.shape_cast %get3A_1355 : vector<1x1x16xf32> to vector<16xf32>
        %mul3A_1357 = vector.broadcast %squeeze3A_1301 : f32 to vector<16xf32>
        %mul3A_1358 = arith.mulf %get3A_1356, %mul3A_1357 : vector<16xf32>
        %swap3A_1359 = arith.constant 0 : i32
        %swap3A_1360 = arith.index_cast %swap3A_1359 : i32 to index
        %swap3A_1361 = arith.index_cast %add3A_1305 : i32 to index
        %swap3A_1362 = arith.constant 48 : index
        %swap3A_1363 = tpu.vector_load %arg10[%swap3A_1360, %swap3A_1361, %swap3A_1362] {strides = array<i32>} : memref<4x112x64xf32, #tpu.memory_space<vmem>>, vector<1x1x16xf32>,
        %swap3A_1364 = vector.shape_cast %swap3A_1363 : vector<1x1x16xf32> to vector<16xf32>
        %swap3A_1365 = vector.shape_cast %mul3A_1358 : vector<16xf32> to vector<1x1x16xf32>
        tpu.vector_store %arg10[%swap3A_1360, %swap3A_1361, %swap3A_1362], %swap3A_1365 {strides = array<i32>} : memref<4x112x64xf32, #tpu.memory_space<vmem>>, vector<1x1x16xf32>,
        %scan3A_1366 = arith.constant 0 : i32
        scf.yield %scan3A_1366 : i32
      }
      %scan3A_134 = arith.constant 7 : i32
      %dma_start3A_135 = arith.constant 0 : i32
      %dma_start3A_136 = arith.constant 0 : i32
      %dma_start3A_137 = arith.constant 0 : i32
      %dma_start3A_138 = arith.constant 0 : i32
      %dma_start3A_139 = tpu.memref_slice %arg10[%dma_start3A_135, %dma_start3A_137, %dma_start3A_138] : memref<4x112x64xf32, #tpu.memory_space<vmem>> -> memref<1x112x64xf32, #tpu.memory_space<vmem>>
      %dma_start3A_140 = tpu.memref_squeeze %dma_start3A_139 : memref<1x112x64xf32, #tpu.memory_space<vmem>> -> memref<112x64xf32, #tpu.memory_space<vmem>>
      %dma_start3A_141 = arith.constant 0 : i32
      %dma_start3A_142 = tpu.memref_slice %arg8[%add3A_104, %dma_start3A_141] : memref<180x112xi32, #tpu.memory_space<vmem>> -> memref<1x112xi32, #tpu.memory_space<vmem>>
      %dma_start3A_143 = tpu.memref_squeeze %dma_start3A_142 : memref<1x112xi32, #tpu.memory_space<vmem>> -> memref<112xi32, #tpu.memory_space<vmem>>
      %dma_start3A_144 = arith.constant 0 : i32
      %dma_start3A_145 = arith.constant 0 : i32
      %dma_start3A_146 = tpu.memref_slice %arg11[%dma_start3A_144, %dma_start3A_145] : memref<10112x64xf32, #tpu.memory_space<vmem_shared>> -> memref<10112x64xf32, #tpu.memory_space<vmem_shared>>
      %dma_start3A_147 = tpu.memref_slice %arg13[%dma_start3A_136] : memref<4x!tpu.dma_semaphore, #tpu.memory_space<semaphore_mem>> -> memref<1x!tpu.dma_semaphore, #tpu.memory_space<semaphore_mem>>
      %dma_start3A_148 = tpu.memref_squeeze %dma_start3A_147 : memref<1x!tpu.dma_semaphore, #tpu.memory_space<semaphore_mem>> -> memref<!tpu.dma_semaphore, #tpu.memory_space<semaphore_mem>>
      tpu.enqueue_indirect_dma source(%dma_start3A_140 : memref<112x64xf32, #tpu.memory_space<vmem>>) target(%dma_start3A_146 : memref<10112x64xf32, #tpu.memory_space<vmem_shared>>) offsets(%dma_start3A_143 : memref<112xi32, #tpu.memory_space<vmem>>) semaphore(%dma_start3A_148 : memref<!tpu.dma_semaphore, #tpu.memory_space<semaphore_mem>>) {add = true}
      %mul3A_149 = arith.constant 4 : i32
      %mul3A_150 = arith.muli %scan3A_99, %mul3A_149 : i32
      %add3A_151 = arith.constant 1 : i32
      %add3A_152 = arith.addi %mul3A_150, %add3A_151 : i32
      %ge3A_153 = arith.constant 2 : i32
      %ge3A_154 = arith.cmpi sge, %add3A_152, %ge3A_153 : i32
      %convert_element_type3A_155 = arith.extui %ge3A_154 : i1 to i32
      %cond3A_156 = arith.constant 0 : i32
      %cond3A_157 = arith.cmpi ne, %convert_element_type3A_155, %cond3A_156 : i32
      scf.if %cond3A_157 {
        %dma_wait3A_306 = arith.constant 3 : i32
        %dma_wait3A_307 = arith.constant 0 : i32
        %dma_wait3A_308 = arith.constant 3 : i32
        %dma_wait3A_309 = arith.constant 0 : i32
        %dma_wait3A_310 = arith.constant 0 : i32
        %dma_wait3A_311 = tpu.memref_slice %arg10[%dma_wait3A_306, %dma_wait3A_309, %dma_wait3A_310] : memref<4x112x64xf32, #tpu.memory_space<vmem>> -> memref<1x112x64xf32, #tpu.memory_space<vmem>>
        %dma_wait3A_312 = tpu.memref_squeeze %dma_wait3A_311 : memref<1x112x64xf32, #tpu.memory_space<vmem>> -> memref<112x64xf32, #tpu.memory_space<vmem>>
        %dma_wait3A_313 = arith.constant 0 : i32
        %dma_wait3A_314 = tpu.memref_slice %arg8[%dma_wait3A_307, %dma_wait3A_313] : memref<180x112xi32, #tpu.memory_space<vmem>> -> memref<1x112xi32, #tpu.memory_space<vmem>>
        %dma_wait3A_315 = tpu.memref_squeeze %dma_wait3A_314 : memref<1x112xi32, #tpu.memory_space<vmem>> -> memref<112xi32, #tpu.memory_space<vmem>>
        %dma_wait3A_316 = arith.constant 0 : i32
        %dma_wait3A_317 = arith.constant 0 : i32
        %dma_wait3A_318 = tpu.memref_slice %arg11[%dma_wait3A_316, %dma_wait3A_317] : memref<10112x64xf32, #tpu.memory_space<vmem_shared>> -> memref<10112x64xf32, #tpu.memory_space<vmem_shared>>
        %dma_wait3A_319 = tpu.memref_slice %arg13[%dma_wait3A_308] : memref<4x!tpu.dma_semaphore, #tpu.memory_space<semaphore_mem>> -> memref<1x!tpu.dma_semaphore, #tpu.memory_space<semaphore_mem>>
        %dma_wait3A_320 = tpu.memref_squeeze %dma_wait3A_319 : memref<1x!tpu.dma_semaphore, #tpu.memory_space<semaphore_mem>> -> memref<!tpu.dma_semaphore, #tpu.memory_space<semaphore_mem>>
        tpu.wait_indirect_dma semaphore(%dma_wait3A_320 : memref<!tpu.dma_semaphore, #tpu.memory_space<semaphore_mem>>) src(%dma_wait3A_312 : memref<112x64xf32, #tpu.memory_space<vmem>>) dst(%dma_wait3A_318 : memref<10112x64xf32, #tpu.memory_space<vmem_shared>>)
      } else {
      }
      %add3A_158 = arith.constant 2 : i32
      %add3A_159 = arith.addi %add3A_152, %add3A_158 : i32
      %lt3A_160 = arith.constant 180 : i32
      %lt3A_161 = arith.cmpi slt, %add3A_159, %lt3A_160 : i32
      %convert_element_type3A_162 = arith.extui %lt3A_161 : i1 to i32
      %cond3A_163 = arith.constant 0 : i32
      %cond3A_164 = arith.cmpi ne, %convert_element_type3A_162, %cond3A_163 : i32
      scf.if %cond3A_164 {
        %add3A_306 = arith.constant 2 : i32
        %add3A_307 = arith.addi %add3A_152, %add3A_306 : i32
        %dma_start3A_308 = arith.constant 3 : i32
        %dma_start3A_309 = arith.constant 3 : i32
        %dma_start3A_310 = arith.constant 0 : i32
        %dma_start3A_311 = arith.constant 0 : i32
        %dma_start3A_312 = tpu.memref_slice %arg10[%dma_start3A_308, %dma_start3A_310, %dma_start3A_311] : memref<4x112x64xf32, #tpu.memory_space<vmem>> -> memref<1x112x64xf32, #tpu.memory_space<vmem>>
        %dma_start3A_313 = tpu.memref_squeeze %dma_start3A_312 : memref<1x112x64xf32, #tpu.memory_space<vmem>> -> memref<112x64xf32, #tpu.memory_space<vmem>>
        %dma_start3A_314 = arith.constant 0 : i32
        %dma_start3A_315 = tpu.memref_slice %arg7[%add3A_307, %dma_start3A_314] : memref<180x112xi32, #tpu.memory_space<vmem>> -> memref<1x112xi32, #tpu.memory_space<vmem>>
        %dma_start3A_316 = tpu.memref_squeeze %dma_start3A_315 : memref<1x112xi32, #tpu.memory_space<vmem>> -> memref<112xi32, #tpu.memory_space<vmem>>
        %dma_start3A_317 = arith.constant 0 : i32
        %dma_start3A_318 = arith.constant 0 : i32
        %dma_start3A_319 = tpu.memref_slice %arg2[%dma_start3A_317, %dma_start3A_318] : memref<20000x64xf32, #tpu.memory_space<hbm>> -> memref<20000x64xf32, #tpu.memory_space<hbm>>
        %dma_start3A_320 = tpu.memref_slice %arg12[%dma_start3A_309] : memref<4x!tpu.dma_semaphore, #tpu.memory_space<semaphore_mem>> -> memref<1x!tpu.dma_semaphore, #tpu.memory_space<semaphore_mem>>
        %dma_start3A_321 = tpu.memref_squeeze %dma_start3A_320 : memref<1x!tpu.dma_semaphore, #tpu.memory_space<semaphore_mem>> -> memref<!tpu.dma_semaphore, #tpu.memory_space<semaphore_mem>>
        tpu.enqueue_indirect_dma source(%dma_start3A_319 : memref<20000x64xf32, #tpu.memory_space<hbm>>) target(%dma_start3A_313 : memref<112x64xf32, #tpu.memory_space<vmem>>) offsets(%dma_start3A_316 : memref<112xi32, #tpu.memory_space<vmem>>) semaphore(%dma_start3A_321 : memref<!tpu.dma_semaphore, #tpu.memory_space<semaphore_mem>>)
      } else {
      }
      %dma_wait3A_165 = arith.constant 0 : i32
      %dma_wait3A_166 = arith.constant 1 : i32
      %dma_wait3A_167 = arith.constant 1 : i32
      %dma_wait3A_168 = arith.constant 0 : i32
      %dma_wait3A_169 = arith.constant 0 : i32
      %dma_wait3A_170 = tpu.memref_slice %arg10[%dma_wait3A_166, %dma_wait3A_168, %dma_wait3A_169] : memref<4x112x64xf32, #tpu.memory_space<vmem>> -> memref<1x112x64xf32, #tpu.memory_space<vmem>>
      %dma_wait3A_171 = tpu.memref_squeeze %dma_wait3A_170 : memref<1x112x64xf32, #tpu.memory_space<vmem>> -> memref<112x64xf32, #tpu.memory_space<vmem>>
      %dma_wait3A_172 = arith.constant 0 : i32
      %dma_wait3A_173 = tpu.memref_slice %arg7[%dma_wait3A_165, %dma_wait3A_172] : memref<180x112xi32, #tpu.memory_space<vmem>> -> memref<1x112xi32, #tpu.memory_space<vmem>>
      %dma_wait3A_174 = tpu.memref_squeeze %dma_wait3A_173 : memref<1x112xi32, #tpu.memory_space<vmem>> -> memref<112xi32, #tpu.memory_space<vmem>>
      %dma_wait3A_175 = arith.constant 0 : i32
      %dma_wait3A_176 = arith.constant 0 : i32
      %dma_wait3A_177 = tpu.memref_slice %arg2[%dma_wait3A_175, %dma_wait3A_176] : memref<20000x64xf32, #tpu.memory_space<hbm>> -> memref<20000x64xf32, #tpu.memory_space<hbm>>
      %dma_wait3A_178 = tpu.memref_slice %arg12[%dma_wait3A_167] : memref<4x!tpu.dma_semaphore, #tpu.memory_space<semaphore_mem>> -> memref<1x!tpu.dma_semaphore, #tpu.memory_space<semaphore_mem>>
      %dma_wait3A_179 = tpu.memref_squeeze %dma_wait3A_178 : memref<1x!tpu.dma_semaphore, #tpu.memory_space<semaphore_mem>> -> memref<!tpu.dma_semaphore, #tpu.memory_space<semaphore_mem>>
      tpu.wait_indirect_dma semaphore(%dma_wait3A_179 : memref<!tpu.dma_semaphore, #tpu.memory_space<semaphore_mem>>) src(%dma_wait3A_177 : memref<20000x64xf32, #tpu.memory_space<hbm>>) dst(%dma_wait3A_171 : memref<112x64xf32, #tpu.memory_space<vmem>>)
      %scan3A_180 = arith.constant 0 : i32
      %scan3A_181 = arith.constant 0 : i32
      %scan3A_182 = arith.constant 7 : i32
      %scan3A_183 = arith.addi %scan3A_181, %scan3A_182 : i32
      %scan3A_184 = arith.constant 1 : i32
      %scan3A_185 = scf.for %scan3A_306 = %scan3A_181 to %scan3A_183 step %scan3A_184 iter_args(%scan3A_307 = %scan3A_180) -> (i32)  : i32 {
        %mul3A_308 = arith.constant 16 : i32
        %mul3A_309 = arith.muli %scan3A_306, %mul3A_308 : i32
        %get3A = arith.index_cast %add3A_152 : i32 to index
        %get3A_310 = arith.index_cast %mul3A_309 : i32 to index
        %get3A_311 = tpu.vector_load %arg9[%get3A, %get3A_310] {strides = array<i32>} : memref<180x112xf32, #tpu.memory_space<vmem>>, vector<1x16xf32>,
        %get3A_312 = vector.shape_cast %get3A_311 : vector<1x16xf32> to vector<16xf32>
        %slice3A = vector.extract_strided_slice %get3A_312 {offsets = [0], sizes = [1], strides = [1]} : vector<16xf32> to vector<1xf32>
        %squeeze3A = vector.extract %slice3A[0] : f32 from vector<1xf32>
        %mul3A_313 = arith.constant 16 : i32
        %mul3A_314 = arith.muli %scan3A_306, %mul3A_313 : i32
        %add3A_315 = arith.constant 0 : i32
        %add3A_316 = arith.addi %mul3A_314, %add3A_315 : i32
        %get3A_317 = arith.constant 1 : i32
        %get3A_318 = arith.index_cast %get3A_317 : i32 to index
        %get3A_319 = arith.index_cast %add3A_316 : i32 to index
        %get3A_320 = arith.constant 0 : index
        %get3A_321 = tpu.vector_load %arg10[%get3A_318, %get3A_319, %get3A_320] {strides = array<i32>} : memref<4x112x64xf32, #tpu.memory_space<vmem>>, vector<1x1x16xf32>,
        %get3A_322 = vector.shape_cast %get3A_321 : vector<1x1x16xf32> to vector<16xf32>
        %mul3A_323 = vector.broadcast %squeeze3A : f32 to vector<16xf32>
        %mul3A_324 = arith.mulf %get3A_322, %mul3A_323 : vector<16xf32>
        %swap3A = arith.constant 1 : i32
        %swap3A_325 = arith.index_cast %swap3A : i32 to index
        %swap3A_326 = arith.index_cast %add3A_316 : i32 to index
        %swap3A_327 = arith.constant 0 : index
        %swap3A_328 = tpu.vector_load %arg10[%swap3A_325, %swap3A_326, %swap3A_327] {strides = array<i32>} : memref<4x112x64xf32, #tpu.memory_space<vmem>>, vector<1x1x16xf32>,
        %swap3A_329 = vector.shape_cast %swap3A_328 : vector<1x1x16xf32> to vector<16xf32>
        %swap3A_330 = vector.shape_cast %mul3A_324 : vector<16xf32> to vector<1x1x16xf32>
        tpu.vector_store %arg10[%swap3A_325, %swap3A_326, %swap3A_327], %swap3A_330 {strides = array<i32>} : memref<4x112x64xf32, #tpu.memory_space<vmem>>, vector<1x1x16xf32>,
        %get3A_331 = arith.constant 1 : i32
        %get3A_332 = arith.index_cast %get3A_331 : i32 to index
        %get3A_333 = arith.index_cast %add3A_316 : i32 to index
        %get3A_334 = arith.constant 16 : index
        %get3A_335 = tpu.vector_load %arg10[%get3A_332, %get3A_333, %get3A_334] {strides = array<i32>} : memref<4x112x64xf32, #tpu.memory_space<vmem>>, vector<1x1x16xf32>,
        %get3A_336 = vector.shape_cast %get3A_335 : vector<1x1x16xf32> to vector<16xf32>
        %mul3A_337 = vector.broadcast %squeeze3A : f32 to vector<16xf32>
        %mul3A_338 = arith.mulf %get3A_336, %mul3A_337 : vector<16xf32>
        %swap3A_339 = arith.constant 1 : i32
        %swap3A_340 = arith.index_cast %swap3A_339 : i32 to index
        %swap3A_341 = arith.index_cast %add3A_316 : i32 to index
        %swap3A_342 = arith.constant 16 : index
        %swap3A_343 = tpu.vector_load %arg10[%swap3A_340, %swap3A_341, %swap3A_342] {strides = array<i32>} : memref<4x112x64xf32, #tpu.memory_space<vmem>>, vector<1x1x16xf32>,
        %swap3A_344 = vector.shape_cast %swap3A_343 : vector<1x1x16xf32> to vector<16xf32>
        %swap3A_345 = vector.shape_cast %mul3A_338 : vector<16xf32> to vector<1x1x16xf32>
        tpu.vector_store %arg10[%swap3A_340, %swap3A_341, %swap3A_342], %swap3A_345 {strides = array<i32>} : memref<4x112x64xf32, #tpu.memory_space<vmem>>, vector<1x1x16xf32>,
        %get3A_346 = arith.constant 1 : i32
        %get3A_347 = arith.index_cast %get3A_346 : i32 to index
        %get3A_348 = arith.index_cast %add3A_316 : i32 to index
        %get3A_349 = arith.constant 32 : index
        %get3A_350 = tpu.vector_load %arg10[%get3A_347, %get3A_348, %get3A_349] {strides = array<i32>} : memref<4x112x64xf32, #tpu.memory_space<vmem>>, vector<1x1x16xf32>,
        %get3A_351 = vector.shape_cast %get3A_350 : vector<1x1x16xf32> to vector<16xf32>
        %mul3A_352 = vector.broadcast %squeeze3A : f32 to vector<16xf32>
        %mul3A_353 = arith.mulf %get3A_351, %mul3A_352 : vector<16xf32>
        %swap3A_354 = arith.constant 1 : i32
        %swap3A_355 = arith.index_cast %swap3A_354 : i32 to index
        %swap3A_356 = arith.index_cast %add3A_316 : i32 to index
        %swap3A_357 = arith.constant 32 : index
        %swap3A_358 = tpu.vector_load %arg10[%swap3A_355, %swap3A_356, %swap3A_357] {strides = array<i32>} : memref<4x112x64xf32, #tpu.memory_space<vmem>>, vector<1x1x16xf32>,
        %swap3A_359 = vector.shape_cast %swap3A_358 : vector<1x1x16xf32> to vector<16xf32>
        %swap3A_360 = vector.shape_cast %mul3A_353 : vector<16xf32> to vector<1x1x16xf32>
        tpu.vector_store %arg10[%swap3A_355, %swap3A_356, %swap3A_357], %swap3A_360 {strides = array<i32>} : memref<4x112x64xf32, #tpu.memory_space<vmem>>, vector<1x1x16xf32>,
        %get3A_361 = arith.constant 1 : i32
        %get3A_362 = arith.index_cast %get3A_361 : i32 to index
        %get3A_363 = arith.index_cast %add3A_316 : i32 to index
        %get3A_364 = arith.constant 48 : index
        %get3A_365 = tpu.vector_load %arg10[%get3A_362, %get3A_363, %get3A_364] {strides = array<i32>} : memref<4x112x64xf32, #tpu.memory_space<vmem>>, vector<1x1x16xf32>,
        %get3A_366 = vector.shape_cast %get3A_365 : vector<1x1x16xf32> to vector<16xf32>
        %mul3A_367 = vector.broadcast %squeeze3A : f32 to vector<16xf32>
        %mul3A_368 = arith.mulf %get3A_366, %mul3A_367 : vector<16xf32>
        %swap3A_369 = arith.constant 1 : i32
        %swap3A_370 = arith.index_cast %swap3A_369 : i32 to index
        %swap3A_371 = arith.index_cast %add3A_316 : i32 to index
        %swap3A_372 = arith.constant 48 : index
        %swap3A_373 = tpu.vector_load %arg10[%swap3A_370, %swap3A_371, %swap3A_372] {strides = array<i32>} : memref<4x112x64xf32, #tpu.memory_space<vmem>>, vector<1x1x16xf32>,
        %swap3A_374 = vector.shape_cast %swap3A_373 : vector<1x1x16xf32> to vector<16xf32>
        %swap3A_375 = vector.shape_cast %mul3A_368 : vector<16xf32> to vector<1x1x16xf32>
        tpu.vector_store %arg10[%swap3A_370, %swap3A_371, %swap3A_372], %swap3A_375 {strides = array<i32>} : memref<4x112x64xf32, #tpu.memory_space<vmem>>, vector<1x1x16xf32>,
        %slice3A_376 = vector.extract_strided_slice %get3A_312 {offsets = [1], sizes = [1], strides = [1]} : vector<16xf32> to vector<1xf32>
        %squeeze3A_377 = vector.extract %slice3A_376[0] : f32 from vector<1xf32>
        %mul3A_378 = arith.constant 16 : i32
        %mul3A_379 = arith.muli %scan3A_306, %mul3A_378 : i32
        %add3A_380 = arith.constant 1 : i32
        %add3A_381 = arith.addi %mul3A_379, %add3A_380 : i32
        %get3A_382 = arith.constant 1 : i32
        %get3A_383 = arith.index_cast %get3A_382 : i32 to index
        %get3A_384 = arith.index_cast %add3A_381 : i32 to index
        %get3A_385 = arith.constant 0 : index
        %get3A_386 = tpu.vector_load %arg10[%get3A_383, %get3A_384, %get3A_385] {strides = array<i32>} : memref<4x112x64xf32, #tpu.memory_space<vmem>>, vector<1x1x16xf32>,
        %get3A_387 = vector.shape_cast %get3A_386 : vector<1x1x16xf32> to vector<16xf32>
        %mul3A_388 = vector.broadcast %squeeze3A_377 : f32 to vector<16xf32>
        %mul3A_389 = arith.mulf %get3A_387, %mul3A_388 : vector<16xf32>
        %swap3A_390 = arith.constant 1 : i32
        %swap3A_391 = arith.index_cast %swap3A_390 : i32 to index
        %swap3A_392 = arith.index_cast %add3A_381 : i32 to index
        %swap3A_393 = arith.constant 0 : index
        %swap3A_394 = tpu.vector_load %arg10[%swap3A_391, %swap3A_392, %swap3A_393] {strides = array<i32>} : memref<4x112x64xf32, #tpu.memory_space<vmem>>, vector<1x1x16xf32>,
        %swap3A_395 = vector.shape_cast %swap3A_394 : vector<1x1x16xf32> to vector<16xf32>
        %swap3A_396 = vector.shape_cast %mul3A_389 : vector<16xf32> to vector<1x1x16xf32>
        tpu.vector_store %arg10[%swap3A_391, %swap3A_392, %swap3A_393], %swap3A_396 {strides = array<i32>} : memref<4x112x64xf32, #tpu.memory_space<vmem>>, vector<1x1x16xf32>,
        %get3A_397 = arith.constant 1 : i32
        %get3A_398 = arith.index_cast %get3A_397 : i32 to index
        %get3A_399 = arith.index_cast %add3A_381 : i32 to index
        %get3A_400 = arith.constant 16 : index
        %get3A_401 = tpu.vector_load %arg10[%get3A_398, %get3A_399, %get3A_400] {strides = array<i32>} : memref<4x112x64xf32, #tpu.memory_space<vmem>>, vector<1x1x16xf32>,
        %get3A_402 = vector.shape_cast %get3A_401 : vector<1x1x16xf32> to vector<16xf32>
        %mul3A_403 = vector.broadcast %squeeze3A_377 : f32 to vector<16xf32>
        %mul3A_404 = arith.mulf %get3A_402, %mul3A_403 : vector<16xf32>
        %swap3A_405 = arith.constant 1 : i32
        %swap3A_406 = arith.index_cast %swap3A_405 : i32 to index
        %swap3A_407 = arith.index_cast %add3A_381 : i32 to index
        %swap3A_408 = arith.constant 16 : index
        %swap3A_409 = tpu.vector_load %arg10[%swap3A_406, %swap3A_407, %swap3A_408] {strides = array<i32>} : memref<4x112x64xf32, #tpu.memory_space<vmem>>, vector<1x1x16xf32>,
        %swap3A_410 = vector.shape_cast %swap3A_409 : vector<1x1x16xf32> to vector<16xf32>
        %swap3A_411 = vector.shape_cast %mul3A_404 : vector<16xf32> to vector<1x1x16xf32>
        tpu.vector_store %arg10[%swap3A_406, %swap3A_407, %swap3A_408], %swap3A_411 {strides = array<i32>} : memref<4x112x64xf32, #tpu.memory_space<vmem>>, vector<1x1x16xf32>,
        %get3A_412 = arith.constant 1 : i32
        %get3A_413 = arith.index_cast %get3A_412 : i32 to index
        %get3A_414 = arith.index_cast %add3A_381 : i32 to index
        %get3A_415 = arith.constant 32 : index
        %get3A_416 = tpu.vector_load %arg10[%get3A_413, %get3A_414, %get3A_415] {strides = array<i32>} : memref<4x112x64xf32, #tpu.memory_space<vmem>>, vector<1x1x16xf32>,
        %get3A_417 = vector.shape_cast %get3A_416 : vector<1x1x16xf32> to vector<16xf32>
        %mul3A_418 = vector.broadcast %squeeze3A_377 : f32 to vector<16xf32>
        %mul3A_419 = arith.mulf %get3A_417, %mul3A_418 : vector<16xf32>
        %swap3A_420 = arith.constant 1 : i32
        %swap3A_421 = arith.index_cast %swap3A_420 : i32 to index
        %swap3A_422 = arith.index_cast %add3A_381 : i32 to index
        %swap3A_423 = arith.constant 32 : index
        %swap3A_424 = tpu.vector_load %arg10[%swap3A_421, %swap3A_422, %swap3A_423] {strides = array<i32>} : memref<4x112x64xf32, #tpu.memory_space<vmem>>, vector<1x1x16xf32>,
        %swap3A_425 = vector.shape_cast %swap3A_424 : vector<1x1x16xf32> to vector<16xf32>
        %swap3A_426 = vector.shape_cast %mul3A_419 : vector<16xf32> to vector<1x1x16xf32>
        tpu.vector_store %arg10[%swap3A_421, %swap3A_422, %swap3A_423], %swap3A_426 {strides = array<i32>} : memref<4x112x64xf32, #tpu.memory_space<vmem>>, vector<1x1x16xf32>,
        %get3A_427 = arith.constant 1 : i32
        %get3A_428 = arith.index_cast %get3A_427 : i32 to index
        %get3A_429 = arith.index_cast %add3A_381 : i32 to index
        %get3A_430 = arith.constant 48 : index
        %get3A_431 = tpu.vector_load %arg10[%get3A_428, %get3A_429, %get3A_430] {strides = array<i32>} : memref<4x112x64xf32, #tpu.memory_space<vmem>>, vector<1x1x16xf32>,
        %get3A_432 = vector.shape_cast %get3A_431 : vector<1x1x16xf32> to vector<16xf32>
        %mul3A_433 = vector.broadcast %squeeze3A_377 : f32 to vector<16xf32>
        %mul3A_434 = arith.mulf %get3A_432, %mul3A_433 : vector<16xf32>
        %swap3A_435 = arith.constant 1 : i32
        %swap3A_436 = arith.index_cast %swap3A_435 : i32 to index
        %swap3A_437 = arith.index_cast %add3A_381 : i32 to index
        %swap3A_438 = arith.constant 48 : index
        %swap3A_439 = tpu.vector_load %arg10[%swap3A_436, %swap3A_437, %swap3A_438] {strides = array<i32>} : memref<4x112x64xf32, #tpu.memory_space<vmem>>, vector<1x1x16xf32>,
        %swap3A_440 = vector.shape_cast %swap3A_439 : vector<1x1x16xf32> to vector<16xf32>
        %swap3A_441 = vector.shape_cast %mul3A_434 : vector<16xf32> to vector<1x1x16xf32>
        tpu.vector_store %arg10[%swap3A_436, %swap3A_437, %swap3A_438], %swap3A_441 {strides = array<i32>} : memref<4x112x64xf32, #tpu.memory_space<vmem>>, vector<1x1x16xf32>,
        %slice3A_442 = vector.extract_strided_slice %get3A_312 {offsets = [2], sizes = [1], strides = [1]} : vector<16xf32> to vector<1xf32>
        %squeeze3A_443 = vector.extract %slice3A_442[0] : f32 from vector<1xf32>
        %mul3A_444 = arith.constant 16 : i32
        %mul3A_445 = arith.muli %scan3A_306, %mul3A_444 : i32
        %add3A_446 = arith.constant 2 : i32
        %add3A_447 = arith.addi %mul3A_445, %add3A_446 : i32
        %get3A_448 = arith.constant 1 : i32
        %get3A_449 = arith.index_cast %get3A_448 : i32 to index
        %get3A_450 = arith.index_cast %add3A_447 : i32 to index
        %get3A_451 = arith.constant 0 : index
        %get3A_452 = tpu.vector_load %arg10[%get3A_449, %get3A_450, %get3A_451] {strides = array<i32>} : memref<4x112x64xf32, #tpu.memory_space<vmem>>, vector<1x1x16xf32>,
        %get3A_453 = vector.shape_cast %get3A_452 : vector<1x1x16xf32> to vector<16xf32>
        %mul3A_454 = vector.broadcast %squeeze3A_443 : f32 to vector<16xf32>
        %mul3A_455 = arith.mulf %get3A_453, %mul3A_454 : vector<16xf32>
        %swap3A_456 = arith.constant 1 : i32
        %swap3A_457 = arith.index_cast %swap3A_456 : i32 to index
        %swap3A_458 = arith.index_cast %add3A_447 : i32 to index
        %swap3A_459 = arith.constant 0 : index
        %swap3A_460 = tpu.vector_load %arg10[%swap3A_457, %swap3A_458, %swap3A_459] {strides = array<i32>} : memref<4x112x64xf32, #tpu.memory_space<vmem>>, vector<1x1x16xf32>,
        %swap3A_461 = vector.shape_cast %swap3A_460 : vector<1x1x16xf32> to vector<16xf32>
        %swap3A_462 = vector.shape_cast %mul3A_455 : vector<16xf32> to vector<1x1x16xf32>
        tpu.vector_store %arg10[%swap3A_457, %swap3A_458, %swap3A_459], %swap3A_462 {strides = array<i32>} : memref<4x112x64xf32, #tpu.memory_space<vmem>>, vector<1x1x16xf32>,
        %get3A_463 = arith.constant 1 : i32
        %get3A_464 = arith.index_cast %get3A_463 : i32 to index
        %get3A_465 = arith.index_cast %add3A_447 : i32 to index
        %get3A_466 = arith.constant 16 : index
        %get3A_467 = tpu.vector_load %arg10[%get3A_464, %get3A_465, %get3A_466] {strides = array<i32>} : memref<4x112x64xf32, #tpu.memory_space<vmem>>, vector<1x1x16xf32>,
        %get3A_468 = vector.shape_cast %get3A_467 : vector<1x1x16xf32> to vector<16xf32>
        %mul3A_469 = vector.broadcast %squeeze3A_443 : f32 to vector<16xf32>
        %mul3A_470 = arith.mulf %get3A_468, %mul3A_469 : vector<16xf32>
        %swap3A_471 = arith.constant 1 : i32
        %swap3A_472 = arith.index_cast %swap3A_471 : i32 to index
        %swap3A_473 = arith.index_cast %add3A_447 : i32 to index
        %swap3A_474 = arith.constant 16 : index
        %swap3A_475 = tpu.vector_load %arg10[%swap3A_472, %swap3A_473, %swap3A_474] {strides = array<i32>} : memref<4x112x64xf32, #tpu.memory_space<vmem>>, vector<1x1x16xf32>,
        %swap3A_476 = vector.shape_cast %swap3A_475 : vector<1x1x16xf32> to vector<16xf32>
        %swap3A_477 = vector.shape_cast %mul3A_470 : vector<16xf32> to vector<1x1x16xf32>
        tpu.vector_store %arg10[%swap3A_472, %swap3A_473, %swap3A_474], %swap3A_477 {strides = array<i32>} : memref<4x112x64xf32, #tpu.memory_space<vmem>>, vector<1x1x16xf32>,
        %get3A_478 = arith.constant 1 : i32
        %get3A_479 = arith.index_cast %get3A_478 : i32 to index
        %get3A_480 = arith.index_cast %add3A_447 : i32 to index
        %get3A_481 = arith.constant 32 : index
        %get3A_482 = tpu.vector_load %arg10[%get3A_479, %get3A_480, %get3A_481] {strides = array<i32>} : memref<4x112x64xf32, #tpu.memory_space<vmem>>, vector<1x1x16xf32>,
        %get3A_483 = vector.shape_cast %get3A_482 : vector<1x1x16xf32> to vector<16xf32>
        %mul3A_484 = vector.broadcast %squeeze3A_443 : f32 to vector<16xf32>
        %mul3A_485 = arith.mulf %get3A_483, %mul3A_484 : vector<16xf32>
        %swap3A_486 = arith.constant 1 : i32
        %swap3A_487 = arith.index_cast %swap3A_486 : i32 to index
        %swap3A_488 = arith.index_cast %add3A_447 : i32 to index
        %swap3A_489 = arith.constant 32 : index
        %swap3A_490 = tpu.vector_load %arg10[%swap3A_487, %swap3A_488, %swap3A_489] {strides = array<i32>} : memref<4x112x64xf32, #tpu.memory_space<vmem>>, vector<1x1x16xf32>,
        %swap3A_491 = vector.shape_cast %swap3A_490 : vector<1x1x16xf32> to vector<16xf32>
        %swap3A_492 = vector.shape_cast %mul3A_485 : vector<16xf32> to vector<1x1x16xf32>
        tpu.vector_store %arg10[%swap3A_487, %swap3A_488, %swap3A_489], %swap3A_492 {strides = array<i32>} : memref<4x112x64xf32, #tpu.memory_space<vmem>>, vector<1x1x16xf32>,
        %get3A_493 = arith.constant 1 : i32
        %get3A_494 = arith.index_cast %get3A_493 : i32 to index
        %get3A_495 = arith.index_cast %add3A_447 : i32 to index
        %get3A_496 = arith.constant 48 : index
        %get3A_497 = tpu.vector_load %arg10[%get3A_494, %get3A_495, %get3A_496] {strides = array<i32>} : memref<4x112x64xf32, #tpu.memory_space<vmem>>, vector<1x1x16xf32>,
        %get3A_498 = vector.shape_cast %get3A_497 : vector<1x1x16xf32> to vector<16xf32>
        %mul3A_499 = vector.broadcast %squeeze3A_443 : f32 to vector<16xf32>
        %mul3A_500 = arith.mulf %get3A_498, %mul3A_499 : vector<16xf32>
        %swap3A_501 = arith.constant 1 : i32
        %swap3A_502 = arith.index_cast %swap3A_501 : i32 to index
        %swap3A_503 = arith.index_cast %add3A_447 : i32 to index
        %swap3A_504 = arith.constant 48 : index
        %swap3A_505 = tpu.vector_load %arg10[%swap3A_502, %swap3A_503, %swap3A_504] {strides = array<i32>} : memref<4x112x64xf32, #tpu.memory_space<vmem>>, vector<1x1x16xf32>,
        %swap3A_506 = vector.shape_cast %swap3A_505 : vector<1x1x16xf32> to vector<16xf32>
        %swap3A_507 = vector.shape_cast %mul3A_500 : vector<16xf32> to vector<1x1x16xf32>
        tpu.vector_store %arg10[%swap3A_502, %swap3A_503, %swap3A_504], %swap3A_507 {strides = array<i32>} : memref<4x112x64xf32, #tpu.memory_space<vmem>>, vector<1x1x16xf32>,
        %slice3A_508 = vector.extract_strided_slice %get3A_312 {offsets = [3], sizes = [1], strides = [1]} : vector<16xf32> to vector<1xf32>
        %squeeze3A_509 = vector.extract %slice3A_508[0] : f32 from vector<1xf32>
        %mul3A_510 = arith.constant 16 : i32
        %mul3A_511 = arith.muli %scan3A_306, %mul3A_510 : i32
        %add3A_512 = arith.constant 3 : i32
        %add3A_513 = arith.addi %mul3A_511, %add3A_512 : i32
        %get3A_514 = arith.constant 1 : i32
        %get3A_515 = arith.index_cast %get3A_514 : i32 to index
        %get3A_516 = arith.index_cast %add3A_513 : i32 to index
        %get3A_517 = arith.constant 0 : index
        %get3A_518 = tpu.vector_load %arg10[%get3A_515, %get3A_516, %get3A_517] {strides = array<i32>} : memref<4x112x64xf32, #tpu.memory_space<vmem>>, vector<1x1x16xf32>,
        %get3A_519 = vector.shape_cast %get3A_518 : vector<1x1x16xf32> to vector<16xf32>
        %mul3A_520 = vector.broadcast %squeeze3A_509 : f32 to vector<16xf32>
        %mul3A_521 = arith.mulf %get3A_519, %mul3A_520 : vector<16xf32>
        %swap3A_522 = arith.constant 1 : i32
        %swap3A_523 = arith.index_cast %swap3A_522 : i32 to index
        %swap3A_524 = arith.index_cast %add3A_513 : i32 to index
        %swap3A_525 = arith.constant 0 : index
        %swap3A_526 = tpu.vector_load %arg10[%swap3A_523, %swap3A_524, %swap3A_525] {strides = array<i32>} : memref<4x112x64xf32, #tpu.memory_space<vmem>>, vector<1x1x16xf32>,
        %swap3A_527 = vector.shape_cast %swap3A_526 : vector<1x1x16xf32> to vector<16xf32>
        %swap3A_528 = vector.shape_cast %mul3A_521 : vector<16xf32> to vector<1x1x16xf32>
        tpu.vector_store %arg10[%swap3A_523, %swap3A_524, %swap3A_525], %swap3A_528 {strides = array<i32>} : memref<4x112x64xf32, #tpu.memory_space<vmem>>, vector<1x1x16xf32>,
        %get3A_529 = arith.constant 1 : i32
        %get3A_530 = arith.index_cast %get3A_529 : i32 to index
        %get3A_531 = arith.index_cast %add3A_513 : i32 to index
        %get3A_532 = arith.constant 16 : index
        %get3A_533 = tpu.vector_load %arg10[%get3A_530, %get3A_531, %get3A_532] {strides = array<i32>} : memref<4x112x64xf32, #tpu.memory_space<vmem>>, vector<1x1x16xf32>,
        %get3A_534 = vector.shape_cast %get3A_533 : vector<1x1x16xf32> to vector<16xf32>
        %mul3A_535 = vector.broadcast %squeeze3A_509 : f32 to vector<16xf32>
        %mul3A_536 = arith.mulf %get3A_534, %mul3A_535 : vector<16xf32>
        %swap3A_537 = arith.constant 1 : i32
        %swap3A_538 = arith.index_cast %swap3A_537 : i32 to index
        %swap3A_539 = arith.index_cast %add3A_513 : i32 to index
        %swap3A_540 = arith.constant 16 : index
        %swap3A_541 = tpu.vector_load %arg10[%swap3A_538, %swap3A_539, %swap3A_540] {strides = array<i32>} : memref<4x112x64xf32, #tpu.memory_space<vmem>>, vector<1x1x16xf32>,
        %swap3A_542 = vector.shape_cast %swap3A_541 : vector<1x1x16xf32> to vector<16xf32>
        %swap3A_543 = vector.shape_cast %mul3A_536 : vector<16xf32> to vector<1x1x16xf32>
        tpu.vector_store %arg10[%swap3A_538, %swap3A_539, %swap3A_540], %swap3A_543 {strides = array<i32>} : memref<4x112x64xf32, #tpu.memory_space<vmem>>, vector<1x1x16xf32>,
        %get3A_544 = arith.constant 1 : i32
        %get3A_545 = arith.index_cast %get3A_544 : i32 to index
        %get3A_546 = arith.index_cast %add3A_513 : i32 to index
        %get3A_547 = arith.constant 32 : index
        %get3A_548 = tpu.vector_load %arg10[%get3A_545, %get3A_546, %get3A_547] {strides = array<i32>} : memref<4x112x64xf32, #tpu.memory_space<vmem>>, vector<1x1x16xf32>,
        %get3A_549 = vector.shape_cast %get3A_548 : vector<1x1x16xf32> to vector<16xf32>
        %mul3A_550 = vector.broadcast %squeeze3A_509 : f32 to vector<16xf32>
        %mul3A_551 = arith.mulf %get3A_549, %mul3A_550 : vector<16xf32>
        %swap3A_552 = arith.constant 1 : i32
        %swap3A_553 = arith.index_cast %swap3A_552 : i32 to index
        %swap3A_554 = arith.index_cast %add3A_513 : i32 to index
        %swap3A_555 = arith.constant 32 : index
        %swap3A_556 = tpu.vector_load %arg10[%swap3A_553, %swap3A_554, %swap3A_555] {strides = array<i32>} : memref<4x112x64xf32, #tpu.memory_space<vmem>>, vector<1x1x16xf32>,
        %swap3A_557 = vector.shape_cast %swap3A_556 : vector<1x1x16xf32> to vector<16xf32>
        %swap3A_558 = vector.shape_cast %mul3A_551 : vector<16xf32> to vector<1x1x16xf32>
        tpu.vector_store %arg10[%swap3A_553, %swap3A_554, %swap3A_555], %swap3A_558 {strides = array<i32>} : memref<4x112x64xf32, #tpu.memory_space<vmem>>, vector<1x1x16xf32>,
        %get3A_559 = arith.constant 1 : i32
        %get3A_560 = arith.index_cast %get3A_559 : i32 to index
        %get3A_561 = arith.index_cast %add3A_513 : i32 to index
        %get3A_562 = arith.constant 48 : index
        %get3A_563 = tpu.vector_load %arg10[%get3A_560, %get3A_561, %get3A_562] {strides = array<i32>} : memref<4x112x64xf32, #tpu.memory_space<vmem>>, vector<1x1x16xf32>,
        %get3A_564 = vector.shape_cast %get3A_563 : vector<1x1x16xf32> to vector<16xf32>
        %mul3A_565 = vector.broadcast %squeeze3A_509 : f32 to vector<16xf32>
        %mul3A_566 = arith.mulf %get3A_564, %mul3A_565 : vector<16xf32>
        %swap3A_567 = arith.constant 1 : i32
        %swap3A_568 = arith.index_cast %swap3A_567 : i32 to index
        %swap3A_569 = arith.index_cast %add3A_513 : i32 to index
        %swap3A_570 = arith.constant 48 : index
        %swap3A_571 = tpu.vector_load %arg10[%swap3A_568, %swap3A_569, %swap3A_570] {strides = array<i32>} : memref<4x112x64xf32, #tpu.memory_space<vmem>>, vector<1x1x16xf32>,
        %swap3A_572 = vector.shape_cast %swap3A_571 : vector<1x1x16xf32> to vector<16xf32>
        %swap3A_573 = vector.shape_cast %mul3A_566 : vector<16xf32> to vector<1x1x16xf32>
        tpu.vector_store %arg10[%swap3A_568, %swap3A_569, %swap3A_570], %swap3A_573 {strides = array<i32>} : memref<4x112x64xf32, #tpu.memory_space<vmem>>, vector<1x1x16xf32>,
        %slice3A_574 = vector.extract_strided_slice %get3A_312 {offsets = [4], sizes = [1], strides = [1]} : vector<16xf32> to vector<1xf32>
        %squeeze3A_575 = vector.extract %slice3A_574[0] : f32 from vector<1xf32>
        %mul3A_576 = arith.constant 16 : i32
        %mul3A_577 = arith.muli %scan3A_306, %mul3A_576 : i32
        %add3A_578 = arith.constant 4 : i32
        %add3A_579 = arith.addi %mul3A_577, %add3A_578 : i32
        %get3A_580 = arith.constant 1 : i32
        %get3A_581 = arith.index_cast %get3A_580 : i32 to index
        %get3A_582 = arith.index_cast %add3A_579 : i32 to index
        %get3A_583 = arith.constant 0 : index
        %get3A_584 = tpu.vector_load %arg10[%get3A_581, %get3A_582, %get3A_583] {strides = array<i32>} : memref<4x112x64xf32, #tpu.memory_space<vmem>>, vector<1x1x16xf32>,
        %get3A_585 = vector.shape_cast %get3A_584 : vector<1x1x16xf32> to vector<16xf32>
        %mul3A_586 = vector.broadcast %squeeze3A_575 : f32 to vector<16xf32>
        %mul3A_587 = arith.mulf %get3A_585, %mul3A_586 : vector<16xf32>
        %swap3A_588 = arith.constant 1 : i32
        %swap3A_589 = arith.index_cast %swap3A_588 : i32 to index
        %swap3A_590 = arith.index_cast %add3A_579 : i32 to index
        %swap3A_591 = arith.constant 0 : index
        %swap3A_592 = tpu.vector_load %arg10[%swap3A_589, %swap3A_590, %swap3A_591] {strides = array<i32>} : memref<4x112x64xf32, #tpu.memory_space<vmem>>, vector<1x1x16xf32>,
        %swap3A_593 = vector.shape_cast %swap3A_592 : vector<1x1x16xf32> to vector<16xf32>
        %swap3A_594 = vector.shape_cast %mul3A_587 : vector<16xf32> to vector<1x1x16xf32>
        tpu.vector_store %arg10[%swap3A_589, %swap3A_590, %swap3A_591], %swap3A_594 {strides = array<i32>} : memref<4x112x64xf32, #tpu.memory_space<vmem>>, vector<1x1x16xf32>,
        %get3A_595 = arith.constant 1 : i32
        %get3A_596 = arith.index_cast %get3A_595 : i32 to index
        %get3A_597 = arith.index_cast %add3A_579 : i32 to index
        %get3A_598 = arith.constant 16 : index
        %get3A_599 = tpu.vector_load %arg10[%get3A_596, %get3A_597, %get3A_598] {strides = array<i32>} : memref<4x112x64xf32, #tpu.memory_space<vmem>>, vector<1x1x16xf32>,
        %get3A_600 = vector.shape_cast %get3A_599 : vector<1x1x16xf32> to vector<16xf32>
        %mul3A_601 = vector.broadcast %squeeze3A_575 : f32 to vector<16xf32>
        %mul3A_602 = arith.mulf %get3A_600, %mul3A_601 : vector<16xf32>
        %swap3A_603 = arith.constant 1 : i32
        %swap3A_604 = arith.index_cast %swap3A_603 : i32 to index
        %swap3A_605 = arith.index_cast %add3A_579 : i32 to index
        %swap3A_606 = arith.constant 16 : index
        %swap3A_607 = tpu.vector_load %arg10[%swap3A_604, %swap3A_605, %swap3A_606] {strides = array<i32>} : memref<4x112x64xf32, #tpu.memory_space<vmem>>, vector<1x1x16xf32>,
        %swap3A_608 = vector.shape_cast %swap3A_607 : vector<1x1x16xf32> to vector<16xf32>
        %swap3A_609 = vector.shape_cast %mul3A_602 : vector<16xf32> to vector<1x1x16xf32>
        tpu.vector_store %arg10[%swap3A_604, %swap3A_605, %swap3A_606], %swap3A_609 {strides = array<i32>} : memref<4x112x64xf32, #tpu.memory_space<vmem>>, vector<1x1x16xf32>,
        %get3A_610 = arith.constant 1 : i32
        %get3A_611 = arith.index_cast %get3A_610 : i32 to index
        %get3A_612 = arith.index_cast %add3A_579 : i32 to index
        %get3A_613 = arith.constant 32 : index
        %get3A_614 = tpu.vector_load %arg10[%get3A_611, %get3A_612, %get3A_613] {strides = array<i32>} : memref<4x112x64xf32, #tpu.memory_space<vmem>>, vector<1x1x16xf32>,
        %get3A_615 = vector.shape_cast %get3A_614 : vector<1x1x16xf32> to vector<16xf32>
        %mul3A_616 = vector.broadcast %squeeze3A_575 : f32 to vector<16xf32>
        %mul3A_617 = arith.mulf %get3A_615, %mul3A_616 : vector<16xf32>
        %swap3A_618 = arith.constant 1 : i32
        %swap3A_619 = arith.index_cast %swap3A_618 : i32 to index
        %swap3A_620 = arith.index_cast %add3A_579 : i32 to index
        %swap3A_621 = arith.constant 32 : index
        %swap3A_622 = tpu.vector_load %arg10[%swap3A_619, %swap3A_620, %swap3A_621] {strides = array<i32>} : memref<4x112x64xf32, #tpu.memory_space<vmem>>, vector<1x1x16xf32>,
        %swap3A_623 = vector.shape_cast %swap3A_622 : vector<1x1x16xf32> to vector<16xf32>
        %swap3A_624 = vector.shape_cast %mul3A_617 : vector<16xf32> to vector<1x1x16xf32>
        tpu.vector_store %arg10[%swap3A_619, %swap3A_620, %swap3A_621], %swap3A_624 {strides = array<i32>} : memref<4x112x64xf32, #tpu.memory_space<vmem>>, vector<1x1x16xf32>,
        %get3A_625 = arith.constant 1 : i32
        %get3A_626 = arith.index_cast %get3A_625 : i32 to index
        %get3A_627 = arith.index_cast %add3A_579 : i32 to index
        %get3A_628 = arith.constant 48 : index
        %get3A_629 = tpu.vector_load %arg10[%get3A_626, %get3A_627, %get3A_628] {strides = array<i32>} : memref<4x112x64xf32, #tpu.memory_space<vmem>>, vector<1x1x16xf32>,
        %get3A_630 = vector.shape_cast %get3A_629 : vector<1x1x16xf32> to vector<16xf32>
        %mul3A_631 = vector.broadcast %squeeze3A_575 : f32 to vector<16xf32>
        %mul3A_632 = arith.mulf %get3A_630, %mul3A_631 : vector<16xf32>
        %swap3A_633 = arith.constant 1 : i32
        %swap3A_634 = arith.index_cast %swap3A_633 : i32 to index
        %swap3A_635 = arith.index_cast %add3A_579 : i32 to index
        %swap3A_636 = arith.constant 48 : index
        %swap3A_637 = tpu.vector_load %arg10[%swap3A_634, %swap3A_635, %swap3A_636] {strides = array<i32>} : memref<4x112x64xf32, #tpu.memory_space<vmem>>, vector<1x1x16xf32>,
        %swap3A_638 = vector.shape_cast %swap3A_637 : vector<1x1x16xf32> to vector<16xf32>
        %swap3A_639 = vector.shape_cast %mul3A_632 : vector<16xf32> to vector<1x1x16xf32>
        tpu.vector_store %arg10[%swap3A_634, %swap3A_635, %swap3A_636], %swap3A_639 {strides = array<i32>} : memref<4x112x64xf32, #tpu.memory_space<vmem>>, vector<1x1x16xf32>,
        %slice3A_640 = vector.extract_strided_slice %get3A_312 {offsets = [5], sizes = [1], strides = [1]} : vector<16xf32> to vector<1xf32>
        %squeeze3A_641 = vector.extract %slice3A_640[0] : f32 from vector<1xf32>
        %mul3A_642 = arith.constant 16 : i32
        %mul3A_643 = arith.muli %scan3A_306, %mul3A_642 : i32
        %add3A_644 = arith.constant 5 : i32
        %add3A_645 = arith.addi %mul3A_643, %add3A_644 : i32
        %get3A_646 = arith.constant 1 : i32
        %get3A_647 = arith.index_cast %get3A_646 : i32 to index
        %get3A_648 = arith.index_cast %add3A_645 : i32 to index
        %get3A_649 = arith.constant 0 : index
        %get3A_650 = tpu.vector_load %arg10[%get3A_647, %get3A_648, %get3A_649] {strides = array<i32>} : memref<4x112x64xf32, #tpu.memory_space<vmem>>, vector<1x1x16xf32>,
        %get3A_651 = vector.shape_cast %get3A_650 : vector<1x1x16xf32> to vector<16xf32>
        %mul3A_652 = vector.broadcast %squeeze3A_641 : f32 to vector<16xf32>
        %mul3A_653 = arith.mulf %get3A_651, %mul3A_652 : vector<16xf32>
        %swap3A_654 = arith.constant 1 : i32
        %swap3A_655 = arith.index_cast %swap3A_654 : i32 to index
        %swap3A_656 = arith.index_cast %add3A_645 : i32 to index
        %swap3A_657 = arith.constant 0 : index
        %swap3A_658 = tpu.vector_load %arg10[%swap3A_655, %swap3A_656, %swap3A_657] {strides = array<i32>} : memref<4x112x64xf32, #tpu.memory_space<vmem>>, vector<1x1x16xf32>,
        %swap3A_659 = vector.shape_cast %swap3A_658 : vector<1x1x16xf32> to vector<16xf32>
        %swap3A_660 = vector.shape_cast %mul3A_653 : vector<16xf32> to vector<1x1x16xf32>
        tpu.vector_store %arg10[%swap3A_655, %swap3A_656, %swap3A_657], %swap3A_660 {strides = array<i32>} : memref<4x112x64xf32, #tpu.memory_space<vmem>>, vector<1x1x16xf32>,
        %get3A_661 = arith.constant 1 : i32
        %get3A_662 = arith.index_cast %get3A_661 : i32 to index
        %get3A_663 = arith.index_cast %add3A_645 : i32 to index
        %get3A_664 = arith.constant 16 : index
        %get3A_665 = tpu.vector_load %arg10[%get3A_662, %get3A_663, %get3A_664] {strides = array<i32>} : memref<4x112x64xf32, #tpu.memory_space<vmem>>, vector<1x1x16xf32>,
        %get3A_666 = vector.shape_cast %get3A_665 : vector<1x1x16xf32> to vector<16xf32>
        %mul3A_667 = vector.broadcast %squeeze3A_641 : f32 to vector<16xf32>
        %mul3A_668 = arith.mulf %get3A_666, %mul3A_667 : vector<16xf32>
        %swap3A_669 = arith.constant 1 : i32
        %swap3A_670 = arith.index_cast %swap3A_669 : i32 to index
        %swap3A_671 = arith.index_cast %add3A_645 : i32 to index
        %swap3A_672 = arith.constant 16 : index
        %swap3A_673 = tpu.vector_load %arg10[%swap3A_670, %swap3A_671, %swap3A_672] {strides = array<i32>} : memref<4x112x64xf32, #tpu.memory_space<vmem>>, vector<1x1x16xf32>,
        %swap3A_674 = vector.shape_cast %swap3A_673 : vector<1x1x16xf32> to vector<16xf32>
        %swap3A_675 = vector.shape_cast %mul3A_668 : vector<16xf32> to vector<1x1x16xf32>
        tpu.vector_store %arg10[%swap3A_670, %swap3A_671, %swap3A_672], %swap3A_675 {strides = array<i32>} : memref<4x112x64xf32, #tpu.memory_space<vmem>>, vector<1x1x16xf32>,
        %get3A_676 = arith.constant 1 : i32
        %get3A_677 = arith.index_cast %get3A_676 : i32 to index
        %get3A_678 = arith.index_cast %add3A_645 : i32 to index
        %get3A_679 = arith.constant 32 : index
        %get3A_680 = tpu.vector_load %arg10[%get3A_677, %get3A_678, %get3A_679] {strides = array<i32>} : memref<4x112x64xf32, #tpu.memory_space<vmem>>, vector<1x1x16xf32>,
        %get3A_681 = vector.shape_cast %get3A_680 : vector<1x1x16xf32> to vector<16xf32>
        %mul3A_682 = vector.broadcast %squeeze3A_641 : f32 to vector<16xf32>
        %mul3A_683 = arith.mulf %get3A_681, %mul3A_682 : vector<16xf32>
        %swap3A_684 = arith.constant 1 : i32
        %swap3A_685 = arith.index_cast %swap3A_684 : i32 to index
        %swap3A_686 = arith.index_cast %add3A_645 : i32 to index
        %swap3A_687 = arith.constant 32 : index
        %swap3A_688 = tpu.vector_load %arg10[%swap3A_685, %swap3A_686, %swap3A_687] {strides = array<i32>} : memref<4x112x64xf32, #tpu.memory_space<vmem>>, vector<1x1x16xf32>,
        %swap3A_689 = vector.shape_cast %swap3A_688 : vector<1x1x16xf32> to vector<16xf32>
        %swap3A_690 = vector.shape_cast %mul3A_683 : vector<16xf32> to vector<1x1x16xf32>
        tpu.vector_store %arg10[%swap3A_685, %swap3A_686, %swap3A_687], %swap3A_690 {strides = array<i32>} : memref<4x112x64xf32, #tpu.memory_space<vmem>>, vector<1x1x16xf32>,
        %get3A_691 = arith.constant 1 : i32
        %get3A_692 = arith.index_cast %get3A_691 : i32 to index
        %get3A_693 = arith.index_cast %add3A_645 : i32 to index
        %get3A_694 = arith.constant 48 : index
        %get3A_695 = tpu.vector_load %arg10[%get3A_692, %get3A_693, %get3A_694] {strides = array<i32>} : memref<4x112x64xf32, #tpu.memory_space<vmem>>, vector<1x1x16xf32>,
        %get3A_696 = vector.shape_cast %get3A_695 : vector<1x1x16xf32> to vector<16xf32>
        %mul3A_697 = vector.broadcast %squeeze3A_641 : f32 to vector<16xf32>
        %mul3A_698 = arith.mulf %get3A_696, %mul3A_697 : vector<16xf32>
        %swap3A_699 = arith.constant 1 : i32
        %swap3A_700 = arith.index_cast %swap3A_699 : i32 to index
        %swap3A_701 = arith.index_cast %add3A_645 : i32 to index
        %swap3A_702 = arith.constant 48 : index
        %swap3A_703 = tpu.vector_load %arg10[%swap3A_700, %swap3A_701, %swap3A_702] {strides = array<i32>} : memref<4x112x64xf32, #tpu.memory_space<vmem>>, vector<1x1x16xf32>,
        %swap3A_704 = vector.shape_cast %swap3A_703 : vector<1x1x16xf32> to vector<16xf32>
        %swap3A_705 = vector.shape_cast %mul3A_698 : vector<16xf32> to vector<1x1x16xf32>
        tpu.vector_store %arg10[%swap3A_700, %swap3A_701, %swap3A_702], %swap3A_705 {strides = array<i32>} : memref<4x112x64xf32, #tpu.memory_space<vmem>>, vector<1x1x16xf32>,
        %slice3A_706 = vector.extract_strided_slice %get3A_312 {offsets = [6], sizes = [1], strides = [1]} : vector<16xf32> to vector<1xf32>
        %squeeze3A_707 = vector.extract %slice3A_706[0] : f32 from vector<1xf32>
        %mul3A_708 = arith.constant 16 : i32
        %mul3A_709 = arith.muli %scan3A_306, %mul3A_708 : i32
        %add3A_710 = arith.constant 6 : i32
        %add3A_711 = arith.addi %mul3A_709, %add3A_710 : i32
        %get3A_712 = arith.constant 1 : i32
        %get3A_713 = arith.index_cast %get3A_712 : i32 to index
        %get3A_714 = arith.index_cast %add3A_711 : i32 to index
        %get3A_715 = arith.constant 0 : index
        %get3A_716 = tpu.vector_load %arg10[%get3A_713, %get3A_714, %get3A_715] {strides = array<i32>} : memref<4x112x64xf32, #tpu.memory_space<vmem>>, vector<1x1x16xf32>,
        %get3A_717 = vector.shape_cast %get3A_716 : vector<1x1x16xf32> to vector<16xf32>
        %mul3A_718 = vector.broadcast %squeeze3A_707 : f32 to vector<16xf32>
        %mul3A_719 = arith.mulf %get3A_717, %mul3A_718 : vector<16xf32>
        %swap3A_720 = arith.constant 1 : i32
        %swap3A_721 = arith.index_cast %swap3A_720 : i32 to index
        %swap3A_722 = arith.index_cast %add3A_711 : i32 to index
        %swap3A_723 = arith.constant 0 : index
        %swap3A_724 = tpu.vector_load %arg10[%swap3A_721, %swap3A_722, %swap3A_723] {strides = array<i32>} : memref<4x112x64xf32, #tpu.memory_space<vmem>>, vector<1x1x16xf32>,
        %swap3A_725 = vector.shape_cast %swap3A_724 : vector<1x1x16xf32> to vector<16xf32>
        %swap3A_726 = vector.shape_cast %mul3A_719 : vector<16xf32> to vector<1x1x16xf32>
        tpu.vector_store %arg10[%swap3A_721, %swap3A_722, %swap3A_723], %swap3A_726 {strides = array<i32>} : memref<4x112x64xf32, #tpu.memory_space<vmem>>, vector<1x1x16xf32>,
        %get3A_727 = arith.constant 1 : i32
        %get3A_728 = arith.index_cast %get3A_727 : i32 to index
        %get3A_729 = arith.index_cast %add3A_711 : i32 to index
        %get3A_730 = arith.constant 16 : index
        %get3A_731 = tpu.vector_load %arg10[%get3A_728, %get3A_729, %get3A_730] {strides = array<i32>} : memref<4x112x64xf32, #tpu.memory_space<vmem>>, vector<1x1x16xf32>,
        %get3A_732 = vector.shape_cast %get3A_731 : vector<1x1x16xf32> to vector<16xf32>
        %mul3A_733 = vector.broadcast %squeeze3A_707 : f32 to vector<16xf32>
        %mul3A_734 = arith.mulf %get3A_732, %mul3A_733 : vector<16xf32>
        %swap3A_735 = arith.constant 1 : i32
        %swap3A_736 = arith.index_cast %swap3A_735 : i32 to index
        %swap3A_737 = arith.index_cast %add3A_711 : i32 to index
        %swap3A_738 = arith.constant 16 : index
        %swap3A_739 = tpu.vector_load %arg10[%swap3A_736, %swap3A_737, %swap3A_738] {strides = array<i32>} : memref<4x112x64xf32, #tpu.memory_space<vmem>>, vector<1x1x16xf32>,
        %swap3A_740 = vector.shape_cast %swap3A_739 : vector<1x1x16xf32> to vector<16xf32>
        %swap3A_741 = vector.shape_cast %mul3A_734 : vector<16xf32> to vector<1x1x16xf32>
        tpu.vector_store %arg10[%swap3A_736, %swap3A_737, %swap3A_738], %swap3A_741 {strides = array<i32>} : memref<4x112x64xf32, #tpu.memory_space<vmem>>, vector<1x1x16xf32>,
        %get3A_742 = arith.constant 1 : i32
        %get3A_743 = arith.index_cast %get3A_742 : i32 to index
        %get3A_744 = arith.index_cast %add3A_711 : i32 to index
        %get3A_745 = arith.constant 32 : index
        %get3A_746 = tpu.vector_load %arg10[%get3A_743, %get3A_744, %get3A_745] {strides = array<i32>} : memref<4x112x64xf32, #tpu.memory_space<vmem>>, vector<1x1x16xf32>,
        %get3A_747 = vector.shape_cast %get3A_746 : vector<1x1x16xf32> to vector<16xf32>
        %mul3A_748 = vector.broadcast %squeeze3A_707 : f32 to vector<16xf32>
        %mul3A_749 = arith.mulf %get3A_747, %mul3A_748 : vector<16xf32>
        %swap3A_750 = arith.constant 1 : i32
        %swap3A_751 = arith.index_cast %swap3A_750 : i32 to index
        %swap3A_752 = arith.index_cast %add3A_711 : i32 to index
        %swap3A_753 = arith.constant 32 : index
        %swap3A_754 = tpu.vector_load %arg10[%swap3A_751, %swap3A_752, %swap3A_753] {strides = array<i32>} : memref<4x112x64xf32, #tpu.memory_space<vmem>>, vector<1x1x16xf32>,
        %swap3A_755 = vector.shape_cast %swap3A_754 : vector<1x1x16xf32> to vector<16xf32>
        %swap3A_756 = vector.shape_cast %mul3A_749 : vector<16xf32> to vector<1x1x16xf32>
        tpu.vector_store %arg10[%swap3A_751, %swap3A_752, %swap3A_753], %swap3A_756 {strides = array<i32>} : memref<4x112x64xf32, #tpu.memory_space<vmem>>, vector<1x1x16xf32>,
        %get3A_757 = arith.constant 1 : i32
        %get3A_758 = arith.index_cast %get3A_757 : i32 to index
        %get3A_759 = arith.index_cast %add3A_711 : i32 to index
        %get3A_760 = arith.constant 48 : index
        %get3A_761 = tpu.vector_load %arg10[%get3A_758, %get3A_759, %get3A_760] {strides = array<i32>} : memref<4x112x64xf32, #tpu.memory_space<vmem>>, vector<1x1x16xf32>,
        %get3A_762 = vector.shape_cast %get3A_761 : vector<1x1x16xf32> to vector<16xf32>
        %mul3A_763 = vector.broadcast %squeeze3A_707 : f32 to vector<16xf32>
        %mul3A_764 = arith.mulf %get3A_762, %mul3A_763 : vector<16xf32>
        %swap3A_765 = arith.constant 1 : i32
        %swap3A_766 = arith.index_cast %swap3A_765 : i32 to index
        %swap3A_767 = arith.index_cast %add3A_711 : i32 to index
        %swap3A_768 = arith.constant 48 : index
        %swap3A_769 = tpu.vector_load %arg10[%swap3A_766, %swap3A_767, %swap3A_768] {strides = array<i32>} : memref<4x112x64xf32, #tpu.memory_space<vmem>>, vector<1x1x16xf32>,
        %swap3A_770 = vector.shape_cast %swap3A_769 : vector<1x1x16xf32> to vector<16xf32>
        %swap3A_771 = vector.shape_cast %mul3A_764 : vector<16xf32> to vector<1x1x16xf32>
        tpu.vector_store %arg10[%swap3A_766, %swap3A_767, %swap3A_768], %swap3A_771 {strides = array<i32>} : memref<4x112x64xf32, #tpu.memory_space<vmem>>, vector<1x1x16xf32>,
        %slice3A_772 = vector.extract_strided_slice %get3A_312 {offsets = [7], sizes = [1], strides = [1]} : vector<16xf32> to vector<1xf32>
        %squeeze3A_773 = vector.extract %slice3A_772[0] : f32 from vector<1xf32>
        %mul3A_774 = arith.constant 16 : i32
        %mul3A_775 = arith.muli %scan3A_306, %mul3A_774 : i32
        %add3A_776 = arith.constant 7 : i32
        %add3A_777 = arith.addi %mul3A_775, %add3A_776 : i32
        %get3A_778 = arith.constant 1 : i32
        %get3A_779 = arith.index_cast %get3A_778 : i32 to index
        %get3A_780 = arith.index_cast %add3A_777 : i32 to index
        %get3A_781 = arith.constant 0 : index
        %get3A_782 = tpu.vector_load %arg10[%get3A_779, %get3A_780, %get3A_781] {strides = array<i32>} : memref<4x112x64xf32, #tpu.memory_space<vmem>>, vector<1x1x16xf32>,
        %get3A_783 = vector.shape_cast %get3A_782 : vector<1x1x16xf32> to vector<16xf32>
        %mul3A_784 = vector.broadcast %squeeze3A_773 : f32 to vector<16xf32>
        %mul3A_785 = arith.mulf %get3A_783, %mul3A_784 : vector<16xf32>
        %swap3A_786 = arith.constant 1 : i32
        %swap3A_787 = arith.index_cast %swap3A_786 : i32 to index
        %swap3A_788 = arith.index_cast %add3A_777 : i32 to index
        %swap3A_789 = arith.constant 0 : index
        %swap3A_790 = tpu.vector_load %arg10[%swap3A_787, %swap3A_788, %swap3A_789] {strides = array<i32>} : memref<4x112x64xf32, #tpu.memory_space<vmem>>, vector<1x1x16xf32>,
        %swap3A_791 = vector.shape_cast %swap3A_790 : vector<1x1x16xf32> to vector<16xf32>
        %swap3A_792 = vector.shape_cast %mul3A_785 : vector<16xf32> to vector<1x1x16xf32>
        tpu.vector_store %arg10[%swap3A_787, %swap3A_788, %swap3A_789], %swap3A_792 {strides = array<i32>} : memref<4x112x64xf32, #tpu.memory_space<vmem>>, vector<1x1x16xf32>,
        %get3A_793 = arith.constant 1 : i32
        %get3A_794 = arith.index_cast %get3A_793 : i32 to index
        %get3A_795 = arith.index_cast %add3A_777 : i32 to index
        %get3A_796 = arith.constant 16 : index
        %get3A_797 = tpu.vector_load %arg10[%get3A_794, %get3A_795, %get3A_796] {strides = array<i32>} : memref<4x112x64xf32, #tpu.memory_space<vmem>>, vector<1x1x16xf32>,
        %get3A_798 = vector.shape_cast %get3A_797 : vector<1x1x16xf32> to vector<16xf32>
        %mul3A_799 = vector.broadcast %squeeze3A_773 : f32 to vector<16xf32>
        %mul3A_800 = arith.mulf %get3A_798, %mul3A_799 : vector<16xf32>
        %swap3A_801 = arith.constant 1 : i32
        %swap3A_802 = arith.index_cast %swap3A_801 : i32 to index
        %swap3A_803 = arith.index_cast %add3A_777 : i32 to index
        %swap3A_804 = arith.constant 16 : index
        %swap3A_805 = tpu.vector_load %arg10[%swap3A_802, %swap3A_803, %swap3A_804] {strides = array<i32>} : memref<4x112x64xf32, #tpu.memory_space<vmem>>, vector<1x1x16xf32>,
        %swap3A_806 = vector.shape_cast %swap3A_805 : vector<1x1x16xf32> to vector<16xf32>
        %swap3A_807 = vector.shape_cast %mul3A_800 : vector<16xf32> to vector<1x1x16xf32>
        tpu.vector_store %arg10[%swap3A_802, %swap3A_803, %swap3A_804], %swap3A_807 {strides = array<i32>} : memref<4x112x64xf32, #tpu.memory_space<vmem>>, vector<1x1x16xf32>,
        %get3A_808 = arith.constant 1 : i32
        %get3A_809 = arith.index_cast %get3A_808 : i32 to index
        %get3A_810 = arith.index_cast %add3A_777 : i32 to index
        %get3A_811 = arith.constant 32 : index
        %get3A_812 = tpu.vector_load %arg10[%get3A_809, %get3A_810, %get3A_811] {strides = array<i32>} : memref<4x112x64xf32, #tpu.memory_space<vmem>>, vector<1x1x16xf32>,
        %get3A_813 = vector.shape_cast %get3A_812 : vector<1x1x16xf32> to vector<16xf32>
        %mul3A_814 = vector.broadcast %squeeze3A_773 : f32 to vector<16xf32>
        %mul3A_815 = arith.mulf %get3A_813, %mul3A_814 : vector<16xf32>
        %swap3A_816 = arith.constant 1 : i32
        %swap3A_817 = arith.index_cast %swap3A_816 : i32 to index
        %swap3A_818 = arith.index_cast %add3A_777 : i32 to index
        %swap3A_819 = arith.constant 32 : index
        %swap3A_820 = tpu.vector_load %arg10[%swap3A_817, %swap3A_818, %swap3A_819] {strides = array<i32>} : memref<4x112x64xf32, #tpu.memory_space<vmem>>, vector<1x1x16xf32>,
        %swap3A_821 = vector.shape_cast %swap3A_820 : vector<1x1x16xf32> to vector<16xf32>
        %swap3A_822 = vector.shape_cast %mul3A_815 : vector<16xf32> to vector<1x1x16xf32>
        tpu.vector_store %arg10[%swap3A_817, %swap3A_818, %swap3A_819], %swap3A_822 {strides = array<i32>} : memref<4x112x64xf32, #tpu.memory_space<vmem>>, vector<1x1x16xf32>,
        %get3A_823 = arith.constant 1 : i32
        %get3A_824 = arith.index_cast %get3A_823 : i32 to index
        %get3A_825 = arith.index_cast %add3A_777 : i32 to index
        %get3A_826 = arith.constant 48 : index
        %get3A_827 = tpu.vector_load %arg10[%get3A_824, %get3A_825, %get3A_826] {strides = array<i32>} : memref<4x112x64xf32, #tpu.memory_space<vmem>>, vector<1x1x16xf32>,
        %get3A_828 = vector.shape_cast %get3A_827 : vector<1x1x16xf32> to vector<16xf32>
        %mul3A_829 = vector.broadcast %squeeze3A_773 : f32 to vector<16xf32>
        %mul3A_830 = arith.mulf %get3A_828, %mul3A_829 : vector<16xf32>
        %swap3A_831 = arith.constant 1 : i32
        %swap3A_832 = arith.index_cast %swap3A_831 : i32 to index
        %swap3A_833 = arith.index_cast %add3A_777 : i32 to index
        %swap3A_834 = arith.constant 48 : index
        %swap3A_835 = tpu.vector_load %arg10[%swap3A_832, %swap3A_833, %swap3A_834] {strides = array<i32>} : memref<4x112x64xf32, #tpu.memory_space<vmem>>, vector<1x1x16xf32>,
        %swap3A_836 = vector.shape_cast %swap3A_835 : vector<1x1x16xf32> to vector<16xf32>
        %swap3A_837 = vector.shape_cast %mul3A_830 : vector<16xf32> to vector<1x1x16xf32>
        tpu.vector_store %arg10[%swap3A_832, %swap3A_833, %swap3A_834], %swap3A_837 {strides = array<i32>} : memref<4x112x64xf32, #tpu.memory_space<vmem>>, vector<1x1x16xf32>,
        %slice3A_838 = vector.extract_strided_slice %get3A_312 {offsets = [8], sizes = [1], strides = [1]} : vector<16xf32> to vector<1xf32>
        %squeeze3A_839 = vector.extract %slice3A_838[0] : f32 from vector<1xf32>
        %mul3A_840 = arith.constant 16 : i32
        %mul3A_841 = arith.muli %scan3A_306, %mul3A_840 : i32
        %add3A_842 = arith.constant 8 : i32
        %add3A_843 = arith.addi %mul3A_841, %add3A_842 : i32
        %get3A_844 = arith.constant 1 : i32
        %get3A_845 = arith.index_cast %get3A_844 : i32 to index
        %get3A_846 = arith.index_cast %add3A_843 : i32 to index
        %get3A_847 = arith.constant 0 : index
        %get3A_848 = tpu.vector_load %arg10[%get3A_845, %get3A_846, %get3A_847] {strides = array<i32>} : memref<4x112x64xf32, #tpu.memory_space<vmem>>, vector<1x1x16xf32>,
        %get3A_849 = vector.shape_cast %get3A_848 : vector<1x1x16xf32> to vector<16xf32>
        %mul3A_850 = vector.broadcast %squeeze3A_839 : f32 to vector<16xf32>
        %mul3A_851 = arith.mulf %get3A_849, %mul3A_850 : vector<16xf32>
        %swap3A_852 = arith.constant 1 : i32
        %swap3A_853 = arith.index_cast %swap3A_852 : i32 to index
        %swap3A_854 = arith.index_cast %add3A_843 : i32 to index
        %swap3A_855 = arith.constant 0 : index
        %swap3A_856 = tpu.vector_load %arg10[%swap3A_853, %swap3A_854, %swap3A_855] {strides = array<i32>} : memref<4x112x64xf32, #tpu.memory_space<vmem>>, vector<1x1x16xf32>,
        %swap3A_857 = vector.shape_cast %swap3A_856 : vector<1x1x16xf32> to vector<16xf32>
        %swap3A_858 = vector.shape_cast %mul3A_851 : vector<16xf32> to vector<1x1x16xf32>
        tpu.vector_store %arg10[%swap3A_853, %swap3A_854, %swap3A_855], %swap3A_858 {strides = array<i32>} : memref<4x112x64xf32, #tpu.memory_space<vmem>>, vector<1x1x16xf32>,
        %get3A_859 = arith.constant 1 : i32
        %get3A_860 = arith.index_cast %get3A_859 : i32 to index
        %get3A_861 = arith.index_cast %add3A_843 : i32 to index
        %get3A_862 = arith.constant 16 : index
        %get3A_863 = tpu.vector_load %arg10[%get3A_860, %get3A_861, %get3A_862] {strides = array<i32>} : memref<4x112x64xf32, #tpu.memory_space<vmem>>, vector<1x1x16xf32>,
        %get3A_864 = vector.shape_cast %get3A_863 : vector<1x1x16xf32> to vector<16xf32>
        %mul3A_865 = vector.broadcast %squeeze3A_839 : f32 to vector<16xf32>
        %mul3A_866 = arith.mulf %get3A_864, %mul3A_865 : vector<16xf32>
        %swap3A_867 = arith.constant 1 : i32
        %swap3A_868 = arith.index_cast %swap3A_867 : i32 to index
        %swap3A_869 = arith.index_cast %add3A_843 : i32 to index
        %swap3A_870 = arith.constant 16 : index
        %swap3A_871 = tpu.vector_load %arg10[%swap3A_868, %swap3A_869, %swap3A_870] {strides = array<i32>} : memref<4x112x64xf32, #tpu.memory_space<vmem>>, vector<1x1x16xf32>,
        %swap3A_872 = vector.shape_cast %swap3A_871 : vector<1x1x16xf32> to vector<16xf32>
        %swap3A_873 = vector.shape_cast %mul3A_866 : vector<16xf32> to vector<1x1x16xf32>
        tpu.vector_store %arg10[%swap3A_868, %swap3A_869, %swap3A_870], %swap3A_873 {strides = array<i32>} : memref<4x112x64xf32, #tpu.memory_space<vmem>>, vector<1x1x16xf32>,
        %get3A_874 = arith.constant 1 : i32
        %get3A_875 = arith.index_cast %get3A_874 : i32 to index
        %get3A_876 = arith.index_cast %add3A_843 : i32 to index
        %get3A_877 = arith.constant 32 : index
        %get3A_878 = tpu.vector_load %arg10[%get3A_875, %get3A_876, %get3A_877] {strides = array<i32>} : memref<4x112x64xf32, #tpu.memory_space<vmem>>, vector<1x1x16xf32>,
        %get3A_879 = vector.shape_cast %get3A_878 : vector<1x1x16xf32> to vector<16xf32>
        %mul3A_880 = vector.broadcast %squeeze3A_839 : f32 to vector<16xf32>
        %mul3A_881 = arith.mulf %get3A_879, %mul3A_880 : vector<16xf32>
        %swap3A_882 = arith.constant 1 : i32
        %swap3A_883 = arith.index_cast %swap3A_882 : i32 to index
        %swap3A_884 = arith.index_cast %add3A_843 : i32 to index
        %swap3A_885 = arith.constant 32 : index
        %swap3A_886 = tpu.vector_load %arg10[%swap3A_883, %swap3A_884, %swap3A_885] {strides = array<i32>} : memref<4x112x64xf32, #tpu.memory_space<vmem>>, vector<1x1x16xf32>,
        %swap3A_887 = vector.shape_cast %swap3A_886 : vector<1x1x16xf32> to vector<16xf32>
        %swap3A_888 = vector.shape_cast %mul3A_881 : vector<16xf32> to vector<1x1x16xf32>
        tpu.vector_store %arg10[%swap3A_883, %swap3A_884, %swap3A_885], %swap3A_888 {strides = array<i32>} : memref<4x112x64xf32, #tpu.memory_space<vmem>>, vector<1x1x16xf32>,
        %get3A_889 = arith.constant 1 : i32
        %get3A_890 = arith.index_cast %get3A_889 : i32 to index
        %get3A_891 = arith.index_cast %add3A_843 : i32 to index
        %get3A_892 = arith.constant 48 : index
        %get3A_893 = tpu.vector_load %arg10[%get3A_890, %get3A_891, %get3A_892] {strides = array<i32>} : memref<4x112x64xf32, #tpu.memory_space<vmem>>, vector<1x1x16xf32>,
        %get3A_894 = vector.shape_cast %get3A_893 : vector<1x1x16xf32> to vector<16xf32>
        %mul3A_895 = vector.broadcast %squeeze3A_839 : f32 to vector<16xf32>
        %mul3A_896 = arith.mulf %get3A_894, %mul3A_895 : vector<16xf32>
        %swap3A_897 = arith.constant 1 : i32
        %swap3A_898 = arith.index_cast %swap3A_897 : i32 to index
        %swap3A_899 = arith.index_cast %add3A_843 : i32 to index
        %swap3A_900 = arith.constant 48 : index
        %swap3A_901 = tpu.vector_load %arg10[%swap3A_898, %swap3A_899, %swap3A_900] {strides = array<i32>} : memref<4x112x64xf32, #tpu.memory_space<vmem>>, vector<1x1x16xf32>,
        %swap3A_902 = vector.shape_cast %swap3A_901 : vector<1x1x16xf32> to vector<16xf32>
        %swap3A_903 = vector.shape_cast %mul3A_896 : vector<16xf32> to vector<1x1x16xf32>
        tpu.vector_store %arg10[%swap3A_898, %swap3A_899, %swap3A_900], %swap3A_903 {strides = array<i32>} : memref<4x112x64xf32, #tpu.memory_space<vmem>>, vector<1x1x16xf32>,
        %slice3A_904 = vector.extract_strided_slice %get3A_312 {offsets = [9], sizes = [1], strides = [1]} : vector<16xf32> to vector<1xf32>
        %squeeze3A_905 = vector.extract %slice3A_904[0] : f32 from vector<1xf32>
        %mul3A_906 = arith.constant 16 : i32
        %mul3A_907 = arith.muli %scan3A_306, %mul3A_906 : i32
        %add3A_908 = arith.constant 9 : i32
        %add3A_909 = arith.addi %mul3A_907, %add3A_908 : i32
        %get3A_910 = arith.constant 1 : i32
        %get3A_911 = arith.index_cast %get3A_910 : i32 to index
        %get3A_912 = arith.index_cast %add3A_909 : i32 to index
        %get3A_913 = arith.constant 0 : index
        %get3A_914 = tpu.vector_load %arg10[%get3A_911, %get3A_912, %get3A_913] {strides = array<i32>} : memref<4x112x64xf32, #tpu.memory_space<vmem>>, vector<1x1x16xf32>,
        %get3A_915 = vector.shape_cast %get3A_914 : vector<1x1x16xf32> to vector<16xf32>
        %mul3A_916 = vector.broadcast %squeeze3A_905 : f32 to vector<16xf32>
        %mul3A_917 = arith.mulf %get3A_915, %mul3A_916 : vector<16xf32>
        %swap3A_918 = arith.constant 1 : i32
        %swap3A_919 = arith.index_cast %swap3A_918 : i32 to index
        %swap3A_920 = arith.index_cast %add3A_909 : i32 to index
        %swap3A_921 = arith.constant 0 : index
        %swap3A_922 = tpu.vector_load %arg10[%swap3A_919, %swap3A_920, %swap3A_921] {strides = array<i32>} : memref<4x112x64xf32, #tpu.memory_space<vmem>>, vector<1x1x16xf32>,
        %swap3A_923 = vector.shape_cast %swap3A_922 : vector<1x1x16xf32> to vector<16xf32>
        %swap3A_924 = vector.shape_cast %mul3A_917 : vector<16xf32> to vector<1x1x16xf32>
        tpu.vector_store %arg10[%swap3A_919, %swap3A_920, %swap3A_921], %swap3A_924 {strides = array<i32>} : memref<4x112x64xf32, #tpu.memory_space<vmem>>, vector<1x1x16xf32>,
        %get3A_925 = arith.constant 1 : i32
        %get3A_926 = arith.index_cast %get3A_925 : i32 to index
        %get3A_927 = arith.index_cast %add3A_909 : i32 to index
        %get3A_928 = arith.constant 16 : index
        %get3A_929 = tpu.vector_load %arg10[%get3A_926, %get3A_927, %get3A_928] {strides = array<i32>} : memref<4x112x64xf32, #tpu.memory_space<vmem>>, vector<1x1x16xf32>,
        %get3A_930 = vector.shape_cast %get3A_929 : vector<1x1x16xf32> to vector<16xf32>
        %mul3A_931 = vector.broadcast %squeeze3A_905 : f32 to vector<16xf32>
        %mul3A_932 = arith.mulf %get3A_930, %mul3A_931 : vector<16xf32>
        %swap3A_933 = arith.constant 1 : i32
        %swap3A_934 = arith.index_cast %swap3A_933 : i32 to index
        %swap3A_935 = arith.index_cast %add3A_909 : i32 to index
        %swap3A_936 = arith.constant 16 : index
        %swap3A_937 = tpu.vector_load %arg10[%swap3A_934, %swap3A_935, %swap3A_936] {strides = array<i32>} : memref<4x112x64xf32, #tpu.memory_space<vmem>>, vector<1x1x16xf32>,
        %swap3A_938 = vector.shape_cast %swap3A_937 : vector<1x1x16xf32> to vector<16xf32>
        %swap3A_939 = vector.shape_cast %mul3A_932 : vector<16xf32> to vector<1x1x16xf32>
        tpu.vector_store %arg10[%swap3A_934, %swap3A_935, %swap3A_936], %swap3A_939 {strides = array<i32>} : memref<4x112x64xf32, #tpu.memory_space<vmem>>, vector<1x1x16xf32>,
        %get3A_940 = arith.constant 1 : i32
        %get3A_941 = arith.index_cast %get3A_940 : i32 to index
        %get3A_942 = arith.index_cast %add3A_909 : i32 to index
        %get3A_943 = arith.constant 32 : index
        %get3A_944 = tpu.vector_load %arg10[%get3A_941, %get3A_942, %get3A_943] {strides = array<i32>} : memref<4x112x64xf32, #tpu.memory_space<vmem>>, vector<1x1x16xf32>,
        %get3A_945 = vector.shape_cast %get3A_944 : vector<1x1x16xf32> to vector<16xf32>
        %mul3A_946 = vector.broadcast %squeeze3A_905 : f32 to vector<16xf32>
        %mul3A_947 = arith.mulf %get3A_945, %mul3A_946 : vector<16xf32>
        %swap3A_948 = arith.constant 1 : i32
        %swap3A_949 = arith.index_cast %swap3A_948 : i32 to index
        %swap3A_950 = arith.index_cast %add3A_909 : i32 to index
        %swap3A_951 = arith.constant 32 : index
        %swap3A_952 = tpu.vector_load %arg10[%swap3A_949, %swap3A_950, %swap3A_951] {strides = array<i32>} : memref<4x112x64xf32, #tpu.memory_space<vmem>>, vector<1x1x16xf32>,
        %swap3A_953 = vector.shape_cast %swap3A_952 : vector<1x1x16xf32> to vector<16xf32>
        %swap3A_954 = vector.shape_cast %mul3A_947 : vector<16xf32> to vector<1x1x16xf32>
        tpu.vector_store %arg10[%swap3A_949, %swap3A_950, %swap3A_951], %swap3A_954 {strides = array<i32>} : memref<4x112x64xf32, #tpu.memory_space<vmem>>, vector<1x1x16xf32>,
        %get3A_955 = arith.constant 1 : i32
        %get3A_956 = arith.index_cast %get3A_955 : i32 to index
        %get3A_957 = arith.index_cast %add3A_909 : i32 to index
        %get3A_958 = arith.constant 48 : index
        %get3A_959 = tpu.vector_load %arg10[%get3A_956, %get3A_957, %get3A_958] {strides = array<i32>} : memref<4x112x64xf32, #tpu.memory_space<vmem>>, vector<1x1x16xf32>,
        %get3A_960 = vector.shape_cast %get3A_959 : vector<1x1x16xf32> to vector<16xf32>
        %mul3A_961 = vector.broadcast %squeeze3A_905 : f32 to vector<16xf32>
        %mul3A_962 = arith.mulf %get3A_960, %mul3A_961 : vector<16xf32>
        %swap3A_963 = arith.constant 1 : i32
        %swap3A_964 = arith.index_cast %swap3A_963 : i32 to index
        %swap3A_965 = arith.index_cast %add3A_909 : i32 to index
        %swap3A_966 = arith.constant 48 : index
        %swap3A_967 = tpu.vector_load %arg10[%swap3A_964, %swap3A_965, %swap3A_966] {strides = array<i32>} : memref<4x112x64xf32, #tpu.memory_space<vmem>>, vector<1x1x16xf32>,
        %swap3A_968 = vector.shape_cast %swap3A_967 : vector<1x1x16xf32> to vector<16xf32>
        %swap3A_969 = vector.shape_cast %mul3A_962 : vector<16xf32> to vector<1x1x16xf32>
        tpu.vector_store %arg10[%swap3A_964, %swap3A_965, %swap3A_966], %swap3A_969 {strides = array<i32>} : memref<4x112x64xf32, #tpu.memory_space<vmem>>, vector<1x1x16xf32>,
        %slice3A_970 = vector.extract_strided_slice %get3A_312 {offsets = [10], sizes = [1], strides = [1]} : vector<16xf32> to vector<1xf32>
        %squeeze3A_971 = vector.extract %slice3A_970[0] : f32 from vector<1xf32>
        %mul3A_972 = arith.constant 16 : i32
        %mul3A_973 = arith.muli %scan3A_306, %mul3A_972 : i32
        %add3A_974 = arith.constant 10 : i32
        %add3A_975 = arith.addi %mul3A_973, %add3A_974 : i32
        %get3A_976 = arith.constant 1 : i32
        %get3A_977 = arith.index_cast %get3A_976 : i32 to index
        %get3A_978 = arith.index_cast %add3A_975 : i32 to index
        %get3A_979 = arith.constant 0 : index
        %get3A_980 = tpu.vector_load %arg10[%get3A_977, %get3A_978, %get3A_979] {strides = array<i32>} : memref<4x112x64xf32, #tpu.memory_space<vmem>>, vector<1x1x16xf32>,
        %get3A_981 = vector.shape_cast %get3A_980 : vector<1x1x16xf32> to vector<16xf32>
        %mul3A_982 = vector.broadcast %squeeze3A_971 : f32 to vector<16xf32>
        %mul3A_983 = arith.mulf %get3A_981, %mul3A_982 : vector<16xf32>
        %swap3A_984 = arith.constant 1 : i32
        %swap3A_985 = arith.index_cast %swap3A_984 : i32 to index
        %swap3A_986 = arith.index_cast %add3A_975 : i32 to index
        %swap3A_987 = arith.constant 0 : index
        %swap3A_988 = tpu.vector_load %arg10[%swap3A_985, %swap3A_986, %swap3A_987] {strides = array<i32>} : memref<4x112x64xf32, #tpu.memory_space<vmem>>, vector<1x1x16xf32>,
        %swap3A_989 = vector.shape_cast %swap3A_988 : vector<1x1x16xf32> to vector<16xf32>
        %swap3A_990 = vector.shape_cast %mul3A_983 : vector<16xf32> to vector<1x1x16xf32>
        tpu.vector_store %arg10[%swap3A_985, %swap3A_986, %swap3A_987], %swap3A_990 {strides = array<i32>} : memref<4x112x64xf32, #tpu.memory_space<vmem>>, vector<1x1x16xf32>,
        %get3A_991 = arith.constant 1 : i32
        %get3A_992 = arith.index_cast %get3A_991 : i32 to index
        %get3A_993 = arith.index_cast %add3A_975 : i32 to index
        %get3A_994 = arith.constant 16 : index
        %get3A_995 = tpu.vector_load %arg10[%get3A_992, %get3A_993, %get3A_994] {strides = array<i32>} : memref<4x112x64xf32, #tpu.memory_space<vmem>>, vector<1x1x16xf32>,
        %get3A_996 = vector.shape_cast %get3A_995 : vector<1x1x16xf32> to vector<16xf32>
        %mul3A_997 = vector.broadcast %squeeze3A_971 : f32 to vector<16xf32>
        %mul3A_998 = arith.mulf %get3A_996, %mul3A_997 : vector<16xf32>
        %swap3A_999 = arith.constant 1 : i32
        %swap3A_1000 = arith.index_cast %swap3A_999 : i32 to index
        %swap3A_1001 = arith.index_cast %add3A_975 : i32 to index
        %swap3A_1002 = arith.constant 16 : index
        %swap3A_1003 = tpu.vector_load %arg10[%swap3A_1000, %swap3A_1001, %swap3A_1002] {strides = array<i32>} : memref<4x112x64xf32, #tpu.memory_space<vmem>>, vector<1x1x16xf32>,
        %swap3A_1004 = vector.shape_cast %swap3A_1003 : vector<1x1x16xf32> to vector<16xf32>
        %swap3A_1005 = vector.shape_cast %mul3A_998 : vector<16xf32> to vector<1x1x16xf32>
        tpu.vector_store %arg10[%swap3A_1000, %swap3A_1001, %swap3A_1002], %swap3A_1005 {strides = array<i32>} : memref<4x112x64xf32, #tpu.memory_space<vmem>>, vector<1x1x16xf32>,
        %get3A_1006 = arith.constant 1 : i32
        %get3A_1007 = arith.index_cast %get3A_1006 : i32 to index
        %get3A_1008 = arith.index_cast %add3A_975 : i32 to index
        %get3A_1009 = arith.constant 32 : index
        %get3A_1010 = tpu.vector_load %arg10[%get3A_1007, %get3A_1008, %get3A_1009] {strides = array<i32>} : memref<4x112x64xf32, #tpu.memory_space<vmem>>, vector<1x1x16xf32>,
        %get3A_1011 = vector.shape_cast %get3A_1010 : vector<1x1x16xf32> to vector<16xf32>
        %mul3A_1012 = vector.broadcast %squeeze3A_971 : f32 to vector<16xf32>
        %mul3A_1013 = arith.mulf %get3A_1011, %mul3A_1012 : vector<16xf32>
        %swap3A_1014 = arith.constant 1 : i32
        %swap3A_1015 = arith.index_cast %swap3A_1014 : i32 to index
        %swap3A_1016 = arith.index_cast %add3A_975 : i32 to index
        %swap3A_1017 = arith.constant 32 : index
        %swap3A_1018 = tpu.vector_load %arg10[%swap3A_1015, %swap3A_1016, %swap3A_1017] {strides = array<i32>} : memref<4x112x64xf32, #tpu.memory_space<vmem>>, vector<1x1x16xf32>,
        %swap3A_1019 = vector.shape_cast %swap3A_1018 : vector<1x1x16xf32> to vector<16xf32>
        %swap3A_1020 = vector.shape_cast %mul3A_1013 : vector<16xf32> to vector<1x1x16xf32>
        tpu.vector_store %arg10[%swap3A_1015, %swap3A_1016, %swap3A_1017], %swap3A_1020 {strides = array<i32>} : memref<4x112x64xf32, #tpu.memory_space<vmem>>, vector<1x1x16xf32>,
        %get3A_1021 = arith.constant 1 : i32
        %get3A_1022 = arith.index_cast %get3A_1021 : i32 to index
        %get3A_1023 = arith.index_cast %add3A_975 : i32 to index
        %get3A_1024 = arith.constant 48 : index
        %get3A_1025 = tpu.vector_load %arg10[%get3A_1022, %get3A_1023, %get3A_1024] {strides = array<i32>} : memref<4x112x64xf32, #tpu.memory_space<vmem>>, vector<1x1x16xf32>,
        %get3A_1026 = vector.shape_cast %get3A_1025 : vector<1x1x16xf32> to vector<16xf32>
        %mul3A_1027 = vector.broadcast %squeeze3A_971 : f32 to vector<16xf32>
        %mul3A_1028 = arith.mulf %get3A_1026, %mul3A_1027 : vector<16xf32>
        %swap3A_1029 = arith.constant 1 : i32
        %swap3A_1030 = arith.index_cast %swap3A_1029 : i32 to index
        %swap3A_1031 = arith.index_cast %add3A_975 : i32 to index
        %swap3A_1032 = arith.constant 48 : index
        %swap3A_1033 = tpu.vector_load %arg10[%swap3A_1030, %swap3A_1031, %swap3A_1032] {strides = array<i32>} : memref<4x112x64xf32, #tpu.memory_space<vmem>>, vector<1x1x16xf32>,
        %swap3A_1034 = vector.shape_cast %swap3A_1033 : vector<1x1x16xf32> to vector<16xf32>
        %swap3A_1035 = vector.shape_cast %mul3A_1028 : vector<16xf32> to vector<1x1x16xf32>
        tpu.vector_store %arg10[%swap3A_1030, %swap3A_1031, %swap3A_1032], %swap3A_1035 {strides = array<i32>} : memref<4x112x64xf32, #tpu.memory_space<vmem>>, vector<1x1x16xf32>,
        %slice3A_1036 = vector.extract_strided_slice %get3A_312 {offsets = [11], sizes = [1], strides = [1]} : vector<16xf32> to vector<1xf32>
        %squeeze3A_1037 = vector.extract %slice3A_1036[0] : f32 from vector<1xf32>
        %mul3A_1038 = arith.constant 16 : i32
        %mul3A_1039 = arith.muli %scan3A_306, %mul3A_1038 : i32
        %add3A_1040 = arith.constant 11 : i32
        %add3A_1041 = arith.addi %mul3A_1039, %add3A_1040 : i32
        %get3A_1042 = arith.constant 1 : i32
        %get3A_1043 = arith.index_cast %get3A_1042 : i32 to index
        %get3A_1044 = arith.index_cast %add3A_1041 : i32 to index
        %get3A_1045 = arith.constant 0 : index
        %get3A_1046 = tpu.vector_load %arg10[%get3A_1043, %get3A_1044, %get3A_1045] {strides = array<i32>} : memref<4x112x64xf32, #tpu.memory_space<vmem>>, vector<1x1x16xf32>,
        %get3A_1047 = vector.shape_cast %get3A_1046 : vector<1x1x16xf32> to vector<16xf32>
        %mul3A_1048 = vector.broadcast %squeeze3A_1037 : f32 to vector<16xf32>
        %mul3A_1049 = arith.mulf %get3A_1047, %mul3A_1048 : vector<16xf32>
        %swap3A_1050 = arith.constant 1 : i32
        %swap3A_1051 = arith.index_cast %swap3A_1050 : i32 to index
        %swap3A_1052 = arith.index_cast %add3A_1041 : i32 to index
        %swap3A_1053 = arith.constant 0 : index
        %swap3A_1054 = tpu.vector_load %arg10[%swap3A_1051, %swap3A_1052, %swap3A_1053] {strides = array<i32>} : memref<4x112x64xf32, #tpu.memory_space<vmem>>, vector<1x1x16xf32>,
        %swap3A_1055 = vector.shape_cast %swap3A_1054 : vector<1x1x16xf32> to vector<16xf32>
        %swap3A_1056 = vector.shape_cast %mul3A_1049 : vector<16xf32> to vector<1x1x16xf32>
        tpu.vector_store %arg10[%swap3A_1051, %swap3A_1052, %swap3A_1053], %swap3A_1056 {strides = array<i32>} : memref<4x112x64xf32, #tpu.memory_space<vmem>>, vector<1x1x16xf32>,
        %get3A_1057 = arith.constant 1 : i32
        %get3A_1058 = arith.index_cast %get3A_1057 : i32 to index
        %get3A_1059 = arith.index_cast %add3A_1041 : i32 to index
        %get3A_1060 = arith.constant 16 : index
        %get3A_1061 = tpu.vector_load %arg10[%get3A_1058, %get3A_1059, %get3A_1060] {strides = array<i32>} : memref<4x112x64xf32, #tpu.memory_space<vmem>>, vector<1x1x16xf32>,
        %get3A_1062 = vector.shape_cast %get3A_1061 : vector<1x1x16xf32> to vector<16xf32>
        %mul3A_1063 = vector.broadcast %squeeze3A_1037 : f32 to vector<16xf32>
        %mul3A_1064 = arith.mulf %get3A_1062, %mul3A_1063 : vector<16xf32>
        %swap3A_1065 = arith.constant 1 : i32
        %swap3A_1066 = arith.index_cast %swap3A_1065 : i32 to index
        %swap3A_1067 = arith.index_cast %add3A_1041 : i32 to index
        %swap3A_1068 = arith.constant 16 : index
        %swap3A_1069 = tpu.vector_load %arg10[%swap3A_1066, %swap3A_1067, %swap3A_1068] {strides = array<i32>} : memref<4x112x64xf32, #tpu.memory_space<vmem>>, vector<1x1x16xf32>,
        %swap3A_1070 = vector.shape_cast %swap3A_1069 : vector<1x1x16xf32> to vector<16xf32>
        %swap3A_1071 = vector.shape_cast %mul3A_1064 : vector<16xf32> to vector<1x1x16xf32>
        tpu.vector_store %arg10[%swap3A_1066, %swap3A_1067, %swap3A_1068], %swap3A_1071 {strides = array<i32>} : memref<4x112x64xf32, #tpu.memory_space<vmem>>, vector<1x1x16xf32>,
        %get3A_1072 = arith.constant 1 : i32
        %get3A_1073 = arith.index_cast %get3A_1072 : i32 to index
        %get3A_1074 = arith.index_cast %add3A_1041 : i32 to index
        %get3A_1075 = arith.constant 32 : index
        %get3A_1076 = tpu.vector_load %arg10[%get3A_1073, %get3A_1074, %get3A_1075] {strides = array<i32>} : memref<4x112x64xf32, #tpu.memory_space<vmem>>, vector<1x1x16xf32>,
        %get3A_1077 = vector.shape_cast %get3A_1076 : vector<1x1x16xf32> to vector<16xf32>
        %mul3A_1078 = vector.broadcast %squeeze3A_1037 : f32 to vector<16xf32>
        %mul3A_1079 = arith.mulf %get3A_1077, %mul3A_1078 : vector<16xf32>
        %swap3A_1080 = arith.constant 1 : i32
        %swap3A_1081 = arith.index_cast %swap3A_1080 : i32 to index
        %swap3A_1082 = arith.index_cast %add3A_1041 : i32 to index
        %swap3A_1083 = arith.constant 32 : index
        %swap3A_1084 = tpu.vector_load %arg10[%swap3A_1081, %swap3A_1082, %swap3A_1083] {strides = array<i32>} : memref<4x112x64xf32, #tpu.memory_space<vmem>>, vector<1x1x16xf32>,
        %swap3A_1085 = vector.shape_cast %swap3A_1084 : vector<1x1x16xf32> to vector<16xf32>
        %swap3A_1086 = vector.shape_cast %mul3A_1079 : vector<16xf32> to vector<1x1x16xf32>
        tpu.vector_store %arg10[%swap3A_1081, %swap3A_1082, %swap3A_1083], %swap3A_1086 {strides = array<i32>} : memref<4x112x64xf32, #tpu.memory_space<vmem>>, vector<1x1x16xf32>,
        %get3A_1087 = arith.constant 1 : i32
        %get3A_1088 = arith.index_cast %get3A_1087 : i32 to index
        %get3A_1089 = arith.index_cast %add3A_1041 : i32 to index
        %get3A_1090 = arith.constant 48 : index
        %get3A_1091 = tpu.vector_load %arg10[%get3A_1088, %get3A_1089, %get3A_1090] {strides = array<i32>} : memref<4x112x64xf32, #tpu.memory_space<vmem>>, vector<1x1x16xf32>,
        %get3A_1092 = vector.shape_cast %get3A_1091 : vector<1x1x16xf32> to vector<16xf32>
        %mul3A_1093 = vector.broadcast %squeeze3A_1037 : f32 to vector<16xf32>
        %mul3A_1094 = arith.mulf %get3A_1092, %mul3A_1093 : vector<16xf32>
        %swap3A_1095 = arith.constant 1 : i32
        %swap3A_1096 = arith.index_cast %swap3A_1095 : i32 to index
        %swap3A_1097 = arith.index_cast %add3A_1041 : i32 to index
        %swap3A_1098 = arith.constant 48 : index
        %swap3A_1099 = tpu.vector_load %arg10[%swap3A_1096, %swap3A_1097, %swap3A_1098] {strides = array<i32>} : memref<4x112x64xf32, #tpu.memory_space<vmem>>, vector<1x1x16xf32>,
        %swap3A_1100 = vector.shape_cast %swap3A_1099 : vector<1x1x16xf32> to vector<16xf32>
        %swap3A_1101 = vector.shape_cast %mul3A_1094 : vector<16xf32> to vector<1x1x16xf32>
        tpu.vector_store %arg10[%swap3A_1096, %swap3A_1097, %swap3A_1098], %swap3A_1101 {strides = array<i32>} : memref<4x112x64xf32, #tpu.memory_space<vmem>>, vector<1x1x16xf32>,
        %slice3A_1102 = vector.extract_strided_slice %get3A_312 {offsets = [12], sizes = [1], strides = [1]} : vector<16xf32> to vector<1xf32>
        %squeeze3A_1103 = vector.extract %slice3A_1102[0] : f32 from vector<1xf32>
        %mul3A_1104 = arith.constant 16 : i32
        %mul3A_1105 = arith.muli %scan3A_306, %mul3A_1104 : i32
        %add3A_1106 = arith.constant 12 : i32
        %add3A_1107 = arith.addi %mul3A_1105, %add3A_1106 : i32
        %get3A_1108 = arith.constant 1 : i32
        %get3A_1109 = arith.index_cast %get3A_1108 : i32 to index
        %get3A_1110 = arith.index_cast %add3A_1107 : i32 to index
        %get3A_1111 = arith.constant 0 : index
        %get3A_1112 = tpu.vector_load %arg10[%get3A_1109, %get3A_1110, %get3A_1111] {strides = array<i32>} : memref<4x112x64xf32, #tpu.memory_space<vmem>>, vector<1x1x16xf32>,
        %get3A_1113 = vector.shape_cast %get3A_1112 : vector<1x1x16xf32> to vector<16xf32>
        %mul3A_1114 = vector.broadcast %squeeze3A_1103 : f32 to vector<16xf32>
        %mul3A_1115 = arith.mulf %get3A_1113, %mul3A_1114 : vector<16xf32>
        %swap3A_1116 = arith.constant 1 : i32
        %swap3A_1117 = arith.index_cast %swap3A_1116 : i32 to index
        %swap3A_1118 = arith.index_cast %add3A_1107 : i32 to index
        %swap3A_1119 = arith.constant 0 : index
        %swap3A_1120 = tpu.vector_load %arg10[%swap3A_1117, %swap3A_1118, %swap3A_1119] {strides = array<i32>} : memref<4x112x64xf32, #tpu.memory_space<vmem>>, vector<1x1x16xf32>,
        %swap3A_1121 = vector.shape_cast %swap3A_1120 : vector<1x1x16xf32> to vector<16xf32>
        %swap3A_1122 = vector.shape_cast %mul3A_1115 : vector<16xf32> to vector<1x1x16xf32>
        tpu.vector_store %arg10[%swap3A_1117, %swap3A_1118, %swap3A_1119], %swap3A_1122 {strides = array<i32>} : memref<4x112x64xf32, #tpu.memory_space<vmem>>, vector<1x1x16xf32>,
        %get3A_1123 = arith.constant 1 : i32
        %get3A_1124 = arith.index_cast %get3A_1123 : i32 to index
        %get3A_1125 = arith.index_cast %add3A_1107 : i32 to index
        %get3A_1126 = arith.constant 16 : index
        %get3A_1127 = tpu.vector_load %arg10[%get3A_1124, %get3A_1125, %get3A_1126] {strides = array<i32>} : memref<4x112x64xf32, #tpu.memory_space<vmem>>, vector<1x1x16xf32>,
        %get3A_1128 = vector.shape_cast %get3A_1127 : vector<1x1x16xf32> to vector<16xf32>
        %mul3A_1129 = vector.broadcast %squeeze3A_1103 : f32 to vector<16xf32>
        %mul3A_1130 = arith.mulf %get3A_1128, %mul3A_1129 : vector<16xf32>
        %swap3A_1131 = arith.constant 1 : i32
        %swap3A_1132 = arith.index_cast %swap3A_1131 : i32 to index
        %swap3A_1133 = arith.index_cast %add3A_1107 : i32 to index
        %swap3A_1134 = arith.constant 16 : index
        %swap3A_1135 = tpu.vector_load %arg10[%swap3A_1132, %swap3A_1133, %swap3A_1134] {strides = array<i32>} : memref<4x112x64xf32, #tpu.memory_space<vmem>>, vector<1x1x16xf32>,
        %swap3A_1136 = vector.shape_cast %swap3A_1135 : vector<1x1x16xf32> to vector<16xf32>
        %swap3A_1137 = vector.shape_cast %mul3A_1130 : vector<16xf32> to vector<1x1x16xf32>
        tpu.vector_store %arg10[%swap3A_1132, %swap3A_1133, %swap3A_1134], %swap3A_1137 {strides = array<i32>} : memref<4x112x64xf32, #tpu.memory_space<vmem>>, vector<1x1x16xf32>,
        %get3A_1138 = arith.constant 1 : i32
        %get3A_1139 = arith.index_cast %get3A_1138 : i32 to index
        %get3A_1140 = arith.index_cast %add3A_1107 : i32 to index
        %get3A_1141 = arith.constant 32 : index
        %get3A_1142 = tpu.vector_load %arg10[%get3A_1139, %get3A_1140, %get3A_1141] {strides = array<i32>} : memref<4x112x64xf32, #tpu.memory_space<vmem>>, vector<1x1x16xf32>,
        %get3A_1143 = vector.shape_cast %get3A_1142 : vector<1x1x16xf32> to vector<16xf32>
        %mul3A_1144 = vector.broadcast %squeeze3A_1103 : f32 to vector<16xf32>
        %mul3A_1145 = arith.mulf %get3A_1143, %mul3A_1144 : vector<16xf32>
        %swap3A_1146 = arith.constant 1 : i32
        %swap3A_1147 = arith.index_cast %swap3A_1146 : i32 to index
        %swap3A_1148 = arith.index_cast %add3A_1107 : i32 to index
        %swap3A_1149 = arith.constant 32 : index
        %swap3A_1150 = tpu.vector_load %arg10[%swap3A_1147, %swap3A_1148, %swap3A_1149] {strides = array<i32>} : memref<4x112x64xf32, #tpu.memory_space<vmem>>, vector<1x1x16xf32>,
        %swap3A_1151 = vector.shape_cast %swap3A_1150 : vector<1x1x16xf32> to vector<16xf32>
        %swap3A_1152 = vector.shape_cast %mul3A_1145 : vector<16xf32> to vector<1x1x16xf32>
        tpu.vector_store %arg10[%swap3A_1147, %swap3A_1148, %swap3A_1149], %swap3A_1152 {strides = array<i32>} : memref<4x112x64xf32, #tpu.memory_space<vmem>>, vector<1x1x16xf32>,
        %get3A_1153 = arith.constant 1 : i32
        %get3A_1154 = arith.index_cast %get3A_1153 : i32 to index
        %get3A_1155 = arith.index_cast %add3A_1107 : i32 to index
        %get3A_1156 = arith.constant 48 : index
        %get3A_1157 = tpu.vector_load %arg10[%get3A_1154, %get3A_1155, %get3A_1156] {strides = array<i32>} : memref<4x112x64xf32, #tpu.memory_space<vmem>>, vector<1x1x16xf32>,
        %get3A_1158 = vector.shape_cast %get3A_1157 : vector<1x1x16xf32> to vector<16xf32>
        %mul3A_1159 = vector.broadcast %squeeze3A_1103 : f32 to vector<16xf32>
        %mul3A_1160 = arith.mulf %get3A_1158, %mul3A_1159 : vector<16xf32>
        %swap3A_1161 = arith.constant 1 : i32
        %swap3A_1162 = arith.index_cast %swap3A_1161 : i32 to index
        %swap3A_1163 = arith.index_cast %add3A_1107 : i32 to index
        %swap3A_1164 = arith.constant 48 : index
        %swap3A_1165 = tpu.vector_load %arg10[%swap3A_1162, %swap3A_1163, %swap3A_1164] {strides = array<i32>} : memref<4x112x64xf32, #tpu.memory_space<vmem>>, vector<1x1x16xf32>,
        %swap3A_1166 = vector.shape_cast %swap3A_1165 : vector<1x1x16xf32> to vector<16xf32>
        %swap3A_1167 = vector.shape_cast %mul3A_1160 : vector<16xf32> to vector<1x1x16xf32>
        tpu.vector_store %arg10[%swap3A_1162, %swap3A_1163, %swap3A_1164], %swap3A_1167 {strides = array<i32>} : memref<4x112x64xf32, #tpu.memory_space<vmem>>, vector<1x1x16xf32>,
        %slice3A_1168 = vector.extract_strided_slice %get3A_312 {offsets = [13], sizes = [1], strides = [1]} : vector<16xf32> to vector<1xf32>
        %squeeze3A_1169 = vector.extract %slice3A_1168[0] : f32 from vector<1xf32>
        %mul3A_1170 = arith.constant 16 : i32
        %mul3A_1171 = arith.muli %scan3A_306, %mul3A_1170 : i32
        %add3A_1172 = arith.constant 13 : i32
        %add3A_1173 = arith.addi %mul3A_1171, %add3A_1172 : i32
        %get3A_1174 = arith.constant 1 : i32
        %get3A_1175 = arith.index_cast %get3A_1174 : i32 to index
        %get3A_1176 = arith.index_cast %add3A_1173 : i32 to index
        %get3A_1177 = arith.constant 0 : index
        %get3A_1178 = tpu.vector_load %arg10[%get3A_1175, %get3A_1176, %get3A_1177] {strides = array<i32>} : memref<4x112x64xf32, #tpu.memory_space<vmem>>, vector<1x1x16xf32>,
        %get3A_1179 = vector.shape_cast %get3A_1178 : vector<1x1x16xf32> to vector<16xf32>
        %mul3A_1180 = vector.broadcast %squeeze3A_1169 : f32 to vector<16xf32>
        %mul3A_1181 = arith.mulf %get3A_1179, %mul3A_1180 : vector<16xf32>
        %swap3A_1182 = arith.constant 1 : i32
        %swap3A_1183 = arith.index_cast %swap3A_1182 : i32 to index
        %swap3A_1184 = arith.index_cast %add3A_1173 : i32 to index
        %swap3A_1185 = arith.constant 0 : index
        %swap3A_1186 = tpu.vector_load %arg10[%swap3A_1183, %swap3A_1184, %swap3A_1185] {strides = array<i32>} : memref<4x112x64xf32, #tpu.memory_space<vmem>>, vector<1x1x16xf32>,
        %swap3A_1187 = vector.shape_cast %swap3A_1186 : vector<1x1x16xf32> to vector<16xf32>
        %swap3A_1188 = vector.shape_cast %mul3A_1181 : vector<16xf32> to vector<1x1x16xf32>
        tpu.vector_store %arg10[%swap3A_1183, %swap3A_1184, %swap3A_1185], %swap3A_1188 {strides = array<i32>} : memref<4x112x64xf32, #tpu.memory_space<vmem>>, vector<1x1x16xf32>,
        %get3A_1189 = arith.constant 1 : i32
        %get3A_1190 = arith.index_cast %get3A_1189 : i32 to index
        %get3A_1191 = arith.index_cast %add3A_1173 : i32 to index
        %get3A_1192 = arith.constant 16 : index
        %get3A_1193 = tpu.vector_load %arg10[%get3A_1190, %get3A_1191, %get3A_1192] {strides = array<i32>} : memref<4x112x64xf32, #tpu.memory_space<vmem>>, vector<1x1x16xf32>,
        %get3A_1194 = vector.shape_cast %get3A_1193 : vector<1x1x16xf32> to vector<16xf32>
        %mul3A_1195 = vector.broadcast %squeeze3A_1169 : f32 to vector<16xf32>
        %mul3A_1196 = arith.mulf %get3A_1194, %mul3A_1195 : vector<16xf32>
        %swap3A_1197 = arith.constant 1 : i32
        %swap3A_1198 = arith.index_cast %swap3A_1197 : i32 to index
        %swap3A_1199 = arith.index_cast %add3A_1173 : i32 to index
        %swap3A_1200 = arith.constant 16 : index
        %swap3A_1201 = tpu.vector_load %arg10[%swap3A_1198, %swap3A_1199, %swap3A_1200] {strides = array<i32>} : memref<4x112x64xf32, #tpu.memory_space<vmem>>, vector<1x1x16xf32>,
        %swap3A_1202 = vector.shape_cast %swap3A_1201 : vector<1x1x16xf32> to vector<16xf32>
        %swap3A_1203 = vector.shape_cast %mul3A_1196 : vector<16xf32> to vector<1x1x16xf32>
        tpu.vector_store %arg10[%swap3A_1198, %swap3A_1199, %swap3A_1200], %swap3A_1203 {strides = array<i32>} : memref<4x112x64xf32, #tpu.memory_space<vmem>>, vector<1x1x16xf32>,
        %get3A_1204 = arith.constant 1 : i32
        %get3A_1205 = arith.index_cast %get3A_1204 : i32 to index
        %get3A_1206 = arith.index_cast %add3A_1173 : i32 to index
        %get3A_1207 = arith.constant 32 : index
        %get3A_1208 = tpu.vector_load %arg10[%get3A_1205, %get3A_1206, %get3A_1207] {strides = array<i32>} : memref<4x112x64xf32, #tpu.memory_space<vmem>>, vector<1x1x16xf32>,
        %get3A_1209 = vector.shape_cast %get3A_1208 : vector<1x1x16xf32> to vector<16xf32>
        %mul3A_1210 = vector.broadcast %squeeze3A_1169 : f32 to vector<16xf32>
        %mul3A_1211 = arith.mulf %get3A_1209, %mul3A_1210 : vector<16xf32>
        %swap3A_1212 = arith.constant 1 : i32
        %swap3A_1213 = arith.index_cast %swap3A_1212 : i32 to index
        %swap3A_1214 = arith.index_cast %add3A_1173 : i32 to index
        %swap3A_1215 = arith.constant 32 : index
        %swap3A_1216 = tpu.vector_load %arg10[%swap3A_1213, %swap3A_1214, %swap3A_1215] {strides = array<i32>} : memref<4x112x64xf32, #tpu.memory_space<vmem>>, vector<1x1x16xf32>,
        %swap3A_1217 = vector.shape_cast %swap3A_1216 : vector<1x1x16xf32> to vector<16xf32>
        %swap3A_1218 = vector.shape_cast %mul3A_1211 : vector<16xf32> to vector<1x1x16xf32>
        tpu.vector_store %arg10[%swap3A_1213, %swap3A_1214, %swap3A_1215], %swap3A_1218 {strides = array<i32>} : memref<4x112x64xf32, #tpu.memory_space<vmem>>, vector<1x1x16xf32>,
        %get3A_1219 = arith.constant 1 : i32
        %get3A_1220 = arith.index_cast %get3A_1219 : i32 to index
        %get3A_1221 = arith.index_cast %add3A_1173 : i32 to index
        %get3A_1222 = arith.constant 48 : index
        %get3A_1223 = tpu.vector_load %arg10[%get3A_1220, %get3A_1221, %get3A_1222] {strides = array<i32>} : memref<4x112x64xf32, #tpu.memory_space<vmem>>, vector<1x1x16xf32>,
        %get3A_1224 = vector.shape_cast %get3A_1223 : vector<1x1x16xf32> to vector<16xf32>
        %mul3A_1225 = vector.broadcast %squeeze3A_1169 : f32 to vector<16xf32>
        %mul3A_1226 = arith.mulf %get3A_1224, %mul3A_1225 : vector<16xf32>
        %swap3A_1227 = arith.constant 1 : i32
        %swap3A_1228 = arith.index_cast %swap3A_1227 : i32 to index
        %swap3A_1229 = arith.index_cast %add3A_1173 : i32 to index
        %swap3A_1230 = arith.constant 48 : index
        %swap3A_1231 = tpu.vector_load %arg10[%swap3A_1228, %swap3A_1229, %swap3A_1230] {strides = array<i32>} : memref<4x112x64xf32, #tpu.memory_space<vmem>>, vector<1x1x16xf32>,
        %swap3A_1232 = vector.shape_cast %swap3A_1231 : vector<1x1x16xf32> to vector<16xf32>
        %swap3A_1233 = vector.shape_cast %mul3A_1226 : vector<16xf32> to vector<1x1x16xf32>
        tpu.vector_store %arg10[%swap3A_1228, %swap3A_1229, %swap3A_1230], %swap3A_1233 {strides = array<i32>} : memref<4x112x64xf32, #tpu.memory_space<vmem>>, vector<1x1x16xf32>,
        %slice3A_1234 = vector.extract_strided_slice %get3A_312 {offsets = [14], sizes = [1], strides = [1]} : vector<16xf32> to vector<1xf32>
        %squeeze3A_1235 = vector.extract %slice3A_1234[0] : f32 from vector<1xf32>
        %mul3A_1236 = arith.constant 16 : i32
        %mul3A_1237 = arith.muli %scan3A_306, %mul3A_1236 : i32
        %add3A_1238 = arith.constant 14 : i32
        %add3A_1239 = arith.addi %mul3A_1237, %add3A_1238 : i32
        %get3A_1240 = arith.constant 1 : i32
        %get3A_1241 = arith.index_cast %get3A_1240 : i32 to index
        %get3A_1242 = arith.index_cast %add3A_1239 : i32 to index
        %get3A_1243 = arith.constant 0 : index
        %get3A_1244 = tpu.vector_load %arg10[%get3A_1241, %get3A_1242, %get3A_1243] {strides = array<i32>} : memref<4x112x64xf32, #tpu.memory_space<vmem>>, vector<1x1x16xf32>,
        %get3A_1245 = vector.shape_cast %get3A_1244 : vector<1x1x16xf32> to vector<16xf32>
        %mul3A_1246 = vector.broadcast %squeeze3A_1235 : f32 to vector<16xf32>
        %mul3A_1247 = arith.mulf %get3A_1245, %mul3A_1246 : vector<16xf32>
        %swap3A_1248 = arith.constant 1 : i32
        %swap3A_1249 = arith.index_cast %swap3A_1248 : i32 to index
        %swap3A_1250 = arith.index_cast %add3A_1239 : i32 to index
        %swap3A_1251 = arith.constant 0 : index
        %swap3A_1252 = tpu.vector_load %arg10[%swap3A_1249, %swap3A_1250, %swap3A_1251] {strides = array<i32>} : memref<4x112x64xf32, #tpu.memory_space<vmem>>, vector<1x1x16xf32>,
        %swap3A_1253 = vector.shape_cast %swap3A_1252 : vector<1x1x16xf32> to vector<16xf32>
        %swap3A_1254 = vector.shape_cast %mul3A_1247 : vector<16xf32> to vector<1x1x16xf32>
        tpu.vector_store %arg10[%swap3A_1249, %swap3A_1250, %swap3A_1251], %swap3A_1254 {strides = array<i32>} : memref<4x112x64xf32, #tpu.memory_space<vmem>>, vector<1x1x16xf32>,
        %get3A_1255 = arith.constant 1 : i32
        %get3A_1256 = arith.index_cast %get3A_1255 : i32 to index
        %get3A_1257 = arith.index_cast %add3A_1239 : i32 to index
        %get3A_1258 = arith.constant 16 : index
        %get3A_1259 = tpu.vector_load %arg10[%get3A_1256, %get3A_1257, %get3A_1258] {strides = array<i32>} : memref<4x112x64xf32, #tpu.memory_space<vmem>>, vector<1x1x16xf32>,
        %get3A_1260 = vector.shape_cast %get3A_1259 : vector<1x1x16xf32> to vector<16xf32>
        %mul3A_1261 = vector.broadcast %squeeze3A_1235 : f32 to vector<16xf32>
        %mul3A_1262 = arith.mulf %get3A_1260, %mul3A_1261 : vector<16xf32>
        %swap3A_1263 = arith.constant 1 : i32
        %swap3A_1264 = arith.index_cast %swap3A_1263 : i32 to index
        %swap3A_1265 = arith.index_cast %add3A_1239 : i32 to index
        %swap3A_1266 = arith.constant 16 : index
        %swap3A_1267 = tpu.vector_load %arg10[%swap3A_1264, %swap3A_1265, %swap3A_1266] {strides = array<i32>} : memref<4x112x64xf32, #tpu.memory_space<vmem>>, vector<1x1x16xf32>,
        %swap3A_1268 = vector.shape_cast %swap3A_1267 : vector<1x1x16xf32> to vector<16xf32>
        %swap3A_1269 = vector.shape_cast %mul3A_1262 : vector<16xf32> to vector<1x1x16xf32>
        tpu.vector_store %arg10[%swap3A_1264, %swap3A_1265, %swap3A_1266], %swap3A_1269 {strides = array<i32>} : memref<4x112x64xf32, #tpu.memory_space<vmem>>, vector<1x1x16xf32>,
        %get3A_1270 = arith.constant 1 : i32
        %get3A_1271 = arith.index_cast %get3A_1270 : i32 to index
        %get3A_1272 = arith.index_cast %add3A_1239 : i32 to index
        %get3A_1273 = arith.constant 32 : index
        %get3A_1274 = tpu.vector_load %arg10[%get3A_1271, %get3A_1272, %get3A_1273] {strides = array<i32>} : memref<4x112x64xf32, #tpu.memory_space<vmem>>, vector<1x1x16xf32>,
        %get3A_1275 = vector.shape_cast %get3A_1274 : vector<1x1x16xf32> to vector<16xf32>
        %mul3A_1276 = vector.broadcast %squeeze3A_1235 : f32 to vector<16xf32>
        %mul3A_1277 = arith.mulf %get3A_1275, %mul3A_1276 : vector<16xf32>
        %swap3A_1278 = arith.constant 1 : i32
        %swap3A_1279 = arith.index_cast %swap3A_1278 : i32 to index
        %swap3A_1280 = arith.index_cast %add3A_1239 : i32 to index
        %swap3A_1281 = arith.constant 32 : index
        %swap3A_1282 = tpu.vector_load %arg10[%swap3A_1279, %swap3A_1280, %swap3A_1281] {strides = array<i32>} : memref<4x112x64xf32, #tpu.memory_space<vmem>>, vector<1x1x16xf32>,
        %swap3A_1283 = vector.shape_cast %swap3A_1282 : vector<1x1x16xf32> to vector<16xf32>
        %swap3A_1284 = vector.shape_cast %mul3A_1277 : vector<16xf32> to vector<1x1x16xf32>
        tpu.vector_store %arg10[%swap3A_1279, %swap3A_1280, %swap3A_1281], %swap3A_1284 {strides = array<i32>} : memref<4x112x64xf32, #tpu.memory_space<vmem>>, vector<1x1x16xf32>,
        %get3A_1285 = arith.constant 1 : i32
        %get3A_1286 = arith.index_cast %get3A_1285 : i32 to index
        %get3A_1287 = arith.index_cast %add3A_1239 : i32 to index
        %get3A_1288 = arith.constant 48 : index
        %get3A_1289 = tpu.vector_load %arg10[%get3A_1286, %get3A_1287, %get3A_1288] {strides = array<i32>} : memref<4x112x64xf32, #tpu.memory_space<vmem>>, vector<1x1x16xf32>,
        %get3A_1290 = vector.shape_cast %get3A_1289 : vector<1x1x16xf32> to vector<16xf32>
        %mul3A_1291 = vector.broadcast %squeeze3A_1235 : f32 to vector<16xf32>
        %mul3A_1292 = arith.mulf %get3A_1290, %mul3A_1291 : vector<16xf32>
        %swap3A_1293 = arith.constant 1 : i32
        %swap3A_1294 = arith.index_cast %swap3A_1293 : i32 to index
        %swap3A_1295 = arith.index_cast %add3A_1239 : i32 to index
        %swap3A_1296 = arith.constant 48 : index
        %swap3A_1297 = tpu.vector_load %arg10[%swap3A_1294, %swap3A_1295, %swap3A_1296] {strides = array<i32>} : memref<4x112x64xf32, #tpu.memory_space<vmem>>, vector<1x1x16xf32>,
        %swap3A_1298 = vector.shape_cast %swap3A_1297 : vector<1x1x16xf32> to vector<16xf32>
        %swap3A_1299 = vector.shape_cast %mul3A_1292 : vector<16xf32> to vector<1x1x16xf32>
        tpu.vector_store %arg10[%swap3A_1294, %swap3A_1295, %swap3A_1296], %swap3A_1299 {strides = array<i32>} : memref<4x112x64xf32, #tpu.memory_space<vmem>>, vector<1x1x16xf32>,
        %slice3A_1300 = vector.extract_strided_slice %get3A_312 {offsets = [15], sizes = [1], strides = [1]} : vector<16xf32> to vector<1xf32>
        %squeeze3A_1301 = vector.extract %slice3A_1300[0] : f32 from vector<1xf32>
        %mul3A_1302 = arith.constant 16 : i32
        %mul3A_1303 = arith.muli %scan3A_306, %mul3A_1302 : i32
        %add3A_1304 = arith.constant 15 : i32
        %add3A_1305 = arith.addi %mul3A_1303, %add3A_1304 : i32
        %get3A_1306 = arith.constant 1 : i32
        %get3A_1307 = arith.index_cast %get3A_1306 : i32 to index
        %get3A_1308 = arith.index_cast %add3A_1305 : i32 to index
        %get3A_1309 = arith.constant 0 : index
        %get3A_1310 = tpu.vector_load %arg10[%get3A_1307, %get3A_1308, %get3A_1309] {strides = array<i32>} : memref<4x112x64xf32, #tpu.memory_space<vmem>>, vector<1x1x16xf32>,
        %get3A_1311 = vector.shape_cast %get3A_1310 : vector<1x1x16xf32> to vector<16xf32>
        %mul3A_1312 = vector.broadcast %squeeze3A_1301 : f32 to vector<16xf32>
        %mul3A_1313 = arith.mulf %get3A_1311, %mul3A_1312 : vector<16xf32>
        %swap3A_1314 = arith.constant 1 : i32
        %swap3A_1315 = arith.index_cast %swap3A_1314 : i32 to index
        %swap3A_1316 = arith.index_cast %add3A_1305 : i32 to index
        %swap3A_1317 = arith.constant 0 : index
        %swap3A_1318 = tpu.vector_load %arg10[%swap3A_1315, %swap3A_1316, %swap3A_1317] {strides = array<i32>} : memref<4x112x64xf32, #tpu.memory_space<vmem>>, vector<1x1x16xf32>,
        %swap3A_1319 = vector.shape_cast %swap3A_1318 : vector<1x1x16xf32> to vector<16xf32>
        %swap3A_1320 = vector.shape_cast %mul3A_1313 : vector<16xf32> to vector<1x1x16xf32>
        tpu.vector_store %arg10[%swap3A_1315, %swap3A_1316, %swap3A_1317], %swap3A_1320 {strides = array<i32>} : memref<4x112x64xf32, #tpu.memory_space<vmem>>, vector<1x1x16xf32>,
        %get3A_1321 = arith.constant 1 : i32
        %get3A_1322 = arith.index_cast %get3A_1321 : i32 to index
        %get3A_1323 = arith.index_cast %add3A_1305 : i32 to index
        %get3A_1324 = arith.constant 16 : index
        %get3A_1325 = tpu.vector_load %arg10[%get3A_1322, %get3A_1323, %get3A_1324] {strides = array<i32>} : memref<4x112x64xf32, #tpu.memory_space<vmem>>, vector<1x1x16xf32>,
        %get3A_1326 = vector.shape_cast %get3A_1325 : vector<1x1x16xf32> to vector<16xf32>
        %mul3A_1327 = vector.broadcast %squeeze3A_1301 : f32 to vector<16xf32>
        %mul3A_1328 = arith.mulf %get3A_1326, %mul3A_1327 : vector<16xf32>
        %swap3A_1329 = arith.constant 1 : i32
        %swap3A_1330 = arith.index_cast %swap3A_1329 : i32 to index
        %swap3A_1331 = arith.index_cast %add3A_1305 : i32 to index
        %swap3A_1332 = arith.constant 16 : index
        %swap3A_1333 = tpu.vector_load %arg10[%swap3A_1330, %swap3A_1331, %swap3A_1332] {strides = array<i32>} : memref<4x112x64xf32, #tpu.memory_space<vmem>>, vector<1x1x16xf32>,
        %swap3A_1334 = vector.shape_cast %swap3A_1333 : vector<1x1x16xf32> to vector<16xf32>
        %swap3A_1335 = vector.shape_cast %mul3A_1328 : vector<16xf32> to vector<1x1x16xf32>
        tpu.vector_store %arg10[%swap3A_1330, %swap3A_1331, %swap3A_1332], %swap3A_1335 {strides = array<i32>} : memref<4x112x64xf32, #tpu.memory_space<vmem>>, vector<1x1x16xf32>,
        %get3A_1336 = arith.constant 1 : i32
        %get3A_1337 = arith.index_cast %get3A_1336 : i32 to index
        %get3A_1338 = arith.index_cast %add3A_1305 : i32 to index
        %get3A_1339 = arith.constant 32 : index
        %get3A_1340 = tpu.vector_load %arg10[%get3A_1337, %get3A_1338, %get3A_1339] {strides = array<i32>} : memref<4x112x64xf32, #tpu.memory_space<vmem>>, vector<1x1x16xf32>,
        %get3A_1341 = vector.shape_cast %get3A_1340 : vector<1x1x16xf32> to vector<16xf32>
        %mul3A_1342 = vector.broadcast %squeeze3A_1301 : f32 to vector<16xf32>
        %mul3A_1343 = arith.mulf %get3A_1341, %mul3A_1342 : vector<16xf32>
        %swap3A_1344 = arith.constant 1 : i32
        %swap3A_1345 = arith.index_cast %swap3A_1344 : i32 to index
        %swap3A_1346 = arith.index_cast %add3A_1305 : i32 to index
        %swap3A_1347 = arith.constant 32 : index
        %swap3A_1348 = tpu.vector_load %arg10[%swap3A_1345, %swap3A_1346, %swap3A_1347] {strides = array<i32>} : memref<4x112x64xf32, #tpu.memory_space<vmem>>, vector<1x1x16xf32>,
        %swap3A_1349 = vector.shape_cast %swap3A_1348 : vector<1x1x16xf32> to vector<16xf32>
        %swap3A_1350 = vector.shape_cast %mul3A_1343 : vector<16xf32> to vector<1x1x16xf32>
        tpu.vector_store %arg10[%swap3A_1345, %swap3A_1346, %swap3A_1347], %swap3A_1350 {strides = array<i32>} : memref<4x112x64xf32, #tpu.memory_space<vmem>>, vector<1x1x16xf32>,
        %get3A_1351 = arith.constant 1 : i32
        %get3A_1352 = arith.index_cast %get3A_1351 : i32 to index
        %get3A_1353 = arith.index_cast %add3A_1305 : i32 to index
        %get3A_1354 = arith.constant 48 : index
        %get3A_1355 = tpu.vector_load %arg10[%get3A_1352, %get3A_1353, %get3A_1354] {strides = array<i32>} : memref<4x112x64xf32, #tpu.memory_space<vmem>>, vector<1x1x16xf32>,
        %get3A_1356 = vector.shape_cast %get3A_1355 : vector<1x1x16xf32> to vector<16xf32>
        %mul3A_1357 = vector.broadcast %squeeze3A_1301 : f32 to vector<16xf32>
        %mul3A_1358 = arith.mulf %get3A_1356, %mul3A_1357 : vector<16xf32>
        %swap3A_1359 = arith.constant 1 : i32
        %swap3A_1360 = arith.index_cast %swap3A_1359 : i32 to index
        %swap3A_1361 = arith.index_cast %add3A_1305 : i32 to index
        %swap3A_1362 = arith.constant 48 : index
        %swap3A_1363 = tpu.vector_load %arg10[%swap3A_1360, %swap3A_1361, %swap3A_1362] {strides = array<i32>} : memref<4x112x64xf32, #tpu.memory_space<vmem>>, vector<1x1x16xf32>,
        %swap3A_1364 = vector.shape_cast %swap3A_1363 : vector<1x1x16xf32> to vector<16xf32>
        %swap3A_1365 = vector.shape_cast %mul3A_1358 : vector<16xf32> to vector<1x1x16xf32>
        tpu.vector_store %arg10[%swap3A_1360, %swap3A_1361, %swap3A_1362], %swap3A_1365 {strides = array<i32>} : memref<4x112x64xf32, #tpu.memory_space<vmem>>, vector<1x1x16xf32>,
        %scan3A_1366 = arith.constant 0 : i32
        scf.yield %scan3A_1366 : i32
      }
      %scan3A_186 = arith.constant 7 : i32
      %dma_start3A_187 = arith.constant 1 : i32
      %dma_start3A_188 = arith.constant 1 : i32
      %dma_start3A_189 = arith.constant 0 : i32
      %dma_start3A_190 = arith.constant 0 : i32
      %dma_start3A_191 = tpu.memref_slice %arg10[%dma_start3A_187, %dma_start3A_189, %dma_start3A_190] : memref<4x112x64xf32, #tpu.memory_space<vmem>> -> memref<1x112x64xf32, #tpu.memory_space<vmem>>
      %dma_start3A_192 = tpu.memref_squeeze %dma_start3A_191 : memref<1x112x64xf32, #tpu.memory_space<vmem>> -> memref<112x64xf32, #tpu.memory_space<vmem>>
      %dma_start3A_193 = arith.constant 0 : i32
      %dma_start3A_194 = tpu.memref_slice %arg8[%add3A_152, %dma_start3A_193] : memref<180x112xi32, #tpu.memory_space<vmem>> -> memref<1x112xi32, #tpu.memory_space<vmem>>
      %dma_start3A_195 = tpu.memref_squeeze %dma_start3A_194 : memref<1x112xi32, #tpu.memory_space<vmem>> -> memref<112xi32, #tpu.memory_space<vmem>>
      %dma_start3A_196 = arith.constant 0 : i32
      %dma_start3A_197 = arith.constant 0 : i32
      %dma_start3A_198 = tpu.memref_slice %arg11[%dma_start3A_196, %dma_start3A_197] : memref<10112x64xf32, #tpu.memory_space<vmem_shared>> -> memref<10112x64xf32, #tpu.memory_space<vmem_shared>>
      %dma_start3A_199 = tpu.memref_slice %arg13[%dma_start3A_188] : memref<4x!tpu.dma_semaphore, #tpu.memory_space<semaphore_mem>> -> memref<1x!tpu.dma_semaphore, #tpu.memory_space<semaphore_mem>>
      %dma_start3A_200 = tpu.memref_squeeze %dma_start3A_199 : memref<1x!tpu.dma_semaphore, #tpu.memory_space<semaphore_mem>> -> memref<!tpu.dma_semaphore, #tpu.memory_space<semaphore_mem>>
      tpu.enqueue_indirect_dma source(%dma_start3A_192 : memref<112x64xf32, #tpu.memory_space<vmem>>) target(%dma_start3A_198 : memref<10112x64xf32, #tpu.memory_space<vmem_shared>>) offsets(%dma_start3A_195 : memref<112xi32, #tpu.memory_space<vmem>>) semaphore(%dma_start3A_200 : memref<!tpu.dma_semaphore, #tpu.memory_space<semaphore_mem>>) {add = true}
      %mul3A_201 = arith.constant 4 : i32
      %mul3A_202 = arith.muli %scan3A_99, %mul3A_201 : i32
      %add3A_203 = arith.constant 2 : i32
      %add3A_204 = arith.addi %mul3A_202, %add3A_203 : i32
      %ge3A_205 = arith.constant 2 : i32
      %ge3A_206 = arith.cmpi sge, %add3A_204, %ge3A_205 : i32
      %convert_element_type3A_207 = arith.extui %ge3A_206 : i1 to i32
      %cond3A_208 = arith.constant 0 : i32
      %cond3A_209 = arith.cmpi ne, %convert_element_type3A_207, %cond3A_208 : i32
      scf.if %cond3A_209 {
        %dma_wait3A_306 = arith.constant 0 : i32
        %dma_wait3A_307 = arith.constant 0 : i32
        %dma_wait3A_308 = arith.constant 0 : i32
        %dma_wait3A_309 = arith.constant 0 : i32
        %dma_wait3A_310 = arith.constant 0 : i32
        %dma_wait3A_311 = tpu.memref_slice %arg10[%dma_wait3A_306, %dma_wait3A_309, %dma_wait3A_310] : memref<4x112x64xf32, #tpu.memory_space<vmem>> -> memref<1x112x64xf32, #tpu.memory_space<vmem>>
        %dma_wait3A_312 = tpu.memref_squeeze %dma_wait3A_311 : memref<1x112x64xf32, #tpu.memory_space<vmem>> -> memref<112x64xf32, #tpu.memory_space<vmem>>
        %dma_wait3A_313 = arith.constant 0 : i32
        %dma_wait3A_314 = tpu.memref_slice %arg8[%dma_wait3A_307, %dma_wait3A_313] : memref<180x112xi32, #tpu.memory_space<vmem>> -> memref<1x112xi32, #tpu.memory_space<vmem>>
        %dma_wait3A_315 = tpu.memref_squeeze %dma_wait3A_314 : memref<1x112xi32, #tpu.memory_space<vmem>> -> memref<112xi32, #tpu.memory_space<vmem>>
        %dma_wait3A_316 = arith.constant 0 : i32
        %dma_wait3A_317 = arith.constant 0 : i32
        %dma_wait3A_318 = tpu.memref_slice %arg11[%dma_wait3A_316, %dma_wait3A_317] : memref<10112x64xf32, #tpu.memory_space<vmem_shared>> -> memref<10112x64xf32, #tpu.memory_space<vmem_shared>>
        %dma_wait3A_319 = tpu.memref_slice %arg13[%dma_wait3A_308] : memref<4x!tpu.dma_semaphore, #tpu.memory_space<semaphore_mem>> -> memref<1x!tpu.dma_semaphore, #tpu.memory_space<semaphore_mem>>
        %dma_wait3A_320 = tpu.memref_squeeze %dma_wait3A_319 : memref<1x!tpu.dma_semaphore, #tpu.memory_space<semaphore_mem>> -> memref<!tpu.dma_semaphore, #tpu.memory_space<semaphore_mem>>
        tpu.wait_indirect_dma semaphore(%dma_wait3A_320 : memref<!tpu.dma_semaphore, #tpu.memory_space<semaphore_mem>>) src(%dma_wait3A_312 : memref<112x64xf32, #tpu.memory_space<vmem>>) dst(%dma_wait3A_318 : memref<10112x64xf32, #tpu.memory_space<vmem_shared>>)
      } else {
      }
      %add3A_210 = arith.constant 2 : i32
      %add3A_211 = arith.addi %add3A_204, %add3A_210 : i32
      %lt3A_212 = arith.constant 180 : i32
      %lt3A_213 = arith.cmpi slt, %add3A_211, %lt3A_212 : i32
      %convert_element_type3A_214 = arith.extui %lt3A_213 : i1 to i32
      %cond3A_215 = arith.constant 0 : i32
      %cond3A_216 = arith.cmpi ne, %convert_element_type3A_214, %cond3A_215 : i32
      scf.if %cond3A_216 {
        %add3A_306 = arith.constant 2 : i32
        %add3A_307 = arith.addi %add3A_204, %add3A_306 : i32
        %dma_start3A_308 = arith.constant 0 : i32
        %dma_start3A_309 = arith.constant 0 : i32
        %dma_start3A_310 = arith.constant 0 : i32
        %dma_start3A_311 = arith.constant 0 : i32
        %dma_start3A_312 = tpu.memref_slice %arg10[%dma_start3A_308, %dma_start3A_310, %dma_start3A_311] : memref<4x112x64xf32, #tpu.memory_space<vmem>> -> memref<1x112x64xf32, #tpu.memory_space<vmem>>
        %dma_start3A_313 = tpu.memref_squeeze %dma_start3A_312 : memref<1x112x64xf32, #tpu.memory_space<vmem>> -> memref<112x64xf32, #tpu.memory_space<vmem>>
        %dma_start3A_314 = arith.constant 0 : i32
        %dma_start3A_315 = tpu.memref_slice %arg7[%add3A_307, %dma_start3A_314] : memref<180x112xi32, #tpu.memory_space<vmem>> -> memref<1x112xi32, #tpu.memory_space<vmem>>
        %dma_start3A_316 = tpu.memref_squeeze %dma_start3A_315 : memref<1x112xi32, #tpu.memory_space<vmem>> -> memref<112xi32, #tpu.memory_space<vmem>>
        %dma_start3A_317 = arith.constant 0 : i32
        %dma_start3A_318 = arith.constant 0 : i32
        %dma_start3A_319 = tpu.memref_slice %arg2[%dma_start3A_317, %dma_start3A_318] : memref<20000x64xf32, #tpu.memory_space<hbm>> -> memref<20000x64xf32, #tpu.memory_space<hbm>>
        %dma_start3A_320 = tpu.memref_slice %arg12[%dma_start3A_309] : memref<4x!tpu.dma_semaphore, #tpu.memory_space<semaphore_mem>> -> memref<1x!tpu.dma_semaphore, #tpu.memory_space<semaphore_mem>>
        %dma_start3A_321 = tpu.memref_squeeze %dma_start3A_320 : memref<1x!tpu.dma_semaphore, #tpu.memory_space<semaphore_mem>> -> memref<!tpu.dma_semaphore, #tpu.memory_space<semaphore_mem>>
        tpu.enqueue_indirect_dma source(%dma_start3A_319 : memref<20000x64xf32, #tpu.memory_space<hbm>>) target(%dma_start3A_313 : memref<112x64xf32, #tpu.memory_space<vmem>>) offsets(%dma_start3A_316 : memref<112xi32, #tpu.memory_space<vmem>>) semaphore(%dma_start3A_321 : memref<!tpu.dma_semaphore, #tpu.memory_space<semaphore_mem>>)
      } else {
      }
      %dma_wait3A_217 = arith.constant 0 : i32
      %dma_wait3A_218 = arith.constant 2 : i32
      %dma_wait3A_219 = arith.constant 2 : i32
      %dma_wait3A_220 = arith.constant 0 : i32
      %dma_wait3A_221 = arith.constant 0 : i32
      %dma_wait3A_222 = tpu.memref_slice %arg10[%dma_wait3A_218, %dma_wait3A_220, %dma_wait3A_221] : memref<4x112x64xf32, #tpu.memory_space<vmem>> -> memref<1x112x64xf32, #tpu.memory_space<vmem>>
      %dma_wait3A_223 = tpu.memref_squeeze %dma_wait3A_222 : memref<1x112x64xf32, #tpu.memory_space<vmem>> -> memref<112x64xf32, #tpu.memory_space<vmem>>
      %dma_wait3A_224 = arith.constant 0 : i32
      %dma_wait3A_225 = tpu.memref_slice %arg7[%dma_wait3A_217, %dma_wait3A_224] : memref<180x112xi32, #tpu.memory_space<vmem>> -> memref<1x112xi32, #tpu.memory_space<vmem>>
      %dma_wait3A_226 = tpu.memref_squeeze %dma_wait3A_225 : memref<1x112xi32, #tpu.memory_space<vmem>> -> memref<112xi32, #tpu.memory_space<vmem>>
      %dma_wait3A_227 = arith.constant 0 : i32
      %dma_wait3A_228 = arith.constant 0 : i32
      %dma_wait3A_229 = tpu.memref_slice %arg2[%dma_wait3A_227, %dma_wait3A_228] : memref<20000x64xf32, #tpu.memory_space<hbm>> -> memref<20000x64xf32, #tpu.memory_space<hbm>>
      %dma_wait3A_230 = tpu.memref_slice %arg12[%dma_wait3A_219] : memref<4x!tpu.dma_semaphore, #tpu.memory_space<semaphore_mem>> -> memref<1x!tpu.dma_semaphore, #tpu.memory_space<semaphore_mem>>
      %dma_wait3A_231 = tpu.memref_squeeze %dma_wait3A_230 : memref<1x!tpu.dma_semaphore, #tpu.memory_space<semaphore_mem>> -> memref<!tpu.dma_semaphore, #tpu.memory_space<semaphore_mem>>
      tpu.wait_indirect_dma semaphore(%dma_wait3A_231 : memref<!tpu.dma_semaphore, #tpu.memory_space<semaphore_mem>>) src(%dma_wait3A_229 : memref<20000x64xf32, #tpu.memory_space<hbm>>) dst(%dma_wait3A_223 : memref<112x64xf32, #tpu.memory_space<vmem>>)
      %scan3A_232 = arith.constant 0 : i32
      %scan3A_233 = arith.constant 0 : i32
      %scan3A_234 = arith.constant 7 : i32
      %scan3A_235 = arith.addi %scan3A_233, %scan3A_234 : i32
      %scan3A_236 = arith.constant 1 : i32
      %scan3A_237 = scf.for %scan3A_306 = %scan3A_233 to %scan3A_235 step %scan3A_236 iter_args(%scan3A_307 = %scan3A_232) -> (i32)  : i32 {
        %mul3A_308 = arith.constant 16 : i32
        %mul3A_309 = arith.muli %scan3A_306, %mul3A_308 : i32
        %get3A = arith.index_cast %add3A_204 : i32 to index
        %get3A_310 = arith.index_cast %mul3A_309 : i32 to index
        %get3A_311 = tpu.vector_load %arg9[%get3A, %get3A_310] {strides = array<i32>} : memref<180x112xf32, #tpu.memory_space<vmem>>, vector<1x16xf32>,
        %get3A_312 = vector.shape_cast %get3A_311 : vector<1x16xf32> to vector<16xf32>
        %slice3A = vector.extract_strided_slice %get3A_312 {offsets = [0], sizes = [1], strides = [1]} : vector<16xf32> to vector<1xf32>
        %squeeze3A = vector.extract %slice3A[0] : f32 from vector<1xf32>
        %mul3A_313 = arith.constant 16 : i32
        %mul3A_314 = arith.muli %scan3A_306, %mul3A_313 : i32
        %add3A_315 = arith.constant 0 : i32
        %add3A_316 = arith.addi %mul3A_314, %add3A_315 : i32
        %get3A_317 = arith.constant 2 : i32
        %get3A_318 = arith.index_cast %get3A_317 : i32 to index
        %get3A_319 = arith.index_cast %add3A_316 : i32 to index
        %get3A_320 = arith.constant 0 : index
        %get3A_321 = tpu.vector_load %arg10[%get3A_318, %get3A_319, %get3A_320] {strides = array<i32>} : memref<4x112x64xf32, #tpu.memory_space<vmem>>, vector<1x1x16xf32>,
        %get3A_322 = vector.shape_cast %get3A_321 : vector<1x1x16xf32> to vector<16xf32>
        %mul3A_323 = vector.broadcast %squeeze3A : f32 to vector<16xf32>
        %mul3A_324 = arith.mulf %get3A_322, %mul3A_323 : vector<16xf32>
        %swap3A = arith.constant 2 : i32
        %swap3A_325 = arith.index_cast %swap3A : i32 to index
        %swap3A_326 = arith.index_cast %add3A_316 : i32 to index
        %swap3A_327 = arith.constant 0 : index
        %swap3A_328 = tpu.vector_load %arg10[%swap3A_325, %swap3A_326, %swap3A_327] {strides = array<i32>} : memref<4x112x64xf32, #tpu.memory_space<vmem>>, vector<1x1x16xf32>,
        %swap3A_329 = vector.shape_cast %swap3A_328 : vector<1x1x16xf32> to vector<16xf32>
        %swap3A_330 = vector.shape_cast %mul3A_324 : vector<16xf32> to vector<1x1x16xf32>
        tpu.vector_store %arg10[%swap3A_325, %swap3A_326, %swap3A_327], %swap3A_330 {strides = array<i32>} : memref<4x112x64xf32, #tpu.memory_space<vmem>>, vector<1x1x16xf32>,
        %get3A_331 = arith.constant 2 : i32
        %get3A_332 = arith.index_cast %get3A_331 : i32 to index
        %get3A_333 = arith.index_cast %add3A_316 : i32 to index
        %get3A_334 = arith.constant 16 : index
        %get3A_335 = tpu.vector_load %arg10[%get3A_332, %get3A_333, %get3A_334] {strides = array<i32>} : memref<4x112x64xf32, #tpu.memory_space<vmem>>, vector<1x1x16xf32>,
        %get3A_336 = vector.shape_cast %get3A_335 : vector<1x1x16xf32> to vector<16xf32>
        %mul3A_337 = vector.broadcast %squeeze3A : f32 to vector<16xf32>
        %mul3A_338 = arith.mulf %get3A_336, %mul3A_337 : vector<16xf32>
        %swap3A_339 = arith.constant 2 : i32
        %swap3A_340 = arith.index_cast %swap3A_339 : i32 to index
        %swap3A_341 = arith.index_cast %add3A_316 : i32 to index
        %swap3A_342 = arith.constant 16 : index
        %swap3A_343 = tpu.vector_load %arg10[%swap3A_340, %swap3A_341, %swap3A_342] {strides = array<i32>} : memref<4x112x64xf32, #tpu.memory_space<vmem>>, vector<1x1x16xf32>,
        %swap3A_344 = vector.shape_cast %swap3A_343 : vector<1x1x16xf32> to vector<16xf32>
        %swap3A_345 = vector.shape_cast %mul3A_338 : vector<16xf32> to vector<1x1x16xf32>
        tpu.vector_store %arg10[%swap3A_340, %swap3A_341, %swap3A_342], %swap3A_345 {strides = array<i32>} : memref<4x112x64xf32, #tpu.memory_space<vmem>>, vector<1x1x16xf32>,
        %get3A_346 = arith.constant 2 : i32
        %get3A_347 = arith.index_cast %get3A_346 : i32 to index
        %get3A_348 = arith.index_cast %add3A_316 : i32 to index
        %get3A_349 = arith.constant 32 : index
        %get3A_350 = tpu.vector_load %arg10[%get3A_347, %get3A_348, %get3A_349] {strides = array<i32>} : memref<4x112x64xf32, #tpu.memory_space<vmem>>, vector<1x1x16xf32>,
        %get3A_351 = vector.shape_cast %get3A_350 : vector<1x1x16xf32> to vector<16xf32>
        %mul3A_352 = vector.broadcast %squeeze3A : f32 to vector<16xf32>
        %mul3A_353 = arith.mulf %get3A_351, %mul3A_352 : vector<16xf32>
        %swap3A_354 = arith.constant 2 : i32
        %swap3A_355 = arith.index_cast %swap3A_354 : i32 to index
        %swap3A_356 = arith.index_cast %add3A_316 : i32 to index
        %swap3A_357 = arith.constant 32 : index
        %swap3A_358 = tpu.vector_load %arg10[%swap3A_355, %swap3A_356, %swap3A_357] {strides = array<i32>} : memref<4x112x64xf32, #tpu.memory_space<vmem>>, vector<1x1x16xf32>,
        %swap3A_359 = vector.shape_cast %swap3A_358 : vector<1x1x16xf32> to vector<16xf32>
        %swap3A_360 = vector.shape_cast %mul3A_353 : vector<16xf32> to vector<1x1x16xf32>
        tpu.vector_store %arg10[%swap3A_355, %swap3A_356, %swap3A_357], %swap3A_360 {strides = array<i32>} : memref<4x112x64xf32, #tpu.memory_space<vmem>>, vector<1x1x16xf32>,
        %get3A_361 = arith.constant 2 : i32
        %get3A_362 = arith.index_cast %get3A_361 : i32 to index
        %get3A_363 = arith.index_cast %add3A_316 : i32 to index
        %get3A_364 = arith.constant 48 : index
        %get3A_365 = tpu.vector_load %arg10[%get3A_362, %get3A_363, %get3A_364] {strides = array<i32>} : memref<4x112x64xf32, #tpu.memory_space<vmem>>, vector<1x1x16xf32>,
        %get3A_366 = vector.shape_cast %get3A_365 : vector<1x1x16xf32> to vector<16xf32>
        %mul3A_367 = vector.broadcast %squeeze3A : f32 to vector<16xf32>
        %mul3A_368 = arith.mulf %get3A_366, %mul3A_367 : vector<16xf32>
        %swap3A_369 = arith.constant 2 : i32
        %swap3A_370 = arith.index_cast %swap3A_369 : i32 to index
        %swap3A_371 = arith.index_cast %add3A_316 : i32 to index
        %swap3A_372 = arith.constant 48 : index
        %swap3A_373 = tpu.vector_load %arg10[%swap3A_370, %swap3A_371, %swap3A_372] {strides = array<i32>} : memref<4x112x64xf32, #tpu.memory_space<vmem>>, vector<1x1x16xf32>,
        %swap3A_374 = vector.shape_cast %swap3A_373 : vector<1x1x16xf32> to vector<16xf32>
        %swap3A_375 = vector.shape_cast %mul3A_368 : vector<16xf32> to vector<1x1x16xf32>
        tpu.vector_store %arg10[%swap3A_370, %swap3A_371, %swap3A_372], %swap3A_375 {strides = array<i32>} : memref<4x112x64xf32, #tpu.memory_space<vmem>>, vector<1x1x16xf32>,
        %slice3A_376 = vector.extract_strided_slice %get3A_312 {offsets = [1], sizes = [1], strides = [1]} : vector<16xf32> to vector<1xf32>
        %squeeze3A_377 = vector.extract %slice3A_376[0] : f32 from vector<1xf32>
        %mul3A_378 = arith.constant 16 : i32
        %mul3A_379 = arith.muli %scan3A_306, %mul3A_378 : i32
        %add3A_380 = arith.constant 1 : i32
        %add3A_381 = arith.addi %mul3A_379, %add3A_380 : i32
        %get3A_382 = arith.constant 2 : i32
        %get3A_383 = arith.index_cast %get3A_382 : i32 to index
        %get3A_384 = arith.index_cast %add3A_381 : i32 to index
        %get3A_385 = arith.constant 0 : index
        %get3A_386 = tpu.vector_load %arg10[%get3A_383, %get3A_384, %get3A_385] {strides = array<i32>} : memref<4x112x64xf32, #tpu.memory_space<vmem>>, vector<1x1x16xf32>,
        %get3A_387 = vector.shape_cast %get3A_386 : vector<1x1x16xf32> to vector<16xf32>
        %mul3A_388 = vector.broadcast %squeeze3A_377 : f32 to vector<16xf32>
        %mul3A_389 = arith.mulf %get3A_387, %mul3A_388 : vector<16xf32>
        %swap3A_390 = arith.constant 2 : i32
        %swap3A_391 = arith.index_cast %swap3A_390 : i32 to index
        %swap3A_392 = arith.index_cast %add3A_381 : i32 to index
        %swap3A_393 = arith.constant 0 : index
        %swap3A_394 = tpu.vector_load %arg10[%swap3A_391, %swap3A_392, %swap3A_393] {strides = array<i32>} : memref<4x112x64xf32, #tpu.memory_space<vmem>>, vector<1x1x16xf32>,
        %swap3A_395 = vector.shape_cast %swap3A_394 : vector<1x1x16xf32> to vector<16xf32>
        %swap3A_396 = vector.shape_cast %mul3A_389 : vector<16xf32> to vector<1x1x16xf32>
        tpu.vector_store %arg10[%swap3A_391, %swap3A_392, %swap3A_393], %swap3A_396 {strides = array<i32>} : memref<4x112x64xf32, #tpu.memory_space<vmem>>, vector<1x1x16xf32>,
        %get3A_397 = arith.constant 2 : i32
        %get3A_398 = arith.index_cast %get3A_397 : i32 to index
        %get3A_399 = arith.index_cast %add3A_381 : i32 to index
        %get3A_400 = arith.constant 16 : index
        %get3A_401 = tpu.vector_load %arg10[%get3A_398, %get3A_399, %get3A_400] {strides = array<i32>} : memref<4x112x64xf32, #tpu.memory_space<vmem>>, vector<1x1x16xf32>,
        %get3A_402 = vector.shape_cast %get3A_401 : vector<1x1x16xf32> to vector<16xf32>
        %mul3A_403 = vector.broadcast %squeeze3A_377 : f32 to vector<16xf32>
        %mul3A_404 = arith.mulf %get3A_402, %mul3A_403 : vector<16xf32>
        %swap3A_405 = arith.constant 2 : i32
        %swap3A_406 = arith.index_cast %swap3A_405 : i32 to index
        %swap3A_407 = arith.index_cast %add3A_381 : i32 to index
        %swap3A_408 = arith.constant 16 : index
        %swap3A_409 = tpu.vector_load %arg10[%swap3A_406, %swap3A_407, %swap3A_408] {strides = array<i32>} : memref<4x112x64xf32, #tpu.memory_space<vmem>>, vector<1x1x16xf32>,
        %swap3A_410 = vector.shape_cast %swap3A_409 : vector<1x1x16xf32> to vector<16xf32>
        %swap3A_411 = vector.shape_cast %mul3A_404 : vector<16xf32> to vector<1x1x16xf32>
        tpu.vector_store %arg10[%swap3A_406, %swap3A_407, %swap3A_408], %swap3A_411 {strides = array<i32>} : memref<4x112x64xf32, #tpu.memory_space<vmem>>, vector<1x1x16xf32>,
        %get3A_412 = arith.constant 2 : i32
        %get3A_413 = arith.index_cast %get3A_412 : i32 to index
        %get3A_414 = arith.index_cast %add3A_381 : i32 to index
        %get3A_415 = arith.constant 32 : index
        %get3A_416 = tpu.vector_load %arg10[%get3A_413, %get3A_414, %get3A_415] {strides = array<i32>} : memref<4x112x64xf32, #tpu.memory_space<vmem>>, vector<1x1x16xf32>,
        %get3A_417 = vector.shape_cast %get3A_416 : vector<1x1x16xf32> to vector<16xf32>
        %mul3A_418 = vector.broadcast %squeeze3A_377 : f32 to vector<16xf32>
        %mul3A_419 = arith.mulf %get3A_417, %mul3A_418 : vector<16xf32>
        %swap3A_420 = arith.constant 2 : i32
        %swap3A_421 = arith.index_cast %swap3A_420 : i32 to index
        %swap3A_422 = arith.index_cast %add3A_381 : i32 to index
        %swap3A_423 = arith.constant 32 : index
        %swap3A_424 = tpu.vector_load %arg10[%swap3A_421, %swap3A_422, %swap3A_423] {strides = array<i32>} : memref<4x112x64xf32, #tpu.memory_space<vmem>>, vector<1x1x16xf32>,
        %swap3A_425 = vector.shape_cast %swap3A_424 : vector<1x1x16xf32> to vector<16xf32>
        %swap3A_426 = vector.shape_cast %mul3A_419 : vector<16xf32> to vector<1x1x16xf32>
        tpu.vector_store %arg10[%swap3A_421, %swap3A_422, %swap3A_423], %swap3A_426 {strides = array<i32>} : memref<4x112x64xf32, #tpu.memory_space<vmem>>, vector<1x1x16xf32>,
        %get3A_427 = arith.constant 2 : i32
        %get3A_428 = arith.index_cast %get3A_427 : i32 to index
        %get3A_429 = arith.index_cast %add3A_381 : i32 to index
        %get3A_430 = arith.constant 48 : index
        %get3A_431 = tpu.vector_load %arg10[%get3A_428, %get3A_429, %get3A_430] {strides = array<i32>} : memref<4x112x64xf32, #tpu.memory_space<vmem>>, vector<1x1x16xf32>,
        %get3A_432 = vector.shape_cast %get3A_431 : vector<1x1x16xf32> to vector<16xf32>
        %mul3A_433 = vector.broadcast %squeeze3A_377 : f32 to vector<16xf32>
        %mul3A_434 = arith.mulf %get3A_432, %mul3A_433 : vector<16xf32>
        %swap3A_435 = arith.constant 2 : i32
        %swap3A_436 = arith.index_cast %swap3A_435 : i32 to index
        %swap3A_437 = arith.index_cast %add3A_381 : i32 to index
        %swap3A_438 = arith.constant 48 : index
        %swap3A_439 = tpu.vector_load %arg10[%swap3A_436, %swap3A_437, %swap3A_438] {strides = array<i32>} : memref<4x112x64xf32, #tpu.memory_space<vmem>>, vector<1x1x16xf32>,
        %swap3A_440 = vector.shape_cast %swap3A_439 : vector<1x1x16xf32> to vector<16xf32>
        %swap3A_441 = vector.shape_cast %mul3A_434 : vector<16xf32> to vector<1x1x16xf32>
        tpu.vector_store %arg10[%swap3A_436, %swap3A_437, %swap3A_438], %swap3A_441 {strides = array<i32>} : memref<4x112x64xf32, #tpu.memory_space<vmem>>, vector<1x1x16xf32>,
        %slice3A_442 = vector.extract_strided_slice %get3A_312 {offsets = [2], sizes = [1], strides = [1]} : vector<16xf32> to vector<1xf32>
        %squeeze3A_443 = vector.extract %slice3A_442[0] : f32 from vector<1xf32>
        %mul3A_444 = arith.constant 16 : i32
        %mul3A_445 = arith.muli %scan3A_306, %mul3A_444 : i32
        %add3A_446 = arith.constant 2 : i32
        %add3A_447 = arith.addi %mul3A_445, %add3A_446 : i32
        %get3A_448 = arith.constant 2 : i32
        %get3A_449 = arith.index_cast %get3A_448 : i32 to index
        %get3A_450 = arith.index_cast %add3A_447 : i32 to index
        %get3A_451 = arith.constant 0 : index
        %get3A_452 = tpu.vector_load %arg10[%get3A_449, %get3A_450, %get3A_451] {strides = array<i32>} : memref<4x112x64xf32, #tpu.memory_space<vmem>>, vector<1x1x16xf32>,
        %get3A_453 = vector.shape_cast %get3A_452 : vector<1x1x16xf32> to vector<16xf32>
        %mul3A_454 = vector.broadcast %squeeze3A_443 : f32 to vector<16xf32>
        %mul3A_455 = arith.mulf %get3A_453, %mul3A_454 : vector<16xf32>
        %swap3A_456 = arith.constant 2 : i32
        %swap3A_457 = arith.index_cast %swap3A_456 : i32 to index
        %swap3A_458 = arith.index_cast %add3A_447 : i32 to index
        %swap3A_459 = arith.constant 0 : index
        %swap3A_460 = tpu.vector_load %arg10[%swap3A_457, %swap3A_458, %swap3A_459] {strides = array<i32>} : memref<4x112x64xf32, #tpu.memory_space<vmem>>, vector<1x1x16xf32>,
        %swap3A_461 = vector.shape_cast %swap3A_460 : vector<1x1x16xf32> to vector<16xf32>
        %swap3A_462 = vector.shape_cast %mul3A_455 : vector<16xf32> to vector<1x1x16xf32>
        tpu.vector_store %arg10[%swap3A_457, %swap3A_458, %swap3A_459], %swap3A_462 {strides = array<i32>} : memref<4x112x64xf32, #tpu.memory_space<vmem>>, vector<1x1x16xf32>,
        %get3A_463 = arith.constant 2 : i32
        %get3A_464 = arith.index_cast %get3A_463 : i32 to index
        %get3A_465 = arith.index_cast %add3A_447 : i32 to index
        %get3A_466 = arith.constant 16 : index
        %get3A_467 = tpu.vector_load %arg10[%get3A_464, %get3A_465, %get3A_466] {strides = array<i32>} : memref<4x112x64xf32, #tpu.memory_space<vmem>>, vector<1x1x16xf32>,
        %get3A_468 = vector.shape_cast %get3A_467 : vector<1x1x16xf32> to vector<16xf32>
        %mul3A_469 = vector.broadcast %squeeze3A_443 : f32 to vector<16xf32>
        %mul3A_470 = arith.mulf %get3A_468, %mul3A_469 : vector<16xf32>
        %swap3A_471 = arith.constant 2 : i32
        %swap3A_472 = arith.index_cast %swap3A_471 : i32 to index
        %swap3A_473 = arith.index_cast %add3A_447 : i32 to index
        %swap3A_474 = arith.constant 16 : index
        %swap3A_475 = tpu.vector_load %arg10[%swap3A_472, %swap3A_473, %swap3A_474] {strides = array<i32>} : memref<4x112x64xf32, #tpu.memory_space<vmem>>, vector<1x1x16xf32>,
        %swap3A_476 = vector.shape_cast %swap3A_475 : vector<1x1x16xf32> to vector<16xf32>
        %swap3A_477 = vector.shape_cast %mul3A_470 : vector<16xf32> to vector<1x1x16xf32>
        tpu.vector_store %arg10[%swap3A_472, %swap3A_473, %swap3A_474], %swap3A_477 {strides = array<i32>} : memref<4x112x64xf32, #tpu.memory_space<vmem>>, vector<1x1x16xf32>,
        %get3A_478 = arith.constant 2 : i32
        %get3A_479 = arith.index_cast %get3A_478 : i32 to index
        %get3A_480 = arith.index_cast %add3A_447 : i32 to index
        %get3A_481 = arith.constant 32 : index
        %get3A_482 = tpu.vector_load %arg10[%get3A_479, %get3A_480, %get3A_481] {strides = array<i32>} : memref<4x112x64xf32, #tpu.memory_space<vmem>>, vector<1x1x16xf32>,
        %get3A_483 = vector.shape_cast %get3A_482 : vector<1x1x16xf32> to vector<16xf32>
        %mul3A_484 = vector.broadcast %squeeze3A_443 : f32 to vector<16xf32>
        %mul3A_485 = arith.mulf %get3A_483, %mul3A_484 : vector<16xf32>
        %swap3A_486 = arith.constant 2 : i32
        %swap3A_487 = arith.index_cast %swap3A_486 : i32 to index
        %swap3A_488 = arith.index_cast %add3A_447 : i32 to index
        %swap3A_489 = arith.constant 32 : index
        %swap3A_490 = tpu.vector_load %arg10[%swap3A_487, %swap3A_488, %swap3A_489] {strides = array<i32>} : memref<4x112x64xf32, #tpu.memory_space<vmem>>, vector<1x1x16xf32>,
        %swap3A_491 = vector.shape_cast %swap3A_490 : vector<1x1x16xf32> to vector<16xf32>
        %swap3A_492 = vector.shape_cast %mul3A_485 : vector<16xf32> to vector<1x1x16xf32>
        tpu.vector_store %arg10[%swap3A_487, %swap3A_488, %swap3A_489], %swap3A_492 {strides = array<i32>} : memref<4x112x64xf32, #tpu.memory_space<vmem>>, vector<1x1x16xf32>,
        %get3A_493 = arith.constant 2 : i32
        %get3A_494 = arith.index_cast %get3A_493 : i32 to index
        %get3A_495 = arith.index_cast %add3A_447 : i32 to index
        %get3A_496 = arith.constant 48 : index
        %get3A_497 = tpu.vector_load %arg10[%get3A_494, %get3A_495, %get3A_496] {strides = array<i32>} : memref<4x112x64xf32, #tpu.memory_space<vmem>>, vector<1x1x16xf32>,
        %get3A_498 = vector.shape_cast %get3A_497 : vector<1x1x16xf32> to vector<16xf32>
        %mul3A_499 = vector.broadcast %squeeze3A_443 : f32 to vector<16xf32>
        %mul3A_500 = arith.mulf %get3A_498, %mul3A_499 : vector<16xf32>
        %swap3A_501 = arith.constant 2 : i32
        %swap3A_502 = arith.index_cast %swap3A_501 : i32 to index
        %swap3A_503 = arith.index_cast %add3A_447 : i32 to index
        %swap3A_504 = arith.constant 48 : index
        %swap3A_505 = tpu.vector_load %arg10[%swap3A_502, %swap3A_503, %swap3A_504] {strides = array<i32>} : memref<4x112x64xf32, #tpu.memory_space<vmem>>, vector<1x1x16xf32>,
        %swap3A_506 = vector.shape_cast %swap3A_505 : vector<1x1x16xf32> to vector<16xf32>
        %swap3A_507 = vector.shape_cast %mul3A_500 : vector<16xf32> to vector<1x1x16xf32>
        tpu.vector_store %arg10[%swap3A_502, %swap3A_503, %swap3A_504], %swap3A_507 {strides = array<i32>} : memref<4x112x64xf32, #tpu.memory_space<vmem>>, vector<1x1x16xf32>,
        %slice3A_508 = vector.extract_strided_slice %get3A_312 {offsets = [3], sizes = [1], strides = [1]} : vector<16xf32> to vector<1xf32>
        %squeeze3A_509 = vector.extract %slice3A_508[0] : f32 from vector<1xf32>
        %mul3A_510 = arith.constant 16 : i32
        %mul3A_511 = arith.muli %scan3A_306, %mul3A_510 : i32
        %add3A_512 = arith.constant 3 : i32
        %add3A_513 = arith.addi %mul3A_511, %add3A_512 : i32
        %get3A_514 = arith.constant 2 : i32
        %get3A_515 = arith.index_cast %get3A_514 : i32 to index
        %get3A_516 = arith.index_cast %add3A_513 : i32 to index
        %get3A_517 = arith.constant 0 : index
        %get3A_518 = tpu.vector_load %arg10[%get3A_515, %get3A_516, %get3A_517] {strides = array<i32>} : memref<4x112x64xf32, #tpu.memory_space<vmem>>, vector<1x1x16xf32>,
        %get3A_519 = vector.shape_cast %get3A_518 : vector<1x1x16xf32> to vector<16xf32>
        %mul3A_520 = vector.broadcast %squeeze3A_509 : f32 to vector<16xf32>
        %mul3A_521 = arith.mulf %get3A_519, %mul3A_520 : vector<16xf32>
        %swap3A_522 = arith.constant 2 : i32
        %swap3A_523 = arith.index_cast %swap3A_522 : i32 to index
        %swap3A_524 = arith.index_cast %add3A_513 : i32 to index
        %swap3A_525 = arith.constant 0 : index
        %swap3A_526 = tpu.vector_load %arg10[%swap3A_523, %swap3A_524, %swap3A_525] {strides = array<i32>} : memref<4x112x64xf32, #tpu.memory_space<vmem>>, vector<1x1x16xf32>,
        %swap3A_527 = vector.shape_cast %swap3A_526 : vector<1x1x16xf32> to vector<16xf32>
        %swap3A_528 = vector.shape_cast %mul3A_521 : vector<16xf32> to vector<1x1x16xf32>
        tpu.vector_store %arg10[%swap3A_523, %swap3A_524, %swap3A_525], %swap3A_528 {strides = array<i32>} : memref<4x112x64xf32, #tpu.memory_space<vmem>>, vector<1x1x16xf32>,
        %get3A_529 = arith.constant 2 : i32
        %get3A_530 = arith.index_cast %get3A_529 : i32 to index
        %get3A_531 = arith.index_cast %add3A_513 : i32 to index
        %get3A_532 = arith.constant 16 : index
        %get3A_533 = tpu.vector_load %arg10[%get3A_530, %get3A_531, %get3A_532] {strides = array<i32>} : memref<4x112x64xf32, #tpu.memory_space<vmem>>, vector<1x1x16xf32>,
        %get3A_534 = vector.shape_cast %get3A_533 : vector<1x1x16xf32> to vector<16xf32>
        %mul3A_535 = vector.broadcast %squeeze3A_509 : f32 to vector<16xf32>
        %mul3A_536 = arith.mulf %get3A_534, %mul3A_535 : vector<16xf32>
        %swap3A_537 = arith.constant 2 : i32
        %swap3A_538 = arith.index_cast %swap3A_537 : i32 to index
        %swap3A_539 = arith.index_cast %add3A_513 : i32 to index
        %swap3A_540 = arith.constant 16 : index
        %swap3A_541 = tpu.vector_load %arg10[%swap3A_538, %swap3A_539, %swap3A_540] {strides = array<i32>} : memref<4x112x64xf32, #tpu.memory_space<vmem>>, vector<1x1x16xf32>,
        %swap3A_542 = vector.shape_cast %swap3A_541 : vector<1x1x16xf32> to vector<16xf32>
        %swap3A_543 = vector.shape_cast %mul3A_536 : vector<16xf32> to vector<1x1x16xf32>
        tpu.vector_store %arg10[%swap3A_538, %swap3A_539, %swap3A_540], %swap3A_543 {strides = array<i32>} : memref<4x112x64xf32, #tpu.memory_space<vmem>>, vector<1x1x16xf32>,
        %get3A_544 = arith.constant 2 : i32
        %get3A_545 = arith.index_cast %get3A_544 : i32 to index
        %get3A_546 = arith.index_cast %add3A_513 : i32 to index
        %get3A_547 = arith.constant 32 : index
        %get3A_548 = tpu.vector_load %arg10[%get3A_545, %get3A_546, %get3A_547] {strides = array<i32>} : memref<4x112x64xf32, #tpu.memory_space<vmem>>, vector<1x1x16xf32>,
        %get3A_549 = vector.shape_cast %get3A_548 : vector<1x1x16xf32> to vector<16xf32>
        %mul3A_550 = vector.broadcast %squeeze3A_509 : f32 to vector<16xf32>
        %mul3A_551 = arith.mulf %get3A_549, %mul3A_550 : vector<16xf32>
        %swap3A_552 = arith.constant 2 : i32
        %swap3A_553 = arith.index_cast %swap3A_552 : i32 to index
        %swap3A_554 = arith.index_cast %add3A_513 : i32 to index
        %swap3A_555 = arith.constant 32 : index
        %swap3A_556 = tpu.vector_load %arg10[%swap3A_553, %swap3A_554, %swap3A_555] {strides = array<i32>} : memref<4x112x64xf32, #tpu.memory_space<vmem>>, vector<1x1x16xf32>,
        %swap3A_557 = vector.shape_cast %swap3A_556 : vector<1x1x16xf32> to vector<16xf32>
        %swap3A_558 = vector.shape_cast %mul3A_551 : vector<16xf32> to vector<1x1x16xf32>
        tpu.vector_store %arg10[%swap3A_553, %swap3A_554, %swap3A_555], %swap3A_558 {strides = array<i32>} : memref<4x112x64xf32, #tpu.memory_space<vmem>>, vector<1x1x16xf32>,
        %get3A_559 = arith.constant 2 : i32
        %get3A_560 = arith.index_cast %get3A_559 : i32 to index
        %get3A_561 = arith.index_cast %add3A_513 : i32 to index
        %get3A_562 = arith.constant 48 : index
        %get3A_563 = tpu.vector_load %arg10[%get3A_560, %get3A_561, %get3A_562] {strides = array<i32>} : memref<4x112x64xf32, #tpu.memory_space<vmem>>, vector<1x1x16xf32>,
        %get3A_564 = vector.shape_cast %get3A_563 : vector<1x1x16xf32> to vector<16xf32>
        %mul3A_565 = vector.broadcast %squeeze3A_509 : f32 to vector<16xf32>
        %mul3A_566 = arith.mulf %get3A_564, %mul3A_565 : vector<16xf32>
        %swap3A_567 = arith.constant 2 : i32
        %swap3A_568 = arith.index_cast %swap3A_567 : i32 to index
        %swap3A_569 = arith.index_cast %add3A_513 : i32 to index
        %swap3A_570 = arith.constant 48 : index
        %swap3A_571 = tpu.vector_load %arg10[%swap3A_568, %swap3A_569, %swap3A_570] {strides = array<i32>} : memref<4x112x64xf32, #tpu.memory_space<vmem>>, vector<1x1x16xf32>,
        %swap3A_572 = vector.shape_cast %swap3A_571 : vector<1x1x16xf32> to vector<16xf32>
        %swap3A_573 = vector.shape_cast %mul3A_566 : vector<16xf32> to vector<1x1x16xf32>
        tpu.vector_store %arg10[%swap3A_568, %swap3A_569, %swap3A_570], %swap3A_573 {strides = array<i32>} : memref<4x112x64xf32, #tpu.memory_space<vmem>>, vector<1x1x16xf32>,
        %slice3A_574 = vector.extract_strided_slice %get3A_312 {offsets = [4], sizes = [1], strides = [1]} : vector<16xf32> to vector<1xf32>
        %squeeze3A_575 = vector.extract %slice3A_574[0] : f32 from vector<1xf32>
        %mul3A_576 = arith.constant 16 : i32
        %mul3A_577 = arith.muli %scan3A_306, %mul3A_576 : i32
        %add3A_578 = arith.constant 4 : i32
        %add3A_579 = arith.addi %mul3A_577, %add3A_578 : i32
        %get3A_580 = arith.constant 2 : i32
        %get3A_581 = arith.index_cast %get3A_580 : i32 to index
        %get3A_582 = arith.index_cast %add3A_579 : i32 to index
        %get3A_583 = arith.constant 0 : index
        %get3A_584 = tpu.vector_load %arg10[%get3A_581, %get3A_582, %get3A_583] {strides = array<i32>} : memref<4x112x64xf32, #tpu.memory_space<vmem>>, vector<1x1x16xf32>,
        %get3A_585 = vector.shape_cast %get3A_584 : vector<1x1x16xf32> to vector<16xf32>
        %mul3A_586 = vector.broadcast %squeeze3A_575 : f32 to vector<16xf32>
        %mul3A_587 = arith.mulf %get3A_585, %mul3A_586 : vector<16xf32>
        %swap3A_588 = arith.constant 2 : i32
        %swap3A_589 = arith.index_cast %swap3A_588 : i32 to index
        %swap3A_590 = arith.index_cast %add3A_579 : i32 to index
        %swap3A_591 = arith.constant 0 : index
        %swap3A_592 = tpu.vector_load %arg10[%swap3A_589, %swap3A_590, %swap3A_591] {strides = array<i32>} : memref<4x112x64xf32, #tpu.memory_space<vmem>>, vector<1x1x16xf32>,
        %swap3A_593 = vector.shape_cast %swap3A_592 : vector<1x1x16xf32> to vector<16xf32>
        %swap3A_594 = vector.shape_cast %mul3A_587 : vector<16xf32> to vector<1x1x16xf32>
        tpu.vector_store %arg10[%swap3A_589, %swap3A_590, %swap3A_591], %swap3A_594 {strides = array<i32>} : memref<4x112x64xf32, #tpu.memory_space<vmem>>, vector<1x1x16xf32>,
        %get3A_595 = arith.constant 2 : i32
        %get3A_596 = arith.index_cast %get3A_595 : i32 to index
        %get3A_597 = arith.index_cast %add3A_579 : i32 to index
        %get3A_598 = arith.constant 16 : index
        %get3A_599 = tpu.vector_load %arg10[%get3A_596, %get3A_597, %get3A_598] {strides = array<i32>} : memref<4x112x64xf32, #tpu.memory_space<vmem>>, vector<1x1x16xf32>,
        %get3A_600 = vector.shape_cast %get3A_599 : vector<1x1x16xf32> to vector<16xf32>
        %mul3A_601 = vector.broadcast %squeeze3A_575 : f32 to vector<16xf32>
        %mul3A_602 = arith.mulf %get3A_600, %mul3A_601 : vector<16xf32>
        %swap3A_603 = arith.constant 2 : i32
        %swap3A_604 = arith.index_cast %swap3A_603 : i32 to index
        %swap3A_605 = arith.index_cast %add3A_579 : i32 to index
        %swap3A_606 = arith.constant 16 : index
        %swap3A_607 = tpu.vector_load %arg10[%swap3A_604, %swap3A_605, %swap3A_606] {strides = array<i32>} : memref<4x112x64xf32, #tpu.memory_space<vmem>>, vector<1x1x16xf32>,
        %swap3A_608 = vector.shape_cast %swap3A_607 : vector<1x1x16xf32> to vector<16xf32>
        %swap3A_609 = vector.shape_cast %mul3A_602 : vector<16xf32> to vector<1x1x16xf32>
        tpu.vector_store %arg10[%swap3A_604, %swap3A_605, %swap3A_606], %swap3A_609 {strides = array<i32>} : memref<4x112x64xf32, #tpu.memory_space<vmem>>, vector<1x1x16xf32>,
        %get3A_610 = arith.constant 2 : i32
        %get3A_611 = arith.index_cast %get3A_610 : i32 to index
        %get3A_612 = arith.index_cast %add3A_579 : i32 to index
        %get3A_613 = arith.constant 32 : index
        %get3A_614 = tpu.vector_load %arg10[%get3A_611, %get3A_612, %get3A_613] {strides = array<i32>} : memref<4x112x64xf32, #tpu.memory_space<vmem>>, vector<1x1x16xf32>,
        %get3A_615 = vector.shape_cast %get3A_614 : vector<1x1x16xf32> to vector<16xf32>
        %mul3A_616 = vector.broadcast %squeeze3A_575 : f32 to vector<16xf32>
        %mul3A_617 = arith.mulf %get3A_615, %mul3A_616 : vector<16xf32>
        %swap3A_618 = arith.constant 2 : i32
        %swap3A_619 = arith.index_cast %swap3A_618 : i32 to index
        %swap3A_620 = arith.index_cast %add3A_579 : i32 to index
        %swap3A_621 = arith.constant 32 : index
        %swap3A_622 = tpu.vector_load %arg10[%swap3A_619, %swap3A_620, %swap3A_621] {strides = array<i32>} : memref<4x112x64xf32, #tpu.memory_space<vmem>>, vector<1x1x16xf32>,
        %swap3A_623 = vector.shape_cast %swap3A_622 : vector<1x1x16xf32> to vector<16xf32>
        %swap3A_624 = vector.shape_cast %mul3A_617 : vector<16xf32> to vector<1x1x16xf32>
        tpu.vector_store %arg10[%swap3A_619, %swap3A_620, %swap3A_621], %swap3A_624 {strides = array<i32>} : memref<4x112x64xf32, #tpu.memory_space<vmem>>, vector<1x1x16xf32>,
        %get3A_625 = arith.constant 2 : i32
        %get3A_626 = arith.index_cast %get3A_625 : i32 to index
        %get3A_627 = arith.index_cast %add3A_579 : i32 to index
        %get3A_628 = arith.constant 48 : index
        %get3A_629 = tpu.vector_load %arg10[%get3A_626, %get3A_627, %get3A_628] {strides = array<i32>} : memref<4x112x64xf32, #tpu.memory_space<vmem>>, vector<1x1x16xf32>,
        %get3A_630 = vector.shape_cast %get3A_629 : vector<1x1x16xf32> to vector<16xf32>
        %mul3A_631 = vector.broadcast %squeeze3A_575 : f32 to vector<16xf32>
        %mul3A_632 = arith.mulf %get3A_630, %mul3A_631 : vector<16xf32>
        %swap3A_633 = arith.constant 2 : i32
        %swap3A_634 = arith.index_cast %swap3A_633 : i32 to index
        %swap3A_635 = arith.index_cast %add3A_579 : i32 to index
        %swap3A_636 = arith.constant 48 : index
        %swap3A_637 = tpu.vector_load %arg10[%swap3A_634, %swap3A_635, %swap3A_636] {strides = array<i32>} : memref<4x112x64xf32, #tpu.memory_space<vmem>>, vector<1x1x16xf32>,
        %swap3A_638 = vector.shape_cast %swap3A_637 : vector<1x1x16xf32> to vector<16xf32>
        %swap3A_639 = vector.shape_cast %mul3A_632 : vector<16xf32> to vector<1x1x16xf32>
        tpu.vector_store %arg10[%swap3A_634, %swap3A_635, %swap3A_636], %swap3A_639 {strides = array<i32>} : memref<4x112x64xf32, #tpu.memory_space<vmem>>, vector<1x1x16xf32>,
        %slice3A_640 = vector.extract_strided_slice %get3A_312 {offsets = [5], sizes = [1], strides = [1]} : vector<16xf32> to vector<1xf32>
        %squeeze3A_641 = vector.extract %slice3A_640[0] : f32 from vector<1xf32>
        %mul3A_642 = arith.constant 16 : i32
        %mul3A_643 = arith.muli %scan3A_306, %mul3A_642 : i32
        %add3A_644 = arith.constant 5 : i32
        %add3A_645 = arith.addi %mul3A_643, %add3A_644 : i32
        %get3A_646 = arith.constant 2 : i32
        %get3A_647 = arith.index_cast %get3A_646 : i32 to index
        %get3A_648 = arith.index_cast %add3A_645 : i32 to index
        %get3A_649 = arith.constant 0 : index
        %get3A_650 = tpu.vector_load %arg10[%get3A_647, %get3A_648, %get3A_649] {strides = array<i32>} : memref<4x112x64xf32, #tpu.memory_space<vmem>>, vector<1x1x16xf32>,
        %get3A_651 = vector.shape_cast %get3A_650 : vector<1x1x16xf32> to vector<16xf32>
        %mul3A_652 = vector.broadcast %squeeze3A_641 : f32 to vector<16xf32>
        %mul3A_653 = arith.mulf %get3A_651, %mul3A_652 : vector<16xf32>
        %swap3A_654 = arith.constant 2 : i32
        %swap3A_655 = arith.index_cast %swap3A_654 : i32 to index
        %swap3A_656 = arith.index_cast %add3A_645 : i32 to index
        %swap3A_657 = arith.constant 0 : index
        %swap3A_658 = tpu.vector_load %arg10[%swap3A_655, %swap3A_656, %swap3A_657] {strides = array<i32>} : memref<4x112x64xf32, #tpu.memory_space<vmem>>, vector<1x1x16xf32>,
        %swap3A_659 = vector.shape_cast %swap3A_658 : vector<1x1x16xf32> to vector<16xf32>
        %swap3A_660 = vector.shape_cast %mul3A_653 : vector<16xf32> to vector<1x1x16xf32>
        tpu.vector_store %arg10[%swap3A_655, %swap3A_656, %swap3A_657], %swap3A_660 {strides = array<i32>} : memref<4x112x64xf32, #tpu.memory_space<vmem>>, vector<1x1x16xf32>,
        %get3A_661 = arith.constant 2 : i32
        %get3A_662 = arith.index_cast %get3A_661 : i32 to index
        %get3A_663 = arith.index_cast %add3A_645 : i32 to index
        %get3A_664 = arith.constant 16 : index
        %get3A_665 = tpu.vector_load %arg10[%get3A_662, %get3A_663, %get3A_664] {strides = array<i32>} : memref<4x112x64xf32, #tpu.memory_space<vmem>>, vector<1x1x16xf32>,
        %get3A_666 = vector.shape_cast %get3A_665 : vector<1x1x16xf32> to vector<16xf32>
        %mul3A_667 = vector.broadcast %squeeze3A_641 : f32 to vector<16xf32>
        %mul3A_668 = arith.mulf %get3A_666, %mul3A_667 : vector<16xf32>
        %swap3A_669 = arith.constant 2 : i32
        %swap3A_670 = arith.index_cast %swap3A_669 : i32 to index
        %swap3A_671 = arith.index_cast %add3A_645 : i32 to index
        %swap3A_672 = arith.constant 16 : index
        %swap3A_673 = tpu.vector_load %arg10[%swap3A_670, %swap3A_671, %swap3A_672] {strides = array<i32>} : memref<4x112x64xf32, #tpu.memory_space<vmem>>, vector<1x1x16xf32>,
        %swap3A_674 = vector.shape_cast %swap3A_673 : vector<1x1x16xf32> to vector<16xf32>
        %swap3A_675 = vector.shape_cast %mul3A_668 : vector<16xf32> to vector<1x1x16xf32>
        tpu.vector_store %arg10[%swap3A_670, %swap3A_671, %swap3A_672], %swap3A_675 {strides = array<i32>} : memref<4x112x64xf32, #tpu.memory_space<vmem>>, vector<1x1x16xf32>,
        %get3A_676 = arith.constant 2 : i32
        %get3A_677 = arith.index_cast %get3A_676 : i32 to index
        %get3A_678 = arith.index_cast %add3A_645 : i32 to index
        %get3A_679 = arith.constant 32 : index
        %get3A_680 = tpu.vector_load %arg10[%get3A_677, %get3A_678, %get3A_679] {strides = array<i32>} : memref<4x112x64xf32, #tpu.memory_space<vmem>>, vector<1x1x16xf32>,
        %get3A_681 = vector.shape_cast %get3A_680 : vector<1x1x16xf32> to vector<16xf32>
        %mul3A_682 = vector.broadcast %squeeze3A_641 : f32 to vector<16xf32>
        %mul3A_683 = arith.mulf %get3A_681, %mul3A_682 : vector<16xf32>
        %swap3A_684 = arith.constant 2 : i32
        %swap3A_685 = arith.index_cast %swap3A_684 : i32 to index
        %swap3A_686 = arith.index_cast %add3A_645 : i32 to index
        %swap3A_687 = arith.constant 32 : index
        %swap3A_688 = tpu.vector_load %arg10[%swap3A_685, %swap3A_686, %swap3A_687] {strides = array<i32>} : memref<4x112x64xf32, #tpu.memory_space<vmem>>, vector<1x1x16xf32>,
        %swap3A_689 = vector.shape_cast %swap3A_688 : vector<1x1x16xf32> to vector<16xf32>
        %swap3A_690 = vector.shape_cast %mul3A_683 : vector<16xf32> to vector<1x1x16xf32>
        tpu.vector_store %arg10[%swap3A_685, %swap3A_686, %swap3A_687], %swap3A_690 {strides = array<i32>} : memref<4x112x64xf32, #tpu.memory_space<vmem>>, vector<1x1x16xf32>,
        %get3A_691 = arith.constant 2 : i32
        %get3A_692 = arith.index_cast %get3A_691 : i32 to index
        %get3A_693 = arith.index_cast %add3A_645 : i32 to index
        %get3A_694 = arith.constant 48 : index
        %get3A_695 = tpu.vector_load %arg10[%get3A_692, %get3A_693, %get3A_694] {strides = array<i32>} : memref<4x112x64xf32, #tpu.memory_space<vmem>>, vector<1x1x16xf32>,
        %get3A_696 = vector.shape_cast %get3A_695 : vector<1x1x16xf32> to vector<16xf32>
        %mul3A_697 = vector.broadcast %squeeze3A_641 : f32 to vector<16xf32>
        %mul3A_698 = arith.mulf %get3A_696, %mul3A_697 : vector<16xf32>
        %swap3A_699 = arith.constant 2 : i32
        %swap3A_700 = arith.index_cast %swap3A_699 : i32 to index
        %swap3A_701 = arith.index_cast %add3A_645 : i32 to index
        %swap3A_702 = arith.constant 48 : index
        %swap3A_703 = tpu.vector_load %arg10[%swap3A_700, %swap3A_701, %swap3A_702] {strides = array<i32>} : memref<4x112x64xf32, #tpu.memory_space<vmem>>, vector<1x1x16xf32>,
        %swap3A_704 = vector.shape_cast %swap3A_703 : vector<1x1x16xf32> to vector<16xf32>
        %swap3A_705 = vector.shape_cast %mul3A_698 : vector<16xf32> to vector<1x1x16xf32>
        tpu.vector_store %arg10[%swap3A_700, %swap3A_701, %swap3A_702], %swap3A_705 {strides = array<i32>} : memref<4x112x64xf32, #tpu.memory_space<vmem>>, vector<1x1x16xf32>,
        %slice3A_706 = vector.extract_strided_slice %get3A_312 {offsets = [6], sizes = [1], strides = [1]} : vector<16xf32> to vector<1xf32>
        %squeeze3A_707 = vector.extract %slice3A_706[0] : f32 from vector<1xf32>
        %mul3A_708 = arith.constant 16 : i32
        %mul3A_709 = arith.muli %scan3A_306, %mul3A_708 : i32
        %add3A_710 = arith.constant 6 : i32
        %add3A_711 = arith.addi %mul3A_709, %add3A_710 : i32
        %get3A_712 = arith.constant 2 : i32
        %get3A_713 = arith.index_cast %get3A_712 : i32 to index
        %get3A_714 = arith.index_cast %add3A_711 : i32 to index
        %get3A_715 = arith.constant 0 : index
        %get3A_716 = tpu.vector_load %arg10[%get3A_713, %get3A_714, %get3A_715] {strides = array<i32>} : memref<4x112x64xf32, #tpu.memory_space<vmem>>, vector<1x1x16xf32>,
        %get3A_717 = vector.shape_cast %get3A_716 : vector<1x1x16xf32> to vector<16xf32>
        %mul3A_718 = vector.broadcast %squeeze3A_707 : f32 to vector<16xf32>
        %mul3A_719 = arith.mulf %get3A_717, %mul3A_718 : vector<16xf32>
        %swap3A_720 = arith.constant 2 : i32
        %swap3A_721 = arith.index_cast %swap3A_720 : i32 to index
        %swap3A_722 = arith.index_cast %add3A_711 : i32 to index
        %swap3A_723 = arith.constant 0 : index
        %swap3A_724 = tpu.vector_load %arg10[%swap3A_721, %swap3A_722, %swap3A_723] {strides = array<i32>} : memref<4x112x64xf32, #tpu.memory_space<vmem>>, vector<1x1x16xf32>,
        %swap3A_725 = vector.shape_cast %swap3A_724 : vector<1x1x16xf32> to vector<16xf32>
        %swap3A_726 = vector.shape_cast %mul3A_719 : vector<16xf32> to vector<1x1x16xf32>
        tpu.vector_store %arg10[%swap3A_721, %swap3A_722, %swap3A_723], %swap3A_726 {strides = array<i32>} : memref<4x112x64xf32, #tpu.memory_space<vmem>>, vector<1x1x16xf32>,
        %get3A_727 = arith.constant 2 : i32
        %get3A_728 = arith.index_cast %get3A_727 : i32 to index
        %get3A_729 = arith.index_cast %add3A_711 : i32 to index
        %get3A_730 = arith.constant 16 : index
        %get3A_731 = tpu.vector_load %arg10[%get3A_728, %get3A_729, %get3A_730] {strides = array<i32>} : memref<4x112x64xf32, #tpu.memory_space<vmem>>, vector<1x1x16xf32>,
        %get3A_732 = vector.shape_cast %get3A_731 : vector<1x1x16xf32> to vector<16xf32>
        %mul3A_733 = vector.broadcast %squeeze3A_707 : f32 to vector<16xf32>
        %mul3A_734 = arith.mulf %get3A_732, %mul3A_733 : vector<16xf32>
        %swap3A_735 = arith.constant 2 : i32
        %swap3A_736 = arith.index_cast %swap3A_735 : i32 to index
        %swap3A_737 = arith.index_cast %add3A_711 : i32 to index
        %swap3A_738 = arith.constant 16 : index
        %swap3A_739 = tpu.vector_load %arg10[%swap3A_736, %swap3A_737, %swap3A_738] {strides = array<i32>} : memref<4x112x64xf32, #tpu.memory_space<vmem>>, vector<1x1x16xf32>,
        %swap3A_740 = vector.shape_cast %swap3A_739 : vector<1x1x16xf32> to vector<16xf32>
        %swap3A_741 = vector.shape_cast %mul3A_734 : vector<16xf32> to vector<1x1x16xf32>
        tpu.vector_store %arg10[%swap3A_736, %swap3A_737, %swap3A_738], %swap3A_741 {strides = array<i32>} : memref<4x112x64xf32, #tpu.memory_space<vmem>>, vector<1x1x16xf32>,
        %get3A_742 = arith.constant 2 : i32
        %get3A_743 = arith.index_cast %get3A_742 : i32 to index
        %get3A_744 = arith.index_cast %add3A_711 : i32 to index
        %get3A_745 = arith.constant 32 : index
        %get3A_746 = tpu.vector_load %arg10[%get3A_743, %get3A_744, %get3A_745] {strides = array<i32>} : memref<4x112x64xf32, #tpu.memory_space<vmem>>, vector<1x1x16xf32>,
        %get3A_747 = vector.shape_cast %get3A_746 : vector<1x1x16xf32> to vector<16xf32>
        %mul3A_748 = vector.broadcast %squeeze3A_707 : f32 to vector<16xf32>
        %mul3A_749 = arith.mulf %get3A_747, %mul3A_748 : vector<16xf32>
        %swap3A_750 = arith.constant 2 : i32
        %swap3A_751 = arith.index_cast %swap3A_750 : i32 to index
        %swap3A_752 = arith.index_cast %add3A_711 : i32 to index
        %swap3A_753 = arith.constant 32 : index
        %swap3A_754 = tpu.vector_load %arg10[%swap3A_751, %swap3A_752, %swap3A_753] {strides = array<i32>} : memref<4x112x64xf32, #tpu.memory_space<vmem>>, vector<1x1x16xf32>,
        %swap3A_755 = vector.shape_cast %swap3A_754 : vector<1x1x16xf32> to vector<16xf32>
        %swap3A_756 = vector.shape_cast %mul3A_749 : vector<16xf32> to vector<1x1x16xf32>
        tpu.vector_store %arg10[%swap3A_751, %swap3A_752, %swap3A_753], %swap3A_756 {strides = array<i32>} : memref<4x112x64xf32, #tpu.memory_space<vmem>>, vector<1x1x16xf32>,
        %get3A_757 = arith.constant 2 : i32
        %get3A_758 = arith.index_cast %get3A_757 : i32 to index
        %get3A_759 = arith.index_cast %add3A_711 : i32 to index
        %get3A_760 = arith.constant 48 : index
        %get3A_761 = tpu.vector_load %arg10[%get3A_758, %get3A_759, %get3A_760] {strides = array<i32>} : memref<4x112x64xf32, #tpu.memory_space<vmem>>, vector<1x1x16xf32>,
        %get3A_762 = vector.shape_cast %get3A_761 : vector<1x1x16xf32> to vector<16xf32>
        %mul3A_763 = vector.broadcast %squeeze3A_707 : f32 to vector<16xf32>
        %mul3A_764 = arith.mulf %get3A_762, %mul3A_763 : vector<16xf32>
        %swap3A_765 = arith.constant 2 : i32
        %swap3A_766 = arith.index_cast %swap3A_765 : i32 to index
        %swap3A_767 = arith.index_cast %add3A_711 : i32 to index
        %swap3A_768 = arith.constant 48 : index
        %swap3A_769 = tpu.vector_load %arg10[%swap3A_766, %swap3A_767, %swap3A_768] {strides = array<i32>} : memref<4x112x64xf32, #tpu.memory_space<vmem>>, vector<1x1x16xf32>,
        %swap3A_770 = vector.shape_cast %swap3A_769 : vector<1x1x16xf32> to vector<16xf32>
        %swap3A_771 = vector.shape_cast %mul3A_764 : vector<16xf32> to vector<1x1x16xf32>
        tpu.vector_store %arg10[%swap3A_766, %swap3A_767, %swap3A_768], %swap3A_771 {strides = array<i32>} : memref<4x112x64xf32, #tpu.memory_space<vmem>>, vector<1x1x16xf32>,
        %slice3A_772 = vector.extract_strided_slice %get3A_312 {offsets = [7], sizes = [1], strides = [1]} : vector<16xf32> to vector<1xf32>
        %squeeze3A_773 = vector.extract %slice3A_772[0] : f32 from vector<1xf32>
        %mul3A_774 = arith.constant 16 : i32
        %mul3A_775 = arith.muli %scan3A_306, %mul3A_774 : i32
        %add3A_776 = arith.constant 7 : i32
        %add3A_777 = arith.addi %mul3A_775, %add3A_776 : i32
        %get3A_778 = arith.constant 2 : i32
        %get3A_779 = arith.index_cast %get3A_778 : i32 to index
        %get3A_780 = arith.index_cast %add3A_777 : i32 to index
        %get3A_781 = arith.constant 0 : index
        %get3A_782 = tpu.vector_load %arg10[%get3A_779, %get3A_780, %get3A_781] {strides = array<i32>} : memref<4x112x64xf32, #tpu.memory_space<vmem>>, vector<1x1x16xf32>,
        %get3A_783 = vector.shape_cast %get3A_782 : vector<1x1x16xf32> to vector<16xf32>
        %mul3A_784 = vector.broadcast %squeeze3A_773 : f32 to vector<16xf32>
        %mul3A_785 = arith.mulf %get3A_783, %mul3A_784 : vector<16xf32>
        %swap3A_786 = arith.constant 2 : i32
        %swap3A_787 = arith.index_cast %swap3A_786 : i32 to index
        %swap3A_788 = arith.index_cast %add3A_777 : i32 to index
        %swap3A_789 = arith.constant 0 : index
        %swap3A_790 = tpu.vector_load %arg10[%swap3A_787, %swap3A_788, %swap3A_789] {strides = array<i32>} : memref<4x112x64xf32, #tpu.memory_space<vmem>>, vector<1x1x16xf32>,
        %swap3A_791 = vector.shape_cast %swap3A_790 : vector<1x1x16xf32> to vector<16xf32>
        %swap3A_792 = vector.shape_cast %mul3A_785 : vector<16xf32> to vector<1x1x16xf32>
        tpu.vector_store %arg10[%swap3A_787, %swap3A_788, %swap3A_789], %swap3A_792 {strides = array<i32>} : memref<4x112x64xf32, #tpu.memory_space<vmem>>, vector<1x1x16xf32>,
        %get3A_793 = arith.constant 2 : i32
        %get3A_794 = arith.index_cast %get3A_793 : i32 to index
        %get3A_795 = arith.index_cast %add3A_777 : i32 to index
        %get3A_796 = arith.constant 16 : index
        %get3A_797 = tpu.vector_load %arg10[%get3A_794, %get3A_795, %get3A_796] {strides = array<i32>} : memref<4x112x64xf32, #tpu.memory_space<vmem>>, vector<1x1x16xf32>,
        %get3A_798 = vector.shape_cast %get3A_797 : vector<1x1x16xf32> to vector<16xf32>
        %mul3A_799 = vector.broadcast %squeeze3A_773 : f32 to vector<16xf32>
        %mul3A_800 = arith.mulf %get3A_798, %mul3A_799 : vector<16xf32>
        %swap3A_801 = arith.constant 2 : i32
        %swap3A_802 = arith.index_cast %swap3A_801 : i32 to index
        %swap3A_803 = arith.index_cast %add3A_777 : i32 to index
        %swap3A_804 = arith.constant 16 : index
        %swap3A_805 = tpu.vector_load %arg10[%swap3A_802, %swap3A_803, %swap3A_804] {strides = array<i32>} : memref<4x112x64xf32, #tpu.memory_space<vmem>>, vector<1x1x16xf32>,
        %swap3A_806 = vector.shape_cast %swap3A_805 : vector<1x1x16xf32> to vector<16xf32>
        %swap3A_807 = vector.shape_cast %mul3A_800 : vector<16xf32> to vector<1x1x16xf32>
        tpu.vector_store %arg10[%swap3A_802, %swap3A_803, %swap3A_804], %swap3A_807 {strides = array<i32>} : memref<4x112x64xf32, #tpu.memory_space<vmem>>, vector<1x1x16xf32>,
        %get3A_808 = arith.constant 2 : i32
        %get3A_809 = arith.index_cast %get3A_808 : i32 to index
        %get3A_810 = arith.index_cast %add3A_777 : i32 to index
        %get3A_811 = arith.constant 32 : index
        %get3A_812 = tpu.vector_load %arg10[%get3A_809, %get3A_810, %get3A_811] {strides = array<i32>} : memref<4x112x64xf32, #tpu.memory_space<vmem>>, vector<1x1x16xf32>,
        %get3A_813 = vector.shape_cast %get3A_812 : vector<1x1x16xf32> to vector<16xf32>
        %mul3A_814 = vector.broadcast %squeeze3A_773 : f32 to vector<16xf32>
        %mul3A_815 = arith.mulf %get3A_813, %mul3A_814 : vector<16xf32>
        %swap3A_816 = arith.constant 2 : i32
        %swap3A_817 = arith.index_cast %swap3A_816 : i32 to index
        %swap3A_818 = arith.index_cast %add3A_777 : i32 to index
        %swap3A_819 = arith.constant 32 : index
        %swap3A_820 = tpu.vector_load %arg10[%swap3A_817, %swap3A_818, %swap3A_819] {strides = array<i32>} : memref<4x112x64xf32, #tpu.memory_space<vmem>>, vector<1x1x16xf32>,
        %swap3A_821 = vector.shape_cast %swap3A_820 : vector<1x1x16xf32> to vector<16xf32>
        %swap3A_822 = vector.shape_cast %mul3A_815 : vector<16xf32> to vector<1x1x16xf32>
        tpu.vector_store %arg10[%swap3A_817, %swap3A_818, %swap3A_819], %swap3A_822 {strides = array<i32>} : memref<4x112x64xf32, #tpu.memory_space<vmem>>, vector<1x1x16xf32>,
        %get3A_823 = arith.constant 2 : i32
        %get3A_824 = arith.index_cast %get3A_823 : i32 to index
        %get3A_825 = arith.index_cast %add3A_777 : i32 to index
        %get3A_826 = arith.constant 48 : index
        %get3A_827 = tpu.vector_load %arg10[%get3A_824, %get3A_825, %get3A_826] {strides = array<i32>} : memref<4x112x64xf32, #tpu.memory_space<vmem>>, vector<1x1x16xf32>,
        %get3A_828 = vector.shape_cast %get3A_827 : vector<1x1x16xf32> to vector<16xf32>
        %mul3A_829 = vector.broadcast %squeeze3A_773 : f32 to vector<16xf32>
        %mul3A_830 = arith.mulf %get3A_828, %mul3A_829 : vector<16xf32>
        %swap3A_831 = arith.constant 2 : i32
        %swap3A_832 = arith.index_cast %swap3A_831 : i32 to index
        %swap3A_833 = arith.index_cast %add3A_777 : i32 to index
        %swap3A_834 = arith.constant 48 : index
        %swap3A_835 = tpu.vector_load %arg10[%swap3A_832, %swap3A_833, %swap3A_834] {strides = array<i32>} : memref<4x112x64xf32, #tpu.memory_space<vmem>>, vector<1x1x16xf32>,
        %swap3A_836 = vector.shape_cast %swap3A_835 : vector<1x1x16xf32> to vector<16xf32>
        %swap3A_837 = vector.shape_cast %mul3A_830 : vector<16xf32> to vector<1x1x16xf32>
        tpu.vector_store %arg10[%swap3A_832, %swap3A_833, %swap3A_834], %swap3A_837 {strides = array<i32>} : memref<4x112x64xf32, #tpu.memory_space<vmem>>, vector<1x1x16xf32>,
        %slice3A_838 = vector.extract_strided_slice %get3A_312 {offsets = [8], sizes = [1], strides = [1]} : vector<16xf32> to vector<1xf32>
        %squeeze3A_839 = vector.extract %slice3A_838[0] : f32 from vector<1xf32>
        %mul3A_840 = arith.constant 16 : i32
        %mul3A_841 = arith.muli %scan3A_306, %mul3A_840 : i32
        %add3A_842 = arith.constant 8 : i32
        %add3A_843 = arith.addi %mul3A_841, %add3A_842 : i32
        %get3A_844 = arith.constant 2 : i32
        %get3A_845 = arith.index_cast %get3A_844 : i32 to index
        %get3A_846 = arith.index_cast %add3A_843 : i32 to index
        %get3A_847 = arith.constant 0 : index
        %get3A_848 = tpu.vector_load %arg10[%get3A_845, %get3A_846, %get3A_847] {strides = array<i32>} : memref<4x112x64xf32, #tpu.memory_space<vmem>>, vector<1x1x16xf32>,
        %get3A_849 = vector.shape_cast %get3A_848 : vector<1x1x16xf32> to vector<16xf32>
        %mul3A_850 = vector.broadcast %squeeze3A_839 : f32 to vector<16xf32>
        %mul3A_851 = arith.mulf %get3A_849, %mul3A_850 : vector<16xf32>
        %swap3A_852 = arith.constant 2 : i32
        %swap3A_853 = arith.index_cast %swap3A_852 : i32 to index
        %swap3A_854 = arith.index_cast %add3A_843 : i32 to index
        %swap3A_855 = arith.constant 0 : index
        %swap3A_856 = tpu.vector_load %arg10[%swap3A_853, %swap3A_854, %swap3A_855] {strides = array<i32>} : memref<4x112x64xf32, #tpu.memory_space<vmem>>, vector<1x1x16xf32>,
        %swap3A_857 = vector.shape_cast %swap3A_856 : vector<1x1x16xf32> to vector<16xf32>
        %swap3A_858 = vector.shape_cast %mul3A_851 : vector<16xf32> to vector<1x1x16xf32>
        tpu.vector_store %arg10[%swap3A_853, %swap3A_854, %swap3A_855], %swap3A_858 {strides = array<i32>} : memref<4x112x64xf32, #tpu.memory_space<vmem>>, vector<1x1x16xf32>,
        %get3A_859 = arith.constant 2 : i32
        %get3A_860 = arith.index_cast %get3A_859 : i32 to index
        %get3A_861 = arith.index_cast %add3A_843 : i32 to index
        %get3A_862 = arith.constant 16 : index
        %get3A_863 = tpu.vector_load %arg10[%get3A_860, %get3A_861, %get3A_862] {strides = array<i32>} : memref<4x112x64xf32, #tpu.memory_space<vmem>>, vector<1x1x16xf32>,
        %get3A_864 = vector.shape_cast %get3A_863 : vector<1x1x16xf32> to vector<16xf32>
        %mul3A_865 = vector.broadcast %squeeze3A_839 : f32 to vector<16xf32>
        %mul3A_866 = arith.mulf %get3A_864, %mul3A_865 : vector<16xf32>
        %swap3A_867 = arith.constant 2 : i32
        %swap3A_868 = arith.index_cast %swap3A_867 : i32 to index
        %swap3A_869 = arith.index_cast %add3A_843 : i32 to index
        %swap3A_870 = arith.constant 16 : index
        %swap3A_871 = tpu.vector_load %arg10[%swap3A_868, %swap3A_869, %swap3A_870] {strides = array<i32>} : memref<4x112x64xf32, #tpu.memory_space<vmem>>, vector<1x1x16xf32>,
        %swap3A_872 = vector.shape_cast %swap3A_871 : vector<1x1x16xf32> to vector<16xf32>
        %swap3A_873 = vector.shape_cast %mul3A_866 : vector<16xf32> to vector<1x1x16xf32>
        tpu.vector_store %arg10[%swap3A_868, %swap3A_869, %swap3A_870], %swap3A_873 {strides = array<i32>} : memref<4x112x64xf32, #tpu.memory_space<vmem>>, vector<1x1x16xf32>,
        %get3A_874 = arith.constant 2 : i32
        %get3A_875 = arith.index_cast %get3A_874 : i32 to index
        %get3A_876 = arith.index_cast %add3A_843 : i32 to index
        %get3A_877 = arith.constant 32 : index
        %get3A_878 = tpu.vector_load %arg10[%get3A_875, %get3A_876, %get3A_877] {strides = array<i32>} : memref<4x112x64xf32, #tpu.memory_space<vmem>>, vector<1x1x16xf32>,
        %get3A_879 = vector.shape_cast %get3A_878 : vector<1x1x16xf32> to vector<16xf32>
        %mul3A_880 = vector.broadcast %squeeze3A_839 : f32 to vector<16xf32>
        %mul3A_881 = arith.mulf %get3A_879, %mul3A_880 : vector<16xf32>
        %swap3A_882 = arith.constant 2 : i32
        %swap3A_883 = arith.index_cast %swap3A_882 : i32 to index
        %swap3A_884 = arith.index_cast %add3A_843 : i32 to index
        %swap3A_885 = arith.constant 32 : index
        %swap3A_886 = tpu.vector_load %arg10[%swap3A_883, %swap3A_884, %swap3A_885] {strides = array<i32>} : memref<4x112x64xf32, #tpu.memory_space<vmem>>, vector<1x1x16xf32>,
        %swap3A_887 = vector.shape_cast %swap3A_886 : vector<1x1x16xf32> to vector<16xf32>
        %swap3A_888 = vector.shape_cast %mul3A_881 : vector<16xf32> to vector<1x1x16xf32>
        tpu.vector_store %arg10[%swap3A_883, %swap3A_884, %swap3A_885], %swap3A_888 {strides = array<i32>} : memref<4x112x64xf32, #tpu.memory_space<vmem>>, vector<1x1x16xf32>,
        %get3A_889 = arith.constant 2 : i32
        %get3A_890 = arith.index_cast %get3A_889 : i32 to index
        %get3A_891 = arith.index_cast %add3A_843 : i32 to index
        %get3A_892 = arith.constant 48 : index
        %get3A_893 = tpu.vector_load %arg10[%get3A_890, %get3A_891, %get3A_892] {strides = array<i32>} : memref<4x112x64xf32, #tpu.memory_space<vmem>>, vector<1x1x16xf32>,
        %get3A_894 = vector.shape_cast %get3A_893 : vector<1x1x16xf32> to vector<16xf32>
        %mul3A_895 = vector.broadcast %squeeze3A_839 : f32 to vector<16xf32>
        %mul3A_896 = arith.mulf %get3A_894, %mul3A_895 : vector<16xf32>
        %swap3A_897 = arith.constant 2 : i32
        %swap3A_898 = arith.index_cast %swap3A_897 : i32 to index
        %swap3A_899 = arith.index_cast %add3A_843 : i32 to index
        %swap3A_900 = arith.constant 48 : index
        %swap3A_901 = tpu.vector_load %arg10[%swap3A_898, %swap3A_899, %swap3A_900] {strides = array<i32>} : memref<4x112x64xf32, #tpu.memory_space<vmem>>, vector<1x1x16xf32>,
        %swap3A_902 = vector.shape_cast %swap3A_901 : vector<1x1x16xf32> to vector<16xf32>
        %swap3A_903 = vector.shape_cast %mul3A_896 : vector<16xf32> to vector<1x1x16xf32>
        tpu.vector_store %arg10[%swap3A_898, %swap3A_899, %swap3A_900], %swap3A_903 {strides = array<i32>} : memref<4x112x64xf32, #tpu.memory_space<vmem>>, vector<1x1x16xf32>,
        %slice3A_904 = vector.extract_strided_slice %get3A_312 {offsets = [9], sizes = [1], strides = [1]} : vector<16xf32> to vector<1xf32>
        %squeeze3A_905 = vector.extract %slice3A_904[0] : f32 from vector<1xf32>
        %mul3A_906 = arith.constant 16 : i32
        %mul3A_907 = arith.muli %scan3A_306, %mul3A_906 : i32
        %add3A_908 = arith.constant 9 : i32
        %add3A_909 = arith.addi %mul3A_907, %add3A_908 : i32
        %get3A_910 = arith.constant 2 : i32
        %get3A_911 = arith.index_cast %get3A_910 : i32 to index
        %get3A_912 = arith.index_cast %add3A_909 : i32 to index
        %get3A_913 = arith.constant 0 : index
        %get3A_914 = tpu.vector_load %arg10[%get3A_911, %get3A_912, %get3A_913] {strides = array<i32>} : memref<4x112x64xf32, #tpu.memory_space<vmem>>, vector<1x1x16xf32>,
        %get3A_915 = vector.shape_cast %get3A_914 : vector<1x1x16xf32> to vector<16xf32>
        %mul3A_916 = vector.broadcast %squeeze3A_905 : f32 to vector<16xf32>
        %mul3A_917 = arith.mulf %get3A_915, %mul3A_916 : vector<16xf32>
        %swap3A_918 = arith.constant 2 : i32
        %swap3A_919 = arith.index_cast %swap3A_918 : i32 to index
        %swap3A_920 = arith.index_cast %add3A_909 : i32 to index
        %swap3A_921 = arith.constant 0 : index
        %swap3A_922 = tpu.vector_load %arg10[%swap3A_919, %swap3A_920, %swap3A_921] {strides = array<i32>} : memref<4x112x64xf32, #tpu.memory_space<vmem>>, vector<1x1x16xf32>,
        %swap3A_923 = vector.shape_cast %swap3A_922 : vector<1x1x16xf32> to vector<16xf32>
        %swap3A_924 = vector.shape_cast %mul3A_917 : vector<16xf32> to vector<1x1x16xf32>
        tpu.vector_store %arg10[%swap3A_919, %swap3A_920, %swap3A_921], %swap3A_924 {strides = array<i32>} : memref<4x112x64xf32, #tpu.memory_space<vmem>>, vector<1x1x16xf32>,
        %get3A_925 = arith.constant 2 : i32
        %get3A_926 = arith.index_cast %get3A_925 : i32 to index
        %get3A_927 = arith.index_cast %add3A_909 : i32 to index
        %get3A_928 = arith.constant 16 : index
        %get3A_929 = tpu.vector_load %arg10[%get3A_926, %get3A_927, %get3A_928] {strides = array<i32>} : memref<4x112x64xf32, #tpu.memory_space<vmem>>, vector<1x1x16xf32>,
        %get3A_930 = vector.shape_cast %get3A_929 : vector<1x1x16xf32> to vector<16xf32>
        %mul3A_931 = vector.broadcast %squeeze3A_905 : f32 to vector<16xf32>
        %mul3A_932 = arith.mulf %get3A_930, %mul3A_931 : vector<16xf32>
        %swap3A_933 = arith.constant 2 : i32
        %swap3A_934 = arith.index_cast %swap3A_933 : i32 to index
        %swap3A_935 = arith.index_cast %add3A_909 : i32 to index
        %swap3A_936 = arith.constant 16 : index
        %swap3A_937 = tpu.vector_load %arg10[%swap3A_934, %swap3A_935, %swap3A_936] {strides = array<i32>} : memref<4x112x64xf32, #tpu.memory_space<vmem>>, vector<1x1x16xf32>,
        %swap3A_938 = vector.shape_cast %swap3A_937 : vector<1x1x16xf32> to vector<16xf32>
        %swap3A_939 = vector.shape_cast %mul3A_932 : vector<16xf32> to vector<1x1x16xf32>
        tpu.vector_store %arg10[%swap3A_934, %swap3A_935, %swap3A_936], %swap3A_939 {strides = array<i32>} : memref<4x112x64xf32, #tpu.memory_space<vmem>>, vector<1x1x16xf32>,
        %get3A_940 = arith.constant 2 : i32
        %get3A_941 = arith.index_cast %get3A_940 : i32 to index
        %get3A_942 = arith.index_cast %add3A_909 : i32 to index
        %get3A_943 = arith.constant 32 : index
        %get3A_944 = tpu.vector_load %arg10[%get3A_941, %get3A_942, %get3A_943] {strides = array<i32>} : memref<4x112x64xf32, #tpu.memory_space<vmem>>, vector<1x1x16xf32>,
        %get3A_945 = vector.shape_cast %get3A_944 : vector<1x1x16xf32> to vector<16xf32>
        %mul3A_946 = vector.broadcast %squeeze3A_905 : f32 to vector<16xf32>
        %mul3A_947 = arith.mulf %get3A_945, %mul3A_946 : vector<16xf32>
        %swap3A_948 = arith.constant 2 : i32
        %swap3A_949 = arith.index_cast %swap3A_948 : i32 to index
        %swap3A_950 = arith.index_cast %add3A_909 : i32 to index
        %swap3A_951 = arith.constant 32 : index
        %swap3A_952 = tpu.vector_load %arg10[%swap3A_949, %swap3A_950, %swap3A_951] {strides = array<i32>} : memref<4x112x64xf32, #tpu.memory_space<vmem>>, vector<1x1x16xf32>,
        %swap3A_953 = vector.shape_cast %swap3A_952 : vector<1x1x16xf32> to vector<16xf32>
        %swap3A_954 = vector.shape_cast %mul3A_947 : vector<16xf32> to vector<1x1x16xf32>
        tpu.vector_store %arg10[%swap3A_949, %swap3A_950, %swap3A_951], %swap3A_954 {strides = array<i32>} : memref<4x112x64xf32, #tpu.memory_space<vmem>>, vector<1x1x16xf32>,
        %get3A_955 = arith.constant 2 : i32
        %get3A_956 = arith.index_cast %get3A_955 : i32 to index
        %get3A_957 = arith.index_cast %add3A_909 : i32 to index
        %get3A_958 = arith.constant 48 : index
        %get3A_959 = tpu.vector_load %arg10[%get3A_956, %get3A_957, %get3A_958] {strides = array<i32>} : memref<4x112x64xf32, #tpu.memory_space<vmem>>, vector<1x1x16xf32>,
        %get3A_960 = vector.shape_cast %get3A_959 : vector<1x1x16xf32> to vector<16xf32>
        %mul3A_961 = vector.broadcast %squeeze3A_905 : f32 to vector<16xf32>
        %mul3A_962 = arith.mulf %get3A_960, %mul3A_961 : vector<16xf32>
        %swap3A_963 = arith.constant 2 : i32
        %swap3A_964 = arith.index_cast %swap3A_963 : i32 to index
        %swap3A_965 = arith.index_cast %add3A_909 : i32 to index
        %swap3A_966 = arith.constant 48 : index
        %swap3A_967 = tpu.vector_load %arg10[%swap3A_964, %swap3A_965, %swap3A_966] {strides = array<i32>} : memref<4x112x64xf32, #tpu.memory_space<vmem>>, vector<1x1x16xf32>,
        %swap3A_968 = vector.shape_cast %swap3A_967 : vector<1x1x16xf32> to vector<16xf32>
        %swap3A_969 = vector.shape_cast %mul3A_962 : vector<16xf32> to vector<1x1x16xf32>
        tpu.vector_store %arg10[%swap3A_964, %swap3A_965, %swap3A_966], %swap3A_969 {strides = array<i32>} : memref<4x112x64xf32, #tpu.memory_space<vmem>>, vector<1x1x16xf32>,
        %slice3A_970 = vector.extract_strided_slice %get3A_312 {offsets = [10], sizes = [1], strides = [1]} : vector<16xf32> to vector<1xf32>
        %squeeze3A_971 = vector.extract %slice3A_970[0] : f32 from vector<1xf32>
        %mul3A_972 = arith.constant 16 : i32
        %mul3A_973 = arith.muli %scan3A_306, %mul3A_972 : i32
        %add3A_974 = arith.constant 10 : i32
        %add3A_975 = arith.addi %mul3A_973, %add3A_974 : i32
        %get3A_976 = arith.constant 2 : i32
        %get3A_977 = arith.index_cast %get3A_976 : i32 to index
        %get3A_978 = arith.index_cast %add3A_975 : i32 to index
        %get3A_979 = arith.constant 0 : index
        %get3A_980 = tpu.vector_load %arg10[%get3A_977, %get3A_978, %get3A_979] {strides = array<i32>} : memref<4x112x64xf32, #tpu.memory_space<vmem>>, vector<1x1x16xf32>,
        %get3A_981 = vector.shape_cast %get3A_980 : vector<1x1x16xf32> to vector<16xf32>
        %mul3A_982 = vector.broadcast %squeeze3A_971 : f32 to vector<16xf32>
        %mul3A_983 = arith.mulf %get3A_981, %mul3A_982 : vector<16xf32>
        %swap3A_984 = arith.constant 2 : i32
        %swap3A_985 = arith.index_cast %swap3A_984 : i32 to index
        %swap3A_986 = arith.index_cast %add3A_975 : i32 to index
        %swap3A_987 = arith.constant 0 : index
        %swap3A_988 = tpu.vector_load %arg10[%swap3A_985, %swap3A_986, %swap3A_987] {strides = array<i32>} : memref<4x112x64xf32, #tpu.memory_space<vmem>>, vector<1x1x16xf32>,
        %swap3A_989 = vector.shape_cast %swap3A_988 : vector<1x1x16xf32> to vector<16xf32>
        %swap3A_990 = vector.shape_cast %mul3A_983 : vector<16xf32> to vector<1x1x16xf32>
        tpu.vector_store %arg10[%swap3A_985, %swap3A_986, %swap3A_987], %swap3A_990 {strides = array<i32>} : memref<4x112x64xf32, #tpu.memory_space<vmem>>, vector<1x1x16xf32>,
        %get3A_991 = arith.constant 2 : i32
        %get3A_992 = arith.index_cast %get3A_991 : i32 to index
        %get3A_993 = arith.index_cast %add3A_975 : i32 to index
        %get3A_994 = arith.constant 16 : index
        %get3A_995 = tpu.vector_load %arg10[%get3A_992, %get3A_993, %get3A_994] {strides = array<i32>} : memref<4x112x64xf32, #tpu.memory_space<vmem>>, vector<1x1x16xf32>,
        %get3A_996 = vector.shape_cast %get3A_995 : vector<1x1x16xf32> to vector<16xf32>
        %mul3A_997 = vector.broadcast %squeeze3A_971 : f32 to vector<16xf32>
        %mul3A_998 = arith.mulf %get3A_996, %mul3A_997 : vector<16xf32>
        %swap3A_999 = arith.constant 2 : i32
        %swap3A_1000 = arith.index_cast %swap3A_999 : i32 to index
        %swap3A_1001 = arith.index_cast %add3A_975 : i32 to index
        %swap3A_1002 = arith.constant 16 : index
        %swap3A_1003 = tpu.vector_load %arg10[%swap3A_1000, %swap3A_1001, %swap3A_1002] {strides = array<i32>} : memref<4x112x64xf32, #tpu.memory_space<vmem>>, vector<1x1x16xf32>,
        %swap3A_1004 = vector.shape_cast %swap3A_1003 : vector<1x1x16xf32> to vector<16xf32>
        %swap3A_1005 = vector.shape_cast %mul3A_998 : vector<16xf32> to vector<1x1x16xf32>
        tpu.vector_store %arg10[%swap3A_1000, %swap3A_1001, %swap3A_1002], %swap3A_1005 {strides = array<i32>} : memref<4x112x64xf32, #tpu.memory_space<vmem>>, vector<1x1x16xf32>,
        %get3A_1006 = arith.constant 2 : i32
        %get3A_1007 = arith.index_cast %get3A_1006 : i32 to index
        %get3A_1008 = arith.index_cast %add3A_975 : i32 to index
        %get3A_1009 = arith.constant 32 : index
        %get3A_1010 = tpu.vector_load %arg10[%get3A_1007, %get3A_1008, %get3A_1009] {strides = array<i32>} : memref<4x112x64xf32, #tpu.memory_space<vmem>>, vector<1x1x16xf32>,
        %get3A_1011 = vector.shape_cast %get3A_1010 : vector<1x1x16xf32> to vector<16xf32>
        %mul3A_1012 = vector.broadcast %squeeze3A_971 : f32 to vector<16xf32>
        %mul3A_1013 = arith.mulf %get3A_1011, %mul3A_1012 : vector<16xf32>
        %swap3A_1014 = arith.constant 2 : i32
        %swap3A_1015 = arith.index_cast %swap3A_1014 : i32 to index
        %swap3A_1016 = arith.index_cast %add3A_975 : i32 to index
        %swap3A_1017 = arith.constant 32 : index
        %swap3A_1018 = tpu.vector_load %arg10[%swap3A_1015, %swap3A_1016, %swap3A_1017] {strides = array<i32>} : memref<4x112x64xf32, #tpu.memory_space<vmem>>, vector<1x1x16xf32>,
        %swap3A_1019 = vector.shape_cast %swap3A_1018 : vector<1x1x16xf32> to vector<16xf32>
        %swap3A_1020 = vector.shape_cast %mul3A_1013 : vector<16xf32> to vector<1x1x16xf32>
        tpu.vector_store %arg10[%swap3A_1015, %swap3A_1016, %swap3A_1017], %swap3A_1020 {strides = array<i32>} : memref<4x112x64xf32, #tpu.memory_space<vmem>>, vector<1x1x16xf32>,
        %get3A_1021 = arith.constant 2 : i32
        %get3A_1022 = arith.index_cast %get3A_1021 : i32 to index
        %get3A_1023 = arith.index_cast %add3A_975 : i32 to index
        %get3A_1024 = arith.constant 48 : index
        %get3A_1025 = tpu.vector_load %arg10[%get3A_1022, %get3A_1023, %get3A_1024] {strides = array<i32>} : memref<4x112x64xf32, #tpu.memory_space<vmem>>, vector<1x1x16xf32>,
        %get3A_1026 = vector.shape_cast %get3A_1025 : vector<1x1x16xf32> to vector<16xf32>
        %mul3A_1027 = vector.broadcast %squeeze3A_971 : f32 to vector<16xf32>
        %mul3A_1028 = arith.mulf %get3A_1026, %mul3A_1027 : vector<16xf32>
        %swap3A_1029 = arith.constant 2 : i32
        %swap3A_1030 = arith.index_cast %swap3A_1029 : i32 to index
        %swap3A_1031 = arith.index_cast %add3A_975 : i32 to index
        %swap3A_1032 = arith.constant 48 : index
        %swap3A_1033 = tpu.vector_load %arg10[%swap3A_1030, %swap3A_1031, %swap3A_1032] {strides = array<i32>} : memref<4x112x64xf32, #tpu.memory_space<vmem>>, vector<1x1x16xf32>,
        %swap3A_1034 = vector.shape_cast %swap3A_1033 : vector<1x1x16xf32> to vector<16xf32>
        %swap3A_1035 = vector.shape_cast %mul3A_1028 : vector<16xf32> to vector<1x1x16xf32>
        tpu.vector_store %arg10[%swap3A_1030, %swap3A_1031, %swap3A_1032], %swap3A_1035 {strides = array<i32>} : memref<4x112x64xf32, #tpu.memory_space<vmem>>, vector<1x1x16xf32>,
        %slice3A_1036 = vector.extract_strided_slice %get3A_312 {offsets = [11], sizes = [1], strides = [1]} : vector<16xf32> to vector<1xf32>
        %squeeze3A_1037 = vector.extract %slice3A_1036[0] : f32 from vector<1xf32>
        %mul3A_1038 = arith.constant 16 : i32
        %mul3A_1039 = arith.muli %scan3A_306, %mul3A_1038 : i32
        %add3A_1040 = arith.constant 11 : i32
        %add3A_1041 = arith.addi %mul3A_1039, %add3A_1040 : i32
        %get3A_1042 = arith.constant 2 : i32
        %get3A_1043 = arith.index_cast %get3A_1042 : i32 to index
        %get3A_1044 = arith.index_cast %add3A_1041 : i32 to index
        %get3A_1045 = arith.constant 0 : index
        %get3A_1046 = tpu.vector_load %arg10[%get3A_1043, %get3A_1044, %get3A_1045] {strides = array<i32>} : memref<4x112x64xf32, #tpu.memory_space<vmem>>, vector<1x1x16xf32>,
        %get3A_1047 = vector.shape_cast %get3A_1046 : vector<1x1x16xf32> to vector<16xf32>
        %mul3A_1048 = vector.broadcast %squeeze3A_1037 : f32 to vector<16xf32>
        %mul3A_1049 = arith.mulf %get3A_1047, %mul3A_1048 : vector<16xf32>
        %swap3A_1050 = arith.constant 2 : i32
        %swap3A_1051 = arith.index_cast %swap3A_1050 : i32 to index
        %swap3A_1052 = arith.index_cast %add3A_1041 : i32 to index
        %swap3A_1053 = arith.constant 0 : index
        %swap3A_1054 = tpu.vector_load %arg10[%swap3A_1051, %swap3A_1052, %swap3A_1053] {strides = array<i32>} : memref<4x112x64xf32, #tpu.memory_space<vmem>>, vector<1x1x16xf32>,
        %swap3A_1055 = vector.shape_cast %swap3A_1054 : vector<1x1x16xf32> to vector<16xf32>
        %swap3A_1056 = vector.shape_cast %mul3A_1049 : vector<16xf32> to vector<1x1x16xf32>
        tpu.vector_store %arg10[%swap3A_1051, %swap3A_1052, %swap3A_1053], %swap3A_1056 {strides = array<i32>} : memref<4x112x64xf32, #tpu.memory_space<vmem>>, vector<1x1x16xf32>,
        %get3A_1057 = arith.constant 2 : i32
        %get3A_1058 = arith.index_cast %get3A_1057 : i32 to index
        %get3A_1059 = arith.index_cast %add3A_1041 : i32 to index
        %get3A_1060 = arith.constant 16 : index
        %get3A_1061 = tpu.vector_load %arg10[%get3A_1058, %get3A_1059, %get3A_1060] {strides = array<i32>} : memref<4x112x64xf32, #tpu.memory_space<vmem>>, vector<1x1x16xf32>,
        %get3A_1062 = vector.shape_cast %get3A_1061 : vector<1x1x16xf32> to vector<16xf32>
        %mul3A_1063 = vector.broadcast %squeeze3A_1037 : f32 to vector<16xf32>
        %mul3A_1064 = arith.mulf %get3A_1062, %mul3A_1063 : vector<16xf32>
        %swap3A_1065 = arith.constant 2 : i32
        %swap3A_1066 = arith.index_cast %swap3A_1065 : i32 to index
        %swap3A_1067 = arith.index_cast %add3A_1041 : i32 to index
        %swap3A_1068 = arith.constant 16 : index
        %swap3A_1069 = tpu.vector_load %arg10[%swap3A_1066, %swap3A_1067, %swap3A_1068] {strides = array<i32>} : memref<4x112x64xf32, #tpu.memory_space<vmem>>, vector<1x1x16xf32>,
        %swap3A_1070 = vector.shape_cast %swap3A_1069 : vector<1x1x16xf32> to vector<16xf32>
        %swap3A_1071 = vector.shape_cast %mul3A_1064 : vector<16xf32> to vector<1x1x16xf32>
        tpu.vector_store %arg10[%swap3A_1066, %swap3A_1067, %swap3A_1068], %swap3A_1071 {strides = array<i32>} : memref<4x112x64xf32, #tpu.memory_space<vmem>>, vector<1x1x16xf32>,
        %get3A_1072 = arith.constant 2 : i32
        %get3A_1073 = arith.index_cast %get3A_1072 : i32 to index
        %get3A_1074 = arith.index_cast %add3A_1041 : i32 to index
        %get3A_1075 = arith.constant 32 : index
        %get3A_1076 = tpu.vector_load %arg10[%get3A_1073, %get3A_1074, %get3A_1075] {strides = array<i32>} : memref<4x112x64xf32, #tpu.memory_space<vmem>>, vector<1x1x16xf32>,
        %get3A_1077 = vector.shape_cast %get3A_1076 : vector<1x1x16xf32> to vector<16xf32>
        %mul3A_1078 = vector.broadcast %squeeze3A_1037 : f32 to vector<16xf32>
        %mul3A_1079 = arith.mulf %get3A_1077, %mul3A_1078 : vector<16xf32>
        %swap3A_1080 = arith.constant 2 : i32
        %swap3A_1081 = arith.index_cast %swap3A_1080 : i32 to index
        %swap3A_1082 = arith.index_cast %add3A_1041 : i32 to index
        %swap3A_1083 = arith.constant 32 : index
        %swap3A_1084 = tpu.vector_load %arg10[%swap3A_1081, %swap3A_1082, %swap3A_1083] {strides = array<i32>} : memref<4x112x64xf32, #tpu.memory_space<vmem>>, vector<1x1x16xf32>,
        %swap3A_1085 = vector.shape_cast %swap3A_1084 : vector<1x1x16xf32> to vector<16xf32>
        %swap3A_1086 = vector.shape_cast %mul3A_1079 : vector<16xf32> to vector<1x1x16xf32>
        tpu.vector_store %arg10[%swap3A_1081, %swap3A_1082, %swap3A_1083], %swap3A_1086 {strides = array<i32>} : memref<4x112x64xf32, #tpu.memory_space<vmem>>, vector<1x1x16xf32>,
        %get3A_1087 = arith.constant 2 : i32
        %get3A_1088 = arith.index_cast %get3A_1087 : i32 to index
        %get3A_1089 = arith.index_cast %add3A_1041 : i32 to index
        %get3A_1090 = arith.constant 48 : index
        %get3A_1091 = tpu.vector_load %arg10[%get3A_1088, %get3A_1089, %get3A_1090] {strides = array<i32>} : memref<4x112x64xf32, #tpu.memory_space<vmem>>, vector<1x1x16xf32>,
        %get3A_1092 = vector.shape_cast %get3A_1091 : vector<1x1x16xf32> to vector<16xf32>
        %mul3A_1093 = vector.broadcast %squeeze3A_1037 : f32 to vector<16xf32>
        %mul3A_1094 = arith.mulf %get3A_1092, %mul3A_1093 : vector<16xf32>
        %swap3A_1095 = arith.constant 2 : i32
        %swap3A_1096 = arith.index_cast %swap3A_1095 : i32 to index
        %swap3A_1097 = arith.index_cast %add3A_1041 : i32 to index
        %swap3A_1098 = arith.constant 48 : index
        %swap3A_1099 = tpu.vector_load %arg10[%swap3A_1096, %swap3A_1097, %swap3A_1098] {strides = array<i32>} : memref<4x112x64xf32, #tpu.memory_space<vmem>>, vector<1x1x16xf32>,
        %swap3A_1100 = vector.shape_cast %swap3A_1099 : vector<1x1x16xf32> to vector<16xf32>
        %swap3A_1101 = vector.shape_cast %mul3A_1094 : vector<16xf32> to vector<1x1x16xf32>
        tpu.vector_store %arg10[%swap3A_1096, %swap3A_1097, %swap3A_1098], %swap3A_1101 {strides = array<i32>} : memref<4x112x64xf32, #tpu.memory_space<vmem>>, vector<1x1x16xf32>,
        %slice3A_1102 = vector.extract_strided_slice %get3A_312 {offsets = [12], sizes = [1], strides = [1]} : vector<16xf32> to vector<1xf32>
        %squeeze3A_1103 = vector.extract %slice3A_1102[0] : f32 from vector<1xf32>
        %mul3A_1104 = arith.constant 16 : i32
        %mul3A_1105 = arith.muli %scan3A_306, %mul3A_1104 : i32
        %add3A_1106 = arith.constant 12 : i32
        %add3A_1107 = arith.addi %mul3A_1105, %add3A_1106 : i32
        %get3A_1108 = arith.constant 2 : i32
        %get3A_1109 = arith.index_cast %get3A_1108 : i32 to index
        %get3A_1110 = arith.index_cast %add3A_1107 : i32 to index
        %get3A_1111 = arith.constant 0 : index
        %get3A_1112 = tpu.vector_load %arg10[%get3A_1109, %get3A_1110, %get3A_1111] {strides = array<i32>} : memref<4x112x64xf32, #tpu.memory_space<vmem>>, vector<1x1x16xf32>,
        %get3A_1113 = vector.shape_cast %get3A_1112 : vector<1x1x16xf32> to vector<16xf32>
        %mul3A_1114 = vector.broadcast %squeeze3A_1103 : f32 to vector<16xf32>
        %mul3A_1115 = arith.mulf %get3A_1113, %mul3A_1114 : vector<16xf32>
        %swap3A_1116 = arith.constant 2 : i32
        %swap3A_1117 = arith.index_cast %swap3A_1116 : i32 to index
        %swap3A_1118 = arith.index_cast %add3A_1107 : i32 to index
        %swap3A_1119 = arith.constant 0 : index
        %swap3A_1120 = tpu.vector_load %arg10[%swap3A_1117, %swap3A_1118, %swap3A_1119] {strides = array<i32>} : memref<4x112x64xf32, #tpu.memory_space<vmem>>, vector<1x1x16xf32>,
        %swap3A_1121 = vector.shape_cast %swap3A_1120 : vector<1x1x16xf32> to vector<16xf32>
        %swap3A_1122 = vector.shape_cast %mul3A_1115 : vector<16xf32> to vector<1x1x16xf32>
        tpu.vector_store %arg10[%swap3A_1117, %swap3A_1118, %swap3A_1119], %swap3A_1122 {strides = array<i32>} : memref<4x112x64xf32, #tpu.memory_space<vmem>>, vector<1x1x16xf32>,
        %get3A_1123 = arith.constant 2 : i32
        %get3A_1124 = arith.index_cast %get3A_1123 : i32 to index
        %get3A_1125 = arith.index_cast %add3A_1107 : i32 to index
        %get3A_1126 = arith.constant 16 : index
        %get3A_1127 = tpu.vector_load %arg10[%get3A_1124, %get3A_1125, %get3A_1126] {strides = array<i32>} : memref<4x112x64xf32, #tpu.memory_space<vmem>>, vector<1x1x16xf32>,
        %get3A_1128 = vector.shape_cast %get3A_1127 : vector<1x1x16xf32> to vector<16xf32>
        %mul3A_1129 = vector.broadcast %squeeze3A_1103 : f32 to vector<16xf32>
        %mul3A_1130 = arith.mulf %get3A_1128, %mul3A_1129 : vector<16xf32>
        %swap3A_1131 = arith.constant 2 : i32
        %swap3A_1132 = arith.index_cast %swap3A_1131 : i32 to index
        %swap3A_1133 = arith.index_cast %add3A_1107 : i32 to index
        %swap3A_1134 = arith.constant 16 : index
        %swap3A_1135 = tpu.vector_load %arg10[%swap3A_1132, %swap3A_1133, %swap3A_1134] {strides = array<i32>} : memref<4x112x64xf32, #tpu.memory_space<vmem>>, vector<1x1x16xf32>,
        %swap3A_1136 = vector.shape_cast %swap3A_1135 : vector<1x1x16xf32> to vector<16xf32>
        %swap3A_1137 = vector.shape_cast %mul3A_1130 : vector<16xf32> to vector<1x1x16xf32>
        tpu.vector_store %arg10[%swap3A_1132, %swap3A_1133, %swap3A_1134], %swap3A_1137 {strides = array<i32>} : memref<4x112x64xf32, #tpu.memory_space<vmem>>, vector<1x1x16xf32>,
        %get3A_1138 = arith.constant 2 : i32
        %get3A_1139 = arith.index_cast %get3A_1138 : i32 to index
        %get3A_1140 = arith.index_cast %add3A_1107 : i32 to index
        %get3A_1141 = arith.constant 32 : index
        %get3A_1142 = tpu.vector_load %arg10[%get3A_1139, %get3A_1140, %get3A_1141] {strides = array<i32>} : memref<4x112x64xf32, #tpu.memory_space<vmem>>, vector<1x1x16xf32>,
        %get3A_1143 = vector.shape_cast %get3A_1142 : vector<1x1x16xf32> to vector<16xf32>
        %mul3A_1144 = vector.broadcast %squeeze3A_1103 : f32 to vector<16xf32>
        %mul3A_1145 = arith.mulf %get3A_1143, %mul3A_1144 : vector<16xf32>
        %swap3A_1146 = arith.constant 2 : i32
        %swap3A_1147 = arith.index_cast %swap3A_1146 : i32 to index
        %swap3A_1148 = arith.index_cast %add3A_1107 : i32 to index
        %swap3A_1149 = arith.constant 32 : index
        %swap3A_1150 = tpu.vector_load %arg10[%swap3A_1147, %swap3A_1148, %swap3A_1149] {strides = array<i32>} : memref<4x112x64xf32, #tpu.memory_space<vmem>>, vector<1x1x16xf32>,
        %swap3A_1151 = vector.shape_cast %swap3A_1150 : vector<1x1x16xf32> to vector<16xf32>
        %swap3A_1152 = vector.shape_cast %mul3A_1145 : vector<16xf32> to vector<1x1x16xf32>
        tpu.vector_store %arg10[%swap3A_1147, %swap3A_1148, %swap3A_1149], %swap3A_1152 {strides = array<i32>} : memref<4x112x64xf32, #tpu.memory_space<vmem>>, vector<1x1x16xf32>,
        %get3A_1153 = arith.constant 2 : i32
        %get3A_1154 = arith.index_cast %get3A_1153 : i32 to index
        %get3A_1155 = arith.index_cast %add3A_1107 : i32 to index
        %get3A_1156 = arith.constant 48 : index
        %get3A_1157 = tpu.vector_load %arg10[%get3A_1154, %get3A_1155, %get3A_1156] {strides = array<i32>} : memref<4x112x64xf32, #tpu.memory_space<vmem>>, vector<1x1x16xf32>,
        %get3A_1158 = vector.shape_cast %get3A_1157 : vector<1x1x16xf32> to vector<16xf32>
        %mul3A_1159 = vector.broadcast %squeeze3A_1103 : f32 to vector<16xf32>
        %mul3A_1160 = arith.mulf %get3A_1158, %mul3A_1159 : vector<16xf32>
        %swap3A_1161 = arith.constant 2 : i32
        %swap3A_1162 = arith.index_cast %swap3A_1161 : i32 to index
        %swap3A_1163 = arith.index_cast %add3A_1107 : i32 to index
        %swap3A_1164 = arith.constant 48 : index
        %swap3A_1165 = tpu.vector_load %arg10[%swap3A_1162, %swap3A_1163, %swap3A_1164] {strides = array<i32>} : memref<4x112x64xf32, #tpu.memory_space<vmem>>, vector<1x1x16xf32>,
        %swap3A_1166 = vector.shape_cast %swap3A_1165 : vector<1x1x16xf32> to vector<16xf32>
        %swap3A_1167 = vector.shape_cast %mul3A_1160 : vector<16xf32> to vector<1x1x16xf32>
        tpu.vector_store %arg10[%swap3A_1162, %swap3A_1163, %swap3A_1164], %swap3A_1167 {strides = array<i32>} : memref<4x112x64xf32, #tpu.memory_space<vmem>>, vector<1x1x16xf32>,
        %slice3A_1168 = vector.extract_strided_slice %get3A_312 {offsets = [13], sizes = [1], strides = [1]} : vector<16xf32> to vector<1xf32>
        %squeeze3A_1169 = vector.extract %slice3A_1168[0] : f32 from vector<1xf32>
        %mul3A_1170 = arith.constant 16 : i32
        %mul3A_1171 = arith.muli %scan3A_306, %mul3A_1170 : i32
        %add3A_1172 = arith.constant 13 : i32
        %add3A_1173 = arith.addi %mul3A_1171, %add3A_1172 : i32
        %get3A_1174 = arith.constant 2 : i32
        %get3A_1175 = arith.index_cast %get3A_1174 : i32 to index
        %get3A_1176 = arith.index_cast %add3A_1173 : i32 to index
        %get3A_1177 = arith.constant 0 : index
        %get3A_1178 = tpu.vector_load %arg10[%get3A_1175, %get3A_1176, %get3A_1177] {strides = array<i32>} : memref<4x112x64xf32, #tpu.memory_space<vmem>>, vector<1x1x16xf32>,
        %get3A_1179 = vector.shape_cast %get3A_1178 : vector<1x1x16xf32> to vector<16xf32>
        %mul3A_1180 = vector.broadcast %squeeze3A_1169 : f32 to vector<16xf32>
        %mul3A_1181 = arith.mulf %get3A_1179, %mul3A_1180 : vector<16xf32>
        %swap3A_1182 = arith.constant 2 : i32
        %swap3A_1183 = arith.index_cast %swap3A_1182 : i32 to index
        %swap3A_1184 = arith.index_cast %add3A_1173 : i32 to index
        %swap3A_1185 = arith.constant 0 : index
        %swap3A_1186 = tpu.vector_load %arg10[%swap3A_1183, %swap3A_1184, %swap3A_1185] {strides = array<i32>} : memref<4x112x64xf32, #tpu.memory_space<vmem>>, vector<1x1x16xf32>,
        %swap3A_1187 = vector.shape_cast %swap3A_1186 : vector<1x1x16xf32> to vector<16xf32>
        %swap3A_1188 = vector.shape_cast %mul3A_1181 : vector<16xf32> to vector<1x1x16xf32>
        tpu.vector_store %arg10[%swap3A_1183, %swap3A_1184, %swap3A_1185], %swap3A_1188 {strides = array<i32>} : memref<4x112x64xf32, #tpu.memory_space<vmem>>, vector<1x1x16xf32>,
        %get3A_1189 = arith.constant 2 : i32
        %get3A_1190 = arith.index_cast %get3A_1189 : i32 to index
        %get3A_1191 = arith.index_cast %add3A_1173 : i32 to index
        %get3A_1192 = arith.constant 16 : index
        %get3A_1193 = tpu.vector_load %arg10[%get3A_1190, %get3A_1191, %get3A_1192] {strides = array<i32>} : memref<4x112x64xf32, #tpu.memory_space<vmem>>, vector<1x1x16xf32>,
        %get3A_1194 = vector.shape_cast %get3A_1193 : vector<1x1x16xf32> to vector<16xf32>
        %mul3A_1195 = vector.broadcast %squeeze3A_1169 : f32 to vector<16xf32>
        %mul3A_1196 = arith.mulf %get3A_1194, %mul3A_1195 : vector<16xf32>
        %swap3A_1197 = arith.constant 2 : i32
        %swap3A_1198 = arith.index_cast %swap3A_1197 : i32 to index
        %swap3A_1199 = arith.index_cast %add3A_1173 : i32 to index
        %swap3A_1200 = arith.constant 16 : index
        %swap3A_1201 = tpu.vector_load %arg10[%swap3A_1198, %swap3A_1199, %swap3A_1200] {strides = array<i32>} : memref<4x112x64xf32, #tpu.memory_space<vmem>>, vector<1x1x16xf32>,
        %swap3A_1202 = vector.shape_cast %swap3A_1201 : vector<1x1x16xf32> to vector<16xf32>
        %swap3A_1203 = vector.shape_cast %mul3A_1196 : vector<16xf32> to vector<1x1x16xf32>
        tpu.vector_store %arg10[%swap3A_1198, %swap3A_1199, %swap3A_1200], %swap3A_1203 {strides = array<i32>} : memref<4x112x64xf32, #tpu.memory_space<vmem>>, vector<1x1x16xf32>,
        %get3A_1204 = arith.constant 2 : i32
        %get3A_1205 = arith.index_cast %get3A_1204 : i32 to index
        %get3A_1206 = arith.index_cast %add3A_1173 : i32 to index
        %get3A_1207 = arith.constant 32 : index
        %get3A_1208 = tpu.vector_load %arg10[%get3A_1205, %get3A_1206, %get3A_1207] {strides = array<i32>} : memref<4x112x64xf32, #tpu.memory_space<vmem>>, vector<1x1x16xf32>,
        %get3A_1209 = vector.shape_cast %get3A_1208 : vector<1x1x16xf32> to vector<16xf32>
        %mul3A_1210 = vector.broadcast %squeeze3A_1169 : f32 to vector<16xf32>
        %mul3A_1211 = arith.mulf %get3A_1209, %mul3A_1210 : vector<16xf32>
        %swap3A_1212 = arith.constant 2 : i32
        %swap3A_1213 = arith.index_cast %swap3A_1212 : i32 to index
        %swap3A_1214 = arith.index_cast %add3A_1173 : i32 to index
        %swap3A_1215 = arith.constant 32 : index
        %swap3A_1216 = tpu.vector_load %arg10[%swap3A_1213, %swap3A_1214, %swap3A_1215] {strides = array<i32>} : memref<4x112x64xf32, #tpu.memory_space<vmem>>, vector<1x1x16xf32>,
        %swap3A_1217 = vector.shape_cast %swap3A_1216 : vector<1x1x16xf32> to vector<16xf32>
        %swap3A_1218 = vector.shape_cast %mul3A_1211 : vector<16xf32> to vector<1x1x16xf32>
        tpu.vector_store %arg10[%swap3A_1213, %swap3A_1214, %swap3A_1215], %swap3A_1218 {strides = array<i32>} : memref<4x112x64xf32, #tpu.memory_space<vmem>>, vector<1x1x16xf32>,
        %get3A_1219 = arith.constant 2 : i32
        %get3A_1220 = arith.index_cast %get3A_1219 : i32 to index
        %get3A_1221 = arith.index_cast %add3A_1173 : i32 to index
        %get3A_1222 = arith.constant 48 : index
        %get3A_1223 = tpu.vector_load %arg10[%get3A_1220, %get3A_1221, %get3A_1222] {strides = array<i32>} : memref<4x112x64xf32, #tpu.memory_space<vmem>>, vector<1x1x16xf32>,
        %get3A_1224 = vector.shape_cast %get3A_1223 : vector<1x1x16xf32> to vector<16xf32>
        %mul3A_1225 = vector.broadcast %squeeze3A_1169 : f32 to vector<16xf32>
        %mul3A_1226 = arith.mulf %get3A_1224, %mul3A_1225 : vector<16xf32>
        %swap3A_1227 = arith.constant 2 : i32
        %swap3A_1228 = arith.index_cast %swap3A_1227 : i32 to index
        %swap3A_1229 = arith.index_cast %add3A_1173 : i32 to index
        %swap3A_1230 = arith.constant 48 : index
        %swap3A_1231 = tpu.vector_load %arg10[%swap3A_1228, %swap3A_1229, %swap3A_1230] {strides = array<i32>} : memref<4x112x64xf32, #tpu.memory_space<vmem>>, vector<1x1x16xf32>,
        %swap3A_1232 = vector.shape_cast %swap3A_1231 : vector<1x1x16xf32> to vector<16xf32>
        %swap3A_1233 = vector.shape_cast %mul3A_1226 : vector<16xf32> to vector<1x1x16xf32>
        tpu.vector_store %arg10[%swap3A_1228, %swap3A_1229, %swap3A_1230], %swap3A_1233 {strides = array<i32>} : memref<4x112x64xf32, #tpu.memory_space<vmem>>, vector<1x1x16xf32>,
        %slice3A_1234 = vector.extract_strided_slice %get3A_312 {offsets = [14], sizes = [1], strides = [1]} : vector<16xf32> to vector<1xf32>
        %squeeze3A_1235 = vector.extract %slice3A_1234[0] : f32 from vector<1xf32>
        %mul3A_1236 = arith.constant 16 : i32
        %mul3A_1237 = arith.muli %scan3A_306, %mul3A_1236 : i32
        %add3A_1238 = arith.constant 14 : i32
        %add3A_1239 = arith.addi %mul3A_1237, %add3A_1238 : i32
        %get3A_1240 = arith.constant 2 : i32
        %get3A_1241 = arith.index_cast %get3A_1240 : i32 to index
        %get3A_1242 = arith.index_cast %add3A_1239 : i32 to index
        %get3A_1243 = arith.constant 0 : index
        %get3A_1244 = tpu.vector_load %arg10[%get3A_1241, %get3A_1242, %get3A_1243] {strides = array<i32>} : memref<4x112x64xf32, #tpu.memory_space<vmem>>, vector<1x1x16xf32>,
        %get3A_1245 = vector.shape_cast %get3A_1244 : vector<1x1x16xf32> to vector<16xf32>
        %mul3A_1246 = vector.broadcast %squeeze3A_1235 : f32 to vector<16xf32>
        %mul3A_1247 = arith.mulf %get3A_1245, %mul3A_1246 : vector<16xf32>
        %swap3A_1248 = arith.constant 2 : i32
        %swap3A_1249 = arith.index_cast %swap3A_1248 : i32 to index
        %swap3A_1250 = arith.index_cast %add3A_1239 : i32 to index
        %swap3A_1251 = arith.constant 0 : index
        %swap3A_1252 = tpu.vector_load %arg10[%swap3A_1249, %swap3A_1250, %swap3A_1251] {strides = array<i32>} : memref<4x112x64xf32, #tpu.memory_space<vmem>>, vector<1x1x16xf32>,
        %swap3A_1253 = vector.shape_cast %swap3A_1252 : vector<1x1x16xf32> to vector<16xf32>
        %swap3A_1254 = vector.shape_cast %mul3A_1247 : vector<16xf32> to vector<1x1x16xf32>
        tpu.vector_store %arg10[%swap3A_1249, %swap3A_1250, %swap3A_1251], %swap3A_1254 {strides = array<i32>} : memref<4x112x64xf32, #tpu.memory_space<vmem>>, vector<1x1x16xf32>,
        %get3A_1255 = arith.constant 2 : i32
        %get3A_1256 = arith.index_cast %get3A_1255 : i32 to index
        %get3A_1257 = arith.index_cast %add3A_1239 : i32 to index
        %get3A_1258 = arith.constant 16 : index
        %get3A_1259 = tpu.vector_load %arg10[%get3A_1256, %get3A_1257, %get3A_1258] {strides = array<i32>} : memref<4x112x64xf32, #tpu.memory_space<vmem>>, vector<1x1x16xf32>,
        %get3A_1260 = vector.shape_cast %get3A_1259 : vector<1x1x16xf32> to vector<16xf32>
        %mul3A_1261 = vector.broadcast %squeeze3A_1235 : f32 to vector<16xf32>
        %mul3A_1262 = arith.mulf %get3A_1260, %mul3A_1261 : vector<16xf32>
        %swap3A_1263 = arith.constant 2 : i32
        %swap3A_1264 = arith.index_cast %swap3A_1263 : i32 to index
        %swap3A_1265 = arith.index_cast %add3A_1239 : i32 to index
        %swap3A_1266 = arith.constant 16 : index
        %swap3A_1267 = tpu.vector_load %arg10[%swap3A_1264, %swap3A_1265, %swap3A_1266] {strides = array<i32>} : memref<4x112x64xf32, #tpu.memory_space<vmem>>, vector<1x1x16xf32>,
        %swap3A_1268 = vector.shape_cast %swap3A_1267 : vector<1x1x16xf32> to vector<16xf32>
        %swap3A_1269 = vector.shape_cast %mul3A_1262 : vector<16xf32> to vector<1x1x16xf32>
        tpu.vector_store %arg10[%swap3A_1264, %swap3A_1265, %swap3A_1266], %swap3A_1269 {strides = array<i32>} : memref<4x112x64xf32, #tpu.memory_space<vmem>>, vector<1x1x16xf32>,
        %get3A_1270 = arith.constant 2 : i32
        %get3A_1271 = arith.index_cast %get3A_1270 : i32 to index
        %get3A_1272 = arith.index_cast %add3A_1239 : i32 to index
        %get3A_1273 = arith.constant 32 : index
        %get3A_1274 = tpu.vector_load %arg10[%get3A_1271, %get3A_1272, %get3A_1273] {strides = array<i32>} : memref<4x112x64xf32, #tpu.memory_space<vmem>>, vector<1x1x16xf32>,
        %get3A_1275 = vector.shape_cast %get3A_1274 : vector<1x1x16xf32> to vector<16xf32>
        %mul3A_1276 = vector.broadcast %squeeze3A_1235 : f32 to vector<16xf32>
        %mul3A_1277 = arith.mulf %get3A_1275, %mul3A_1276 : vector<16xf32>
        %swap3A_1278 = arith.constant 2 : i32
        %swap3A_1279 = arith.index_cast %swap3A_1278 : i32 to index
        %swap3A_1280 = arith.index_cast %add3A_1239 : i32 to index
        %swap3A_1281 = arith.constant 32 : index
        %swap3A_1282 = tpu.vector_load %arg10[%swap3A_1279, %swap3A_1280, %swap3A_1281] {strides = array<i32>} : memref<4x112x64xf32, #tpu.memory_space<vmem>>, vector<1x1x16xf32>,
        %swap3A_1283 = vector.shape_cast %swap3A_1282 : vector<1x1x16xf32> to vector<16xf32>
        %swap3A_1284 = vector.shape_cast %mul3A_1277 : vector<16xf32> to vector<1x1x16xf32>
        tpu.vector_store %arg10[%swap3A_1279, %swap3A_1280, %swap3A_1281], %swap3A_1284 {strides = array<i32>} : memref<4x112x64xf32, #tpu.memory_space<vmem>>, vector<1x1x16xf32>,
        %get3A_1285 = arith.constant 2 : i32
        %get3A_1286 = arith.index_cast %get3A_1285 : i32 to index
        %get3A_1287 = arith.index_cast %add3A_1239 : i32 to index
        %get3A_1288 = arith.constant 48 : index
        %get3A_1289 = tpu.vector_load %arg10[%get3A_1286, %get3A_1287, %get3A_1288] {strides = array<i32>} : memref<4x112x64xf32, #tpu.memory_space<vmem>>, vector<1x1x16xf32>,
        %get3A_1290 = vector.shape_cast %get3A_1289 : vector<1x1x16xf32> to vector<16xf32>
        %mul3A_1291 = vector.broadcast %squeeze3A_1235 : f32 to vector<16xf32>
        %mul3A_1292 = arith.mulf %get3A_1290, %mul3A_1291 : vector<16xf32>
        %swap3A_1293 = arith.constant 2 : i32
        %swap3A_1294 = arith.index_cast %swap3A_1293 : i32 to index
        %swap3A_1295 = arith.index_cast %add3A_1239 : i32 to index
        %swap3A_1296 = arith.constant 48 : index
        %swap3A_1297 = tpu.vector_load %arg10[%swap3A_1294, %swap3A_1295, %swap3A_1296] {strides = array<i32>} : memref<4x112x64xf32, #tpu.memory_space<vmem>>, vector<1x1x16xf32>,
        %swap3A_1298 = vector.shape_cast %swap3A_1297 : vector<1x1x16xf32> to vector<16xf32>
        %swap3A_1299 = vector.shape_cast %mul3A_1292 : vector<16xf32> to vector<1x1x16xf32>
        tpu.vector_store %arg10[%swap3A_1294, %swap3A_1295, %swap3A_1296], %swap3A_1299 {strides = array<i32>} : memref<4x112x64xf32, #tpu.memory_space<vmem>>, vector<1x1x16xf32>,
        %slice3A_1300 = vector.extract_strided_slice %get3A_312 {offsets = [15], sizes = [1], strides = [1]} : vector<16xf32> to vector<1xf32>
        %squeeze3A_1301 = vector.extract %slice3A_1300[0] : f32 from vector<1xf32>
        %mul3A_1302 = arith.constant 16 : i32
        %mul3A_1303 = arith.muli %scan3A_306, %mul3A_1302 : i32
        %add3A_1304 = arith.constant 15 : i32
        %add3A_1305 = arith.addi %mul3A_1303, %add3A_1304 : i32
        %get3A_1306 = arith.constant 2 : i32
        %get3A_1307 = arith.index_cast %get3A_1306 : i32 to index
        %get3A_1308 = arith.index_cast %add3A_1305 : i32 to index
        %get3A_1309 = arith.constant 0 : index
        %get3A_1310 = tpu.vector_load %arg10[%get3A_1307, %get3A_1308, %get3A_1309] {strides = array<i32>} : memref<4x112x64xf32, #tpu.memory_space<vmem>>, vector<1x1x16xf32>,
        %get3A_1311 = vector.shape_cast %get3A_1310 : vector<1x1x16xf32> to vector<16xf32>
        %mul3A_1312 = vector.broadcast %squeeze3A_1301 : f32 to vector<16xf32>
        %mul3A_1313 = arith.mulf %get3A_1311, %mul3A_1312 : vector<16xf32>
        %swap3A_1314 = arith.constant 2 : i32
        %swap3A_1315 = arith.index_cast %swap3A_1314 : i32 to index
        %swap3A_1316 = arith.index_cast %add3A_1305 : i32 to index
        %swap3A_1317 = arith.constant 0 : index
        %swap3A_1318 = tpu.vector_load %arg10[%swap3A_1315, %swap3A_1316, %swap3A_1317] {strides = array<i32>} : memref<4x112x64xf32, #tpu.memory_space<vmem>>, vector<1x1x16xf32>,
        %swap3A_1319 = vector.shape_cast %swap3A_1318 : vector<1x1x16xf32> to vector<16xf32>
        %swap3A_1320 = vector.shape_cast %mul3A_1313 : vector<16xf32> to vector<1x1x16xf32>
        tpu.vector_store %arg10[%swap3A_1315, %swap3A_1316, %swap3A_1317], %swap3A_1320 {strides = array<i32>} : memref<4x112x64xf32, #tpu.memory_space<vmem>>, vector<1x1x16xf32>,
        %get3A_1321 = arith.constant 2 : i32
        %get3A_1322 = arith.index_cast %get3A_1321 : i32 to index
        %get3A_1323 = arith.index_cast %add3A_1305 : i32 to index
        %get3A_1324 = arith.constant 16 : index
        %get3A_1325 = tpu.vector_load %arg10[%get3A_1322, %get3A_1323, %get3A_1324] {strides = array<i32>} : memref<4x112x64xf32, #tpu.memory_space<vmem>>, vector<1x1x16xf32>,
        %get3A_1326 = vector.shape_cast %get3A_1325 : vector<1x1x16xf32> to vector<16xf32>
        %mul3A_1327 = vector.broadcast %squeeze3A_1301 : f32 to vector<16xf32>
        %mul3A_1328 = arith.mulf %get3A_1326, %mul3A_1327 : vector<16xf32>
        %swap3A_1329 = arith.constant 2 : i32
        %swap3A_1330 = arith.index_cast %swap3A_1329 : i32 to index
        %swap3A_1331 = arith.index_cast %add3A_1305 : i32 to index
        %swap3A_1332 = arith.constant 16 : index
        %swap3A_1333 = tpu.vector_load %arg10[%swap3A_1330, %swap3A_1331, %swap3A_1332] {strides = array<i32>} : memref<4x112x64xf32, #tpu.memory_space<vmem>>, vector<1x1x16xf32>,
        %swap3A_1334 = vector.shape_cast %swap3A_1333 : vector<1x1x16xf32> to vector<16xf32>
        %swap3A_1335 = vector.shape_cast %mul3A_1328 : vector<16xf32> to vector<1x1x16xf32>
        tpu.vector_store %arg10[%swap3A_1330, %swap3A_1331, %swap3A_1332], %swap3A_1335 {strides = array<i32>} : memref<4x112x64xf32, #tpu.memory_space<vmem>>, vector<1x1x16xf32>,
        %get3A_1336 = arith.constant 2 : i32
        %get3A_1337 = arith.index_cast %get3A_1336 : i32 to index
        %get3A_1338 = arith.index_cast %add3A_1305 : i32 to index
        %get3A_1339 = arith.constant 32 : index
        %get3A_1340 = tpu.vector_load %arg10[%get3A_1337, %get3A_1338, %get3A_1339] {strides = array<i32>} : memref<4x112x64xf32, #tpu.memory_space<vmem>>, vector<1x1x16xf32>,
        %get3A_1341 = vector.shape_cast %get3A_1340 : vector<1x1x16xf32> to vector<16xf32>
        %mul3A_1342 = vector.broadcast %squeeze3A_1301 : f32 to vector<16xf32>
        %mul3A_1343 = arith.mulf %get3A_1341, %mul3A_1342 : vector<16xf32>
        %swap3A_1344 = arith.constant 2 : i32
        %swap3A_1345 = arith.index_cast %swap3A_1344 : i32 to index
        %swap3A_1346 = arith.index_cast %add3A_1305 : i32 to index
        %swap3A_1347 = arith.constant 32 : index
        %swap3A_1348 = tpu.vector_load %arg10[%swap3A_1345, %swap3A_1346, %swap3A_1347] {strides = array<i32>} : memref<4x112x64xf32, #tpu.memory_space<vmem>>, vector<1x1x16xf32>,
        %swap3A_1349 = vector.shape_cast %swap3A_1348 : vector<1x1x16xf32> to vector<16xf32>
        %swap3A_1350 = vector.shape_cast %mul3A_1343 : vector<16xf32> to vector<1x1x16xf32>
        tpu.vector_store %arg10[%swap3A_1345, %swap3A_1346, %swap3A_1347], %swap3A_1350 {strides = array<i32>} : memref<4x112x64xf32, #tpu.memory_space<vmem>>, vector<1x1x16xf32>,
        %get3A_1351 = arith.constant 2 : i32
        %get3A_1352 = arith.index_cast %get3A_1351 : i32 to index
        %get3A_1353 = arith.index_cast %add3A_1305 : i32 to index
        %get3A_1354 = arith.constant 48 : index
        %get3A_1355 = tpu.vector_load %arg10[%get3A_1352, %get3A_1353, %get3A_1354] {strides = array<i32>} : memref<4x112x64xf32, #tpu.memory_space<vmem>>, vector<1x1x16xf32>,
        %get3A_1356 = vector.shape_cast %get3A_1355 : vector<1x1x16xf32> to vector<16xf32>
        %mul3A_1357 = vector.broadcast %squeeze3A_1301 : f32 to vector<16xf32>
        %mul3A_1358 = arith.mulf %get3A_1356, %mul3A_1357 : vector<16xf32>
        %swap3A_1359 = arith.constant 2 : i32
        %swap3A_1360 = arith.index_cast %swap3A_1359 : i32 to index
        %swap3A_1361 = arith.index_cast %add3A_1305 : i32 to index
        %swap3A_1362 = arith.constant 48 : index
        %swap3A_1363 = tpu.vector_load %arg10[%swap3A_1360, %swap3A_1361, %swap3A_1362] {strides = array<i32>} : memref<4x112x64xf32, #tpu.memory_space<vmem>>, vector<1x1x16xf32>,
        %swap3A_1364 = vector.shape_cast %swap3A_1363 : vector<1x1x16xf32> to vector<16xf32>
        %swap3A_1365 = vector.shape_cast %mul3A_1358 : vector<16xf32> to vector<1x1x16xf32>
        tpu.vector_store %arg10[%swap3A_1360, %swap3A_1361, %swap3A_1362], %swap3A_1365 {strides = array<i32>} : memref<4x112x64xf32, #tpu.memory_space<vmem>>, vector<1x1x16xf32>,
        %scan3A_1366 = arith.constant 0 : i32
        scf.yield %scan3A_1366 : i32
      }
      %scan3A_238 = arith.constant 7 : i32
      %dma_start3A_239 = arith.constant 2 : i32
      %dma_start3A_240 = arith.constant 2 : i32
      %dma_start3A_241 = arith.constant 0 : i32
      %dma_start3A_242 = arith.constant 0 : i32
      %dma_start3A_243 = tpu.memref_slice %arg10[%dma_start3A_239, %dma_start3A_241, %dma_start3A_242] : memref<4x112x64xf32, #tpu.memory_space<vmem>> -> memref<1x112x64xf32, #tpu.memory_space<vmem>>
      %dma_start3A_244 = tpu.memref_squeeze %dma_start3A_243 : memref<1x112x64xf32, #tpu.memory_space<vmem>> -> memref<112x64xf32, #tpu.memory_space<vmem>>
      %dma_start3A_245 = arith.constant 0 : i32
      %dma_start3A_246 = tpu.memref_slice %arg8[%add3A_204, %dma_start3A_245] : memref<180x112xi32, #tpu.memory_space<vmem>> -> memref<1x112xi32, #tpu.memory_space<vmem>>
      %dma_start3A_247 = tpu.memref_squeeze %dma_start3A_246 : memref<1x112xi32, #tpu.memory_space<vmem>> -> memref<112xi32, #tpu.memory_space<vmem>>
      %dma_start3A_248 = arith.constant 0 : i32
      %dma_start3A_249 = arith.constant 0 : i32
      %dma_start3A_250 = tpu.memref_slice %arg11[%dma_start3A_248, %dma_start3A_249] : memref<10112x64xf32, #tpu.memory_space<vmem_shared>> -> memref<10112x64xf32, #tpu.memory_space<vmem_shared>>
      %dma_start3A_251 = tpu.memref_slice %arg13[%dma_start3A_240] : memref<4x!tpu.dma_semaphore, #tpu.memory_space<semaphore_mem>> -> memref<1x!tpu.dma_semaphore, #tpu.memory_space<semaphore_mem>>
      %dma_start3A_252 = tpu.memref_squeeze %dma_start3A_251 : memref<1x!tpu.dma_semaphore, #tpu.memory_space<semaphore_mem>> -> memref<!tpu.dma_semaphore, #tpu.memory_space<semaphore_mem>>
      tpu.enqueue_indirect_dma source(%dma_start3A_244 : memref<112x64xf32, #tpu.memory_space<vmem>>) target(%dma_start3A_250 : memref<10112x64xf32, #tpu.memory_space<vmem_shared>>) offsets(%dma_start3A_247 : memref<112xi32, #tpu.memory_space<vmem>>) semaphore(%dma_start3A_252 : memref<!tpu.dma_semaphore, #tpu.memory_space<semaphore_mem>>) {add = true}
      %mul3A_253 = arith.constant 4 : i32
      %mul3A_254 = arith.muli %scan3A_99, %mul3A_253 : i32
      %add3A_255 = arith.constant 3 : i32
      %add3A_256 = arith.addi %mul3A_254, %add3A_255 : i32
      %ge3A_257 = arith.constant 2 : i32
      %ge3A_258 = arith.cmpi sge, %add3A_256, %ge3A_257 : i32
      %convert_element_type3A_259 = arith.extui %ge3A_258 : i1 to i32
      %cond3A_260 = arith.constant 0 : i32
      %cond3A_261 = arith.cmpi ne, %convert_element_type3A_259, %cond3A_260 : i32
      scf.if %cond3A_261 {
        %dma_wait3A_306 = arith.constant 1 : i32
        %dma_wait3A_307 = arith.constant 0 : i32
        %dma_wait3A_308 = arith.constant 1 : i32
        %dma_wait3A_309 = arith.constant 0 : i32
        %dma_wait3A_310 = arith.constant 0 : i32
        %dma_wait3A_311 = tpu.memref_slice %arg10[%dma_wait3A_306, %dma_wait3A_309, %dma_wait3A_310] : memref<4x112x64xf32, #tpu.memory_space<vmem>> -> memref<1x112x64xf32, #tpu.memory_space<vmem>>
        %dma_wait3A_312 = tpu.memref_squeeze %dma_wait3A_311 : memref<1x112x64xf32, #tpu.memory_space<vmem>> -> memref<112x64xf32, #tpu.memory_space<vmem>>
        %dma_wait3A_313 = arith.constant 0 : i32
        %dma_wait3A_314 = tpu.memref_slice %arg8[%dma_wait3A_307, %dma_wait3A_313] : memref<180x112xi32, #tpu.memory_space<vmem>> -> memref<1x112xi32, #tpu.memory_space<vmem>>
        %dma_wait3A_315 = tpu.memref_squeeze %dma_wait3A_314 : memref<1x112xi32, #tpu.memory_space<vmem>> -> memref<112xi32, #tpu.memory_space<vmem>>
        %dma_wait3A_316 = arith.constant 0 : i32
        %dma_wait3A_317 = arith.constant 0 : i32
        %dma_wait3A_318 = tpu.memref_slice %arg11[%dma_wait3A_316, %dma_wait3A_317] : memref<10112x64xf32, #tpu.memory_space<vmem_shared>> -> memref<10112x64xf32, #tpu.memory_space<vmem_shared>>
        %dma_wait3A_319 = tpu.memref_slice %arg13[%dma_wait3A_308] : memref<4x!tpu.dma_semaphore, #tpu.memory_space<semaphore_mem>> -> memref<1x!tpu.dma_semaphore, #tpu.memory_space<semaphore_mem>>
        %dma_wait3A_320 = tpu.memref_squeeze %dma_wait3A_319 : memref<1x!tpu.dma_semaphore, #tpu.memory_space<semaphore_mem>> -> memref<!tpu.dma_semaphore, #tpu.memory_space<semaphore_mem>>
        tpu.wait_indirect_dma semaphore(%dma_wait3A_320 : memref<!tpu.dma_semaphore, #tpu.memory_space<semaphore_mem>>) src(%dma_wait3A_312 : memref<112x64xf32, #tpu.memory_space<vmem>>) dst(%dma_wait3A_318 : memref<10112x64xf32, #tpu.memory_space<vmem_shared>>)
      } else {
      }
      %add3A_262 = arith.constant 2 : i32
      %add3A_263 = arith.addi %add3A_256, %add3A_262 : i32
      %lt3A_264 = arith.constant 180 : i32
      %lt3A_265 = arith.cmpi slt, %add3A_263, %lt3A_264 : i32
      %convert_element_type3A_266 = arith.extui %lt3A_265 : i1 to i32
      %cond3A_267 = arith.constant 0 : i32
      %cond3A_268 = arith.cmpi ne, %convert_element_type3A_266, %cond3A_267 : i32
      scf.if %cond3A_268 {
        %add3A_306 = arith.constant 2 : i32
        %add3A_307 = arith.addi %add3A_256, %add3A_306 : i32
        %dma_start3A_308 = arith.constant 1 : i32
        %dma_start3A_309 = arith.constant 1 : i32
        %dma_start3A_310 = arith.constant 0 : i32
        %dma_start3A_311 = arith.constant 0 : i32
        %dma_start3A_312 = tpu.memref_slice %arg10[%dma_start3A_308, %dma_start3A_310, %dma_start3A_311] : memref<4x112x64xf32, #tpu.memory_space<vmem>> -> memref<1x112x64xf32, #tpu.memory_space<vmem>>
        %dma_start3A_313 = tpu.memref_squeeze %dma_start3A_312 : memref<1x112x64xf32, #tpu.memory_space<vmem>> -> memref<112x64xf32, #tpu.memory_space<vmem>>
        %dma_start3A_314 = arith.constant 0 : i32
        %dma_start3A_315 = tpu.memref_slice %arg7[%add3A_307, %dma_start3A_314] : memref<180x112xi32, #tpu.memory_space<vmem>> -> memref<1x112xi32, #tpu.memory_space<vmem>>
        %dma_start3A_316 = tpu.memref_squeeze %dma_start3A_315 : memref<1x112xi32, #tpu.memory_space<vmem>> -> memref<112xi32, #tpu.memory_space<vmem>>
        %dma_start3A_317 = arith.constant 0 : i32
        %dma_start3A_318 = arith.constant 0 : i32
        %dma_start3A_319 = tpu.memref_slice %arg2[%dma_start3A_317, %dma_start3A_318] : memref<20000x64xf32, #tpu.memory_space<hbm>> -> memref<20000x64xf32, #tpu.memory_space<hbm>>
        %dma_start3A_320 = tpu.memref_slice %arg12[%dma_start3A_309] : memref<4x!tpu.dma_semaphore, #tpu.memory_space<semaphore_mem>> -> memref<1x!tpu.dma_semaphore, #tpu.memory_space<semaphore_mem>>
        %dma_start3A_321 = tpu.memref_squeeze %dma_start3A_320 : memref<1x!tpu.dma_semaphore, #tpu.memory_space<semaphore_mem>> -> memref<!tpu.dma_semaphore, #tpu.memory_space<semaphore_mem>>
        tpu.enqueue_indirect_dma source(%dma_start3A_319 : memref<20000x64xf32, #tpu.memory_space<hbm>>) target(%dma_start3A_313 : memref<112x64xf32, #tpu.memory_space<vmem>>) offsets(%dma_start3A_316 : memref<112xi32, #tpu.memory_space<vmem>>) semaphore(%dma_start3A_321 : memref<!tpu.dma_semaphore, #tpu.memory_space<semaphore_mem>>)
      } else {
      }
      %dma_wait3A_269 = arith.constant 0 : i32
      %dma_wait3A_270 = arith.constant 3 : i32
      %dma_wait3A_271 = arith.constant 3 : i32
      %dma_wait3A_272 = arith.constant 0 : i32
      %dma_wait3A_273 = arith.constant 0 : i32
      %dma_wait3A_274 = tpu.memref_slice %arg10[%dma_wait3A_270, %dma_wait3A_272, %dma_wait3A_273] : memref<4x112x64xf32, #tpu.memory_space<vmem>> -> memref<1x112x64xf32, #tpu.memory_space<vmem>>
      %dma_wait3A_275 = tpu.memref_squeeze %dma_wait3A_274 : memref<1x112x64xf32, #tpu.memory_space<vmem>> -> memref<112x64xf32, #tpu.memory_space<vmem>>
      %dma_wait3A_276 = arith.constant 0 : i32
      %dma_wait3A_277 = tpu.memref_slice %arg7[%dma_wait3A_269, %dma_wait3A_276] : memref<180x112xi32, #tpu.memory_space<vmem>> -> memref<1x112xi32, #tpu.memory_space<vmem>>
      %dma_wait3A_278 = tpu.memref_squeeze %dma_wait3A_277 : memref<1x112xi32, #tpu.memory_space<vmem>> -> memref<112xi32, #tpu.memory_space<vmem>>
      %dma_wait3A_279 = arith.constant 0 : i32
      %dma_wait3A_280 = arith.constant 0 : i32
      %dma_wait3A_281 = tpu.memref_slice %arg2[%dma_wait3A_279, %dma_wait3A_280] : memref<20000x64xf32, #tpu.memory_space<hbm>> -> memref<20000x64xf32, #tpu.memory_space<hbm>>
      %dma_wait3A_282 = tpu.memref_slice %arg12[%dma_wait3A_271] : memref<4x!tpu.dma_semaphore, #tpu.memory_space<semaphore_mem>> -> memref<1x!tpu.dma_semaphore, #tpu.memory_space<semaphore_mem>>
      %dma_wait3A_283 = tpu.memref_squeeze %dma_wait3A_282 : memref<1x!tpu.dma_semaphore, #tpu.memory_space<semaphore_mem>> -> memref<!tpu.dma_semaphore, #tpu.memory_space<semaphore_mem>>
      tpu.wait_indirect_dma semaphore(%dma_wait3A_283 : memref<!tpu.dma_semaphore, #tpu.memory_space<semaphore_mem>>) src(%dma_wait3A_281 : memref<20000x64xf32, #tpu.memory_space<hbm>>) dst(%dma_wait3A_275 : memref<112x64xf32, #tpu.memory_space<vmem>>)
      %scan3A_284 = arith.constant 0 : i32
      %scan3A_285 = arith.constant 0 : i32
      %scan3A_286 = arith.constant 7 : i32
      %scan3A_287 = arith.addi %scan3A_285, %scan3A_286 : i32
      %scan3A_288 = arith.constant 1 : i32
      %scan3A_289 = scf.for %scan3A_306 = %scan3A_285 to %scan3A_287 step %scan3A_288 iter_args(%scan3A_307 = %scan3A_284) -> (i32)  : i32 {
        %mul3A_308 = arith.constant 16 : i32
        %mul3A_309 = arith.muli %scan3A_306, %mul3A_308 : i32
        %get3A = arith.index_cast %add3A_256 : i32 to index
        %get3A_310 = arith.index_cast %mul3A_309 : i32 to index
        %get3A_311 = tpu.vector_load %arg9[%get3A, %get3A_310] {strides = array<i32>} : memref<180x112xf32, #tpu.memory_space<vmem>>, vector<1x16xf32>,
        %get3A_312 = vector.shape_cast %get3A_311 : vector<1x16xf32> to vector<16xf32>
        %slice3A = vector.extract_strided_slice %get3A_312 {offsets = [0], sizes = [1], strides = [1]} : vector<16xf32> to vector<1xf32>
        %squeeze3A = vector.extract %slice3A[0] : f32 from vector<1xf32>
        %mul3A_313 = arith.constant 16 : i32
        %mul3A_314 = arith.muli %scan3A_306, %mul3A_313 : i32
        %add3A_315 = arith.constant 0 : i32
        %add3A_316 = arith.addi %mul3A_314, %add3A_315 : i32
        %get3A_317 = arith.constant 3 : i32
        %get3A_318 = arith.index_cast %get3A_317 : i32 to index
        %get3A_319 = arith.index_cast %add3A_316 : i32 to index
        %get3A_320 = arith.constant 0 : index
        %get3A_321 = tpu.vector_load %arg10[%get3A_318, %get3A_319, %get3A_320] {strides = array<i32>} : memref<4x112x64xf32, #tpu.memory_space<vmem>>, vector<1x1x16xf32>,
        %get3A_322 = vector.shape_cast %get3A_321 : vector<1x1x16xf32> to vector<16xf32>
        %mul3A_323 = vector.broadcast %squeeze3A : f32 to vector<16xf32>
        %mul3A_324 = arith.mulf %get3A_322, %mul3A_323 : vector<16xf32>
        %swap3A = arith.constant 3 : i32
        %swap3A_325 = arith.index_cast %swap3A : i32 to index
        %swap3A_326 = arith.index_cast %add3A_316 : i32 to index
        %swap3A_327 = arith.constant 0 : index
        %swap3A_328 = tpu.vector_load %arg10[%swap3A_325, %swap3A_326, %swap3A_327] {strides = array<i32>} : memref<4x112x64xf32, #tpu.memory_space<vmem>>, vector<1x1x16xf32>,
        %swap3A_329 = vector.shape_cast %swap3A_328 : vector<1x1x16xf32> to vector<16xf32>
        %swap3A_330 = vector.shape_cast %mul3A_324 : vector<16xf32> to vector<1x1x16xf32>
        tpu.vector_store %arg10[%swap3A_325, %swap3A_326, %swap3A_327], %swap3A_330 {strides = array<i32>} : memref<4x112x64xf32, #tpu.memory_space<vmem>>, vector<1x1x16xf32>,
        %get3A_331 = arith.constant 3 : i32
        %get3A_332 = arith.index_cast %get3A_331 : i32 to index
        %get3A_333 = arith.index_cast %add3A_316 : i32 to index
        %get3A_334 = arith.constant 16 : index
        %get3A_335 = tpu.vector_load %arg10[%get3A_332, %get3A_333, %get3A_334] {strides = array<i32>} : memref<4x112x64xf32, #tpu.memory_space<vmem>>, vector<1x1x16xf32>,
        %get3A_336 = vector.shape_cast %get3A_335 : vector<1x1x16xf32> to vector<16xf32>
        %mul3A_337 = vector.broadcast %squeeze3A : f32 to vector<16xf32>
        %mul3A_338 = arith.mulf %get3A_336, %mul3A_337 : vector<16xf32>
        %swap3A_339 = arith.constant 3 : i32
        %swap3A_340 = arith.index_cast %swap3A_339 : i32 to index
        %swap3A_341 = arith.index_cast %add3A_316 : i32 to index
        %swap3A_342 = arith.constant 16 : index
        %swap3A_343 = tpu.vector_load %arg10[%swap3A_340, %swap3A_341, %swap3A_342] {strides = array<i32>} : memref<4x112x64xf32, #tpu.memory_space<vmem>>, vector<1x1x16xf32>,
        %swap3A_344 = vector.shape_cast %swap3A_343 : vector<1x1x16xf32> to vector<16xf32>
        %swap3A_345 = vector.shape_cast %mul3A_338 : vector<16xf32> to vector<1x1x16xf32>
        tpu.vector_store %arg10[%swap3A_340, %swap3A_341, %swap3A_342], %swap3A_345 {strides = array<i32>} : memref<4x112x64xf32, #tpu.memory_space<vmem>>, vector<1x1x16xf32>,
        %get3A_346 = arith.constant 3 : i32
        %get3A_347 = arith.index_cast %get3A_346 : i32 to index
        %get3A_348 = arith.index_cast %add3A_316 : i32 to index
        %get3A_349 = arith.constant 32 : index
        %get3A_350 = tpu.vector_load %arg10[%get3A_347, %get3A_348, %get3A_349] {strides = array<i32>} : memref<4x112x64xf32, #tpu.memory_space<vmem>>, vector<1x1x16xf32>,
        %get3A_351 = vector.shape_cast %get3A_350 : vector<1x1x16xf32> to vector<16xf32>
        %mul3A_352 = vector.broadcast %squeeze3A : f32 to vector<16xf32>
        %mul3A_353 = arith.mulf %get3A_351, %mul3A_352 : vector<16xf32>
        %swap3A_354 = arith.constant 3 : i32
        %swap3A_355 = arith.index_cast %swap3A_354 : i32 to index
        %swap3A_356 = arith.index_cast %add3A_316 : i32 to index
        %swap3A_357 = arith.constant 32 : index
        %swap3A_358 = tpu.vector_load %arg10[%swap3A_355, %swap3A_356, %swap3A_357] {strides = array<i32>} : memref<4x112x64xf32, #tpu.memory_space<vmem>>, vector<1x1x16xf32>,
        %swap3A_359 = vector.shape_cast %swap3A_358 : vector<1x1x16xf32> to vector<16xf32>
        %swap3A_360 = vector.shape_cast %mul3A_353 : vector<16xf32> to vector<1x1x16xf32>
        tpu.vector_store %arg10[%swap3A_355, %swap3A_356, %swap3A_357], %swap3A_360 {strides = array<i32>} : memref<4x112x64xf32, #tpu.memory_space<vmem>>, vector<1x1x16xf32>,
        %get3A_361 = arith.constant 3 : i32
        %get3A_362 = arith.index_cast %get3A_361 : i32 to index
        %get3A_363 = arith.index_cast %add3A_316 : i32 to index
        %get3A_364 = arith.constant 48 : index
        %get3A_365 = tpu.vector_load %arg10[%get3A_362, %get3A_363, %get3A_364] {strides = array<i32>} : memref<4x112x64xf32, #tpu.memory_space<vmem>>, vector<1x1x16xf32>,
        %get3A_366 = vector.shape_cast %get3A_365 : vector<1x1x16xf32> to vector<16xf32>
        %mul3A_367 = vector.broadcast %squeeze3A : f32 to vector<16xf32>
        %mul3A_368 = arith.mulf %get3A_366, %mul3A_367 : vector<16xf32>
        %swap3A_369 = arith.constant 3 : i32
        %swap3A_370 = arith.index_cast %swap3A_369 : i32 to index
        %swap3A_371 = arith.index_cast %add3A_316 : i32 to index
        %swap3A_372 = arith.constant 48 : index
        %swap3A_373 = tpu.vector_load %arg10[%swap3A_370, %swap3A_371, %swap3A_372] {strides = array<i32>} : memref<4x112x64xf32, #tpu.memory_space<vmem>>, vector<1x1x16xf32>,
        %swap3A_374 = vector.shape_cast %swap3A_373 : vector<1x1x16xf32> to vector<16xf32>
        %swap3A_375 = vector.shape_cast %mul3A_368 : vector<16xf32> to vector<1x1x16xf32>
        tpu.vector_store %arg10[%swap3A_370, %swap3A_371, %swap3A_372], %swap3A_375 {strides = array<i32>} : memref<4x112x64xf32, #tpu.memory_space<vmem>>, vector<1x1x16xf32>,
        %slice3A_376 = vector.extract_strided_slice %get3A_312 {offsets = [1], sizes = [1], strides = [1]} : vector<16xf32> to vector<1xf32>
        %squeeze3A_377 = vector.extract %slice3A_376[0] : f32 from vector<1xf32>
        %mul3A_378 = arith.constant 16 : i32
        %mul3A_379 = arith.muli %scan3A_306, %mul3A_378 : i32
        %add3A_380 = arith.constant 1 : i32
        %add3A_381 = arith.addi %mul3A_379, %add3A_380 : i32
        %get3A_382 = arith.constant 3 : i32
        %get3A_383 = arith.index_cast %get3A_382 : i32 to index
        %get3A_384 = arith.index_cast %add3A_381 : i32 to index
        %get3A_385 = arith.constant 0 : index
        %get3A_386 = tpu.vector_load %arg10[%get3A_383, %get3A_384, %get3A_385] {strides = array<i32>} : memref<4x112x64xf32, #tpu.memory_space<vmem>>, vector<1x1x16xf32>,
        %get3A_387 = vector.shape_cast %get3A_386 : vector<1x1x16xf32> to vector<16xf32>
        %mul3A_388 = vector.broadcast %squeeze3A_377 : f32 to vector<16xf32>
        %mul3A_389 = arith.mulf %get3A_387, %mul3A_388 : vector<16xf32>
        %swap3A_390 = arith.constant 3 : i32
        %swap3A_391 = arith.index_cast %swap3A_390 : i32 to index
        %swap3A_392 = arith.index_cast %add3A_381 : i32 to index
        %swap3A_393 = arith.constant 0 : index
        %swap3A_394 = tpu.vector_load %arg10[%swap3A_391, %swap3A_392, %swap3A_393] {strides = array<i32>} : memref<4x112x64xf32, #tpu.memory_space<vmem>>, vector<1x1x16xf32>,
        %swap3A_395 = vector.shape_cast %swap3A_394 : vector<1x1x16xf32> to vector<16xf32>
        %swap3A_396 = vector.shape_cast %mul3A_389 : vector<16xf32> to vector<1x1x16xf32>
        tpu.vector_store %arg10[%swap3A_391, %swap3A_392, %swap3A_393], %swap3A_396 {strides = array<i32>} : memref<4x112x64xf32, #tpu.memory_space<vmem>>, vector<1x1x16xf32>,
        %get3A_397 = arith.constant 3 : i32
        %get3A_398 = arith.index_cast %get3A_397 : i32 to index
        %get3A_399 = arith.index_cast %add3A_381 : i32 to index
        %get3A_400 = arith.constant 16 : index
        %get3A_401 = tpu.vector_load %arg10[%get3A_398, %get3A_399, %get3A_400] {strides = array<i32>} : memref<4x112x64xf32, #tpu.memory_space<vmem>>, vector<1x1x16xf32>,
        %get3A_402 = vector.shape_cast %get3A_401 : vector<1x1x16xf32> to vector<16xf32>
        %mul3A_403 = vector.broadcast %squeeze3A_377 : f32 to vector<16xf32>
        %mul3A_404 = arith.mulf %get3A_402, %mul3A_403 : vector<16xf32>
        %swap3A_405 = arith.constant 3 : i32
        %swap3A_406 = arith.index_cast %swap3A_405 : i32 to index
        %swap3A_407 = arith.index_cast %add3A_381 : i32 to index
        %swap3A_408 = arith.constant 16 : index
        %swap3A_409 = tpu.vector_load %arg10[%swap3A_406, %swap3A_407, %swap3A_408] {strides = array<i32>} : memref<4x112x64xf32, #tpu.memory_space<vmem>>, vector<1x1x16xf32>,
        %swap3A_410 = vector.shape_cast %swap3A_409 : vector<1x1x16xf32> to vector<16xf32>
        %swap3A_411 = vector.shape_cast %mul3A_404 : vector<16xf32> to vector<1x1x16xf32>
        tpu.vector_store %arg10[%swap3A_406, %swap3A_407, %swap3A_408], %swap3A_411 {strides = array<i32>} : memref<4x112x64xf32, #tpu.memory_space<vmem>>, vector<1x1x16xf32>,
        %get3A_412 = arith.constant 3 : i32
        %get3A_413 = arith.index_cast %get3A_412 : i32 to index
        %get3A_414 = arith.index_cast %add3A_381 : i32 to index
        %get3A_415 = arith.constant 32 : index
        %get3A_416 = tpu.vector_load %arg10[%get3A_413, %get3A_414, %get3A_415] {strides = array<i32>} : memref<4x112x64xf32, #tpu.memory_space<vmem>>, vector<1x1x16xf32>,
        %get3A_417 = vector.shape_cast %get3A_416 : vector<1x1x16xf32> to vector<16xf32>
        %mul3A_418 = vector.broadcast %squeeze3A_377 : f32 to vector<16xf32>
        %mul3A_419 = arith.mulf %get3A_417, %mul3A_418 : vector<16xf32>
        %swap3A_420 = arith.constant 3 : i32
        %swap3A_421 = arith.index_cast %swap3A_420 : i32 to index
        %swap3A_422 = arith.index_cast %add3A_381 : i32 to index
        %swap3A_423 = arith.constant 32 : index
        %swap3A_424 = tpu.vector_load %arg10[%swap3A_421, %swap3A_422, %swap3A_423] {strides = array<i32>} : memref<4x112x64xf32, #tpu.memory_space<vmem>>, vector<1x1x16xf32>,
        %swap3A_425 = vector.shape_cast %swap3A_424 : vector<1x1x16xf32> to vector<16xf32>
        %swap3A_426 = vector.shape_cast %mul3A_419 : vector<16xf32> to vector<1x1x16xf32>
        tpu.vector_store %arg10[%swap3A_421, %swap3A_422, %swap3A_423], %swap3A_426 {strides = array<i32>} : memref<4x112x64xf32, #tpu.memory_space<vmem>>, vector<1x1x16xf32>,
        %get3A_427 = arith.constant 3 : i32
        %get3A_428 = arith.index_cast %get3A_427 : i32 to index
        %get3A_429 = arith.index_cast %add3A_381 : i32 to index
        %get3A_430 = arith.constant 48 : index
        %get3A_431 = tpu.vector_load %arg10[%get3A_428, %get3A_429, %get3A_430] {strides = array<i32>} : memref<4x112x64xf32, #tpu.memory_space<vmem>>, vector<1x1x16xf32>,
        %get3A_432 = vector.shape_cast %get3A_431 : vector<1x1x16xf32> to vector<16xf32>
        %mul3A_433 = vector.broadcast %squeeze3A_377 : f32 to vector<16xf32>
        %mul3A_434 = arith.mulf %get3A_432, %mul3A_433 : vector<16xf32>
        %swap3A_435 = arith.constant 3 : i32
        %swap3A_436 = arith.index_cast %swap3A_435 : i32 to index
        %swap3A_437 = arith.index_cast %add3A_381 : i32 to index
        %swap3A_438 = arith.constant 48 : index
        %swap3A_439 = tpu.vector_load %arg10[%swap3A_436, %swap3A_437, %swap3A_438] {strides = array<i32>} : memref<4x112x64xf32, #tpu.memory_space<vmem>>, vector<1x1x16xf32>,
        %swap3A_440 = vector.shape_cast %swap3A_439 : vector<1x1x16xf32> to vector<16xf32>
        %swap3A_441 = vector.shape_cast %mul3A_434 : vector<16xf32> to vector<1x1x16xf32>
        tpu.vector_store %arg10[%swap3A_436, %swap3A_437, %swap3A_438], %swap3A_441 {strides = array<i32>} : memref<4x112x64xf32, #tpu.memory_space<vmem>>, vector<1x1x16xf32>,
        %slice3A_442 = vector.extract_strided_slice %get3A_312 {offsets = [2], sizes = [1], strides = [1]} : vector<16xf32> to vector<1xf32>
        %squeeze3A_443 = vector.extract %slice3A_442[0] : f32 from vector<1xf32>
        %mul3A_444 = arith.constant 16 : i32
        %mul3A_445 = arith.muli %scan3A_306, %mul3A_444 : i32
        %add3A_446 = arith.constant 2 : i32
        %add3A_447 = arith.addi %mul3A_445, %add3A_446 : i32
        %get3A_448 = arith.constant 3 : i32
        %get3A_449 = arith.index_cast %get3A_448 : i32 to index
        %get3A_450 = arith.index_cast %add3A_447 : i32 to index
        %get3A_451 = arith.constant 0 : index
        %get3A_452 = tpu.vector_load %arg10[%get3A_449, %get3A_450, %get3A_451] {strides = array<i32>} : memref<4x112x64xf32, #tpu.memory_space<vmem>>, vector<1x1x16xf32>,
        %get3A_453 = vector.shape_cast %get3A_452 : vector<1x1x16xf32> to vector<16xf32>
        %mul3A_454 = vector.broadcast %squeeze3A_443 : f32 to vector<16xf32>
        %mul3A_455 = arith.mulf %get3A_453, %mul3A_454 : vector<16xf32>
        %swap3A_456 = arith.constant 3 : i32
        %swap3A_457 = arith.index_cast %swap3A_456 : i32 to index
        %swap3A_458 = arith.index_cast %add3A_447 : i32 to index
        %swap3A_459 = arith.constant 0 : index
        %swap3A_460 = tpu.vector_load %arg10[%swap3A_457, %swap3A_458, %swap3A_459] {strides = array<i32>} : memref<4x112x64xf32, #tpu.memory_space<vmem>>, vector<1x1x16xf32>,
        %swap3A_461 = vector.shape_cast %swap3A_460 : vector<1x1x16xf32> to vector<16xf32>
        %swap3A_462 = vector.shape_cast %mul3A_455 : vector<16xf32> to vector<1x1x16xf32>
        tpu.vector_store %arg10[%swap3A_457, %swap3A_458, %swap3A_459], %swap3A_462 {strides = array<i32>} : memref<4x112x64xf32, #tpu.memory_space<vmem>>, vector<1x1x16xf32>,
        %get3A_463 = arith.constant 3 : i32
        %get3A_464 = arith.index_cast %get3A_463 : i32 to index
        %get3A_465 = arith.index_cast %add3A_447 : i32 to index
        %get3A_466 = arith.constant 16 : index
        %get3A_467 = tpu.vector_load %arg10[%get3A_464, %get3A_465, %get3A_466] {strides = array<i32>} : memref<4x112x64xf32, #tpu.memory_space<vmem>>, vector<1x1x16xf32>,
        %get3A_468 = vector.shape_cast %get3A_467 : vector<1x1x16xf32> to vector<16xf32>
        %mul3A_469 = vector.broadcast %squeeze3A_443 : f32 to vector<16xf32>
        %mul3A_470 = arith.mulf %get3A_468, %mul3A_469 : vector<16xf32>
        %swap3A_471 = arith.constant 3 : i32
        %swap3A_472 = arith.index_cast %swap3A_471 : i32 to index
        %swap3A_473 = arith.index_cast %add3A_447 : i32 to index
        %swap3A_474 = arith.constant 16 : index
        %swap3A_475 = tpu.vector_load %arg10[%swap3A_472, %swap3A_473, %swap3A_474] {strides = array<i32>} : memref<4x112x64xf32, #tpu.memory_space<vmem>>, vector<1x1x16xf32>,
        %swap3A_476 = vector.shape_cast %swap3A_475 : vector<1x1x16xf32> to vector<16xf32>
        %swap3A_477 = vector.shape_cast %mul3A_470 : vector<16xf32> to vector<1x1x16xf32>
        tpu.vector_store %arg10[%swap3A_472, %swap3A_473, %swap3A_474], %swap3A_477 {strides = array<i32>} : memref<4x112x64xf32, #tpu.memory_space<vmem>>, vector<1x1x16xf32>,
        %get3A_478 = arith.constant 3 : i32
        %get3A_479 = arith.index_cast %get3A_478 : i32 to index
        %get3A_480 = arith.index_cast %add3A_447 : i32 to index
        %get3A_481 = arith.constant 32 : index
        %get3A_482 = tpu.vector_load %arg10[%get3A_479, %get3A_480, %get3A_481] {strides = array<i32>} : memref<4x112x64xf32, #tpu.memory_space<vmem>>, vector<1x1x16xf32>,
        %get3A_483 = vector.shape_cast %get3A_482 : vector<1x1x16xf32> to vector<16xf32>
        %mul3A_484 = vector.broadcast %squeeze3A_443 : f32 to vector<16xf32>
        %mul3A_485 = arith.mulf %get3A_483, %mul3A_484 : vector<16xf32>
        %swap3A_486 = arith.constant 3 : i32
        %swap3A_487 = arith.index_cast %swap3A_486 : i32 to index
        %swap3A_488 = arith.index_cast %add3A_447 : i32 to index
        %swap3A_489 = arith.constant 32 : index
        %swap3A_490 = tpu.vector_load %arg10[%swap3A_487, %swap3A_488, %swap3A_489] {strides = array<i32>} : memref<4x112x64xf32, #tpu.memory_space<vmem>>, vector<1x1x16xf32>,
        %swap3A_491 = vector.shape_cast %swap3A_490 : vector<1x1x16xf32> to vector<16xf32>
        %swap3A_492 = vector.shape_cast %mul3A_485 : vector<16xf32> to vector<1x1x16xf32>
        tpu.vector_store %arg10[%swap3A_487, %swap3A_488, %swap3A_489], %swap3A_492 {strides = array<i32>} : memref<4x112x64xf32, #tpu.memory_space<vmem>>, vector<1x1x16xf32>,
        %get3A_493 = arith.constant 3 : i32
        %get3A_494 = arith.index_cast %get3A_493 : i32 to index
        %get3A_495 = arith.index_cast %add3A_447 : i32 to index
        %get3A_496 = arith.constant 48 : index
        %get3A_497 = tpu.vector_load %arg10[%get3A_494, %get3A_495, %get3A_496] {strides = array<i32>} : memref<4x112x64xf32, #tpu.memory_space<vmem>>, vector<1x1x16xf32>,
        %get3A_498 = vector.shape_cast %get3A_497 : vector<1x1x16xf32> to vector<16xf32>
        %mul3A_499 = vector.broadcast %squeeze3A_443 : f32 to vector<16xf32>
        %mul3A_500 = arith.mulf %get3A_498, %mul3A_499 : vector<16xf32>
        %swap3A_501 = arith.constant 3 : i32
        %swap3A_502 = arith.index_cast %swap3A_501 : i32 to index
        %swap3A_503 = arith.index_cast %add3A_447 : i32 to index
        %swap3A_504 = arith.constant 48 : index
        %swap3A_505 = tpu.vector_load %arg10[%swap3A_502, %swap3A_503, %swap3A_504] {strides = array<i32>} : memref<4x112x64xf32, #tpu.memory_space<vmem>>, vector<1x1x16xf32>,
        %swap3A_506 = vector.shape_cast %swap3A_505 : vector<1x1x16xf32> to vector<16xf32>
        %swap3A_507 = vector.shape_cast %mul3A_500 : vector<16xf32> to vector<1x1x16xf32>
        tpu.vector_store %arg10[%swap3A_502, %swap3A_503, %swap3A_504], %swap3A_507 {strides = array<i32>} : memref<4x112x64xf32, #tpu.memory_space<vmem>>, vector<1x1x16xf32>,
        %slice3A_508 = vector.extract_strided_slice %get3A_312 {offsets = [3], sizes = [1], strides = [1]} : vector<16xf32> to vector<1xf32>
        %squeeze3A_509 = vector.extract %slice3A_508[0] : f32 from vector<1xf32>
        %mul3A_510 = arith.constant 16 : i32
        %mul3A_511 = arith.muli %scan3A_306, %mul3A_510 : i32
        %add3A_512 = arith.constant 3 : i32
        %add3A_513 = arith.addi %mul3A_511, %add3A_512 : i32
        %get3A_514 = arith.constant 3 : i32
        %get3A_515 = arith.index_cast %get3A_514 : i32 to index
        %get3A_516 = arith.index_cast %add3A_513 : i32 to index
        %get3A_517 = arith.constant 0 : index
        %get3A_518 = tpu.vector_load %arg10[%get3A_515, %get3A_516, %get3A_517] {strides = array<i32>} : memref<4x112x64xf32, #tpu.memory_space<vmem>>, vector<1x1x16xf32>,
        %get3A_519 = vector.shape_cast %get3A_518 : vector<1x1x16xf32> to vector<16xf32>
        %mul3A_520 = vector.broadcast %squeeze3A_509 : f32 to vector<16xf32>
        %mul3A_521 = arith.mulf %get3A_519, %mul3A_520 : vector<16xf32>
        %swap3A_522 = arith.constant 3 : i32
        %swap3A_523 = arith.index_cast %swap3A_522 : i32 to index
        %swap3A_524 = arith.index_cast %add3A_513 : i32 to index
        %swap3A_525 = arith.constant 0 : index
        %swap3A_526 = tpu.vector_load %arg10[%swap3A_523, %swap3A_524, %swap3A_525] {strides = array<i32>} : memref<4x112x64xf32, #tpu.memory_space<vmem>>, vector<1x1x16xf32>,
        %swap3A_527 = vector.shape_cast %swap3A_526 : vector<1x1x16xf32> to vector<16xf32>
        %swap3A_528 = vector.shape_cast %mul3A_521 : vector<16xf32> to vector<1x1x16xf32>
        tpu.vector_store %arg10[%swap3A_523, %swap3A_524, %swap3A_525], %swap3A_528 {strides = array<i32>} : memref<4x112x64xf32, #tpu.memory_space<vmem>>, vector<1x1x16xf32>,
        %get3A_529 = arith.constant 3 : i32
        %get3A_530 = arith.index_cast %get3A_529 : i32 to index
        %get3A_531 = arith.index_cast %add3A_513 : i32 to index
        %get3A_532 = arith.constant 16 : index
        %get3A_533 = tpu.vector_load %arg10[%get3A_530, %get3A_531, %get3A_532] {strides = array<i32>} : memref<4x112x64xf32, #tpu.memory_space<vmem>>, vector<1x1x16xf32>,
        %get3A_534 = vector.shape_cast %get3A_533 : vector<1x1x16xf32> to vector<16xf32>
        %mul3A_535 = vector.broadcast %squeeze3A_509 : f32 to vector<16xf32>
        %mul3A_536 = arith.mulf %get3A_534, %mul3A_535 : vector<16xf32>
        %swap3A_537 = arith.constant 3 : i32
        %swap3A_538 = arith.index_cast %swap3A_537 : i32 to index
        %swap3A_539 = arith.index_cast %add3A_513 : i32 to index
        %swap3A_540 = arith.constant 16 : index
        %swap3A_541 = tpu.vector_load %arg10[%swap3A_538, %swap3A_539, %swap3A_540] {strides = array<i32>} : memref<4x112x64xf32, #tpu.memory_space<vmem>>, vector<1x1x16xf32>,
        %swap3A_542 = vector.shape_cast %swap3A_541 : vector<1x1x16xf32> to vector<16xf32>
        %swap3A_543 = vector.shape_cast %mul3A_536 : vector<16xf32> to vector<1x1x16xf32>
        tpu.vector_store %arg10[%swap3A_538, %swap3A_539, %swap3A_540], %swap3A_543 {strides = array<i32>} : memref<4x112x64xf32, #tpu.memory_space<vmem>>, vector<1x1x16xf32>,
        %get3A_544 = arith.constant 3 : i32
        %get3A_545 = arith.index_cast %get3A_544 : i32 to index
        %get3A_546 = arith.index_cast %add3A_513 : i32 to index
        %get3A_547 = arith.constant 32 : index
        %get3A_548 = tpu.vector_load %arg10[%get3A_545, %get3A_546, %get3A_547] {strides = array<i32>} : memref<4x112x64xf32, #tpu.memory_space<vmem>>, vector<1x1x16xf32>,
        %get3A_549 = vector.shape_cast %get3A_548 : vector<1x1x16xf32> to vector<16xf32>
        %mul3A_550 = vector.broadcast %squeeze3A_509 : f32 to vector<16xf32>
        %mul3A_551 = arith.mulf %get3A_549, %mul3A_550 : vector<16xf32>
        %swap3A_552 = arith.constant 3 : i32
        %swap3A_553 = arith.index_cast %swap3A_552 : i32 to index
        %swap3A_554 = arith.index_cast %add3A_513 : i32 to index
        %swap3A_555 = arith.constant 32 : index
        %swap3A_556 = tpu.vector_load %arg10[%swap3A_553, %swap3A_554, %swap3A_555] {strides = array<i32>} : memref<4x112x64xf32, #tpu.memory_space<vmem>>, vector<1x1x16xf32>,
        %swap3A_557 = vector.shape_cast %swap3A_556 : vector<1x1x16xf32> to vector<16xf32>
        %swap3A_558 = vector.shape_cast %mul3A_551 : vector<16xf32> to vector<1x1x16xf32>
        tpu.vector_store %arg10[%swap3A_553, %swap3A_554, %swap3A_555], %swap3A_558 {strides = array<i32>} : memref<4x112x64xf32, #tpu.memory_space<vmem>>, vector<1x1x16xf32>,
        %get3A_559 = arith.constant 3 : i32
        %get3A_560 = arith.index_cast %get3A_559 : i32 to index
        %get3A_561 = arith.index_cast %add3A_513 : i32 to index
        %get3A_562 = arith.constant 48 : index
        %get3A_563 = tpu.vector_load %arg10[%get3A_560, %get3A_561, %get3A_562] {strides = array<i32>} : memref<4x112x64xf32, #tpu.memory_space<vmem>>, vector<1x1x16xf32>,
        %get3A_564 = vector.shape_cast %get3A_563 : vector<1x1x16xf32> to vector<16xf32>
        %mul3A_565 = vector.broadcast %squeeze3A_509 : f32 to vector<16xf32>
        %mul3A_566 = arith.mulf %get3A_564, %mul3A_565 : vector<16xf32>
        %swap3A_567 = arith.constant 3 : i32
        %swap3A_568 = arith.index_cast %swap3A_567 : i32 to index
        %swap3A_569 = arith.index_cast %add3A_513 : i32 to index
        %swap3A_570 = arith.constant 48 : index
        %swap3A_571 = tpu.vector_load %arg10[%swap3A_568, %swap3A_569, %swap3A_570] {strides = array<i32>} : memref<4x112x64xf32, #tpu.memory_space<vmem>>, vector<1x1x16xf32>,
        %swap3A_572 = vector.shape_cast %swap3A_571 : vector<1x1x16xf32> to vector<16xf32>
        %swap3A_573 = vector.shape_cast %mul3A_566 : vector<16xf32> to vector<1x1x16xf32>
        tpu.vector_store %arg10[%swap3A_568, %swap3A_569, %swap3A_570], %swap3A_573 {strides = array<i32>} : memref<4x112x64xf32, #tpu.memory_space<vmem>>, vector<1x1x16xf32>,
        %slice3A_574 = vector.extract_strided_slice %get3A_312 {offsets = [4], sizes = [1], strides = [1]} : vector<16xf32> to vector<1xf32>
        %squeeze3A_575 = vector.extract %slice3A_574[0] : f32 from vector<1xf32>
        %mul3A_576 = arith.constant 16 : i32
        %mul3A_577 = arith.muli %scan3A_306, %mul3A_576 : i32
        %add3A_578 = arith.constant 4 : i32
        %add3A_579 = arith.addi %mul3A_577, %add3A_578 : i32
        %get3A_580 = arith.constant 3 : i32
        %get3A_581 = arith.index_cast %get3A_580 : i32 to index
        %get3A_582 = arith.index_cast %add3A_579 : i32 to index
        %get3A_583 = arith.constant 0 : index
        %get3A_584 = tpu.vector_load %arg10[%get3A_581, %get3A_582, %get3A_583] {strides = array<i32>} : memref<4x112x64xf32, #tpu.memory_space<vmem>>, vector<1x1x16xf32>,
        %get3A_585 = vector.shape_cast %get3A_584 : vector<1x1x16xf32> to vector<16xf32>
        %mul3A_586 = vector.broadcast %squeeze3A_575 : f32 to vector<16xf32>
        %mul3A_587 = arith.mulf %get3A_585, %mul3A_586 : vector<16xf32>
        %swap3A_588 = arith.constant 3 : i32
        %swap3A_589 = arith.index_cast %swap3A_588 : i32 to index
        %swap3A_590 = arith.index_cast %add3A_579 : i32 to index
        %swap3A_591 = arith.constant 0 : index
        %swap3A_592 = tpu.vector_load %arg10[%swap3A_589, %swap3A_590, %swap3A_591] {strides = array<i32>} : memref<4x112x64xf32, #tpu.memory_space<vmem>>, vector<1x1x16xf32>,
        %swap3A_593 = vector.shape_cast %swap3A_592 : vector<1x1x16xf32> to vector<16xf32>
        %swap3A_594 = vector.shape_cast %mul3A_587 : vector<16xf32> to vector<1x1x16xf32>
        tpu.vector_store %arg10[%swap3A_589, %swap3A_590, %swap3A_591], %swap3A_594 {strides = array<i32>} : memref<4x112x64xf32, #tpu.memory_space<vmem>>, vector<1x1x16xf32>,
        %get3A_595 = arith.constant 3 : i32
        %get3A_596 = arith.index_cast %get3A_595 : i32 to index
        %get3A_597 = arith.index_cast %add3A_579 : i32 to index
        %get3A_598 = arith.constant 16 : index
        %get3A_599 = tpu.vector_load %arg10[%get3A_596, %get3A_597, %get3A_598] {strides = array<i32>} : memref<4x112x64xf32, #tpu.memory_space<vmem>>, vector<1x1x16xf32>,
        %get3A_600 = vector.shape_cast %get3A_599 : vector<1x1x16xf32> to vector<16xf32>
        %mul3A_601 = vector.broadcast %squeeze3A_575 : f32 to vector<16xf32>
        %mul3A_602 = arith.mulf %get3A_600, %mul3A_601 : vector<16xf32>
        %swap3A_603 = arith.constant 3 : i32
        %swap3A_604 = arith.index_cast %swap3A_603 : i32 to index
        %swap3A_605 = arith.index_cast %add3A_579 : i32 to index
        %swap3A_606 = arith.constant 16 : index
        %swap3A_607 = tpu.vector_load %arg10[%swap3A_604, %swap3A_605, %swap3A_606] {strides = array<i32>} : memref<4x112x64xf32, #tpu.memory_space<vmem>>, vector<1x1x16xf32>,
        %swap3A_608 = vector.shape_cast %swap3A_607 : vector<1x1x16xf32> to vector<16xf32>
        %swap3A_609 = vector.shape_cast %mul3A_602 : vector<16xf32> to vector<1x1x16xf32>
        tpu.vector_store %arg10[%swap3A_604, %swap3A_605, %swap3A_606], %swap3A_609 {strides = array<i32>} : memref<4x112x64xf32, #tpu.memory_space<vmem>>, vector<1x1x16xf32>,
        %get3A_610 = arith.constant 3 : i32
        %get3A_611 = arith.index_cast %get3A_610 : i32 to index
        %get3A_612 = arith.index_cast %add3A_579 : i32 to index
        %get3A_613 = arith.constant 32 : index
        %get3A_614 = tpu.vector_load %arg10[%get3A_611, %get3A_612, %get3A_613] {strides = array<i32>} : memref<4x112x64xf32, #tpu.memory_space<vmem>>, vector<1x1x16xf32>,
        %get3A_615 = vector.shape_cast %get3A_614 : vector<1x1x16xf32> to vector<16xf32>
        %mul3A_616 = vector.broadcast %squeeze3A_575 : f32 to vector<16xf32>
        %mul3A_617 = arith.mulf %get3A_615, %mul3A_616 : vector<16xf32>
        %swap3A_618 = arith.constant 3 : i32
        %swap3A_619 = arith.index_cast %swap3A_618 : i32 to index
        %swap3A_620 = arith.index_cast %add3A_579 : i32 to index
        %swap3A_621 = arith.constant 32 : index
        %swap3A_622 = tpu.vector_load %arg10[%swap3A_619, %swap3A_620, %swap3A_621] {strides = array<i32>} : memref<4x112x64xf32, #tpu.memory_space<vmem>>, vector<1x1x16xf32>,
        %swap3A_623 = vector.shape_cast %swap3A_622 : vector<1x1x16xf32> to vector<16xf32>
        %swap3A_624 = vector.shape_cast %mul3A_617 : vector<16xf32> to vector<1x1x16xf32>
        tpu.vector_store %arg10[%swap3A_619, %swap3A_620, %swap3A_621], %swap3A_624 {strides = array<i32>} : memref<4x112x64xf32, #tpu.memory_space<vmem>>, vector<1x1x16xf32>,
        %get3A_625 = arith.constant 3 : i32
        %get3A_626 = arith.index_cast %get3A_625 : i32 to index
        %get3A_627 = arith.index_cast %add3A_579 : i32 to index
        %get3A_628 = arith.constant 48 : index
        %get3A_629 = tpu.vector_load %arg10[%get3A_626, %get3A_627, %get3A_628] {strides = array<i32>} : memref<4x112x64xf32, #tpu.memory_space<vmem>>, vector<1x1x16xf32>,
        %get3A_630 = vector.shape_cast %get3A_629 : vector<1x1x16xf32> to vector<16xf32>
        %mul3A_631 = vector.broadcast %squeeze3A_575 : f32 to vector<16xf32>
        %mul3A_632 = arith.mulf %get3A_630, %mul3A_631 : vector<16xf32>
        %swap3A_633 = arith.constant 3 : i32
        %swap3A_634 = arith.index_cast %swap3A_633 : i32 to index
        %swap3A_635 = arith.index_cast %add3A_579 : i32 to index
        %swap3A_636 = arith.constant 48 : index
        %swap3A_637 = tpu.vector_load %arg10[%swap3A_634, %swap3A_635, %swap3A_636] {strides = array<i32>} : memref<4x112x64xf32, #tpu.memory_space<vmem>>, vector<1x1x16xf32>,
        %swap3A_638 = vector.shape_cast %swap3A_637 : vector<1x1x16xf32> to vector<16xf32>
        %swap3A_639 = vector.shape_cast %mul3A_632 : vector<16xf32> to vector<1x1x16xf32>
        tpu.vector_store %arg10[%swap3A_634, %swap3A_635, %swap3A_636], %swap3A_639 {strides = array<i32>} : memref<4x112x64xf32, #tpu.memory_space<vmem>>, vector<1x1x16xf32>,
        %slice3A_640 = vector.extract_strided_slice %get3A_312 {offsets = [5], sizes = [1], strides = [1]} : vector<16xf32> to vector<1xf32>
        %squeeze3A_641 = vector.extract %slice3A_640[0] : f32 from vector<1xf32>
        %mul3A_642 = arith.constant 16 : i32
        %mul3A_643 = arith.muli %scan3A_306, %mul3A_642 : i32
        %add3A_644 = arith.constant 5 : i32
        %add3A_645 = arith.addi %mul3A_643, %add3A_644 : i32
        %get3A_646 = arith.constant 3 : i32
        %get3A_647 = arith.index_cast %get3A_646 : i32 to index
        %get3A_648 = arith.index_cast %add3A_645 : i32 to index
        %get3A_649 = arith.constant 0 : index
        %get3A_650 = tpu.vector_load %arg10[%get3A_647, %get3A_648, %get3A_649] {strides = array<i32>} : memref<4x112x64xf32, #tpu.memory_space<vmem>>, vector<1x1x16xf32>,
        %get3A_651 = vector.shape_cast %get3A_650 : vector<1x1x16xf32> to vector<16xf32>
        %mul3A_652 = vector.broadcast %squeeze3A_641 : f32 to vector<16xf32>
        %mul3A_653 = arith.mulf %get3A_651, %mul3A_652 : vector<16xf32>
        %swap3A_654 = arith.constant 3 : i32
        %swap3A_655 = arith.index_cast %swap3A_654 : i32 to index
        %swap3A_656 = arith.index_cast %add3A_645 : i32 to index
        %swap3A_657 = arith.constant 0 : index
        %swap3A_658 = tpu.vector_load %arg10[%swap3A_655, %swap3A_656, %swap3A_657] {strides = array<i32>} : memref<4x112x64xf32, #tpu.memory_space<vmem>>, vector<1x1x16xf32>,
        %swap3A_659 = vector.shape_cast %swap3A_658 : vector<1x1x16xf32> to vector<16xf32>
        %swap3A_660 = vector.shape_cast %mul3A_653 : vector<16xf32> to vector<1x1x16xf32>
        tpu.vector_store %arg10[%swap3A_655, %swap3A_656, %swap3A_657], %swap3A_660 {strides = array<i32>} : memref<4x112x64xf32, #tpu.memory_space<vmem>>, vector<1x1x16xf32>,
        %get3A_661 = arith.constant 3 : i32
        %get3A_662 = arith.index_cast %get3A_661 : i32 to index
        %get3A_663 = arith.index_cast %add3A_645 : i32 to index
        %get3A_664 = arith.constant 16 : index
        %get3A_665 = tpu.vector_load %arg10[%get3A_662, %get3A_663, %get3A_664] {strides = array<i32>} : memref<4x112x64xf32, #tpu.memory_space<vmem>>, vector<1x1x16xf32>,
        %get3A_666 = vector.shape_cast %get3A_665 : vector<1x1x16xf32> to vector<16xf32>
        %mul3A_667 = vector.broadcast %squeeze3A_641 : f32 to vector<16xf32>
        %mul3A_668 = arith.mulf %get3A_666, %mul3A_667 : vector<16xf32>
        %swap3A_669 = arith.constant 3 : i32
        %swap3A_670 = arith.index_cast %swap3A_669 : i32 to index
        %swap3A_671 = arith.index_cast %add3A_645 : i32 to index
        %swap3A_672 = arith.constant 16 : index
        %swap3A_673 = tpu.vector_load %arg10[%swap3A_670, %swap3A_671, %swap3A_672] {strides = array<i32>} : memref<4x112x64xf32, #tpu.memory_space<vmem>>, vector<1x1x16xf32>,
        %swap3A_674 = vector.shape_cast %swap3A_673 : vector<1x1x16xf32> to vector<16xf32>
        %swap3A_675 = vector.shape_cast %mul3A_668 : vector<16xf32> to vector<1x1x16xf32>
        tpu.vector_store %arg10[%swap3A_670, %swap3A_671, %swap3A_672], %swap3A_675 {strides = array<i32>} : memref<4x112x64xf32, #tpu.memory_space<vmem>>, vector<1x1x16xf32>,
        %get3A_676 = arith.constant 3 : i32
        %get3A_677 = arith.index_cast %get3A_676 : i32 to index
        %get3A_678 = arith.index_cast %add3A_645 : i32 to index
        %get3A_679 = arith.constant 32 : index
        %get3A_680 = tpu.vector_load %arg10[%get3A_677, %get3A_678, %get3A_679] {strides = array<i32>} : memref<4x112x64xf32, #tpu.memory_space<vmem>>, vector<1x1x16xf32>,
        %get3A_681 = vector.shape_cast %get3A_680 : vector<1x1x16xf32> to vector<16xf32>
        %mul3A_682 = vector.broadcast %squeeze3A_641 : f32 to vector<16xf32>
        %mul3A_683 = arith.mulf %get3A_681, %mul3A_682 : vector<16xf32>
        %swap3A_684 = arith.constant 3 : i32
        %swap3A_685 = arith.index_cast %swap3A_684 : i32 to index
        %swap3A_686 = arith.index_cast %add3A_645 : i32 to index
        %swap3A_687 = arith.constant 32 : index
        %swap3A_688 = tpu.vector_load %arg10[%swap3A_685, %swap3A_686, %swap3A_687] {strides = array<i32>} : memref<4x112x64xf32, #tpu.memory_space<vmem>>, vector<1x1x16xf32>,
        %swap3A_689 = vector.shape_cast %swap3A_688 : vector<1x1x16xf32> to vector<16xf32>
        %swap3A_690 = vector.shape_cast %mul3A_683 : vector<16xf32> to vector<1x1x16xf32>
        tpu.vector_store %arg10[%swap3A_685, %swap3A_686, %swap3A_687], %swap3A_690 {strides = array<i32>} : memref<4x112x64xf32, #tpu.memory_space<vmem>>, vector<1x1x16xf32>,
        %get3A_691 = arith.constant 3 : i32
        %get3A_692 = arith.index_cast %get3A_691 : i32 to index
        %get3A_693 = arith.index_cast %add3A_645 : i32 to index
        %get3A_694 = arith.constant 48 : index
        %get3A_695 = tpu.vector_load %arg10[%get3A_692, %get3A_693, %get3A_694] {strides = array<i32>} : memref<4x112x64xf32, #tpu.memory_space<vmem>>, vector<1x1x16xf32>,
        %get3A_696 = vector.shape_cast %get3A_695 : vector<1x1x16xf32> to vector<16xf32>
        %mul3A_697 = vector.broadcast %squeeze3A_641 : f32 to vector<16xf32>
        %mul3A_698 = arith.mulf %get3A_696, %mul3A_697 : vector<16xf32>
        %swap3A_699 = arith.constant 3 : i32
        %swap3A_700 = arith.index_cast %swap3A_699 : i32 to index
        %swap3A_701 = arith.index_cast %add3A_645 : i32 to index
        %swap3A_702 = arith.constant 48 : index
        %swap3A_703 = tpu.vector_load %arg10[%swap3A_700, %swap3A_701, %swap3A_702] {strides = array<i32>} : memref<4x112x64xf32, #tpu.memory_space<vmem>>, vector<1x1x16xf32>,
        %swap3A_704 = vector.shape_cast %swap3A_703 : vector<1x1x16xf32> to vector<16xf32>
        %swap3A_705 = vector.shape_cast %mul3A_698 : vector<16xf32> to vector<1x1x16xf32>
        tpu.vector_store %arg10[%swap3A_700, %swap3A_701, %swap3A_702], %swap3A_705 {strides = array<i32>} : memref<4x112x64xf32, #tpu.memory_space<vmem>>, vector<1x1x16xf32>,
        %slice3A_706 = vector.extract_strided_slice %get3A_312 {offsets = [6], sizes = [1], strides = [1]} : vector<16xf32> to vector<1xf32>
        %squeeze3A_707 = vector.extract %slice3A_706[0] : f32 from vector<1xf32>
        %mul3A_708 = arith.constant 16 : i32
        %mul3A_709 = arith.muli %scan3A_306, %mul3A_708 : i32
        %add3A_710 = arith.constant 6 : i32
        %add3A_711 = arith.addi %mul3A_709, %add3A_710 : i32
        %get3A_712 = arith.constant 3 : i32
        %get3A_713 = arith.index_cast %get3A_712 : i32 to index
        %get3A_714 = arith.index_cast %add3A_711 : i32 to index
        %get3A_715 = arith.constant 0 : index
        %get3A_716 = tpu.vector_load %arg10[%get3A_713, %get3A_714, %get3A_715] {strides = array<i32>} : memref<4x112x64xf32, #tpu.memory_space<vmem>>, vector<1x1x16xf32>,
        %get3A_717 = vector.shape_cast %get3A_716 : vector<1x1x16xf32> to vector<16xf32>
        %mul3A_718 = vector.broadcast %squeeze3A_707 : f32 to vector<16xf32>
        %mul3A_719 = arith.mulf %get3A_717, %mul3A_718 : vector<16xf32>
        %swap3A_720 = arith.constant 3 : i32
        %swap3A_721 = arith.index_cast %swap3A_720 : i32 to index
        %swap3A_722 = arith.index_cast %add3A_711 : i32 to index
        %swap3A_723 = arith.constant 0 : index
        %swap3A_724 = tpu.vector_load %arg10[%swap3A_721, %swap3A_722, %swap3A_723] {strides = array<i32>} : memref<4x112x64xf32, #tpu.memory_space<vmem>>, vector<1x1x16xf32>,
        %swap3A_725 = vector.shape_cast %swap3A_724 : vector<1x1x16xf32> to vector<16xf32>
        %swap3A_726 = vector.shape_cast %mul3A_719 : vector<16xf32> to vector<1x1x16xf32>
        tpu.vector_store %arg10[%swap3A_721, %swap3A_722, %swap3A_723], %swap3A_726 {strides = array<i32>} : memref<4x112x64xf32, #tpu.memory_space<vmem>>, vector<1x1x16xf32>,
        %get3A_727 = arith.constant 3 : i32
        %get3A_728 = arith.index_cast %get3A_727 : i32 to index
        %get3A_729 = arith.index_cast %add3A_711 : i32 to index
        %get3A_730 = arith.constant 16 : index
        %get3A_731 = tpu.vector_load %arg10[%get3A_728, %get3A_729, %get3A_730] {strides = array<i32>} : memref<4x112x64xf32, #tpu.memory_space<vmem>>, vector<1x1x16xf32>,
        %get3A_732 = vector.shape_cast %get3A_731 : vector<1x1x16xf32> to vector<16xf32>
        %mul3A_733 = vector.broadcast %squeeze3A_707 : f32 to vector<16xf32>
        %mul3A_734 = arith.mulf %get3A_732, %mul3A_733 : vector<16xf32>
        %swap3A_735 = arith.constant 3 : i32
        %swap3A_736 = arith.index_cast %swap3A_735 : i32 to index
        %swap3A_737 = arith.index_cast %add3A_711 : i32 to index
        %swap3A_738 = arith.constant 16 : index
        %swap3A_739 = tpu.vector_load %arg10[%swap3A_736, %swap3A_737, %swap3A_738] {strides = array<i32>} : memref<4x112x64xf32, #tpu.memory_space<vmem>>, vector<1x1x16xf32>,
        %swap3A_740 = vector.shape_cast %swap3A_739 : vector<1x1x16xf32> to vector<16xf32>
        %swap3A_741 = vector.shape_cast %mul3A_734 : vector<16xf32> to vector<1x1x16xf32>
        tpu.vector_store %arg10[%swap3A_736, %swap3A_737, %swap3A_738], %swap3A_741 {strides = array<i32>} : memref<4x112x64xf32, #tpu.memory_space<vmem>>, vector<1x1x16xf32>,
        %get3A_742 = arith.constant 3 : i32
        %get3A_743 = arith.index_cast %get3A_742 : i32 to index
        %get3A_744 = arith.index_cast %add3A_711 : i32 to index
        %get3A_745 = arith.constant 32 : index
        %get3A_746 = tpu.vector_load %arg10[%get3A_743, %get3A_744, %get3A_745] {strides = array<i32>} : memref<4x112x64xf32, #tpu.memory_space<vmem>>, vector<1x1x16xf32>,
        %get3A_747 = vector.shape_cast %get3A_746 : vector<1x1x16xf32> to vector<16xf32>
        %mul3A_748 = vector.broadcast %squeeze3A_707 : f32 to vector<16xf32>
        %mul3A_749 = arith.mulf %get3A_747, %mul3A_748 : vector<16xf32>
        %swap3A_750 = arith.constant 3 : i32
        %swap3A_751 = arith.index_cast %swap3A_750 : i32 to index
        %swap3A_752 = arith.index_cast %add3A_711 : i32 to index
        %swap3A_753 = arith.constant 32 : index
        %swap3A_754 = tpu.vector_load %arg10[%swap3A_751, %swap3A_752, %swap3A_753] {strides = array<i32>} : memref<4x112x64xf32, #tpu.memory_space<vmem>>, vector<1x1x16xf32>,
        %swap3A_755 = vector.shape_cast %swap3A_754 : vector<1x1x16xf32> to vector<16xf32>
        %swap3A_756 = vector.shape_cast %mul3A_749 : vector<16xf32> to vector<1x1x16xf32>
        tpu.vector_store %arg10[%swap3A_751, %swap3A_752, %swap3A_753], %swap3A_756 {strides = array<i32>} : memref<4x112x64xf32, #tpu.memory_space<vmem>>, vector<1x1x16xf32>,
        %get3A_757 = arith.constant 3 : i32
        %get3A_758 = arith.index_cast %get3A_757 : i32 to index
        %get3A_759 = arith.index_cast %add3A_711 : i32 to index
        %get3A_760 = arith.constant 48 : index
        %get3A_761 = tpu.vector_load %arg10[%get3A_758, %get3A_759, %get3A_760] {strides = array<i32>} : memref<4x112x64xf32, #tpu.memory_space<vmem>>, vector<1x1x16xf32>,
        %get3A_762 = vector.shape_cast %get3A_761 : vector<1x1x16xf32> to vector<16xf32>
        %mul3A_763 = vector.broadcast %squeeze3A_707 : f32 to vector<16xf32>
        %mul3A_764 = arith.mulf %get3A_762, %mul3A_763 : vector<16xf32>
        %swap3A_765 = arith.constant 3 : i32
        %swap3A_766 = arith.index_cast %swap3A_765 : i32 to index
        %swap3A_767 = arith.index_cast %add3A_711 : i32 to index
        %swap3A_768 = arith.constant 48 : index
        %swap3A_769 = tpu.vector_load %arg10[%swap3A_766, %swap3A_767, %swap3A_768] {strides = array<i32>} : memref<4x112x64xf32, #tpu.memory_space<vmem>>, vector<1x1x16xf32>,
        %swap3A_770 = vector.shape_cast %swap3A_769 : vector<1x1x16xf32> to vector<16xf32>
        %swap3A_771 = vector.shape_cast %mul3A_764 : vector<16xf32> to vector<1x1x16xf32>
        tpu.vector_store %arg10[%swap3A_766, %swap3A_767, %swap3A_768], %swap3A_771 {strides = array<i32>} : memref<4x112x64xf32, #tpu.memory_space<vmem>>, vector<1x1x16xf32>,
        %slice3A_772 = vector.extract_strided_slice %get3A_312 {offsets = [7], sizes = [1], strides = [1]} : vector<16xf32> to vector<1xf32>
        %squeeze3A_773 = vector.extract %slice3A_772[0] : f32 from vector<1xf32>
        %mul3A_774 = arith.constant 16 : i32
        %mul3A_775 = arith.muli %scan3A_306, %mul3A_774 : i32
        %add3A_776 = arith.constant 7 : i32
        %add3A_777 = arith.addi %mul3A_775, %add3A_776 : i32
        %get3A_778 = arith.constant 3 : i32
        %get3A_779 = arith.index_cast %get3A_778 : i32 to index
        %get3A_780 = arith.index_cast %add3A_777 : i32 to index
        %get3A_781 = arith.constant 0 : index
        %get3A_782 = tpu.vector_load %arg10[%get3A_779, %get3A_780, %get3A_781] {strides = array<i32>} : memref<4x112x64xf32, #tpu.memory_space<vmem>>, vector<1x1x16xf32>,
        %get3A_783 = vector.shape_cast %get3A_782 : vector<1x1x16xf32> to vector<16xf32>
        %mul3A_784 = vector.broadcast %squeeze3A_773 : f32 to vector<16xf32>
        %mul3A_785 = arith.mulf %get3A_783, %mul3A_784 : vector<16xf32>
        %swap3A_786 = arith.constant 3 : i32
        %swap3A_787 = arith.index_cast %swap3A_786 : i32 to index
        %swap3A_788 = arith.index_cast %add3A_777 : i32 to index
        %swap3A_789 = arith.constant 0 : index
        %swap3A_790 = tpu.vector_load %arg10[%swap3A_787, %swap3A_788, %swap3A_789] {strides = array<i32>} : memref<4x112x64xf32, #tpu.memory_space<vmem>>, vector<1x1x16xf32>,
        %swap3A_791 = vector.shape_cast %swap3A_790 : vector<1x1x16xf32> to vector<16xf32>
        %swap3A_792 = vector.shape_cast %mul3A_785 : vector<16xf32> to vector<1x1x16xf32>
        tpu.vector_store %arg10[%swap3A_787, %swap3A_788, %swap3A_789], %swap3A_792 {strides = array<i32>} : memref<4x112x64xf32, #tpu.memory_space<vmem>>, vector<1x1x16xf32>,
        %get3A_793 = arith.constant 3 : i32
        %get3A_794 = arith.index_cast %get3A_793 : i32 to index
        %get3A_795 = arith.index_cast %add3A_777 : i32 to index
        %get3A_796 = arith.constant 16 : index
        %get3A_797 = tpu.vector_load %arg10[%get3A_794, %get3A_795, %get3A_796] {strides = array<i32>} : memref<4x112x64xf32, #tpu.memory_space<vmem>>, vector<1x1x16xf32>,
        %get3A_798 = vector.shape_cast %get3A_797 : vector<1x1x16xf32> to vector<16xf32>
        %mul3A_799 = vector.broadcast %squeeze3A_773 : f32 to vector<16xf32>
        %mul3A_800 = arith.mulf %get3A_798, %mul3A_799 : vector<16xf32>
        %swap3A_801 = arith.constant 3 : i32
        %swap3A_802 = arith.index_cast %swap3A_801 : i32 to index
        %swap3A_803 = arith.index_cast %add3A_777 : i32 to index
        %swap3A_804 = arith.constant 16 : index
        %swap3A_805 = tpu.vector_load %arg10[%swap3A_802, %swap3A_803, %swap3A_804] {strides = array<i32>} : memref<4x112x64xf32, #tpu.memory_space<vmem>>, vector<1x1x16xf32>,
        %swap3A_806 = vector.shape_cast %swap3A_805 : vector<1x1x16xf32> to vector<16xf32>
        %swap3A_807 = vector.shape_cast %mul3A_800 : vector<16xf32> to vector<1x1x16xf32>
        tpu.vector_store %arg10[%swap3A_802, %swap3A_803, %swap3A_804], %swap3A_807 {strides = array<i32>} : memref<4x112x64xf32, #tpu.memory_space<vmem>>, vector<1x1x16xf32>,
        %get3A_808 = arith.constant 3 : i32
        %get3A_809 = arith.index_cast %get3A_808 : i32 to index
        %get3A_810 = arith.index_cast %add3A_777 : i32 to index
        %get3A_811 = arith.constant 32 : index
        %get3A_812 = tpu.vector_load %arg10[%get3A_809, %get3A_810, %get3A_811] {strides = array<i32>} : memref<4x112x64xf32, #tpu.memory_space<vmem>>, vector<1x1x16xf32>,
        %get3A_813 = vector.shape_cast %get3A_812 : vector<1x1x16xf32> to vector<16xf32>
        %mul3A_814 = vector.broadcast %squeeze3A_773 : f32 to vector<16xf32>
        %mul3A_815 = arith.mulf %get3A_813, %mul3A_814 : vector<16xf32>
        %swap3A_816 = arith.constant 3 : i32
        %swap3A_817 = arith.index_cast %swap3A_816 : i32 to index
        %swap3A_818 = arith.index_cast %add3A_777 : i32 to index
        %swap3A_819 = arith.constant 32 : index
        %swap3A_820 = tpu.vector_load %arg10[%swap3A_817, %swap3A_818, %swap3A_819] {strides = array<i32>} : memref<4x112x64xf32, #tpu.memory_space<vmem>>, vector<1x1x16xf32>,
        %swap3A_821 = vector.shape_cast %swap3A_820 : vector<1x1x16xf32> to vector<16xf32>
        %swap3A_822 = vector.shape_cast %mul3A_815 : vector<16xf32> to vector<1x1x16xf32>
        tpu.vector_store %arg10[%swap3A_817, %swap3A_818, %swap3A_819], %swap3A_822 {strides = array<i32>} : memref<4x112x64xf32, #tpu.memory_space<vmem>>, vector<1x1x16xf32>,
        %get3A_823 = arith.constant 3 : i32
        %get3A_824 = arith.index_cast %get3A_823 : i32 to index
        %get3A_825 = arith.index_cast %add3A_777 : i32 to index
        %get3A_826 = arith.constant 48 : index
        %get3A_827 = tpu.vector_load %arg10[%get3A_824, %get3A_825, %get3A_826] {strides = array<i32>} : memref<4x112x64xf32, #tpu.memory_space<vmem>>, vector<1x1x16xf32>,
        %get3A_828 = vector.shape_cast %get3A_827 : vector<1x1x16xf32> to vector<16xf32>
        %mul3A_829 = vector.broadcast %squeeze3A_773 : f32 to vector<16xf32>
        %mul3A_830 = arith.mulf %get3A_828, %mul3A_829 : vector<16xf32>
        %swap3A_831 = arith.constant 3 : i32
        %swap3A_832 = arith.index_cast %swap3A_831 : i32 to index
        %swap3A_833 = arith.index_cast %add3A_777 : i32 to index
        %swap3A_834 = arith.constant 48 : index
        %swap3A_835 = tpu.vector_load %arg10[%swap3A_832, %swap3A_833, %swap3A_834] {strides = array<i32>} : memref<4x112x64xf32, #tpu.memory_space<vmem>>, vector<1x1x16xf32>,
        %swap3A_836 = vector.shape_cast %swap3A_835 : vector<1x1x16xf32> to vector<16xf32>
        %swap3A_837 = vector.shape_cast %mul3A_830 : vector<16xf32> to vector<1x1x16xf32>
        tpu.vector_store %arg10[%swap3A_832, %swap3A_833, %swap3A_834], %swap3A_837 {strides = array<i32>} : memref<4x112x64xf32, #tpu.memory_space<vmem>>, vector<1x1x16xf32>,
        %slice3A_838 = vector.extract_strided_slice %get3A_312 {offsets = [8], sizes = [1], strides = [1]} : vector<16xf32> to vector<1xf32>
        %squeeze3A_839 = vector.extract %slice3A_838[0] : f32 from vector<1xf32>
        %mul3A_840 = arith.constant 16 : i32
        %mul3A_841 = arith.muli %scan3A_306, %mul3A_840 : i32
        %add3A_842 = arith.constant 8 : i32
        %add3A_843 = arith.addi %mul3A_841, %add3A_842 : i32
        %get3A_844 = arith.constant 3 : i32
        %get3A_845 = arith.index_cast %get3A_844 : i32 to index
        %get3A_846 = arith.index_cast %add3A_843 : i32 to index
        %get3A_847 = arith.constant 0 : index
        %get3A_848 = tpu.vector_load %arg10[%get3A_845, %get3A_846, %get3A_847] {strides = array<i32>} : memref<4x112x64xf32, #tpu.memory_space<vmem>>, vector<1x1x16xf32>,
        %get3A_849 = vector.shape_cast %get3A_848 : vector<1x1x16xf32> to vector<16xf32>
        %mul3A_850 = vector.broadcast %squeeze3A_839 : f32 to vector<16xf32>
        %mul3A_851 = arith.mulf %get3A_849, %mul3A_850 : vector<16xf32>
        %swap3A_852 = arith.constant 3 : i32
        %swap3A_853 = arith.index_cast %swap3A_852 : i32 to index
        %swap3A_854 = arith.index_cast %add3A_843 : i32 to index
        %swap3A_855 = arith.constant 0 : index
        %swap3A_856 = tpu.vector_load %arg10[%swap3A_853, %swap3A_854, %swap3A_855] {strides = array<i32>} : memref<4x112x64xf32, #tpu.memory_space<vmem>>, vector<1x1x16xf32>,
        %swap3A_857 = vector.shape_cast %swap3A_856 : vector<1x1x16xf32> to vector<16xf32>
        %swap3A_858 = vector.shape_cast %mul3A_851 : vector<16xf32> to vector<1x1x16xf32>
        tpu.vector_store %arg10[%swap3A_853, %swap3A_854, %swap3A_855], %swap3A_858 {strides = array<i32>} : memref<4x112x64xf32, #tpu.memory_space<vmem>>, vector<1x1x16xf32>,
        %get3A_859 = arith.constant 3 : i32
        %get3A_860 = arith.index_cast %get3A_859 : i32 to index
        %get3A_861 = arith.index_cast %add3A_843 : i32 to index
        %get3A_862 = arith.constant 16 : index
        %get3A_863 = tpu.vector_load %arg10[%get3A_860, %get3A_861, %get3A_862] {strides = array<i32>} : memref<4x112x64xf32, #tpu.memory_space<vmem>>, vector<1x1x16xf32>,
        %get3A_864 = vector.shape_cast %get3A_863 : vector<1x1x16xf32> to vector<16xf32>
        %mul3A_865 = vector.broadcast %squeeze3A_839 : f32 to vector<16xf32>
        %mul3A_866 = arith.mulf %get3A_864, %mul3A_865 : vector<16xf32>
        %swap3A_867 = arith.constant 3 : i32
        %swap3A_868 = arith.index_cast %swap3A_867 : i32 to index
        %swap3A_869 = arith.index_cast %add3A_843 : i32 to index
        %swap3A_870 = arith.constant 16 : index
        %swap3A_871 = tpu.vector_load %arg10[%swap3A_868, %swap3A_869, %swap3A_870] {strides = array<i32>} : memref<4x112x64xf32, #tpu.memory_space<vmem>>, vector<1x1x16xf32>,
        %swap3A_872 = vector.shape_cast %swap3A_871 : vector<1x1x16xf32> to vector<16xf32>
        %swap3A_873 = vector.shape_cast %mul3A_866 : vector<16xf32> to vector<1x1x16xf32>
        tpu.vector_store %arg10[%swap3A_868, %swap3A_869, %swap3A_870], %swap3A_873 {strides = array<i32>} : memref<4x112x64xf32, #tpu.memory_space<vmem>>, vector<1x1x16xf32>,
        %get3A_874 = arith.constant 3 : i32
        %get3A_875 = arith.index_cast %get3A_874 : i32 to index
        %get3A_876 = arith.index_cast %add3A_843 : i32 to index
        %get3A_877 = arith.constant 32 : index
        %get3A_878 = tpu.vector_load %arg10[%get3A_875, %get3A_876, %get3A_877] {strides = array<i32>} : memref<4x112x64xf32, #tpu.memory_space<vmem>>, vector<1x1x16xf32>,
        %get3A_879 = vector.shape_cast %get3A_878 : vector<1x1x16xf32> to vector<16xf32>
        %mul3A_880 = vector.broadcast %squeeze3A_839 : f32 to vector<16xf32>
        %mul3A_881 = arith.mulf %get3A_879, %mul3A_880 : vector<16xf32>
        %swap3A_882 = arith.constant 3 : i32
        %swap3A_883 = arith.index_cast %swap3A_882 : i32 to index
        %swap3A_884 = arith.index_cast %add3A_843 : i32 to index
        %swap3A_885 = arith.constant 32 : index
        %swap3A_886 = tpu.vector_load %arg10[%swap3A_883, %swap3A_884, %swap3A_885] {strides = array<i32>} : memref<4x112x64xf32, #tpu.memory_space<vmem>>, vector<1x1x16xf32>,
        %swap3A_887 = vector.shape_cast %swap3A_886 : vector<1x1x16xf32> to vector<16xf32>
        %swap3A_888 = vector.shape_cast %mul3A_881 : vector<16xf32> to vector<1x1x16xf32>
        tpu.vector_store %arg10[%swap3A_883, %swap3A_884, %swap3A_885], %swap3A_888 {strides = array<i32>} : memref<4x112x64xf32, #tpu.memory_space<vmem>>, vector<1x1x16xf32>,
        %get3A_889 = arith.constant 3 : i32
        %get3A_890 = arith.index_cast %get3A_889 : i32 to index
        %get3A_891 = arith.index_cast %add3A_843 : i32 to index
        %get3A_892 = arith.constant 48 : index
        %get3A_893 = tpu.vector_load %arg10[%get3A_890, %get3A_891, %get3A_892] {strides = array<i32>} : memref<4x112x64xf32, #tpu.memory_space<vmem>>, vector<1x1x16xf32>,
        %get3A_894 = vector.shape_cast %get3A_893 : vector<1x1x16xf32> to vector<16xf32>
        %mul3A_895 = vector.broadcast %squeeze3A_839 : f32 to vector<16xf32>
        %mul3A_896 = arith.mulf %get3A_894, %mul3A_895 : vector<16xf32>
        %swap3A_897 = arith.constant 3 : i32
        %swap3A_898 = arith.index_cast %swap3A_897 : i32 to index
        %swap3A_899 = arith.index_cast %add3A_843 : i32 to index
        %swap3A_900 = arith.constant 48 : index
        %swap3A_901 = tpu.vector_load %arg10[%swap3A_898, %swap3A_899, %swap3A_900] {strides = array<i32>} : memref<4x112x64xf32, #tpu.memory_space<vmem>>, vector<1x1x16xf32>,
        %swap3A_902 = vector.shape_cast %swap3A_901 : vector<1x1x16xf32> to vector<16xf32>
        %swap3A_903 = vector.shape_cast %mul3A_896 : vector<16xf32> to vector<1x1x16xf32>
        tpu.vector_store %arg10[%swap3A_898, %swap3A_899, %swap3A_900], %swap3A_903 {strides = array<i32>} : memref<4x112x64xf32, #tpu.memory_space<vmem>>, vector<1x1x16xf32>,
        %slice3A_904 = vector.extract_strided_slice %get3A_312 {offsets = [9], sizes = [1], strides = [1]} : vector<16xf32> to vector<1xf32>
        %squeeze3A_905 = vector.extract %slice3A_904[0] : f32 from vector<1xf32>
        %mul3A_906 = arith.constant 16 : i32
        %mul3A_907 = arith.muli %scan3A_306, %mul3A_906 : i32
        %add3A_908 = arith.constant 9 : i32
        %add3A_909 = arith.addi %mul3A_907, %add3A_908 : i32
        %get3A_910 = arith.constant 3 : i32
        %get3A_911 = arith.index_cast %get3A_910 : i32 to index
        %get3A_912 = arith.index_cast %add3A_909 : i32 to index
        %get3A_913 = arith.constant 0 : index
        %get3A_914 = tpu.vector_load %arg10[%get3A_911, %get3A_912, %get3A_913] {strides = array<i32>} : memref<4x112x64xf32, #tpu.memory_space<vmem>>, vector<1x1x16xf32>,
        %get3A_915 = vector.shape_cast %get3A_914 : vector<1x1x16xf32> to vector<16xf32>
        %mul3A_916 = vector.broadcast %squeeze3A_905 : f32 to vector<16xf32>
        %mul3A_917 = arith.mulf %get3A_915, %mul3A_916 : vector<16xf32>
        %swap3A_918 = arith.constant 3 : i32
        %swap3A_919 = arith.index_cast %swap3A_918 : i32 to index
        %swap3A_920 = arith.index_cast %add3A_909 : i32 to index
        %swap3A_921 = arith.constant 0 : index
        %swap3A_922 = tpu.vector_load %arg10[%swap3A_919, %swap3A_920, %swap3A_921] {strides = array<i32>} : memref<4x112x64xf32, #tpu.memory_space<vmem>>, vector<1x1x16xf32>,
        %swap3A_923 = vector.shape_cast %swap3A_922 : vector<1x1x16xf32> to vector<16xf32>
        %swap3A_924 = vector.shape_cast %mul3A_917 : vector<16xf32> to vector<1x1x16xf32>
        tpu.vector_store %arg10[%swap3A_919, %swap3A_920, %swap3A_921], %swap3A_924 {strides = array<i32>} : memref<4x112x64xf32, #tpu.memory_space<vmem>>, vector<1x1x16xf32>,
        %get3A_925 = arith.constant 3 : i32
        %get3A_926 = arith.index_cast %get3A_925 : i32 to index
        %get3A_927 = arith.index_cast %add3A_909 : i32 to index
        %get3A_928 = arith.constant 16 : index
        %get3A_929 = tpu.vector_load %arg10[%get3A_926, %get3A_927, %get3A_928] {strides = array<i32>} : memref<4x112x64xf32, #tpu.memory_space<vmem>>, vector<1x1x16xf32>,
        %get3A_930 = vector.shape_cast %get3A_929 : vector<1x1x16xf32> to vector<16xf32>
        %mul3A_931 = vector.broadcast %squeeze3A_905 : f32 to vector<16xf32>
        %mul3A_932 = arith.mulf %get3A_930, %mul3A_931 : vector<16xf32>
        %swap3A_933 = arith.constant 3 : i32
        %swap3A_934 = arith.index_cast %swap3A_933 : i32 to index
        %swap3A_935 = arith.index_cast %add3A_909 : i32 to index
        %swap3A_936 = arith.constant 16 : index
        %swap3A_937 = tpu.vector_load %arg10[%swap3A_934, %swap3A_935, %swap3A_936] {strides = array<i32>} : memref<4x112x64xf32, #tpu.memory_space<vmem>>, vector<1x1x16xf32>,
        %swap3A_938 = vector.shape_cast %swap3A_937 : vector<1x1x16xf32> to vector<16xf32>
        %swap3A_939 = vector.shape_cast %mul3A_932 : vector<16xf32> to vector<1x1x16xf32>
        tpu.vector_store %arg10[%swap3A_934, %swap3A_935, %swap3A_936], %swap3A_939 {strides = array<i32>} : memref<4x112x64xf32, #tpu.memory_space<vmem>>, vector<1x1x16xf32>,
        %get3A_940 = arith.constant 3 : i32
        %get3A_941 = arith.index_cast %get3A_940 : i32 to index
        %get3A_942 = arith.index_cast %add3A_909 : i32 to index
        %get3A_943 = arith.constant 32 : index
        %get3A_944 = tpu.vector_load %arg10[%get3A_941, %get3A_942, %get3A_943] {strides = array<i32>} : memref<4x112x64xf32, #tpu.memory_space<vmem>>, vector<1x1x16xf32>,
        %get3A_945 = vector.shape_cast %get3A_944 : vector<1x1x16xf32> to vector<16xf32>
        %mul3A_946 = vector.broadcast %squeeze3A_905 : f32 to vector<16xf32>
        %mul3A_947 = arith.mulf %get3A_945, %mul3A_946 : vector<16xf32>
        %swap3A_948 = arith.constant 3 : i32
        %swap3A_949 = arith.index_cast %swap3A_948 : i32 to index
        %swap3A_950 = arith.index_cast %add3A_909 : i32 to index
        %swap3A_951 = arith.constant 32 : index
        %swap3A_952 = tpu.vector_load %arg10[%swap3A_949, %swap3A_950, %swap3A_951] {strides = array<i32>} : memref<4x112x64xf32, #tpu.memory_space<vmem>>, vector<1x1x16xf32>,
        %swap3A_953 = vector.shape_cast %swap3A_952 : vector<1x1x16xf32> to vector<16xf32>
        %swap3A_954 = vector.shape_cast %mul3A_947 : vector<16xf32> to vector<1x1x16xf32>
        tpu.vector_store %arg10[%swap3A_949, %swap3A_950, %swap3A_951], %swap3A_954 {strides = array<i32>} : memref<4x112x64xf32, #tpu.memory_space<vmem>>, vector<1x1x16xf32>,
        %get3A_955 = arith.constant 3 : i32
        %get3A_956 = arith.index_cast %get3A_955 : i32 to index
        %get3A_957 = arith.index_cast %add3A_909 : i32 to index
        %get3A_958 = arith.constant 48 : index
        %get3A_959 = tpu.vector_load %arg10[%get3A_956, %get3A_957, %get3A_958] {strides = array<i32>} : memref<4x112x64xf32, #tpu.memory_space<vmem>>, vector<1x1x16xf32>,
        %get3A_960 = vector.shape_cast %get3A_959 : vector<1x1x16xf32> to vector<16xf32>
        %mul3A_961 = vector.broadcast %squeeze3A_905 : f32 to vector<16xf32>
        %mul3A_962 = arith.mulf %get3A_960, %mul3A_961 : vector<16xf32>
        %swap3A_963 = arith.constant 3 : i32
        %swap3A_964 = arith.index_cast %swap3A_963 : i32 to index
        %swap3A_965 = arith.index_cast %add3A_909 : i32 to index
        %swap3A_966 = arith.constant 48 : index
        %swap3A_967 = tpu.vector_load %arg10[%swap3A_964, %swap3A_965, %swap3A_966] {strides = array<i32>} : memref<4x112x64xf32, #tpu.memory_space<vmem>>, vector<1x1x16xf32>,
        %swap3A_968 = vector.shape_cast %swap3A_967 : vector<1x1x16xf32> to vector<16xf32>
        %swap3A_969 = vector.shape_cast %mul3A_962 : vector<16xf32> to vector<1x1x16xf32>
        tpu.vector_store %arg10[%swap3A_964, %swap3A_965, %swap3A_966], %swap3A_969 {strides = array<i32>} : memref<4x112x64xf32, #tpu.memory_space<vmem>>, vector<1x1x16xf32>,
        %slice3A_970 = vector.extract_strided_slice %get3A_312 {offsets = [10], sizes = [1], strides = [1]} : vector<16xf32> to vector<1xf32>
        %squeeze3A_971 = vector.extract %slice3A_970[0] : f32 from vector<1xf32>
        %mul3A_972 = arith.constant 16 : i32
        %mul3A_973 = arith.muli %scan3A_306, %mul3A_972 : i32
        %add3A_974 = arith.constant 10 : i32
        %add3A_975 = arith.addi %mul3A_973, %add3A_974 : i32
        %get3A_976 = arith.constant 3 : i32
        %get3A_977 = arith.index_cast %get3A_976 : i32 to index
        %get3A_978 = arith.index_cast %add3A_975 : i32 to index
        %get3A_979 = arith.constant 0 : index
        %get3A_980 = tpu.vector_load %arg10[%get3A_977, %get3A_978, %get3A_979] {strides = array<i32>} : memref<4x112x64xf32, #tpu.memory_space<vmem>>, vector<1x1x16xf32>,
        %get3A_981 = vector.shape_cast %get3A_980 : vector<1x1x16xf32> to vector<16xf32>
        %mul3A_982 = vector.broadcast %squeeze3A_971 : f32 to vector<16xf32>
        %mul3A_983 = arith.mulf %get3A_981, %mul3A_982 : vector<16xf32>
        %swap3A_984 = arith.constant 3 : i32
        %swap3A_985 = arith.index_cast %swap3A_984 : i32 to index
        %swap3A_986 = arith.index_cast %add3A_975 : i32 to index
        %swap3A_987 = arith.constant 0 : index
        %swap3A_988 = tpu.vector_load %arg10[%swap3A_985, %swap3A_986, %swap3A_987] {strides = array<i32>} : memref<4x112x64xf32, #tpu.memory_space<vmem>>, vector<1x1x16xf32>,
        %swap3A_989 = vector.shape_cast %swap3A_988 : vector<1x1x16xf32> to vector<16xf32>
        %swap3A_990 = vector.shape_cast %mul3A_983 : vector<16xf32> to vector<1x1x16xf32>
        tpu.vector_store %arg10[%swap3A_985, %swap3A_986, %swap3A_987], %swap3A_990 {strides = array<i32>} : memref<4x112x64xf32, #tpu.memory_space<vmem>>, vector<1x1x16xf32>,
        %get3A_991 = arith.constant 3 : i32
        %get3A_992 = arith.index_cast %get3A_991 : i32 to index
        %get3A_993 = arith.index_cast %add3A_975 : i32 to index
        %get3A_994 = arith.constant 16 : index
        %get3A_995 = tpu.vector_load %arg10[%get3A_992, %get3A_993, %get3A_994] {strides = array<i32>} : memref<4x112x64xf32, #tpu.memory_space<vmem>>, vector<1x1x16xf32>,
        %get3A_996 = vector.shape_cast %get3A_995 : vector<1x1x16xf32> to vector<16xf32>
        %mul3A_997 = vector.broadcast %squeeze3A_971 : f32 to vector<16xf32>
        %mul3A_998 = arith.mulf %get3A_996, %mul3A_997 : vector<16xf32>
        %swap3A_999 = arith.constant 3 : i32
        %swap3A_1000 = arith.index_cast %swap3A_999 : i32 to index
        %swap3A_1001 = arith.index_cast %add3A_975 : i32 to index
        %swap3A_1002 = arith.constant 16 : index
        %swap3A_1003 = tpu.vector_load %arg10[%swap3A_1000, %swap3A_1001, %swap3A_1002] {strides = array<i32>} : memref<4x112x64xf32, #tpu.memory_space<vmem>>, vector<1x1x16xf32>,
        %swap3A_1004 = vector.shape_cast %swap3A_1003 : vector<1x1x16xf32> to vector<16xf32>
        %swap3A_1005 = vector.shape_cast %mul3A_998 : vector<16xf32> to vector<1x1x16xf32>
        tpu.vector_store %arg10[%swap3A_1000, %swap3A_1001, %swap3A_1002], %swap3A_1005 {strides = array<i32>} : memref<4x112x64xf32, #tpu.memory_space<vmem>>, vector<1x1x16xf32>,
        %get3A_1006 = arith.constant 3 : i32
        %get3A_1007 = arith.index_cast %get3A_1006 : i32 to index
        %get3A_1008 = arith.index_cast %add3A_975 : i32 to index
        %get3A_1009 = arith.constant 32 : index
        %get3A_1010 = tpu.vector_load %arg10[%get3A_1007, %get3A_1008, %get3A_1009] {strides = array<i32>} : memref<4x112x64xf32, #tpu.memory_space<vmem>>, vector<1x1x16xf32>,
        %get3A_1011 = vector.shape_cast %get3A_1010 : vector<1x1x16xf32> to vector<16xf32>
        %mul3A_1012 = vector.broadcast %squeeze3A_971 : f32 to vector<16xf32>
        %mul3A_1013 = arith.mulf %get3A_1011, %mul3A_1012 : vector<16xf32>
        %swap3A_1014 = arith.constant 3 : i32
        %swap3A_1015 = arith.index_cast %swap3A_1014 : i32 to index
        %swap3A_1016 = arith.index_cast %add3A_975 : i32 to index
        %swap3A_1017 = arith.constant 32 : index
        %swap3A_1018 = tpu.vector_load %arg10[%swap3A_1015, %swap3A_1016, %swap3A_1017] {strides = array<i32>} : memref<4x112x64xf32, #tpu.memory_space<vmem>>, vector<1x1x16xf32>,
        %swap3A_1019 = vector.shape_cast %swap3A_1018 : vector<1x1x16xf32> to vector<16xf32>
        %swap3A_1020 = vector.shape_cast %mul3A_1013 : vector<16xf32> to vector<1x1x16xf32>
        tpu.vector_store %arg10[%swap3A_1015, %swap3A_1016, %swap3A_1017], %swap3A_1020 {strides = array<i32>} : memref<4x112x64xf32, #tpu.memory_space<vmem>>, vector<1x1x16xf32>,
        %get3A_1021 = arith.constant 3 : i32
        %get3A_1022 = arith.index_cast %get3A_1021 : i32 to index
        %get3A_1023 = arith.index_cast %add3A_975 : i32 to index
        %get3A_1024 = arith.constant 48 : index
        %get3A_1025 = tpu.vector_load %arg10[%get3A_1022, %get3A_1023, %get3A_1024] {strides = array<i32>} : memref<4x112x64xf32, #tpu.memory_space<vmem>>, vector<1x1x16xf32>,
        %get3A_1026 = vector.shape_cast %get3A_1025 : vector<1x1x16xf32> to vector<16xf32>
        %mul3A_1027 = vector.broadcast %squeeze3A_971 : f32 to vector<16xf32>
        %mul3A_1028 = arith.mulf %get3A_1026, %mul3A_1027 : vector<16xf32>
        %swap3A_1029 = arith.constant 3 : i32
        %swap3A_1030 = arith.index_cast %swap3A_1029 : i32 to index
        %swap3A_1031 = arith.index_cast %add3A_975 : i32 to index
        %swap3A_1032 = arith.constant 48 : index
        %swap3A_1033 = tpu.vector_load %arg10[%swap3A_1030, %swap3A_1031, %swap3A_1032] {strides = array<i32>} : memref<4x112x64xf32, #tpu.memory_space<vmem>>, vector<1x1x16xf32>,
        %swap3A_1034 = vector.shape_cast %swap3A_1033 : vector<1x1x16xf32> to vector<16xf32>
        %swap3A_1035 = vector.shape_cast %mul3A_1028 : vector<16xf32> to vector<1x1x16xf32>
        tpu.vector_store %arg10[%swap3A_1030, %swap3A_1031, %swap3A_1032], %swap3A_1035 {strides = array<i32>} : memref<4x112x64xf32, #tpu.memory_space<vmem>>, vector<1x1x16xf32>,
        %slice3A_1036 = vector.extract_strided_slice %get3A_312 {offsets = [11], sizes = [1], strides = [1]} : vector<16xf32> to vector<1xf32>
        %squeeze3A_1037 = vector.extract %slice3A_1036[0] : f32 from vector<1xf32>
        %mul3A_1038 = arith.constant 16 : i32
        %mul3A_1039 = arith.muli %scan3A_306, %mul3A_1038 : i32
        %add3A_1040 = arith.constant 11 : i32
        %add3A_1041 = arith.addi %mul3A_1039, %add3A_1040 : i32
        %get3A_1042 = arith.constant 3 : i32
        %get3A_1043 = arith.index_cast %get3A_1042 : i32 to index
        %get3A_1044 = arith.index_cast %add3A_1041 : i32 to index
        %get3A_1045 = arith.constant 0 : index
        %get3A_1046 = tpu.vector_load %arg10[%get3A_1043, %get3A_1044, %get3A_1045] {strides = array<i32>} : memref<4x112x64xf32, #tpu.memory_space<vmem>>, vector<1x1x16xf32>,
        %get3A_1047 = vector.shape_cast %get3A_1046 : vector<1x1x16xf32> to vector<16xf32>
        %mul3A_1048 = vector.broadcast %squeeze3A_1037 : f32 to vector<16xf32>
        %mul3A_1049 = arith.mulf %get3A_1047, %mul3A_1048 : vector<16xf32>
        %swap3A_1050 = arith.constant 3 : i32
        %swap3A_1051 = arith.index_cast %swap3A_1050 : i32 to index
        %swap3A_1052 = arith.index_cast %add3A_1041 : i32 to index
        %swap3A_1053 = arith.constant 0 : index
        %swap3A_1054 = tpu.vector_load %arg10[%swap3A_1051, %swap3A_1052, %swap3A_1053] {strides = array<i32>} : memref<4x112x64xf32, #tpu.memory_space<vmem>>, vector<1x1x16xf32>,
        %swap3A_1055 = vector.shape_cast %swap3A_1054 : vector<1x1x16xf32> to vector<16xf32>
        %swap3A_1056 = vector.shape_cast %mul3A_1049 : vector<16xf32> to vector<1x1x16xf32>
        tpu.vector_store %arg10[%swap3A_1051, %swap3A_1052, %swap3A_1053], %swap3A_1056 {strides = array<i32>} : memref<4x112x64xf32, #tpu.memory_space<vmem>>, vector<1x1x16xf32>,
        %get3A_1057 = arith.constant 3 : i32
        %get3A_1058 = arith.index_cast %get3A_1057 : i32 to index
        %get3A_1059 = arith.index_cast %add3A_1041 : i32 to index
        %get3A_1060 = arith.constant 16 : index
        %get3A_1061 = tpu.vector_load %arg10[%get3A_1058, %get3A_1059, %get3A_1060] {strides = array<i32>} : memref<4x112x64xf32, #tpu.memory_space<vmem>>, vector<1x1x16xf32>,
        %get3A_1062 = vector.shape_cast %get3A_1061 : vector<1x1x16xf32> to vector<16xf32>
        %mul3A_1063 = vector.broadcast %squeeze3A_1037 : f32 to vector<16xf32>
        %mul3A_1064 = arith.mulf %get3A_1062, %mul3A_1063 : vector<16xf32>
        %swap3A_1065 = arith.constant 3 : i32
        %swap3A_1066 = arith.index_cast %swap3A_1065 : i32 to index
        %swap3A_1067 = arith.index_cast %add3A_1041 : i32 to index
        %swap3A_1068 = arith.constant 16 : index
        %swap3A_1069 = tpu.vector_load %arg10[%swap3A_1066, %swap3A_1067, %swap3A_1068] {strides = array<i32>} : memref<4x112x64xf32, #tpu.memory_space<vmem>>, vector<1x1x16xf32>,
        %swap3A_1070 = vector.shape_cast %swap3A_1069 : vector<1x1x16xf32> to vector<16xf32>
        %swap3A_1071 = vector.shape_cast %mul3A_1064 : vector<16xf32> to vector<1x1x16xf32>
        tpu.vector_store %arg10[%swap3A_1066, %swap3A_1067, %swap3A_1068], %swap3A_1071 {strides = array<i32>} : memref<4x112x64xf32, #tpu.memory_space<vmem>>, vector<1x1x16xf32>,
        %get3A_1072 = arith.constant 3 : i32
        %get3A_1073 = arith.index_cast %get3A_1072 : i32 to index
        %get3A_1074 = arith.index_cast %add3A_1041 : i32 to index
        %get3A_1075 = arith.constant 32 : index
        %get3A_1076 = tpu.vector_load %arg10[%get3A_1073, %get3A_1074, %get3A_1075] {strides = array<i32>} : memref<4x112x64xf32, #tpu.memory_space<vmem>>, vector<1x1x16xf32>,
        %get3A_1077 = vector.shape_cast %get3A_1076 : vector<1x1x16xf32> to vector<16xf32>
        %mul3A_1078 = vector.broadcast %squeeze3A_1037 : f32 to vector<16xf32>
        %mul3A_1079 = arith.mulf %get3A_1077, %mul3A_1078 : vector<16xf32>
        %swap3A_1080 = arith.constant 3 : i32
        %swap3A_1081 = arith.index_cast %swap3A_1080 : i32 to index
        %swap3A_1082 = arith.index_cast %add3A_1041 : i32 to index
        %swap3A_1083 = arith.constant 32 : index
        %swap3A_1084 = tpu.vector_load %arg10[%swap3A_1081, %swap3A_1082, %swap3A_1083] {strides = array<i32>} : memref<4x112x64xf32, #tpu.memory_space<vmem>>, vector<1x1x16xf32>,
        %swap3A_1085 = vector.shape_cast %swap3A_1084 : vector<1x1x16xf32> to vector<16xf32>
        %swap3A_1086 = vector.shape_cast %mul3A_1079 : vector<16xf32> to vector<1x1x16xf32>
        tpu.vector_store %arg10[%swap3A_1081, %swap3A_1082, %swap3A_1083], %swap3A_1086 {strides = array<i32>} : memref<4x112x64xf32, #tpu.memory_space<vmem>>, vector<1x1x16xf32>,
        %get3A_1087 = arith.constant 3 : i32
        %get3A_1088 = arith.index_cast %get3A_1087 : i32 to index
        %get3A_1089 = arith.index_cast %add3A_1041 : i32 to index
        %get3A_1090 = arith.constant 48 : index
        %get3A_1091 = tpu.vector_load %arg10[%get3A_1088, %get3A_1089, %get3A_1090] {strides = array<i32>} : memref<4x112x64xf32, #tpu.memory_space<vmem>>, vector<1x1x16xf32>,
        %get3A_1092 = vector.shape_cast %get3A_1091 : vector<1x1x16xf32> to vector<16xf32>
        %mul3A_1093 = vector.broadcast %squeeze3A_1037 : f32 to vector<16xf32>
        %mul3A_1094 = arith.mulf %get3A_1092, %mul3A_1093 : vector<16xf32>
        %swap3A_1095 = arith.constant 3 : i32
        %swap3A_1096 = arith.index_cast %swap3A_1095 : i32 to index
        %swap3A_1097 = arith.index_cast %add3A_1041 : i32 to index
        %swap3A_1098 = arith.constant 48 : index
        %swap3A_1099 = tpu.vector_load %arg10[%swap3A_1096, %swap3A_1097, %swap3A_1098] {strides = array<i32>} : memref<4x112x64xf32, #tpu.memory_space<vmem>>, vector<1x1x16xf32>,
        %swap3A_1100 = vector.shape_cast %swap3A_1099 : vector<1x1x16xf32> to vector<16xf32>
        %swap3A_1101 = vector.shape_cast %mul3A_1094 : vector<16xf32> to vector<1x1x16xf32>
        tpu.vector_store %arg10[%swap3A_1096, %swap3A_1097, %swap3A_1098], %swap3A_1101 {strides = array<i32>} : memref<4x112x64xf32, #tpu.memory_space<vmem>>, vector<1x1x16xf32>,
        %slice3A_1102 = vector.extract_strided_slice %get3A_312 {offsets = [12], sizes = [1], strides = [1]} : vector<16xf32> to vector<1xf32>
        %squeeze3A_1103 = vector.extract %slice3A_1102[0] : f32 from vector<1xf32>
        %mul3A_1104 = arith.constant 16 : i32
        %mul3A_1105 = arith.muli %scan3A_306, %mul3A_1104 : i32
        %add3A_1106 = arith.constant 12 : i32
        %add3A_1107 = arith.addi %mul3A_1105, %add3A_1106 : i32
        %get3A_1108 = arith.constant 3 : i32
        %get3A_1109 = arith.index_cast %get3A_1108 : i32 to index
        %get3A_1110 = arith.index_cast %add3A_1107 : i32 to index
        %get3A_1111 = arith.constant 0 : index
        %get3A_1112 = tpu.vector_load %arg10[%get3A_1109, %get3A_1110, %get3A_1111] {strides = array<i32>} : memref<4x112x64xf32, #tpu.memory_space<vmem>>, vector<1x1x16xf32>,
        %get3A_1113 = vector.shape_cast %get3A_1112 : vector<1x1x16xf32> to vector<16xf32>
        %mul3A_1114 = vector.broadcast %squeeze3A_1103 : f32 to vector<16xf32>
        %mul3A_1115 = arith.mulf %get3A_1113, %mul3A_1114 : vector<16xf32>
        %swap3A_1116 = arith.constant 3 : i32
        %swap3A_1117 = arith.index_cast %swap3A_1116 : i32 to index
        %swap3A_1118 = arith.index_cast %add3A_1107 : i32 to index
        %swap3A_1119 = arith.constant 0 : index
        %swap3A_1120 = tpu.vector_load %arg10[%swap3A_1117, %swap3A_1118, %swap3A_1119] {strides = array<i32>} : memref<4x112x64xf32, #tpu.memory_space<vmem>>, vector<1x1x16xf32>,
        %swap3A_1121 = vector.shape_cast %swap3A_1120 : vector<1x1x16xf32> to vector<16xf32>
        %swap3A_1122 = vector.shape_cast %mul3A_1115 : vector<16xf32> to vector<1x1x16xf32>
        tpu.vector_store %arg10[%swap3A_1117, %swap3A_1118, %swap3A_1119], %swap3A_1122 {strides = array<i32>} : memref<4x112x64xf32, #tpu.memory_space<vmem>>, vector<1x1x16xf32>,
        %get3A_1123 = arith.constant 3 : i32
        %get3A_1124 = arith.index_cast %get3A_1123 : i32 to index
        %get3A_1125 = arith.index_cast %add3A_1107 : i32 to index
        %get3A_1126 = arith.constant 16 : index
        %get3A_1127 = tpu.vector_load %arg10[%get3A_1124, %get3A_1125, %get3A_1126] {strides = array<i32>} : memref<4x112x64xf32, #tpu.memory_space<vmem>>, vector<1x1x16xf32>,
        %get3A_1128 = vector.shape_cast %get3A_1127 : vector<1x1x16xf32> to vector<16xf32>
        %mul3A_1129 = vector.broadcast %squeeze3A_1103 : f32 to vector<16xf32>
        %mul3A_1130 = arith.mulf %get3A_1128, %mul3A_1129 : vector<16xf32>
        %swap3A_1131 = arith.constant 3 : i32
        %swap3A_1132 = arith.index_cast %swap3A_1131 : i32 to index
        %swap3A_1133 = arith.index_cast %add3A_1107 : i32 to index
        %swap3A_1134 = arith.constant 16 : index
        %swap3A_1135 = tpu.vector_load %arg10[%swap3A_1132, %swap3A_1133, %swap3A_1134] {strides = array<i32>} : memref<4x112x64xf32, #tpu.memory_space<vmem>>, vector<1x1x16xf32>,
        %swap3A_1136 = vector.shape_cast %swap3A_1135 : vector<1x1x16xf32> to vector<16xf32>
        %swap3A_1137 = vector.shape_cast %mul3A_1130 : vector<16xf32> to vector<1x1x16xf32>
        tpu.vector_store %arg10[%swap3A_1132, %swap3A_1133, %swap3A_1134], %swap3A_1137 {strides = array<i32>} : memref<4x112x64xf32, #tpu.memory_space<vmem>>, vector<1x1x16xf32>,
        %get3A_1138 = arith.constant 3 : i32
        %get3A_1139 = arith.index_cast %get3A_1138 : i32 to index
        %get3A_1140 = arith.index_cast %add3A_1107 : i32 to index
        %get3A_1141 = arith.constant 32 : index
        %get3A_1142 = tpu.vector_load %arg10[%get3A_1139, %get3A_1140, %get3A_1141] {strides = array<i32>} : memref<4x112x64xf32, #tpu.memory_space<vmem>>, vector<1x1x16xf32>,
        %get3A_1143 = vector.shape_cast %get3A_1142 : vector<1x1x16xf32> to vector<16xf32>
        %mul3A_1144 = vector.broadcast %squeeze3A_1103 : f32 to vector<16xf32>
        %mul3A_1145 = arith.mulf %get3A_1143, %mul3A_1144 : vector<16xf32>
        %swap3A_1146 = arith.constant 3 : i32
        %swap3A_1147 = arith.index_cast %swap3A_1146 : i32 to index
        %swap3A_1148 = arith.index_cast %add3A_1107 : i32 to index
        %swap3A_1149 = arith.constant 32 : index
        %swap3A_1150 = tpu.vector_load %arg10[%swap3A_1147, %swap3A_1148, %swap3A_1149] {strides = array<i32>} : memref<4x112x64xf32, #tpu.memory_space<vmem>>, vector<1x1x16xf32>,
        %swap3A_1151 = vector.shape_cast %swap3A_1150 : vector<1x1x16xf32> to vector<16xf32>
        %swap3A_1152 = vector.shape_cast %mul3A_1145 : vector<16xf32> to vector<1x1x16xf32>
        tpu.vector_store %arg10[%swap3A_1147, %swap3A_1148, %swap3A_1149], %swap3A_1152 {strides = array<i32>} : memref<4x112x64xf32, #tpu.memory_space<vmem>>, vector<1x1x16xf32>,
        %get3A_1153 = arith.constant 3 : i32
        %get3A_1154 = arith.index_cast %get3A_1153 : i32 to index
        %get3A_1155 = arith.index_cast %add3A_1107 : i32 to index
        %get3A_1156 = arith.constant 48 : index
        %get3A_1157 = tpu.vector_load %arg10[%get3A_1154, %get3A_1155, %get3A_1156] {strides = array<i32>} : memref<4x112x64xf32, #tpu.memory_space<vmem>>, vector<1x1x16xf32>,
        %get3A_1158 = vector.shape_cast %get3A_1157 : vector<1x1x16xf32> to vector<16xf32>
        %mul3A_1159 = vector.broadcast %squeeze3A_1103 : f32 to vector<16xf32>
        %mul3A_1160 = arith.mulf %get3A_1158, %mul3A_1159 : vector<16xf32>
        %swap3A_1161 = arith.constant 3 : i32
        %swap3A_1162 = arith.index_cast %swap3A_1161 : i32 to index
        %swap3A_1163 = arith.index_cast %add3A_1107 : i32 to index
        %swap3A_1164 = arith.constant 48 : index
        %swap3A_1165 = tpu.vector_load %arg10[%swap3A_1162, %swap3A_1163, %swap3A_1164] {strides = array<i32>} : memref<4x112x64xf32, #tpu.memory_space<vmem>>, vector<1x1x16xf32>,
        %swap3A_1166 = vector.shape_cast %swap3A_1165 : vector<1x1x16xf32> to vector<16xf32>
        %swap3A_1167 = vector.shape_cast %mul3A_1160 : vector<16xf32> to vector<1x1x16xf32>
        tpu.vector_store %arg10[%swap3A_1162, %swap3A_1163, %swap3A_1164], %swap3A_1167 {strides = array<i32>} : memref<4x112x64xf32, #tpu.memory_space<vmem>>, vector<1x1x16xf32>,
        %slice3A_1168 = vector.extract_strided_slice %get3A_312 {offsets = [13], sizes = [1], strides = [1]} : vector<16xf32> to vector<1xf32>
        %squeeze3A_1169 = vector.extract %slice3A_1168[0] : f32 from vector<1xf32>
        %mul3A_1170 = arith.constant 16 : i32
        %mul3A_1171 = arith.muli %scan3A_306, %mul3A_1170 : i32
        %add3A_1172 = arith.constant 13 : i32
        %add3A_1173 = arith.addi %mul3A_1171, %add3A_1172 : i32
        %get3A_1174 = arith.constant 3 : i32
        %get3A_1175 = arith.index_cast %get3A_1174 : i32 to index
        %get3A_1176 = arith.index_cast %add3A_1173 : i32 to index
        %get3A_1177 = arith.constant 0 : index
        %get3A_1178 = tpu.vector_load %arg10[%get3A_1175, %get3A_1176, %get3A_1177] {strides = array<i32>} : memref<4x112x64xf32, #tpu.memory_space<vmem>>, vector<1x1x16xf32>,
        %get3A_1179 = vector.shape_cast %get3A_1178 : vector<1x1x16xf32> to vector<16xf32>
        %mul3A_1180 = vector.broadcast %squeeze3A_1169 : f32 to vector<16xf32>
        %mul3A_1181 = arith.mulf %get3A_1179, %mul3A_1180 : vector<16xf32>
        %swap3A_1182 = arith.constant 3 : i32
        %swap3A_1183 = arith.index_cast %swap3A_1182 : i32 to index
        %swap3A_1184 = arith.index_cast %add3A_1173 : i32 to index
        %swap3A_1185 = arith.constant 0 : index
        %swap3A_1186 = tpu.vector_load %arg10[%swap3A_1183, %swap3A_1184, %swap3A_1185] {strides = array<i32>} : memref<4x112x64xf32, #tpu.memory_space<vmem>>, vector<1x1x16xf32>,
        %swap3A_1187 = vector.shape_cast %swap3A_1186 : vector<1x1x16xf32> to vector<16xf32>
        %swap3A_1188 = vector.shape_cast %mul3A_1181 : vector<16xf32> to vector<1x1x16xf32>
        tpu.vector_store %arg10[%swap3A_1183, %swap3A_1184, %swap3A_1185], %swap3A_1188 {strides = array<i32>} : memref<4x112x64xf32, #tpu.memory_space<vmem>>, vector<1x1x16xf32>,
        %get3A_1189 = arith.constant 3 : i32
        %get3A_1190 = arith.index_cast %get3A_1189 : i32 to index
        %get3A_1191 = arith.index_cast %add3A_1173 : i32 to index
        %get3A_1192 = arith.constant 16 : index
        %get3A_1193 = tpu.vector_load %arg10[%get3A_1190, %get3A_1191, %get3A_1192] {strides = array<i32>} : memref<4x112x64xf32, #tpu.memory_space<vmem>>, vector<1x1x16xf32>,
        %get3A_1194 = vector.shape_cast %get3A_1193 : vector<1x1x16xf32> to vector<16xf32>
        %mul3A_1195 = vector.broadcast %squeeze3A_1169 : f32 to vector<16xf32>
        %mul3A_1196 = arith.mulf %get3A_1194, %mul3A_1195 : vector<16xf32>
        %swap3A_1197 = arith.constant 3 : i32
        %swap3A_1198 = arith.index_cast %swap3A_1197 : i32 to index
        %swap3A_1199 = arith.index_cast %add3A_1173 : i32 to index
        %swap3A_1200 = arith.constant 16 : index
        %swap3A_1201 = tpu.vector_load %arg10[%swap3A_1198, %swap3A_1199, %swap3A_1200] {strides = array<i32>} : memref<4x112x64xf32, #tpu.memory_space<vmem>>, vector<1x1x16xf32>,
        %swap3A_1202 = vector.shape_cast %swap3A_1201 : vector<1x1x16xf32> to vector<16xf32>
        %swap3A_1203 = vector.shape_cast %mul3A_1196 : vector<16xf32> to vector<1x1x16xf32>
        tpu.vector_store %arg10[%swap3A_1198, %swap3A_1199, %swap3A_1200], %swap3A_1203 {strides = array<i32>} : memref<4x112x64xf32, #tpu.memory_space<vmem>>, vector<1x1x16xf32>,
        %get3A_1204 = arith.constant 3 : i32
        %get3A_1205 = arith.index_cast %get3A_1204 : i32 to index
        %get3A_1206 = arith.index_cast %add3A_1173 : i32 to index
        %get3A_1207 = arith.constant 32 : index
        %get3A_1208 = tpu.vector_load %arg10[%get3A_1205, %get3A_1206, %get3A_1207] {strides = array<i32>} : memref<4x112x64xf32, #tpu.memory_space<vmem>>, vector<1x1x16xf32>,
        %get3A_1209 = vector.shape_cast %get3A_1208 : vector<1x1x16xf32> to vector<16xf32>
        %mul3A_1210 = vector.broadcast %squeeze3A_1169 : f32 to vector<16xf32>
        %mul3A_1211 = arith.mulf %get3A_1209, %mul3A_1210 : vector<16xf32>
        %swap3A_1212 = arith.constant 3 : i32
        %swap3A_1213 = arith.index_cast %swap3A_1212 : i32 to index
        %swap3A_1214 = arith.index_cast %add3A_1173 : i32 to index
        %swap3A_1215 = arith.constant 32 : index
        %swap3A_1216 = tpu.vector_load %arg10[%swap3A_1213, %swap3A_1214, %swap3A_1215] {strides = array<i32>} : memref<4x112x64xf32, #tpu.memory_space<vmem>>, vector<1x1x16xf32>,
        %swap3A_1217 = vector.shape_cast %swap3A_1216 : vector<1x1x16xf32> to vector<16xf32>
        %swap3A_1218 = vector.shape_cast %mul3A_1211 : vector<16xf32> to vector<1x1x16xf32>
        tpu.vector_store %arg10[%swap3A_1213, %swap3A_1214, %swap3A_1215], %swap3A_1218 {strides = array<i32>} : memref<4x112x64xf32, #tpu.memory_space<vmem>>, vector<1x1x16xf32>,
        %get3A_1219 = arith.constant 3 : i32
        %get3A_1220 = arith.index_cast %get3A_1219 : i32 to index
        %get3A_1221 = arith.index_cast %add3A_1173 : i32 to index
        %get3A_1222 = arith.constant 48 : index
        %get3A_1223 = tpu.vector_load %arg10[%get3A_1220, %get3A_1221, %get3A_1222] {strides = array<i32>} : memref<4x112x64xf32, #tpu.memory_space<vmem>>, vector<1x1x16xf32>,
        %get3A_1224 = vector.shape_cast %get3A_1223 : vector<1x1x16xf32> to vector<16xf32>
        %mul3A_1225 = vector.broadcast %squeeze3A_1169 : f32 to vector<16xf32>
        %mul3A_1226 = arith.mulf %get3A_1224, %mul3A_1225 : vector<16xf32>
        %swap3A_1227 = arith.constant 3 : i32
        %swap3A_1228 = arith.index_cast %swap3A_1227 : i32 to index
        %swap3A_1229 = arith.index_cast %add3A_1173 : i32 to index
        %swap3A_1230 = arith.constant 48 : index
        %swap3A_1231 = tpu.vector_load %arg10[%swap3A_1228, %swap3A_1229, %swap3A_1230] {strides = array<i32>} : memref<4x112x64xf32, #tpu.memory_space<vmem>>, vector<1x1x16xf32>,
        %swap3A_1232 = vector.shape_cast %swap3A_1231 : vector<1x1x16xf32> to vector<16xf32>
        %swap3A_1233 = vector.shape_cast %mul3A_1226 : vector<16xf32> to vector<1x1x16xf32>
        tpu.vector_store %arg10[%swap3A_1228, %swap3A_1229, %swap3A_1230], %swap3A_1233 {strides = array<i32>} : memref<4x112x64xf32, #tpu.memory_space<vmem>>, vector<1x1x16xf32>,
        %slice3A_1234 = vector.extract_strided_slice %get3A_312 {offsets = [14], sizes = [1], strides = [1]} : vector<16xf32> to vector<1xf32>
        %squeeze3A_1235 = vector.extract %slice3A_1234[0] : f32 from vector<1xf32>
        %mul3A_1236 = arith.constant 16 : i32
        %mul3A_1237 = arith.muli %scan3A_306, %mul3A_1236 : i32
        %add3A_1238 = arith.constant 14 : i32
        %add3A_1239 = arith.addi %mul3A_1237, %add3A_1238 : i32
        %get3A_1240 = arith.constant 3 : i32
        %get3A_1241 = arith.index_cast %get3A_1240 : i32 to index
        %get3A_1242 = arith.index_cast %add3A_1239 : i32 to index
        %get3A_1243 = arith.constant 0 : index
        %get3A_1244 = tpu.vector_load %arg10[%get3A_1241, %get3A_1242, %get3A_1243] {strides = array<i32>} : memref<4x112x64xf32, #tpu.memory_space<vmem>>, vector<1x1x16xf32>,
        %get3A_1245 = vector.shape_cast %get3A_1244 : vector<1x1x16xf32> to vector<16xf32>
        %mul3A_1246 = vector.broadcast %squeeze3A_1235 : f32 to vector<16xf32>
        %mul3A_1247 = arith.mulf %get3A_1245, %mul3A_1246 : vector<16xf32>
        %swap3A_1248 = arith.constant 3 : i32
        %swap3A_1249 = arith.index_cast %swap3A_1248 : i32 to index
        %swap3A_1250 = arith.index_cast %add3A_1239 : i32 to index
        %swap3A_1251 = arith.constant 0 : index
        %swap3A_1252 = tpu.vector_load %arg10[%swap3A_1249, %swap3A_1250, %swap3A_1251] {strides = array<i32>} : memref<4x112x64xf32, #tpu.memory_space<vmem>>, vector<1x1x16xf32>,
        %swap3A_1253 = vector.shape_cast %swap3A_1252 : vector<1x1x16xf32> to vector<16xf32>
        %swap3A_1254 = vector.shape_cast %mul3A_1247 : vector<16xf32> to vector<1x1x16xf32>
        tpu.vector_store %arg10[%swap3A_1249, %swap3A_1250, %swap3A_1251], %swap3A_1254 {strides = array<i32>} : memref<4x112x64xf32, #tpu.memory_space<vmem>>, vector<1x1x16xf32>,
        %get3A_1255 = arith.constant 3 : i32
        %get3A_1256 = arith.index_cast %get3A_1255 : i32 to index
        %get3A_1257 = arith.index_cast %add3A_1239 : i32 to index
        %get3A_1258 = arith.constant 16 : index
        %get3A_1259 = tpu.vector_load %arg10[%get3A_1256, %get3A_1257, %get3A_1258] {strides = array<i32>} : memref<4x112x64xf32, #tpu.memory_space<vmem>>, vector<1x1x16xf32>,
        %get3A_1260 = vector.shape_cast %get3A_1259 : vector<1x1x16xf32> to vector<16xf32>
        %mul3A_1261 = vector.broadcast %squeeze3A_1235 : f32 to vector<16xf32>
        %mul3A_1262 = arith.mulf %get3A_1260, %mul3A_1261 : vector<16xf32>
        %swap3A_1263 = arith.constant 3 : i32
        %swap3A_1264 = arith.index_cast %swap3A_1263 : i32 to index
        %swap3A_1265 = arith.index_cast %add3A_1239 : i32 to index
        %swap3A_1266 = arith.constant 16 : index
        %swap3A_1267 = tpu.vector_load %arg10[%swap3A_1264, %swap3A_1265, %swap3A_1266] {strides = array<i32>} : memref<4x112x64xf32, #tpu.memory_space<vmem>>, vector<1x1x16xf32>,
        %swap3A_1268 = vector.shape_cast %swap3A_1267 : vector<1x1x16xf32> to vector<16xf32>
        %swap3A_1269 = vector.shape_cast %mul3A_1262 : vector<16xf32> to vector<1x1x16xf32>
        tpu.vector_store %arg10[%swap3A_1264, %swap3A_1265, %swap3A_1266], %swap3A_1269 {strides = array<i32>} : memref<4x112x64xf32, #tpu.memory_space<vmem>>, vector<1x1x16xf32>,
        %get3A_1270 = arith.constant 3 : i32
        %get3A_1271 = arith.index_cast %get3A_1270 : i32 to index
        %get3A_1272 = arith.index_cast %add3A_1239 : i32 to index
        %get3A_1273 = arith.constant 32 : index
        %get3A_1274 = tpu.vector_load %arg10[%get3A_1271, %get3A_1272, %get3A_1273] {strides = array<i32>} : memref<4x112x64xf32, #tpu.memory_space<vmem>>, vector<1x1x16xf32>,
        %get3A_1275 = vector.shape_cast %get3A_1274 : vector<1x1x16xf32> to vector<16xf32>
        %mul3A_1276 = vector.broadcast %squeeze3A_1235 : f32 to vector<16xf32>
        %mul3A_1277 = arith.mulf %get3A_1275, %mul3A_1276 : vector<16xf32>
        %swap3A_1278 = arith.constant 3 : i32
        %swap3A_1279 = arith.index_cast %swap3A_1278 : i32 to index
        %swap3A_1280 = arith.index_cast %add3A_1239 : i32 to index
        %swap3A_1281 = arith.constant 32 : index
        %swap3A_1282 = tpu.vector_load %arg10[%swap3A_1279, %swap3A_1280, %swap3A_1281] {strides = array<i32>} : memref<4x112x64xf32, #tpu.memory_space<vmem>>, vector<1x1x16xf32>,
        %swap3A_1283 = vector.shape_cast %swap3A_1282 : vector<1x1x16xf32> to vector<16xf32>
        %swap3A_1284 = vector.shape_cast %mul3A_1277 : vector<16xf32> to vector<1x1x16xf32>
        tpu.vector_store %arg10[%swap3A_1279, %swap3A_1280, %swap3A_1281], %swap3A_1284 {strides = array<i32>} : memref<4x112x64xf32, #tpu.memory_space<vmem>>, vector<1x1x16xf32>,
        %get3A_1285 = arith.constant 3 : i32
        %get3A_1286 = arith.index_cast %get3A_1285 : i32 to index
        %get3A_1287 = arith.index_cast %add3A_1239 : i32 to index
        %get3A_1288 = arith.constant 48 : index
        %get3A_1289 = tpu.vector_load %arg10[%get3A_1286, %get3A_1287, %get3A_1288] {strides = array<i32>} : memref<4x112x64xf32, #tpu.memory_space<vmem>>, vector<1x1x16xf32>,
        %get3A_1290 = vector.shape_cast %get3A_1289 : vector<1x1x16xf32> to vector<16xf32>
        %mul3A_1291 = vector.broadcast %squeeze3A_1235 : f32 to vector<16xf32>
        %mul3A_1292 = arith.mulf %get3A_1290, %mul3A_1291 : vector<16xf32>
        %swap3A_1293 = arith.constant 3 : i32
        %swap3A_1294 = arith.index_cast %swap3A_1293 : i32 to index
        %swap3A_1295 = arith.index_cast %add3A_1239 : i32 to index
        %swap3A_1296 = arith.constant 48 : index
        %swap3A_1297 = tpu.vector_load %arg10[%swap3A_1294, %swap3A_1295, %swap3A_1296] {strides = array<i32>} : memref<4x112x64xf32, #tpu.memory_space<vmem>>, vector<1x1x16xf32>,
        %swap3A_1298 = vector.shape_cast %swap3A_1297 : vector<1x1x16xf32> to vector<16xf32>
        %swap3A_1299 = vector.shape_cast %mul3A_1292 : vector<16xf32> to vector<1x1x16xf32>
        tpu.vector_store %arg10[%swap3A_1294, %swap3A_1295, %swap3A_1296], %swap3A_1299 {strides = array<i32>} : memref<4x112x64xf32, #tpu.memory_space<vmem>>, vector<1x1x16xf32>,
        %slice3A_1300 = vector.extract_strided_slice %get3A_312 {offsets = [15], sizes = [1], strides = [1]} : vector<16xf32> to vector<1xf32>
        %squeeze3A_1301 = vector.extract %slice3A_1300[0] : f32 from vector<1xf32>
        %mul3A_1302 = arith.constant 16 : i32
        %mul3A_1303 = arith.muli %scan3A_306, %mul3A_1302 : i32
        %add3A_1304 = arith.constant 15 : i32
        %add3A_1305 = arith.addi %mul3A_1303, %add3A_1304 : i32
        %get3A_1306 = arith.constant 3 : i32
        %get3A_1307 = arith.index_cast %get3A_1306 : i32 to index
        %get3A_1308 = arith.index_cast %add3A_1305 : i32 to index
        %get3A_1309 = arith.constant 0 : index
        %get3A_1310 = tpu.vector_load %arg10[%get3A_1307, %get3A_1308, %get3A_1309] {strides = array<i32>} : memref<4x112x64xf32, #tpu.memory_space<vmem>>, vector<1x1x16xf32>,
        %get3A_1311 = vector.shape_cast %get3A_1310 : vector<1x1x16xf32> to vector<16xf32>
        %mul3A_1312 = vector.broadcast %squeeze3A_1301 : f32 to vector<16xf32>
        %mul3A_1313 = arith.mulf %get3A_1311, %mul3A_1312 : vector<16xf32>
        %swap3A_1314 = arith.constant 3 : i32
        %swap3A_1315 = arith.index_cast %swap3A_1314 : i32 to index
        %swap3A_1316 = arith.index_cast %add3A_1305 : i32 to index
        %swap3A_1317 = arith.constant 0 : index
        %swap3A_1318 = tpu.vector_load %arg10[%swap3A_1315, %swap3A_1316, %swap3A_1317] {strides = array<i32>} : memref<4x112x64xf32, #tpu.memory_space<vmem>>, vector<1x1x16xf32>,
        %swap3A_1319 = vector.shape_cast %swap3A_1318 : vector<1x1x16xf32> to vector<16xf32>
        %swap3A_1320 = vector.shape_cast %mul3A_1313 : vector<16xf32> to vector<1x1x16xf32>
        tpu.vector_store %arg10[%swap3A_1315, %swap3A_1316, %swap3A_1317], %swap3A_1320 {strides = array<i32>} : memref<4x112x64xf32, #tpu.memory_space<vmem>>, vector<1x1x16xf32>,
        %get3A_1321 = arith.constant 3 : i32
        %get3A_1322 = arith.index_cast %get3A_1321 : i32 to index
        %get3A_1323 = arith.index_cast %add3A_1305 : i32 to index
        %get3A_1324 = arith.constant 16 : index
        %get3A_1325 = tpu.vector_load %arg10[%get3A_1322, %get3A_1323, %get3A_1324] {strides = array<i32>} : memref<4x112x64xf32, #tpu.memory_space<vmem>>, vector<1x1x16xf32>,
        %get3A_1326 = vector.shape_cast %get3A_1325 : vector<1x1x16xf32> to vector<16xf32>
        %mul3A_1327 = vector.broadcast %squeeze3A_1301 : f32 to vector<16xf32>
        %mul3A_1328 = arith.mulf %get3A_1326, %mul3A_1327 : vector<16xf32>
        %swap3A_1329 = arith.constant 3 : i32
        %swap3A_1330 = arith.index_cast %swap3A_1329 : i32 to index
        %swap3A_1331 = arith.index_cast %add3A_1305 : i32 to index
        %swap3A_1332 = arith.constant 16 : index
        %swap3A_1333 = tpu.vector_load %arg10[%swap3A_1330, %swap3A_1331, %swap3A_1332] {strides = array<i32>} : memref<4x112x64xf32, #tpu.memory_space<vmem>>, vector<1x1x16xf32>,
        %swap3A_1334 = vector.shape_cast %swap3A_1333 : vector<1x1x16xf32> to vector<16xf32>
        %swap3A_1335 = vector.shape_cast %mul3A_1328 : vector<16xf32> to vector<1x1x16xf32>
        tpu.vector_store %arg10[%swap3A_1330, %swap3A_1331, %swap3A_1332], %swap3A_1335 {strides = array<i32>} : memref<4x112x64xf32, #tpu.memory_space<vmem>>, vector<1x1x16xf32>,
        %get3A_1336 = arith.constant 3 : i32
        %get3A_1337 = arith.index_cast %get3A_1336 : i32 to index
        %get3A_1338 = arith.index_cast %add3A_1305 : i32 to index
        %get3A_1339 = arith.constant 32 : index
        %get3A_1340 = tpu.vector_load %arg10[%get3A_1337, %get3A_1338, %get3A_1339] {strides = array<i32>} : memref<4x112x64xf32, #tpu.memory_space<vmem>>, vector<1x1x16xf32>,
        %get3A_1341 = vector.shape_cast %get3A_1340 : vector<1x1x16xf32> to vector<16xf32>
        %mul3A_1342 = vector.broadcast %squeeze3A_1301 : f32 to vector<16xf32>
        %mul3A_1343 = arith.mulf %get3A_1341, %mul3A_1342 : vector<16xf32>
        %swap3A_1344 = arith.constant 3 : i32
        %swap3A_1345 = arith.index_cast %swap3A_1344 : i32 to index
        %swap3A_1346 = arith.index_cast %add3A_1305 : i32 to index
        %swap3A_1347 = arith.constant 32 : index
        %swap3A_1348 = tpu.vector_load %arg10[%swap3A_1345, %swap3A_1346, %swap3A_1347] {strides = array<i32>} : memref<4x112x64xf32, #tpu.memory_space<vmem>>, vector<1x1x16xf32>,
        %swap3A_1349 = vector.shape_cast %swap3A_1348 : vector<1x1x16xf32> to vector<16xf32>
        %swap3A_1350 = vector.shape_cast %mul3A_1343 : vector<16xf32> to vector<1x1x16xf32>
        tpu.vector_store %arg10[%swap3A_1345, %swap3A_1346, %swap3A_1347], %swap3A_1350 {strides = array<i32>} : memref<4x112x64xf32, #tpu.memory_space<vmem>>, vector<1x1x16xf32>,
        %get3A_1351 = arith.constant 3 : i32
        %get3A_1352 = arith.index_cast %get3A_1351 : i32 to index
        %get3A_1353 = arith.index_cast %add3A_1305 : i32 to index
        %get3A_1354 = arith.constant 48 : index
        %get3A_1355 = tpu.vector_load %arg10[%get3A_1352, %get3A_1353, %get3A_1354] {strides = array<i32>} : memref<4x112x64xf32, #tpu.memory_space<vmem>>, vector<1x1x16xf32>,
        %get3A_1356 = vector.shape_cast %get3A_1355 : vector<1x1x16xf32> to vector<16xf32>
        %mul3A_1357 = vector.broadcast %squeeze3A_1301 : f32 to vector<16xf32>
        %mul3A_1358 = arith.mulf %get3A_1356, %mul3A_1357 : vector<16xf32>
        %swap3A_1359 = arith.constant 3 : i32
        %swap3A_1360 = arith.index_cast %swap3A_1359 : i32 to index
        %swap3A_1361 = arith.index_cast %add3A_1305 : i32 to index
        %swap3A_1362 = arith.constant 48 : index
        %swap3A_1363 = tpu.vector_load %arg10[%swap3A_1360, %swap3A_1361, %swap3A_1362] {strides = array<i32>} : memref<4x112x64xf32, #tpu.memory_space<vmem>>, vector<1x1x16xf32>,
        %swap3A_1364 = vector.shape_cast %swap3A_1363 : vector<1x1x16xf32> to vector<16xf32>
        %swap3A_1365 = vector.shape_cast %mul3A_1358 : vector<16xf32> to vector<1x1x16xf32>
        tpu.vector_store %arg10[%swap3A_1360, %swap3A_1361, %swap3A_1362], %swap3A_1365 {strides = array<i32>} : memref<4x112x64xf32, #tpu.memory_space<vmem>>, vector<1x1x16xf32>,
        %scan3A_1366 = arith.constant 0 : i32
        scf.yield %scan3A_1366 : i32
      }
      %scan3A_290 = arith.constant 7 : i32
      %dma_start3A_291 = arith.constant 3 : i32
      %dma_start3A_292 = arith.constant 3 : i32
      %dma_start3A_293 = arith.constant 0 : i32
      %dma_start3A_294 = arith.constant 0 : i32
      %dma_start3A_295 = tpu.memref_slice %arg10[%dma_start3A_291, %dma_start3A_293, %dma_start3A_294] : memref<4x112x64xf32, #tpu.memory_space<vmem>> -> memref<1x112x64xf32, #tpu.memory_space<vmem>>
      %dma_start3A_296 = tpu.memref_squeeze %dma_start3A_295 : memref<1x112x64xf32, #tpu.memory_space<vmem>> -> memref<112x64xf32, #tpu.memory_space<vmem>>
      %dma_start3A_297 = arith.constant 0 : i32
      %dma_start3A_298 = tpu.memref_slice %arg8[%add3A_256, %dma_start3A_297] : memref<180x112xi32, #tpu.memory_space<vmem>> -> memref<1x112xi32, #tpu.memory_space<vmem>>
      %dma_start3A_299 = tpu.memref_squeeze %dma_start3A_298 : memref<1x112xi32, #tpu.memory_space<vmem>> -> memref<112xi32, #tpu.memory_space<vmem>>
      %dma_start3A_300 = arith.constant 0 : i32
      %dma_start3A_301 = arith.constant 0 : i32
      %dma_start3A_302 = tpu.memref_slice %arg11[%dma_start3A_300, %dma_start3A_301] : memref<10112x64xf32, #tpu.memory_space<vmem_shared>> -> memref<10112x64xf32, #tpu.memory_space<vmem_shared>>
      %dma_start3A_303 = tpu.memref_slice %arg13[%dma_start3A_292] : memref<4x!tpu.dma_semaphore, #tpu.memory_space<semaphore_mem>> -> memref<1x!tpu.dma_semaphore, #tpu.memory_space<semaphore_mem>>
      %dma_start3A_304 = tpu.memref_squeeze %dma_start3A_303 : memref<1x!tpu.dma_semaphore, #tpu.memory_space<semaphore_mem>> -> memref<!tpu.dma_semaphore, #tpu.memory_space<semaphore_mem>>
      tpu.enqueue_indirect_dma source(%dma_start3A_296 : memref<112x64xf32, #tpu.memory_space<vmem>>) target(%dma_start3A_302 : memref<10112x64xf32, #tpu.memory_space<vmem_shared>>) offsets(%dma_start3A_299 : memref<112xi32, #tpu.memory_space<vmem>>) semaphore(%dma_start3A_304 : memref<!tpu.dma_semaphore, #tpu.memory_space<semaphore_mem>>) {add = true}
      %scan3A_305 = arith.constant 0 : i32
      scf.yield %scan3A_305 : i32
    }
    %scan3A_68 = arith.constant 45 : i32
    %dma_wait3A = arith.constant 2 : i32
    %dma_wait3A_69 = arith.constant 0 : i32
    %dma_wait3A_70 = arith.constant 2 : i32
    %dma_wait3A_71 = arith.constant 0 : i32
    %dma_wait3A_72 = arith.constant 0 : i32
    %dma_wait3A_73 = tpu.memref_slice %arg10[%dma_wait3A, %dma_wait3A_71, %dma_wait3A_72] : memref<4x112x64xf32, #tpu.memory_space<vmem>> -> memref<1x112x64xf32, #tpu.memory_space<vmem>>
    %dma_wait3A_74 = tpu.memref_squeeze %dma_wait3A_73 : memref<1x112x64xf32, #tpu.memory_space<vmem>> -> memref<112x64xf32, #tpu.memory_space<vmem>>
    %dma_wait3A_75 = arith.constant 0 : i32
    %dma_wait3A_76 = tpu.memref_slice %arg8[%dma_wait3A_69, %dma_wait3A_75] : memref<180x112xi32, #tpu.memory_space<vmem>> -> memref<1x112xi32, #tpu.memory_space<vmem>>
    %dma_wait3A_77 = tpu.memref_squeeze %dma_wait3A_76 : memref<1x112xi32, #tpu.memory_space<vmem>> -> memref<112xi32, #tpu.memory_space<vmem>>
    %dma_wait3A_78 = arith.constant 0 : i32
    %dma_wait3A_79 = arith.constant 0 : i32
    %dma_wait3A_80 = tpu.memref_slice %arg11[%dma_wait3A_78, %dma_wait3A_79] : memref<10112x64xf32, #tpu.memory_space<vmem_shared>> -> memref<10112x64xf32, #tpu.memory_space<vmem_shared>>
    %dma_wait3A_81 = tpu.memref_slice %arg13[%dma_wait3A_70] : memref<4x!tpu.dma_semaphore, #tpu.memory_space<semaphore_mem>> -> memref<1x!tpu.dma_semaphore, #tpu.memory_space<semaphore_mem>>
    %dma_wait3A_82 = tpu.memref_squeeze %dma_wait3A_81 : memref<1x!tpu.dma_semaphore, #tpu.memory_space<semaphore_mem>> -> memref<!tpu.dma_semaphore, #tpu.memory_space<semaphore_mem>>
    tpu.wait_indirect_dma semaphore(%dma_wait3A_82 : memref<!tpu.dma_semaphore, #tpu.memory_space<semaphore_mem>>) src(%dma_wait3A_74 : memref<112x64xf32, #tpu.memory_space<vmem>>) dst(%dma_wait3A_80 : memref<10112x64xf32, #tpu.memory_space<vmem_shared>>)
    %dma_wait3A_83 = arith.constant 3 : i32
    %dma_wait3A_84 = arith.constant 0 : i32
    %dma_wait3A_85 = arith.constant 3 : i32
    %dma_wait3A_86 = arith.constant 0 : i32
    %dma_wait3A_87 = arith.constant 0 : i32
    %dma_wait3A_88 = tpu.memref_slice %arg10[%dma_wait3A_83, %dma_wait3A_86, %dma_wait3A_87] : memref<4x112x64xf32, #tpu.memory_space<vmem>> -> memref<1x112x64xf32, #tpu.memory_space<vmem>>
    %dma_wait3A_89 = tpu.memref_squeeze %dma_wait3A_88 : memref<1x112x64xf32, #tpu.memory_space<vmem>> -> memref<112x64xf32, #tpu.memory_space<vmem>>
    %dma_wait3A_90 = arith.constant 0 : i32
    %dma_wait3A_91 = tpu.memref_slice %arg8[%dma_wait3A_84, %dma_wait3A_90] : memref<180x112xi32, #tpu.memory_space<vmem>> -> memref<1x112xi32, #tpu.memory_space<vmem>>
    %dma_wait3A_92 = tpu.memref_squeeze %dma_wait3A_91 : memref<1x112xi32, #tpu.memory_space<vmem>> -> memref<112xi32, #tpu.memory_space<vmem>>
    %dma_wait3A_93 = arith.constant 0 : i32
    %dma_wait3A_94 = arith.constant 0 : i32
    %dma_wait3A_95 = tpu.memref_slice %arg11[%dma_wait3A_93, %dma_wait3A_94] : memref<10112x64xf32, #tpu.memory_space<vmem_shared>> -> memref<10112x64xf32, #tpu.memory_space<vmem_shared>>
    %dma_wait3A_96 = tpu.memref_slice %arg13[%dma_wait3A_85] : memref<4x!tpu.dma_semaphore, #tpu.memory_space<semaphore_mem>> -> memref<1x!tpu.dma_semaphore, #tpu.memory_space<semaphore_mem>>
    %dma_wait3A_97 = tpu.memref_squeeze %dma_wait3A_96 : memref<1x!tpu.dma_semaphore, #tpu.memory_space<semaphore_mem>> -> memref<!tpu.dma_semaphore, #tpu.memory_space<semaphore_mem>>
    tpu.wait_indirect_dma semaphore(%dma_wait3A_97 : memref<!tpu.dma_semaphore, #tpu.memory_space<semaphore_mem>>) src(%dma_wait3A_89 : memref<112x64xf32, #tpu.memory_space<vmem>>) dst(%dma_wait3A_95 : memref<10112x64xf32, #tpu.memory_space<vmem_shared>>)
    %barrier3A_98 = arith.constant 0 : index
    tpu.barrier barrier_id(%barrier3A_98)
    "tpu.region"() ({
      %run_scoped3A_99 = tpu.sem_alloc : memref<!tpu.dma_semaphore, #tpu.memory_space<semaphore_mem>>
      %dma_start3A_100 = arith.constant 0 : i32
      %dma_start3A_101 = tpu.memref_slice %arg6[%arg0, %mul3A_16, %dma_start3A_100] : memref<2x10112x64xf32, #tpu.memory_space<hbm>> -> memref<1x632x64xf32, #tpu.memory_space<hbm>>
      %dma_start3A_102 = tpu.memref_squeeze %dma_start3A_101 : memref<1x632x64xf32, #tpu.memory_space<hbm>> -> memref<632x64xf32, #tpu.memory_space<hbm>>
      %dma_start3A_103 = arith.constant 0 : i32
      %dma_start3A_104 = tpu.memref_slice %arg11[%mul3A_16, %dma_start3A_103] : memref<10112x64xf32, #tpu.memory_space<vmem_shared>> -> memref<632x64xf32, #tpu.memory_space<vmem_shared>>
      tpu.enqueue_dma source(%dma_start3A_104 : memref<632x64xf32, #tpu.memory_space<vmem_shared>>) target(%dma_start3A_102 : memref<632x64xf32, #tpu.memory_space<hbm>>) target_semaphore(%run_scoped3A_99 : memref<!tpu.dma_semaphore, #tpu.memory_space<semaphore_mem>>)
      %dma_wait3A_105 = arith.constant 0 : i32
      %dma_wait3A_106 = tpu.memref_slice %arg6[%arg0, %mul3A_16, %dma_wait3A_105] : memref<2x10112x64xf32, #tpu.memory_space<hbm>> -> memref<1x632x64xf32, #tpu.memory_space<hbm>>
      %dma_wait3A_107 = tpu.memref_squeeze %dma_wait3A_106 : memref<1x632x64xf32, #tpu.memory_space<hbm>> -> memref<632x64xf32, #tpu.memory_space<hbm>>
      %dma_wait3A_108 = arith.constant 0 : i32
      %dma_wait3A_109 = tpu.memref_slice %arg11[%mul3A_16, %dma_wait3A_108] : memref<10112x64xf32, #tpu.memory_space<vmem_shared>> -> memref<632x64xf32, #tpu.memory_space<vmem_shared>>
      tpu.wait_dma2 semaphore(%run_scoped3A_99 : memref<!tpu.dma_semaphore, #tpu.memory_space<semaphore_mem>>) src(%dma_wait3A_109 : memref<632x64xf32, #tpu.memory_space<vmem_shared>>) dst(%dma_wait3A_107 : memref<632x64xf32, #tpu.memory_space<hbm>>)
      tpu.yield
    }) : () -> ()
    return
  }
}

</mosaic_0001>

<sc_bundles>
// kernel: kernel.3.cloned.1.call-start
scs
__scs_entry_jumppad:
0x0: {  	(pc) =	sbr.rel $0x88, $3  }
0x1: {  	(tag) =	ssettag $0x0;
	lr =	simm.s32 $0x1  }
0x2: {  	[smem:$0x3F9E] =	sst lr;
	_ =	strace $0xD0000000  }
0x3: {  	_ = 	snop  }
0x4: {  	_ = 	snop  }
0x5: {  	_ = 	snop  }
0x6: {  	_ = 	snop  }
0x7: {  	_ = 	snop  }
__scs_overlays_trampoline_lowered:
0x8: {  	[smem:$0x3FAD] =	sst s0  }
0x9: {  	[smem:$0x3FAE] =	sst s1  }
0xa: {  	[smem:$0x3FAF] =	sst s2  }
0xb: {  	[smem:$0x3FB0] =	sst s3  }
0xc: {  	[smem:$0x3FB1] =	sst s4  }
0xd: {  	[smem:$0x3FB2] =	sst s5  }
0xe: {  	[smem:$0x3FB3] =	sst s6  }
0xf: {  	[smem:$0x3FB4] =	sst s7  }
0x10: {  	[smem:$0x3FB5] =	sst s8  }
0x11: {  	[smem:$0x3FB6] =	sst s9;
	s0 =	simm.s32 @!p0 $0x0  }
0x12: {  	s1 =	sld [smem:$0x3F9C];
	s0 =	simm.s32 @p0 $0x1  }
0x13: {  	[smem:$0x3FB7] =	sst s0;
	s0 =	simm.s32 @!p1 $0x0  }
0x14: {  	s2 =	sld [smem:$0x3F9B];
	s0 =	simm.s32 @p1 $0x1  }
0x15: {  	[smem:$0x3FB8] =	sst s0;
	s0 =	simm.s32 @!p2 $0x0  }
0x16: {  	s3 =	sld [smem:$0x3FDB];
	s0 =	simm.s32 @p2 $0x1  }
0x17: {  	s4 =	simm.s32 $0x1BF5;
	[smem:$0x3FBA] =	sst s0  }
0x18: {  	s0 =	sld [smem:$0x3F9D];
	_ =	swait.ge [sflag:s4], $0x0  }
0x19: {  	s7 =	sld [smem:$0x3F9E]  }
0x1a: {  	s8 =	sadd.s32 $0xFFFFE003, lr  }
0x1b: {  	s9 =	sadd.s32 $0xFFFFFEF7, lr;
	s5 =	simm.s32 $0xFFFFFFFF;
	p2 =	slt.u32 s8, $0xFFFFF086  }
0x1c: {  	p1 =	slt.u32 s9, $0xF7A;
	s5 =	simm.s32 @!p2 $0x0  }
0x1d: {  	s5 =	simm.s32 @p1 $0x1;
	p0 =	seq.s32 s7, s2  }
0x1e: {  	s7 =	smul.u32 @!p0 $0xF7A, s2;
	p2 =	seq.s32 @!p0 s5, $0x0  }
0x1f: {  	s9 =	smul.u32 $0xF7A, s1;
	s8 =	simm.s32 @!p0 $0x1BF5;
	p2 =	por !p2, p0  }
0x20: {  	[sflag:s8] =	ssyncset.s32 @!p0 $0xFFFFF086;
	s6 =	sadd.s32 @!p0 s3, s7;
	s7 =	simm.s32 @!p0 $0x108  }
0x21: {  	s3 =	sadd.s32 s3, s9;
	s6 =	sadd.s32 @!p0 $0x88, s6;
	s7 =	simm.s32 @p2 $0x1082  }
0x22: {  	[simem:s7], [sflag:s8] =	dma.local @!p0 [hbm:s6], $0xF7A  }
0x23: {  	s9 =	sor.u32 $0xD0000000, s2;
	s6 =	simm.s32 $0x108;
	_ =	swait.ge @!p0 [sflag:s8], $0x0  }
0x24: {  	s3 =	sadd.s32 $0x88, s3;
	s6 =	simm.s32 @!p1 $0x1082;
	[sflag:s4] =	ssyncset.s32 $0xFFFFF086  }
0x25: {  	[simem:s6], [sflag:s4] =	dma.local [hbm:s3], $0xF7A  }
0x26: {  	[smem:$0x3F9E] =	sst s1;
	(tag) =	ssettag s2;
	_ =	strace s9  }
0x27: {  	s1 =	sld [smem:$0x3FAE]  }
0x28: {  	s2 =	sld [smem:$0x3FAF]  }
0x29: {  	s4 =	sld [smem:$0x3FB1]  }
0x2a: {  	p0 =	seq.s32 s5, $0x0;
	s5 =	sld [smem:$0x3FB2]  }
0x2b: {  	s6 =	sld [smem:$0x3FB3]  }
0x2c: {  	s7 =	sld [smem:$0x3FB4]  }
0x2d: {  	s3 =	simm.s32 $0x108;
	s8 =	sld [smem:$0x3FB5]  }
0x2e: {  	s3 =	simm.s32 @!p0 $0x1082;
	s9 =	sld [smem:$0x3FB6]  }
0x2f: {  	lr =	sadd.s32 s0, s3;
	s0 =	sld [smem:$0x3FAD]  }
0x30: {  	s3 =	sld [smem:$0x3FB0]  }
0x31: {  	[smem:$0x3FB9] =	sst s10  }
0x32: {  	s10 =	sld [smem:$0x3FB7];
	_ =	sdelay $0x3  }
0x33: {  	p0 =	seq.s32 s10, $0x1;
	s10 =	sld [smem:$0x3FB9];
	_ =	sdelay $0x3  }
0x34: {  	[smem:$0x3FB9] =	sst s10  }
0x35: {  	s10 =	sld [smem:$0x3FB8];
	_ =	sdelay $0x3  }
0x36: {  	p1 =	seq.s32 s10, $0x1;
	s10 =	sld [smem:$0x3FB9];
	_ =	sdelay $0x3  }
0x37: {  	[smem:$0x3FB9] =	sst s10  }
0x38: {  	s10 =	sld [smem:$0x3FBA]  }
0x39: {  	_ = 	snop;
	(pc) =	sbr.ind lr, $3  }
0x3a: {  	_ = 	snop  }
0x3b: {  	_ = 	snop  }
0x3c: {  	p2 =	seq.s32 s10, $0x1;
	s10 =	sld [smem:$0x3FB9]  }
0x3d: {  	_ =	shalt  }
0x3e: {  	_ =	shalt  }
0x3f: {  	_ =	shalt  }
0x40: {  	_ =	shalt  }
0x41: {  	_ =	shalt  }
0x42: {  	_ =	shalt  }
0x43: {  	_ =	shalt  }
0x44: {  	_ =	shalt  }
0x45: {  	_ =	shalt  }
0x46: {  	_ =	shalt  }
0x47: {  	_ =	shalt  }
0x48: {  	_ =	shalt  }
0x49: {  	_ =	shalt  }
0x4a: {  	_ =	shalt  }
0x4b: {  	_ =	shalt  }
0x4c: {  	_ =	shalt  }
0x4d: {  	_ =	shalt  }
0x4e: {  	_ =	shalt  }
0x4f: {  	_ =	shalt  }
0x50: {  	_ =	shalt  }
0x51: {  	_ =	shalt  }
0x52: {  	_ =	shalt  }
0x53: {  	_ =	shalt  }
0x54: {  	_ =	shalt  }
0x55: {  	_ =	shalt  }
0x56: {  	_ =	shalt  }
0x57: {  	_ =	shalt  }
0x58: {  	_ =	shalt  }
0x59: {  	_ =	shalt  }
0x5a: {  	_ =	shalt  }
0x5b: {  	_ =	shalt  }
0x5c: {  	_ =	shalt  }
0x5d: {  	_ =	shalt  }
0x5e: {  	_ =	shalt  }
0x5f: {  	_ =	shalt  }
0x60: {  	_ =	shalt  }
0x61: {  	_ =	shalt  }
0x62: {  	_ =	shalt  }
0x63: {  	_ =	shalt  }
0x64: {  	_ =	shalt  }
0x65: {  	_ =	shalt  }
0x66: {  	_ =	shalt  }
0x67: {  	_ =	shalt  }
0x68: {  	_ =	shalt  }
0x69: {  	_ =	shalt  }
0x6a: {  	_ =	shalt  }
0x6b: {  	_ =	shalt  }
0x6c: {  	_ =	shalt  }
0x6d: {  	_ =	shalt  }
0x6e: {  	_ =	shalt  }
0x6f: {  	_ =	shalt  }
0x70: {  	_ =	shalt  }
0x71: {  	_ =	shalt  }
0x72: {  	_ =	shalt  }
0x73: {  	_ =	shalt  }
0x74: {  	_ =	shalt  }
0x75: {  	_ =	shalt  }
0x76: {  	_ =	shalt  }
0x77: {  	_ =	shalt  }
0x78: {  	_ =	shalt  }
0x79: {  	_ =	shalt  }
0x7a: {  	_ =	shalt  }
0x7b: {  	_ =	shalt  }
0x7c: {  	_ =	shalt  }
0x7d: {  	_ =	shalt  }
0x7e: {  	_ =	shalt  }
0x7f: {  	_ =	shalt  }
0x80: {  	_ =	shalt  }
0x81: {  	_ =	shalt  }
0x82: {  	_ =	shalt  }
0x83: {  	_ =	shalt  }
0x84: {  	_ =	shalt  }
0x85: {  	_ =	shalt  }
0x86: {  	_ =	shalt  }
0x87: {  	_ =	shalt  }
.Lfunc_end0:
.L_simem_size_0:
called_computation_lowered:
.L_overlay_start_0:
0x88: {  	s2 =	sld [smem:$0x3FD9]  }
0x89: {  	s3 =	sld [smem:$0x3FFE];
	_ =	sdelay $0x1  }
0x8a: {  	s1 =	srdreg.scid  }
0x8b: {  	s0 =	sand.u32 $0x1, s1  }
0x8c: {  	s17 =	sshll.u32 s0, $0xA;
	s2 =	sadd.s32 s3, s2  }
0x8d: {  	s2 =	sadd.s32 s2, s17  }
0x8e: {  	[smem:$0x3FC5] =	sst s2  }
0x8f: {  	_ = 	snop  }
0x90: {  	s2 =	sld [smem:$0x3FD0];
	(tm) =	ssettm $0x1  }
0x91: {  	s18 =	sld [smem:$0x3FFB];
	_ =	sdelay $0x3  }
0x92: {  	_ =	strace s18  }
0x93: {  	s3 =	sld [smem:$0x3FFC];
	_ =	sdelay $0x3  }
0x94: {  	_ =	strace s3  }
0x95: {  	s3 =	sld [smem:$0x3FFD];
	_ =	sdelay $0x3  }
0x96: {  	_ =	strace s3  }
0x97: {  	_ =	strace $0x8FFFFFFF  }
0x98: {  	s19 =	sld [smem:$0x3FDB];
	_ =	sdelay $0x1  }
0x99: {  	s4 =	simm.s32 $_scs_section_size  }
0x9a: {  	s5 =	simm.s32 $_size__tile_overlayer_lowered;
	s6 =	simm.s32 $_tile_overlayer_lowered  }
0x9b: {  	s22 =	simm.s32 $0x1BFF;
	s21 =	sshll.u32 s6, $0x1;
	s3 =	sadd.s32 s4, s19  }
0x9c: {  	s7 =	simm.s32 $0x0;
	s20 =	sshll.u32 s5, $0x1;
	s5 =	sadd.s32 s21, s3  }
0x9d: {  	[timem:s7], [sflag:s22] =	dma.local [hbm:s5], s20  }
0x9e: {  	_ =	swait.ge [sflag:s22], s20  }
0x9f: {  	s4 =	ssub.s32 $0x0, s20;
	[sflag:s22] =	ssyncset.done $0x0  }
0xa0: {  	[sflag:s22] =	ssyncadd.s32 s4;
	_ =	sdelay $0x1  }
0xa1: {  	s23 =	simm.s32 $0x1B8B  }
0xa2: {  	_ =	swait.ge [sflag:s23], $0x1  }
0xa3: {  	[sflag:s23] =	ssyncset.done $0x0  }
0xa4: {  	s25 =	simm.s32 $0x1B8E;
	s24 =	sld [smem:$0x3FFE];
	[sflag:s23] =	ssyncadd.s32 $0xFFFFFFFF  }
0xa5: {  	s26 =	simm.s32 $execute0_lowered;
	[smem:$0x3FD2] =	sst s25  }
0xa6: {  	s5 =	sshll.u32 s26, $0x1;
	_ =	strace $0x80000046;
	[dreg:$0x1] =	wrdreg $0xFFFFFFFF  }
0xa7: {  	s28 =	simm.s32 $_size_execute0_lowered;
	s3 =	sadd.s32 s3, s5;
	[dreg:$0x0] =	wrdreg $0x0  }
0xa8: {  	s5 =	sshll.u32 s28, $0x1;
	[dreg:$0x2] =	wrdreg s3  }
0xa9: {  	[dreg:$0x3] =	wrdreg s5  }
0xaa: {  	[dreg:$0x4] =	wrdreg $0xC0  }
0xab: {  	_ =	task [dreg:s7], $0x5FFFF  }
0xac: {  	[dreg:$0x1] =	wrdreg $0xFFFFFFFF  }
0xad: {  	[dreg:$0x0] =	wrdreg $0x60  }
0xae: {  	[dreg:$0x2] =	wrdreg s2  }
0xaf: {  	[dreg:$0x3] =	wrdreg s24  }
0xb0: {  	[dreg:$0x4] =	wrdreg $0x15C400  }
0xb1: {  	[dreg:$0x5] =	wrdreg $0x9  }
0xb2: {  	_ =	task.clear_ibuf [dreg:s7], $0x6FFFF;
	_ =	strace $0x90000046  }
0xb3: {  	s29 =	simm.s32 $0x9;
	_ =	strace $0x80000048  }
0xb4: {  	_ =	swait.ge [sflag:s29], $0x1  }
0xb5: {  	[sflag:s29] =	ssyncadd.s32 $0xFFFFFFFF  }
0xb6: {  	_ =	strace $0x90000048  }
0xb7: {  	_ =	sfence  }
0xb8: {  	s30 =	sld [smem:$0x0];
	_ =	sdelay $0x2  }
0xb9: {  	s31 =	sshll.u32 s1, $0xD;
	s1 =	sshrl.u32 s1, $0x2  }
0xba: {  	s3 =	sand.u32 $0x4000, s31;
	s1 =	sadd.s32 s1, s30  }
0xbb: {  	s0 =	sor.u32 s3, s0;
	s1 =	sshll.u32 s1, $0x11  }
0xbc: {  	s0 =	sor.u32 s1, s0  }
0xbd: {  	s0 =	sadd.s32 $0x8F2B, s0  }
0xbe: {  	[sflag:s0] =	ssyncadd.remote.s32 $0x1  }
0xbf: {  	_ =	sfence.sel $0xFFFF  }
0xc0: {  	[dreg:$0x0] =	wrdreg $0xFFFFFFFF;
	(pc) =	sbr.abs _section_cstart, $3  }
0xc1: {  	[dreg:$0x1] =	wrdreg $0xFFFFFFFF  }
0xc2: {  	_ =	task.clear_ibuf [dreg:s7], $0x2FFFF;
	_ =	strace $0x9FFFFFFF  }
0xc3: {  	(tm) =	ssettm $0x7FFFFFFF  }
tec
execute0_lowered:
.L_overlay_start_1:
0x0: {  	(tag) =	ssettag $0x1  }
0x1: {  	s2 =	rddreg [dreg:$0x0]  }
0x2: {  	s0 =	rddreg [dreg:$0x1]  }
0x3: {  	s3 =	rddreg [dreg:$0x2]  }
0x4: {  	s10 =	stileid.u32;
	s5 =	srdreg.scid  }
0x5: {  	s4 =	simm.s32 $0x0;
	s16 =	simm.s32 $0x9;
	s28 =	simm.s32 $0x3  }
0x6: {  	s29 =	simm.s32 $0x6;
	s30 =	simm.s32 $0x4;
	s1 =	smul.u32 $0x9D8, s10  }
0x7: {  	s31 =	simm.s32 $0x7;
	s17 =	simm.s32 $0x0;
	s6 =	smul.u32 $0x9E00, s10  }
0x8: {  	s5 =	sand.u32 $0x1, s5;
	[smem:$0x7FF] =	sst s4;
	s10 =	smul.u32 $0x27800, s10  }
0x9: {  	s7 =	smul.u32 $0x9E000, s5;
	_ =	strace $0x80000047;
	s8 =	ssub.s32 $0x2, s5  }
0xa: {  	s5 =	smul.u32 $0x2710, s5;
	s1 =	sadd.s32 s1, s0;
	s9 =	sshrl.u32 s8, $0x1  }
0xb: {  	s21 =	sshrl.u32 s10, $0x2;
	s7 =	sadd.s32 s6, s7;
	s19 =	sadd.s32 $0xA000, s1  }
0xc: {  	s18 =	ssub.s32 s8, s9;
	s20 =	sadd.s32 $0x200, s1;
	[dreg:$0x4] =	wrdreg s19  }
0xd: {  	s1 =	sadd.s32 $0x13E00, s1;
	s8 =	sadd.s32 s6, s3;
	[dreg:$0x5] =	wrdreg s20  }
0xe: {  	[dreg:$0x6] =	wrdreg s1;
	s1 =	sadd.s32 s21, s3;
	s26 =	smax.u32 s18, $0x1  }
0xf: {  	s7 =	sshrl.u32 s7, $0x3;
	s22 =	sadd.s32 $0x1C00, s1;
	[dreg:$0xd] =	wrdreg s26  }
0x10: {  	s19 =	simm.s32 $0xEC40;
	s23 =	sadd.s32 $0x3800, s1;
	[dreg:$0x7] =	wrdreg s22  }
0x11: {  	s20 =	simm.s32 $0x70;
	s24 =	sadd.s32 $0x5400, s1;
	[dreg:$0x8] =	wrdreg s23  }
0x12: {  	s21 =	simm.s32 $0x10840;
	s25 =	sadd.s32 $0x7000, s1;
	[dreg:$0x9] =	wrdreg s24  }
0x13: {  	s0 =	sadd.s32 s7, s0;
	s1 =	sadd.s32 $0x8C00, s1;
	[dreg:$0xa] =	wrdreg s25  }
0x14: {  	s26 =	simm.s32 $0x5;
	[dreg:$0xb] =	wrdreg s1;
	s0 =	sadd.s32 $0x1DC00, s0  }
0x15: {  	s22 =	simm.s32 $0x12440;
	s23 =	simm.s32 $0x1;
	s24 =	simm.s32 $0x14040  }
0x16: {  	v1 =	vimm.f32 $0.0e+00;
	v0 =	vmov s5;
	s25 =	simm.s32 $0x2;
	[dreg:$0xc] =	wrdreg s0;
	s0 =	simm.s32 $0x8  }
.LBB2_1:
0x17: {  	s1 =	rddreg [dreg:$0x4]  }
0x18: {  	[tilespmem:s4], [sflag:$0x9] =	stream.linear.gather [hbm4b:s1+s4], $0x4EC0, $0x38;
	[tilespmem:$0x1FA40] =	vst v63  }
0x19: {  	_ =	swait.ge [sflag:s16], $0x4EC0  }
0x1a: {  	[sflag:s16] =	ssyncset.done $0x0  }
0x1b: {  	s5 =	simm.s32 $0x4EC0;
	s14 =	rddreg [dreg:$0x5];
	[sflag:s16] =	ssyncadd.s32 $0xFFFFB140  }
0x1c: {  	[tilespmem:s5], [sflag:$0x9] =	stream.linear.gather [hbm4b:s14+s4], $0x4EC0, $0x38;
	[tilespmem:$0x1FA40] =	vst v63  }
0x1d: {  	_ =	swait.ge [sflag:s16], $0x4EC0  }
0x1e: {  	[sflag:s16] =	ssyncset.done $0x0  }
0x1f: {  	s18 =	simm.s32 $0x9D80;
	s15 =	rddreg [dreg:$0x6];
	[sflag:s16] =	ssyncadd.s32 $0xFFFFB140  }
0x20: {  	[tilespmem:s18], [sflag:$0x9] =	stream.linear.gather [hbm4b:s15+s4], $0x4EC0, $0x38;
	[tilespmem:$0x1FA40] =	vst v63  }
0x21: {  	_ =	swait.ge [sflag:s16], $0x4EC0  }
0x22: {  	[sflag:s16] =	ssyncset.done $0x0  }
0x23: {  	s1 =	simm.s32 $0x0;
	[sflag:s16] =	ssyncadd.s32 $0xFFFFB140  }
0x24: {  	v4 =	vld [tilespmem:s1+$0x0]  }
0x25: {  	v6 =	vld [tilespmem:s1+$0x10]  }
0x26: {  	v5 =	vld [tilespmem:s1+$0x20]  }
0x27: {  	v3 =	vld [tilespmem:s1+$0x30]  }
0x28: {  	v2 =	vld [tilespmem:s1+$0x40]  }
0x29: {  	s5 =	simm.s32 $0x1C0;
	v7 =	vadd.s32 v0, v4;
	v4 =	vld [tilespmem:s1+$0x50]  }
.LBB2_2:
0x2a: {  	s6 =	sshra.s32 s5, $0x2;
	p0 =	sne.s32 s5, $0x13940;
	[tilespmem:s1+$0x0] =	vst v7;
	v6 =	vadd.s32 v0, v6;
	v7 =	vld [tilespmem:s1+$0x60]  }
0x2b: {  	v8 =	vld [tilespmem:s6+$0x0];
	[tilespmem:s1+$0x10] =	vst v6;
	v5 =	vadd.s32 v0, v5  }
.Ltmp0:
0x2c: {  	v6 =	vld [tilespmem:s6+$0x10];
	[tilespmem:s1+$0x20] =	vst v5;
	v3 =	vadd.s32 v0, v3;
	(pc) =	sbr.rel @p0 .LBB2_2-.Ltmp0, $4  }
0x2d: {  	v5 =	vld [tilespmem:s6+$0x20];
	[tilespmem:s1+$0x30] =	vst v3;
	v2 =	vadd.s32 v0, v2  }
0x2e: {  	v3 =	vld [tilespmem:s6+$0x30];
	[tilespmem:s1+$0x40] =	vst v2;
	v4 =	vadd.s32 v0, v4  }
0x2f: {  	v2 =	vld [tilespmem:s6+$0x40];
	[tilespmem:s1+$0x50] =	vst v4;
	v9 =	vadd.s32 v0, v7  }
0x30: {  	s5 =	sadd.s32 $0x1C0, s5;
	v7 =	vadd.s32 v0, v8;
	v4 =	vld [tilespmem:s6+$0x50];
	[tilespmem:s1+$0x60] =	vst v9;
	s1 =	smov.u32 s6  }
0x31: {  	[tilespmem:s1+$0x0] =	vst v7;
	v6 =	vadd.s32 v0, v6;
	v63 =	vld [tilespmem:s1+$0x60]  }
0x32: {  	[tilespmem:s1+$0x10] =	vst v6;
	v5 =	vadd.s32 v0, v5  }
0x33: {  	[tilespmem:s1+$0x20] =	vst v5;
	v3 =	vadd.s32 v0, v3  }
0x34: {  	[tilespmem:s1+$0x30] =	vst v3;
	v2 =	vadd.s32 v0, v2  }
0x35: {  	[tilespmem:s1+$0x40] =	vst v2;
	v2 =	vadd.s32 v0, v4  }
0x36: {  	[tilespmem:s1+$0x50] =	vst v2;
	v2 =	vadd.s32 v0, v63  }
0x37: {  	s5 =	simm.s32 $0x100;
	[tilespmem:s1+$0x60] =	vst v2;
	s1 =	simm.s32 $0x0  }
.LBB2_4:
0x38: {  	p0 =	sne.s32 s5, $0x6F00;
	[tilespmem:s1+$0xEC70] =	vst v1;
	s6 =	smov.u32 s5;
	s5 =	sadd.s32 $0x100, s5  }
.Ltmp1:
0x39: {  	[tilespmem:s1+$0xEC60] =	vst v1;
	(pc) =	sbr.rel @p0 .LBB2_4-.Ltmp1, $3  }
0x3a: {  	[tilespmem:s1+$0xEC40] =	vst v1  }
0x3b: {  	[tilespmem:s1+$0xEC50] =	vst v1;
	_ =	sdelay $0x1  }
0x3c: {  	s1 =	sshra.s32 s6, $0x2  }
0x3d: {  	[tilespmem:s1+$0xEC70] =	vst v1  }
0x3e: {  	[tilespmem:s1+$0xEC60] =	vst v1  }
0x3f: {  	[tilespmem:s1+$0xEC40] =	vst v1  }
0x40: {  	[tilespmem:s1+$0xEC50] =	vst v1  }
0x41: {  	[spmem:s8] =	stream.linear.scatter [tilespmem:s19], [sflag:$0x9], $0x1C00, $0x38;
	[tilespmem:$0x1FA40] =	vst v63  }
0x42: {  	_ =	swait.ge [sflag:s16], $0x1C00  }
0x43: {  	[sflag:s16] =	ssyncset.done $0x0  }
0x44: {  	s12 =	rddreg [dreg:$0x7];
	[sflag:s16] =	ssyncadd.s32 $0xFFFFE400  }
0x45: {  	[spmem:s12] =	stream.linear.scatter [tilespmem:s19], [sflag:$0x9], $0x1C00, $0x38;
	[tilespmem:$0x1FA40] =	vst v63  }
0x46: {  	_ =	swait.ge [sflag:s16], $0x1C00  }
0x47: {  	[sflag:s16] =	ssyncset.done $0x0  }
0x48: {  	s13 =	rddreg [dreg:$0x8];
	[sflag:s16] =	ssyncadd.s32 $0xFFFFE400  }
0x49: {  	[spmem:s13] =	stream.linear.scatter [tilespmem:s19], [sflag:$0x9], $0x1C00, $0x38;
	[tilespmem:$0x1FA40] =	vst v63  }
0x4a: {  	_ =	swait.ge [sflag:s16], $0x1C00  }
0x4b: {  	[sflag:s16] =	ssyncset.done $0x0  }
0x4c: {  	s14 =	rddreg [dreg:$0x9];
	[sflag:s16] =	ssyncadd.s32 $0xFFFFE400  }
0x4d: {  	[spmem:s14] =	stream.linear.scatter [tilespmem:s19], [sflag:$0x9], $0x1C00, $0x38;
	[tilespmem:$0x1FA40] =	vst v63  }
0x4e: {  	_ =	swait.ge [sflag:s16], $0x1C00  }
0x4f: {  	[sflag:s16] =	ssyncset.done $0x0  }
0x50: {  	s15 =	rddreg [dreg:$0xa];
	[sflag:s16] =	ssyncadd.s32 $0xFFFFE400  }
0x51: {  	[spmem:s15] =	stream.linear.scatter [tilespmem:s19], [sflag:$0x9], $0x1C00, $0x38;
	[tilespmem:$0x1FA40] =	vst v63  }
0x52: {  	_ =	swait.ge [sflag:s16], $0x1C00  }
0x53: {  	[sflag:s16] =	ssyncset.done $0x0  }
0x54: {  	s18 =	rddreg [dreg:$0xb];
	[sflag:s16] =	ssyncadd.s32 $0xFFFFE400  }
0x55: {  	[spmem:s18] =	stream.linear.scatter [tilespmem:s19], [sflag:$0x9], $0x1200, $0x38;
	[tilespmem:$0x1FA40] =	vst v63  }
0x56: {  	_ =	swait.ge [sflag:s16], $0x1200  }
0x57: {  	[sflag:s16] =	ssyncset.done $0x0  }
0x58: {  	[sflag:s16] =	ssyncadd.s32 $0xFFFFEE00  }
0x59: {  	s1 =	simm.s32 $0x9D80;
	s18 =	simm.s32 $0x0;
	[bflag:$0x0] =	sbarrier.arrive $0xFFFF  }
0x5a: {  	[tilespmem:s19], [sflag:$0x1] =	stream.indirect.gather [hbm4b:s2+s20], $0x40, s18, s20, $0xb8;
	[tilespmem:$0x1FA40] =	vst v63  }
0x5b: {  	s5 =	simm.s32 $0x9DF0;
	s6 =	simm.s32 $0x9E60;
	s7 =	simm.s32 $0x9ED0  }
0x5c: {  	[tilespmem:s21], [sflag:$0x2] =	stream.indirect.gather [hbm4b:s2+s20], $0x40, s20, s20, $0xb8;
	[tilespmem:$0x1FA40] =	vst v63  }
.LBB2_6:
0x5d: {  	p0 =	seq.s32 s18, $0x0  }
0x5e: {  	s11 =	smul.u32 $0x700, s18;
	s9 =	simm.s32 @!p0 $0x7  }
0x5f: {  	_ =	swait.ge @!p0 [sflag:s9], $0x1C00  }
0x60: {  	s10 =	sadd.s32 $0x380, s11;
	[sflag:s9] =	ssyncset.done @!p0 $0x0  }
0x61: {  	[sflag:s9] =	ssyncadd.s32 @!p0 $0xFFFFE400;
	s9 =	sshra.s32 s10, $0x2  }
0x62: {  	v2 =	vmov s1;
	[tilespmem:s22], [sflag:$0x3] =	stream.indirect.gather [hbm4b:s2+s20], $0x40, s9, s20, $0xb8;
	[tilespmem:$0x1FA40] =	vst v63  }
0x63: {  	_ =	swait.ge [sflag:s23], $0x1C00  }
0x64: {  	[sflag:s23] =	ssyncset.done $0x0  }
0x65: {  	s12 =	simm.s32 $0x0;
	s10 =	simm.s32 $0xEE40;
	[sflag:s23] =	ssyncadd.s32 $0xFFFFE400  }
.LBB2_7:
0x66: {  	s13 =	sshra.s32 s12, $0x2  }
0x67: {  	v3 =	vld.idx.msk [tilespmem:v2+s13+$0x0 ss:$0x1], $0xffff;
	_ =	sdelay $0x1  }
0x68: {  	v4 =	vld [tilespmem:s10+$0xFFFFFE00];
	_ =	sdelay $0x1  }
0x69: {  	v43 =	vld [tilespmem:s10+$0xFFFFFE10]  }
0x6a: {  	v5 =	vbroadcast v3, $0x0  }
0x6b: {  	v44 =	vld [tilespmem:s10+$0xFFFFFE20]  }
0x6c: {  	v4 =	vmul.f32 v5, v4  }
0x6d: {  	v45 =	vld [tilespmem:s10+$0xFFFFFE30]  }
0x6e: {  	[tilespmem:s10+$0xFFFFFE00] =	vst v4;
	v4 =	vmul.f32 v43, v5  }
0x6f: {  	v46 =	vld [tilespmem:s10+$0xFFFFFE40]  }
0x70: {  	[tilespmem:s10+$0xFFFFFE10] =	vst v4;
	v4 =	vmul.f32 v44, v5  }
0x71: {  	v48 =	vld [tilespmem:s10+$0xFFFFFE50]  }
0x72: {  	v47 =	vbroadcast v3, $0x1;
	[tilespmem:s10+$0xFFFFFE20] =	vst v4;
	v4 =	vmul.f32 v45, v5  }
0x73: {  	v49 =	vld [tilespmem:s10+$0xFFFFFE60]  }
0x74: {  	[tilespmem:s10+$0xFFFFFE30] =	vst v4;
	v4 =	vmul.f32 v46, v47  }
0x75: {  	v50 =	vld [tilespmem:s10+$0xFFFFFE70]  }
0x76: {  	[tilespmem:s10+$0xFFFFFE40] =	vst v4;
	v4 =	vmul.f32 v48, v47  }
0x77: {  	v51 =	vld [tilespmem:s10+$0xFFFFFE80]  }
0x78: {  	[tilespmem:s10+$0xFFFFFE50] =	vst v4;
	v4 =	vmul.f32 v49, v47  }
0x79: {  	v53 =	vld [tilespmem:s10+$0xFFFFFE90]  }
0x7a: {  	v52 =	vbroadcast v3, $0x2;
	[tilespmem:s10+$0xFFFFFE60] =	vst v4;
	v4 =	vmul.f32 v50, v47  }
0x7b: {  	v54 =	vld [tilespmem:s10+$0xFFFFFEA0]  }
0x7c: {  	[tilespmem:s10+$0xFFFFFE70] =	vst v4;
	v4 =	vmul.f32 v51, v52  }
0x7d: {  	v55 =	vld [tilespmem:s10+$0xFFFFFEB0]  }
0x7e: {  	[tilespmem:s10+$0xFFFFFE80] =	vst v4;
	v4 =	vmul.f32 v53, v52  }
0x7f: {  	v56 =	vld [tilespmem:s10+$0xFFFFFEC0]  }
0x80: {  	[tilespmem:s10+$0xFFFFFE90] =	vst v4;
	v4 =	vmul.f32 v54, v52  }
0x81: {  	v58 =	vld [tilespmem:s10+$0xFFFFFED0]  }
0x82: {  	v57 =	vbroadcast v3, $0x3;
	[tilespmem:s10+$0xFFFFFEA0] =	vst v4;
	v4 =	vmul.f32 v55, v52  }
0x83: {  	v59 =	vld [tilespmem:s10+$0xFFFFFEE0]  }
0x84: {  	[tilespmem:s10+$0xFFFFFEB0] =	vst v4;
	v4 =	vmul.f32 v56, v57  }
0x85: {  	v60 =	vld [tilespmem:s10+$0xFFFFFEF0]  }
0x86: {  	[tilespmem:s10+$0xFFFFFEC0] =	vst v4;
	v4 =	vmul.f32 v58, v57  }
0x87: {  	v61 =	vld [tilespmem:s10+$0xFFFFFF00]  }
0x88: {  	[tilespmem:s10+$0xFFFFFED0] =	vst v4;
	v4 =	vmul.f32 v59, v57  }
0x89: {  	v63 =	vld [tilespmem:s10+$0xFFFFFF10]  }
0x8a: {  	v62 =	vbroadcast v3, $0x4;
	[tilespmem:s10+$0xFFFFFEE0] =	vst v4;
	v4 =	vmul.f32 v60, v57  }
0x8b: {  	v8 =	vld [tilespmem:s10+$0xFFFFFF20]  }
0x8c: {  	[tilespmem:s10+$0xFFFFFEF0] =	vst v4;
	v4 =	vmul.f32 v61, v62  }
0x8d: {  	v9 =	vld [tilespmem:s10+$0xFFFFFF30]  }
0x8e: {  	[tilespmem:s10+$0xFFFFFF00] =	vst v4;
	v4 =	vmul.f32 v63, v62  }
0x8f: {  	v10 =	vld [tilespmem:s10+$0xFFFFFF40]  }
0x90: {  	[tilespmem:s10+$0xFFFFFF10] =	vst v4;
	v4 =	vmul.f32 v8, v62  }
0x91: {  	v12 =	vld [tilespmem:s10+$0xFFFFFF50]  }
0x92: {  	v11 =	vbroadcast v3, $0x5;
	[tilespmem:s10+$0xFFFFFF20] =	vst v4;
	v4 =	vmul.f32 v9, v62  }
0x93: {  	v13 =	vld [tilespmem:s10+$0xFFFFFF60]  }
0x94: {  	[tilespmem:s10+$0xFFFFFF30] =	vst v4;
	v4 =	vmul.f32 v10, v11  }
0x95: {  	v14 =	vld [tilespmem:s10+$0xFFFFFF70]  }
0x96: {  	[tilespmem:s10+$0xFFFFFF40] =	vst v4;
	v4 =	vmul.f32 v12, v11  }
0x97: {  	v15 =	vld [tilespmem:s10+$0xFFFFFF80]  }
0x98: {  	[tilespmem:s10+$0xFFFFFF50] =	vst v4;
	v4 =	vmul.f32 v13, v11  }
0x99: {  	v17 =	vld [tilespmem:s10+$0xFFFFFF90]  }
0x9a: {  	v16 =	vbroadcast v3, $0x6;
	[tilespmem:s10+$0xFFFFFF60] =	vst v4;
	v4 =	vmul.f32 v14, v11  }
0x9b: {  	v18 =	vld [tilespmem:s10+$0xFFFFFFA0]  }
0x9c: {  	[tilespmem:s10+$0xFFFFFF70] =	vst v4;
	v4 =	vmul.f32 v15, v16  }
0x9d: {  	v19 =	vld [tilespmem:s10+$0xFFFFFFB0]  }
0x9e: {  	[tilespmem:s10+$0xFFFFFF80] =	vst v4;
	v4 =	vmul.f32 v17, v16  }
0x9f: {  	v20 =	vld [tilespmem:s10+$0xFFFFFFC0]  }
0xa0: {  	[tilespmem:s10+$0xFFFFFF90] =	vst v4;
	v4 =	vmul.f32 v18, v16  }
0xa1: {  	v22 =	vld [tilespmem:s10+$0xFFFFFFD0]  }
0xa2: {  	v21 =	vbroadcast v3, $0x7;
	[tilespmem:s10+$0xFFFFFFA0] =	vst v4;
	v4 =	vmul.f32 v19, v16  }
0xa3: {  	v23 =	vld [tilespmem:s10+$0xFFFFFFE0]  }
0xa4: {  	[tilespmem:s10+$0xFFFFFFB0] =	vst v4;
	v4 =	vmul.f32 v20, v21  }
0xa5: {  	v24 =	vld [tilespmem:s10+$0xFFFFFFF0]  }
0xa6: {  	[tilespmem:s10+$0xFFFFFFC0] =	vst v4;
	v4 =	vmul.f32 v22, v21  }
0xa7: {  	v25 =	vld [tilespmem:s10+$0x0]  }
0xa8: {  	[tilespmem:s10+$0xFFFFFFD0] =	vst v4;
	v4 =	vmul.f32 v23, v21  }
0xa9: {  	v27 =	vld [tilespmem:s10+$0x10]  }
0xaa: {  	v26 =	vbroadcast v3, $0x8;
	[tilespmem:s10+$0xFFFFFFE0] =	vst v4;
	v4 =	vmul.f32 v24, v21  }
0xab: {  	v28 =	vld [tilespmem:s10+$0x20]  }
0xac: {  	[tilespmem:s10+$0xFFFFFFF0] =	vst v4;
	v4 =	vmul.f32 v25, v26  }
0xad: {  	v29 =	vld [tilespmem:s10+$0x30]  }
0xae: {  	[tilespmem:s10+$0x0] =	vst v4;
	v4 =	vmul.f32 v27, v26  }
0xaf: {  	v30 =	vld [tilespmem:s10+$0x40]  }
0xb0: {  	[tilespmem:s10+$0x10] =	vst v4;
	v4 =	vmul.f32 v28, v26  }
0xb1: {  	v32 =	vld [tilespmem:s10+$0x50]  }
0xb2: {  	v31 =	vbroadcast v3, $0x9;
	[tilespmem:s10+$0x20] =	vst v4;
	v4 =	vmul.f32 v29, v26  }
0xb3: {  	v33 =	vld [tilespmem:s10+$0x60]  }
0xb4: {  	[tilespmem:s10+$0x30] =	vst v4;
	v4 =	vmul.f32 v30, v31  }
0xb5: {  	v34 =	vld [tilespmem:s10+$0x70]  }
0xb6: {  	[tilespmem:s10+$0x40] =	vst v4;
	v4 =	vmul.f32 v32, v31  }
0xb7: {  	v35 =	vld [tilespmem:s10+$0x80]  }
0xb8: {  	[tilespmem:s10+$0x50] =	vst v4;
	v4 =	vmul.f32 v33, v31  }
0xb9: {  	v37 =	vld [tilespmem:s10+$0x90]  }
0xba: {  	v36 =	vbroadcast v3, $0xA;
	[tilespmem:s10+$0x60] =	vst v4;
	v4 =	vmul.f32 v34, v31  }
0xbb: {  	v38 =	vld [tilespmem:s10+$0xA0]  }
0xbc: {  	[tilespmem:s10+$0x70] =	vst v4;
	v4 =	vmul.f32 v35, v36  }
0xbd: {  	v39 =	vld [tilespmem:s10+$0xB0]  }
0xbe: {  	[tilespmem:s10+$0x80] =	vst v4;
	v4 =	vmul.f32 v37, v36  }
0xbf: {  	v40 =	vld [tilespmem:s10+$0xC0]  }
0xc0: {  	[tilespmem:s10+$0x90] =	vst v4;
	v4 =	vmul.f32 v38, v36  }
0xc1: {  	v42 =	vld [tilespmem:s10+$0xD0]  }
0xc2: {  	v41 =	vbroadcast v3, $0xB;
	[tilespmem:s10+$0xA0] =	vst v4;
	v4 =	vmul.f32 v39, v36  }
0xc3: {  	v43 =	vld [tilespmem:s10+$0xE0]  }
0xc4: {  	[tilespmem:s10+$0xB0] =	vst v4;
	v4 =	vmul.f32 v40, v41  }
0xc5: {  	v44 =	vld [tilespmem:s10+$0xF0]  }
0xc6: {  	[tilespmem:s10+$0xC0] =	vst v4;
	v4 =	vmul.f32 v42, v41  }
0xc7: {  	v45 =	vld [tilespmem:s10+$0x100]  }
0xc8: {  	[tilespmem:s10+$0xD0] =	vst v4;
	v4 =	vmul.f32 v43, v41  }
0xc9: {  	v47 =	vld [tilespmem:s10+$0x110]  }
0xca: {  	v46 =	vbroadcast v3, $0xC;
	[tilespmem:s10+$0xE0] =	vst v4;
	v4 =	vmul.f32 v44, v41  }
0xcb: {  	v48 =	vld [tilespmem:s10+$0x120]  }
0xcc: {  	[tilespmem:s10+$0xF0] =	vst v4;
	v4 =	vmul.f32 v45, v46  }
0xcd: {  	v49 =	vld [tilespmem:s10+$0x130]  }
0xce: {  	[tilespmem:s10+$0x100] =	vst v4;
	v4 =	vmul.f32 v47, v46  }
0xcf: {  	v50 =	vld [tilespmem:s10+$0x140]  }
0xd0: {  	[tilespmem:s10+$0x110] =	vst v4;
	v4 =	vmul.f32 v48, v46  }
0xd1: {  	v52 =	vld [tilespmem:s10+$0x150]  }
0xd2: {  	v51 =	vbroadcast v3, $0xD;
	[tilespmem:s10+$0x120] =	vst v4;
	v4 =	vmul.f32 v49, v46  }
0xd3: {  	v53 =	vld [tilespmem:s10+$0x160]  }
0xd4: {  	[tilespmem:s10+$0x130] =	vst v4;
	v4 =	vmul.f32 v50, v51  }
0xd5: {  	v54 =	vld [tilespmem:s10+$0x170]  }
0xd6: {  	[tilespmem:s10+$0x140] =	vst v4;
	v4 =	vmul.f32 v52, v51  }
0xd7: {  	v55 =	vld [tilespmem:s10+$0x180]  }
0xd8: {  	[tilespmem:s10+$0x150] =	vst v4;
	v4 =	vmul.f32 v53, v51  }
0xd9: {  	v57 =	vld [tilespmem:s10+$0x190]  }
0xda: {  	v56 =	vbroadcast v3, $0xE;
	[tilespmem:s10+$0x160] =	vst v4;
	v4 =	vmul.f32 v54, v51  }
0xdb: {  	v58 =	vld [tilespmem:s10+$0x1A0]  }
0xdc: {  	[tilespmem:s10+$0x170] =	vst v4;
	v4 =	vmul.f32 v55, v56  }
0xdd: {  	v59 =	vld [tilespmem:s10+$0x1B0]  }
0xde: {  	[tilespmem:s10+$0x180] =	vst v4;
	v4 =	vmul.f32 v57, v56  }
0xdf: {  	v60 =	vld [tilespmem:s10+$0x1C0]  }
0xe0: {  	[tilespmem:s10+$0x190] =	vst v4;
	v4 =	vmul.f32 v58, v56  }
0xe1: {  	v61 =	vld [tilespmem:s10+$0x1D0]  }
0xe2: {  	v3 =	vbroadcast v3, $0xF;
	[tilespmem:s10+$0x1A0] =	vst v4;
	v4 =	vmul.f32 v59, v56  }
0xe3: {  	v62 =	vld [tilespmem:s10+$0x1E0]  }
0xe4: {  	v63 =	vld [tilespmem:s10+$0x1F0];
	[tilespmem:s10+$0x1B0] =	vst v4;
	v4 =	vmul.f32 v60, v3;
	_ =	sdelay $0x1  }
0xe5: {  	p1 =	sne.s32 s12, $0x180;
	[tilespmem:s10+$0x1C0] =	vst v4;
	v4 =	vmul.f32 v61, v3  }
.Ltmp2:
0xe6: {  	_ = 	snop;
	(pc) =	sbr.rel @p1 .LBB2_7-.Ltmp2, $4  }
0xe7: {  	[tilespmem:s10+$0x1D0] =	vst v4;
	v4 =	vmul.f32 v62, v3  }
0xe8: {  	v3 =	vmul.f32 v63, v3  }
0xe9: {  	[tilespmem:s10+$0x1E0] =	vst v4  }
0xea: {  	s12 =	sadd.s32 $0x40, s12;
	[tilespmem:s10+$0x1F0] =	vst v3;
	s10 =	sadd.s32 $0x400, s10  }
0xeb: {  	s10 =	sshra.s32 s11, $0x2  }
0xec: {  	s10 =	sadd.s32 $0x4EC0, s10  }
0xed: {  	[spmem:s3] =	stream.indirect.scatter.add.f32 [tilespmem:s19], [sflag:$0x5], $0x40, s10, s20, $0xb8;
	[tilespmem:$0x1FA40] =	vst v63  }
0xee: {  	s10 =	simm.s32 @!p0 $0x8  }
0xef: {  	_ =	swait.ge @!p0 [sflag:s10], $0x1C00  }
0xf0: {  	s12 =	sadd.s32 $0x540, s11;
	[sflag:s10] =	ssyncset.done @!p0 $0x0  }
0xf1: {  	[sflag:s10] =	ssyncadd.s32 @!p0 $0xFFFFE400;
	s10 =	sshra.s32 s12, $0x2  }
0xf2: {  	v2 =	vmov s5;
	[tilespmem:s24], [sflag:$0x4] =	stream.indirect.gather [hbm4b:s2+s20], $0x40, s10, s20, $0xb8;
	[tilespmem:$0x1FA40] =	vst v63  }
0xf3: {  	_ =	swait.ge [sflag:s25], $0x1C00  }
0xf4: {  	s13 =	simm.s32 $0x0;
	[sflag:s25] =	ssyncset.done $0x0  }
0xf5: {  	s14 =	simm.s32 $0x10C30;
	s12 =	sadd.s32 $0x1C0, s11;
	[sflag:s25] =	ssyncadd.s32 $0xFFFFE400  }
.LBB2_9:
0xf6: {  	s15 =	sshra.s32 s13, $0x2  }
0xf7: {  	v3 =	vld.idx.msk [tilespmem:v2+s15+$0x0 ss:$0x1], $0xffff;
	_ =	sdelay $0x1  }
0xf8: {  	v4 =	vld [tilespmem:s14+$0xFFFFFC10];
	_ =	sdelay $0x1  }
0xf9: {  	v43 =	vld [tilespmem:s14+$0xFFFFFC20]  }
0xfa: {  	v5 =	vbroadcast v3, $0x0  }
0xfb: {  	v44 =	vld [tilespmem:s14+$0xFFFFFC30]  }
0xfc: {  	v4 =	vmul.f32 v5, v4  }
0xfd: {  	v45 =	vld [tilespmem:s14+$0xFFFFFC40]  }
0xfe: {  	[tilespmem:s14+$0xFFFFFC10] =	vst v4;
	v4 =	vmul.f32 v43, v5  }
0xff: {  	v46 =	vld [tilespmem:s14+$0xFFFFFC50]  }
0x100: {  	[tilespmem:s14+$0xFFFFFC20] =	vst v4;
	v4 =	vmul.f32 v44, v5  }
0x101: {  	v48 =	vld [tilespmem:s14+$0xFFFFFC60]  }
0x102: {  	v47 =	vbroadcast v3, $0x1;
	[tilespmem:s14+$0xFFFFFC30] =	vst v4;
	v4 =	vmul.f32 v45, v5  }
0x103: {  	v49 =	vld [tilespmem:s14+$0xFFFFFC70]  }
0x104: {  	[tilespmem:s14+$0xFFFFFC40] =	vst v4;
	v4 =	vmul.f32 v46, v47  }
0x105: {  	v50 =	vld [tilespmem:s14+$0xFFFFFC80]  }
0x106: {  	[tilespmem:s14+$0xFFFFFC50] =	vst v4;
	v4 =	vmul.f32 v48, v47  }
0x107: {  	v51 =	vld [tilespmem:s14+$0xFFFFFC90]  }
0x108: {  	[tilespmem:s14+$0xFFFFFC60] =	vst v4;
	v4 =	vmul.f32 v49, v47  }
0x109: {  	v53 =	vld [tilespmem:s14+$0xFFFFFCA0]  }
0x10a: {  	v52 =	vbroadcast v3, $0x2;
	[tilespmem:s14+$0xFFFFFC70] =	vst v4;
	v4 =	vmul.f32 v50, v47  }
0x10b: {  	v54 =	vld [tilespmem:s14+$0xFFFFFCB0]  }
0x10c: {  	[tilespmem:s14+$0xFFFFFC80] =	vst v4;
	v4 =	vmul.f32 v51, v52  }
0x10d: {  	v55 =	vld [tilespmem:s14+$0xFFFFFCC0]  }
0x10e: {  	[tilespmem:s14+$0xFFFFFC90] =	vst v4;
	v4 =	vmul.f32 v53, v52  }
0x10f: {  	v56 =	vld [tilespmem:s14+$0xFFFFFCD0]  }
0x110: {  	[tilespmem:s14+$0xFFFFFCA0] =	vst v4;
	v4 =	vmul.f32 v54, v52  }
0x111: {  	v58 =	vld [tilespmem:s14+$0xFFFFFCE0]  }
0x112: {  	v57 =	vbroadcast v3, $0x3;
	[tilespmem:s14+$0xFFFFFCB0] =	vst v4;
	v4 =	vmul.f32 v55, v52  }
0x113: {  	v59 =	vld [tilespmem:s14+$0xFFFFFCF0]  }
0x114: {  	[tilespmem:s14+$0xFFFFFCC0] =	vst v4;
	v4 =	vmul.f32 v56, v57  }
0x115: {  	v60 =	vld [tilespmem:s14+$0xFFFFFD00]  }
0x116: {  	[tilespmem:s14+$0xFFFFFCD0] =	vst v4;
	v4 =	vmul.f32 v58, v57  }
0x117: {  	v61 =	vld [tilespmem:s14+$0xFFFFFD10]  }
0x118: {  	[tilespmem:s14+$0xFFFFFCE0] =	vst v4;
	v4 =	vmul.f32 v59, v57  }
0x119: {  	v63 =	vld [tilespmem:s14+$0xFFFFFD20]  }
0x11a: {  	v62 =	vbroadcast v3, $0x4;
	[tilespmem:s14+$0xFFFFFCF0] =	vst v4;
	v4 =	vmul.f32 v60, v57  }
0x11b: {  	v8 =	vld [tilespmem:s14+$0xFFFFFD30]  }
0x11c: {  	[tilespmem:s14+$0xFFFFFD00] =	vst v4;
	v4 =	vmul.f32 v61, v62  }
0x11d: {  	v9 =	vld [tilespmem:s14+$0xFFFFFD40]  }
0x11e: {  	[tilespmem:s14+$0xFFFFFD10] =	vst v4;
	v4 =	vmul.f32 v63, v62  }
0x11f: {  	v10 =	vld [tilespmem:s14+$0xFFFFFD50]  }
0x120: {  	[tilespmem:s14+$0xFFFFFD20] =	vst v4;
	v4 =	vmul.f32 v8, v62  }
0x121: {  	v12 =	vld [tilespmem:s14+$0xFFFFFD60]  }
0x122: {  	v11 =	vbroadcast v3, $0x5;
	[tilespmem:s14+$0xFFFFFD30] =	vst v4;
	v4 =	vmul.f32 v9, v62  }
0x123: {  	v13 =	vld [tilespmem:s14+$0xFFFFFD70]  }
0x124: {  	[tilespmem:s14+$0xFFFFFD40] =	vst v4;
	v4 =	vmul.f32 v10, v11  }
0x125: {  	v14 =	vld [tilespmem:s14+$0xFFFFFD80]  }
0x126: {  	[tilespmem:s14+$0xFFFFFD50] =	vst v4;
	v4 =	vmul.f32 v12, v11  }
0x127: {  	v15 =	vld [tilespmem:s14+$0xFFFFFD90]  }
0x128: {  	[tilespmem:s14+$0xFFFFFD60] =	vst v4;
	v4 =	vmul.f32 v13, v11  }
0x129: {  	v17 =	vld [tilespmem:s14+$0xFFFFFDA0]  }
0x12a: {  	v16 =	vbroadcast v3, $0x6;
	[tilespmem:s14+$0xFFFFFD70] =	vst v4;
	v4 =	vmul.f32 v14, v11  }
0x12b: {  	v18 =	vld [tilespmem:s14+$0xFFFFFDB0]  }
0x12c: {  	[tilespmem:s14+$0xFFFFFD80] =	vst v4;
	v4 =	vmul.f32 v15, v16  }
0x12d: {  	v19 =	vld [tilespmem:s14+$0xFFFFFDC0]  }
0x12e: {  	[tilespmem:s14+$0xFFFFFD90] =	vst v4;
	v4 =	vmul.f32 v17, v16  }
0x12f: {  	v20 =	vld [tilespmem:s14+$0xFFFFFDD0]  }
0x130: {  	[tilespmem:s14+$0xFFFFFDA0] =	vst v4;
	v4 =	vmul.f32 v18, v16  }
0x131: {  	v22 =	vld [tilespmem:s14+$0xFFFFFDE0]  }
0x132: {  	v21 =	vbroadcast v3, $0x7;
	[tilespmem:s14+$0xFFFFFDB0] =	vst v4;
	v4 =	vmul.f32 v19, v16  }
0x133: {  	v23 =	vld [tilespmem:s14+$0xFFFFFDF0]  }
0x134: {  	[tilespmem:s14+$0xFFFFFDC0] =	vst v4;
	v4 =	vmul.f32 v20, v21  }
0x135: {  	v24 =	vld [tilespmem:s14+$0xFFFFFE00]  }
0x136: {  	[tilespmem:s14+$0xFFFFFDD0] =	vst v4;
	v4 =	vmul.f32 v22, v21  }
0x137: {  	v25 =	vld [tilespmem:s14+$0xFFFFFE10]  }
0x138: {  	[tilespmem:s14+$0xFFFFFDE0] =	vst v4;
	v4 =	vmul.f32 v23, v21  }
0x139: {  	v27 =	vld [tilespmem:s14+$0xFFFFFE20]  }
0x13a: {  	v26 =	vbroadcast v3, $0x8;
	[tilespmem:s14+$0xFFFFFDF0] =	vst v4;
	v4 =	vmul.f32 v24, v21  }
0x13b: {  	v28 =	vld [tilespmem:s14+$0xFFFFFE30]  }
0x13c: {  	[tilespmem:s14+$0xFFFFFE00] =	vst v4;
	v4 =	vmul.f32 v25, v26  }
0x13d: {  	v29 =	vld [tilespmem:s14+$0xFFFFFE40]  }
0x13e: {  	[tilespmem:s14+$0xFFFFFE10] =	vst v4;
	v4 =	vmul.f32 v27, v26  }
0x13f: {  	v30 =	vld [tilespmem:s14+$0xFFFFFE50]  }
0x140: {  	[tilespmem:s14+$0xFFFFFE20] =	vst v4;
	v4 =	vmul.f32 v28, v26  }
0x141: {  	v32 =	vld [tilespmem:s14+$0xFFFFFE60]  }
0x142: {  	v31 =	vbroadcast v3, $0x9;
	[tilespmem:s14+$0xFFFFFE30] =	vst v4;
	v4 =	vmul.f32 v29, v26  }
0x143: {  	v33 =	vld [tilespmem:s14+$0xFFFFFE70]  }
0x144: {  	[tilespmem:s14+$0xFFFFFE40] =	vst v4;
	v4 =	vmul.f32 v30, v31  }
0x145: {  	v34 =	vld [tilespmem:s14+$0xFFFFFE80]  }
0x146: {  	[tilespmem:s14+$0xFFFFFE50] =	vst v4;
	v4 =	vmul.f32 v32, v31  }
0x147: {  	v35 =	vld [tilespmem:s14+$0xFFFFFE90]  }
0x148: {  	[tilespmem:s14+$0xFFFFFE60] =	vst v4;
	v4 =	vmul.f32 v33, v31  }
0x149: {  	v37 =	vld [tilespmem:s14+$0xFFFFFEA0]  }
0x14a: {  	v36 =	vbroadcast v3, $0xA;
	[tilespmem:s14+$0xFFFFFE70] =	vst v4;
	v4 =	vmul.f32 v34, v31  }
0x14b: {  	v38 =	vld [tilespmem:s14+$0xFFFFFEB0]  }
0x14c: {  	[tilespmem:s14+$0xFFFFFE80] =	vst v4;
	v4 =	vmul.f32 v35, v36  }
0x14d: {  	v39 =	vld [tilespmem:s14+$0xFFFFFEC0]  }
0x14e: {  	[tilespmem:s14+$0xFFFFFE90] =	vst v4;
	v4 =	vmul.f32 v37, v36  }
0x14f: {  	v40 =	vld [tilespmem:s14+$0xFFFFFED0]  }
0x150: {  	[tilespmem:s14+$0xFFFFFEA0] =	vst v4;
	v4 =	vmul.f32 v38, v36  }
0x151: {  	v42 =	vld [tilespmem:s14+$0xFFFFFEE0]  }
0x152: {  	v41 =	vbroadcast v3, $0xB;
	[tilespmem:s14+$0xFFFFFEB0] =	vst v4;
	v4 =	vmul.f32 v39, v36  }
0x153: {  	v43 =	vld [tilespmem:s14+$0xFFFFFEF0]  }
0x154: {  	[tilespmem:s14+$0xFFFFFEC0] =	vst v4;
	v4 =	vmul.f32 v40, v41  }
0x155: {  	v44 =	vld [tilespmem:s14+$0xFFFFFF00]  }
0x156: {  	[tilespmem:s14+$0xFFFFFED0] =	vst v4;
	v4 =	vmul.f32 v42, v41  }
0x157: {  	v45 =	vld [tilespmem:s14+$0xFFFFFF10]  }
0x158: {  	[tilespmem:s14+$0xFFFFFEE0] =	vst v4;
	v4 =	vmul.f32 v43, v41  }
0x159: {  	v47 =	vld [tilespmem:s14+$0xFFFFFF20]  }
0x15a: {  	v46 =	vbroadcast v3, $0xC;
	[tilespmem:s14+$0xFFFFFEF0] =	vst v4;
	v4 =	vmul.f32 v44, v41  }
0x15b: {  	v48 =	vld [tilespmem:s14+$0xFFFFFF30]  }
0x15c: {  	[tilespmem:s14+$0xFFFFFF00] =	vst v4;
	v4 =	vmul.f32 v45, v46  }
0x15d: {  	v49 =	vld [tilespmem:s14+$0xFFFFFF40]  }
0x15e: {  	[tilespmem:s14+$0xFFFFFF10] =	vst v4;
	v4 =	vmul.f32 v47, v46  }
0x15f: {  	v50 =	vld [tilespmem:s14+$0xFFFFFF50]  }
0x160: {  	[tilespmem:s14+$0xFFFFFF20] =	vst v4;
	v4 =	vmul.f32 v48, v46  }
0x161: {  	v52 =	vld [tilespmem:s14+$0xFFFFFF60]  }
0x162: {  	v51 =	vbroadcast v3, $0xD;
	[tilespmem:s14+$0xFFFFFF30] =	vst v4;
	v4 =	vmul.f32 v49, v46  }
0x163: {  	v53 =	vld [tilespmem:s14+$0xFFFFFF70]  }
0x164: {  	[tilespmem:s14+$0xFFFFFF40] =	vst v4;
	v4 =	vmul.f32 v50, v51  }
0x165: {  	v54 =	vld [tilespmem:s14+$0xFFFFFF80]  }
0x166: {  	[tilespmem:s14+$0xFFFFFF50] =	vst v4;
	v4 =	vmul.f32 v52, v51  }
0x167: {  	v55 =	vld [tilespmem:s14+$0xFFFFFF90]  }
0x168: {  	[tilespmem:s14+$0xFFFFFF60] =	vst v4;
	v4 =	vmul.f32 v53, v51  }
0x169: {  	v57 =	vld [tilespmem:s14+$0xFFFFFFA0]  }
0x16a: {  	v56 =	vbroadcast v3, $0xE;
	[tilespmem:s14+$0xFFFFFF70] =	vst v4;
	v4 =	vmul.f32 v54, v51  }
0x16b: {  	v58 =	vld [tilespmem:s14+$0xFFFFFFB0]  }
0x16c: {  	[tilespmem:s14+$0xFFFFFF80] =	vst v4;
	v4 =	vmul.f32 v55, v56  }
0x16d: {  	v59 =	vld [tilespmem:s14+$0xFFFFFFC0]  }
0x16e: {  	[tilespmem:s14+$0xFFFFFF90] =	vst v4;
	v4 =	vmul.f32 v57, v56  }
0x16f: {  	v60 =	vld [tilespmem:s14+$0xFFFFFFD0]  }
0x170: {  	[tilespmem:s14+$0xFFFFFFA0] =	vst v4;
	v4 =	vmul.f32 v58, v56  }
0x171: {  	v61 =	vld [tilespmem:s14+$0xFFFFFFE0]  }
0x172: {  	v3 =	vbroadcast v3, $0xF;
	[tilespmem:s14+$0xFFFFFFB0] =	vst v4;
	v4 =	vmul.f32 v59, v56  }
0x173: {  	v62 =	vld [tilespmem:s14+$0xFFFFFFF0]  }
0x174: {  	v63 =	vld [tilespmem:s14+$0x0];
	[tilespmem:s14+$0xFFFFFFC0] =	vst v4;
	v4 =	vmul.f32 v60, v3;
	_ =	sdelay $0x1  }
0x175: {  	p0 =	sne.s32 s13, $0x180;
	[tilespmem:s14+$0xFFFFFFD0] =	vst v4;
	v4 =	vmul.f32 v61, v3  }
.Ltmp3:
0x176: {  	_ = 	snop;
	(pc) =	sbr.rel @p0 .LBB2_9-.Ltmp3, $4  }
0x177: {  	[tilespmem:s14+$0xFFFFFFE0] =	vst v4;
	v4 =	vmul.f32 v62, v3  }
0x178: {  	v3 =	vmul.f32 v63, v3  }
0x179: {  	[tilespmem:s14+$0xFFFFFFF0] =	vst v4  }
0x17a: {  	s13 =	sadd.s32 $0x40, s13;
	[tilespmem:s14+$0x0] =	vst v3;
	s14 =	sadd.s32 $0x400, s14  }
0x17b: {  	s12 =	sshra.s32 s12, $0x2  }
0x17c: {  	s12 =	sadd.s32 $0x4EC0, s12  }
0x17d: {  	[spmem:s3] =	stream.indirect.scatter.add.f32 [tilespmem:s21], [sflag:$0x6], $0x40, s12, s20, $0xb8;
	[tilespmem:$0x1FA40] =	vst v63  }
0x17e: {  	p0 =	seq.s32 s18, $0x2C;
	_ =	swait.ge [sflag:s26], $0x1C00  }
0x17f: {  	s11 =	sshra.s32 @!p0 s11, $0x2;
	s13 =	simm.s32 @!p0 $0x70;
	[sflag:s26] =	ssyncset.done $0x0  }
0x180: {  	s14 =	simm.s32 @!p0 $0xEC40;
	s12 =	sadd.s32 @!p0 $0x1C0, s11;
	[sflag:s26] =	ssyncadd.s32 $0xFFFFE400  }
0x181: {  	v2 =	vmov s6;
	[tilespmem:s14], [sflag:$0x1] =	stream.indirect.gather @!p0 [hbm4b:s2+s13], $0x40, s12, s13, $0xb8;
	[tilespmem:$0x1FA40] =	vst v63  }
0x182: {  	_ =	swait.ge [sflag:s28], $0x1C00  }
0x183: {  	[sflag:s28] =	ssyncset.done $0x0  }
0x184: {  	s12 =	simm.s32 $0x0;
	s13 =	simm.s32 $0x12830;
	[sflag:s28] =	ssyncadd.s32 $0xFFFFE400  }
.LBB2_11:
0x185: {  	s14 =	sshra.s32 s12, $0x2  }
0x186: {  	v3 =	vld.idx.msk [tilespmem:v2+s14+$0x0 ss:$0x1], $0xffff;
	_ =	sdelay $0x1  }
0x187: {  	v4 =	vld [tilespmem:s13+$0xFFFFFC10];
	_ =	sdelay $0x1  }
0x188: {  	v43 =	vld [tilespmem:s13+$0xFFFFFC20]  }
0x189: {  	v5 =	vbroadcast v3, $0x0  }
0x18a: {  	v44 =	vld [tilespmem:s13+$0xFFFFFC30]  }
0x18b: {  	v4 =	vmul.f32 v5, v4  }
0x18c: {  	v45 =	vld [tilespmem:s13+$0xFFFFFC40]  }
0x18d: {  	[tilespmem:s13+$0xFFFFFC10] =	vst v4;
	v4 =	vmul.f32 v43, v5  }
0x18e: {  	v46 =	vld [tilespmem:s13+$0xFFFFFC50]  }
0x18f: {  	[tilespmem:s13+$0xFFFFFC20] =	vst v4;
	v4 =	vmul.f32 v44, v5  }
0x190: {  	v48 =	vld [tilespmem:s13+$0xFFFFFC60]  }
0x191: {  	v47 =	vbroadcast v3, $0x1;
	[tilespmem:s13+$0xFFFFFC30] =	vst v4;
	v4 =	vmul.f32 v45, v5  }
0x192: {  	v49 =	vld [tilespmem:s13+$0xFFFFFC70]  }
0x193: {  	[tilespmem:s13+$0xFFFFFC40] =	vst v4;
	v4 =	vmul.f32 v46, v47  }
0x194: {  	v50 =	vld [tilespmem:s13+$0xFFFFFC80]  }
0x195: {  	[tilespmem:s13+$0xFFFFFC50] =	vst v4;
	v4 =	vmul.f32 v48, v47  }
0x196: {  	v51 =	vld [tilespmem:s13+$0xFFFFFC90]  }
0x197: {  	[tilespmem:s13+$0xFFFFFC60] =	vst v4;
	v4 =	vmul.f32 v49, v47  }
0x198: {  	v53 =	vld [tilespmem:s13+$0xFFFFFCA0]  }
0x199: {  	v52 =	vbroadcast v3, $0x2;
	[tilespmem:s13+$0xFFFFFC70] =	vst v4;
	v4 =	vmul.f32 v50, v47  }
0x19a: {  	v54 =	vld [tilespmem:s13+$0xFFFFFCB0]  }
0x19b: {  	[tilespmem:s13+$0xFFFFFC80] =	vst v4;
	v4 =	vmul.f32 v51, v52  }
0x19c: {  	v55 =	vld [tilespmem:s13+$0xFFFFFCC0]  }
0x19d: {  	[tilespmem:s13+$0xFFFFFC90] =	vst v4;
	v4 =	vmul.f32 v53, v52  }
0x19e: {  	v56 =	vld [tilespmem:s13+$0xFFFFFCD0]  }
0x19f: {  	[tilespmem:s13+$0xFFFFFCA0] =	vst v4;
	v4 =	vmul.f32 v54, v52  }
0x1a0: {  	v58 =	vld [tilespmem:s13+$0xFFFFFCE0]  }
0x1a1: {  	v57 =	vbroadcast v3, $0x3;
	[tilespmem:s13+$0xFFFFFCB0] =	vst v4;
	v4 =	vmul.f32 v55, v52  }
0x1a2: {  	v59 =	vld [tilespmem:s13+$0xFFFFFCF0]  }
0x1a3: {  	[tilespmem:s13+$0xFFFFFCC0] =	vst v4;
	v4 =	vmul.f32 v56, v57  }
0x1a4: {  	v60 =	vld [tilespmem:s13+$0xFFFFFD00]  }
0x1a5: {  	[tilespmem:s13+$0xFFFFFCD0] =	vst v4;
	v4 =	vmul.f32 v58, v57  }
0x1a6: {  	v61 =	vld [tilespmem:s13+$0xFFFFFD10]  }
0x1a7: {  	[tilespmem:s13+$0xFFFFFCE0] =	vst v4;
	v4 =	vmul.f32 v59, v57  }
0x1a8: {  	v63 =	vld [tilespmem:s13+$0xFFFFFD20]  }
0x1a9: {  	v62 =	vbroadcast v3, $0x4;
	[tilespmem:s13+$0xFFFFFCF0] =	vst v4;
	v4 =	vmul.f32 v60, v57  }
0x1aa: {  	v8 =	vld [tilespmem:s13+$0xFFFFFD30]  }
0x1ab: {  	[tilespmem:s13+$0xFFFFFD00] =	vst v4;
	v4 =	vmul.f32 v61, v62  }
0x1ac: {  	v9 =	vld [tilespmem:s13+$0xFFFFFD40]  }
0x1ad: {  	[tilespmem:s13+$0xFFFFFD10] =	vst v4;
	v4 =	vmul.f32 v63, v62  }
0x1ae: {  	v10 =	vld [tilespmem:s13+$0xFFFFFD50]  }
0x1af: {  	[tilespmem:s13+$0xFFFFFD20] =	vst v4;
	v4 =	vmul.f32 v8, v62  }
0x1b0: {  	v12 =	vld [tilespmem:s13+$0xFFFFFD60]  }
0x1b1: {  	v11 =	vbroadcast v3, $0x5;
	[tilespmem:s13+$0xFFFFFD30] =	vst v4;
	v4 =	vmul.f32 v9, v62  }
0x1b2: {  	v13 =	vld [tilespmem:s13+$0xFFFFFD70]  }
0x1b3: {  	[tilespmem:s13+$0xFFFFFD40] =	vst v4;
	v4 =	vmul.f32 v10, v11  }
0x1b4: {  	v14 =	vld [tilespmem:s13+$0xFFFFFD80]  }
0x1b5: {  	[tilespmem:s13+$0xFFFFFD50] =	vst v4;
	v4 =	vmul.f32 v12, v11  }
0x1b6: {  	v15 =	vld [tilespmem:s13+$0xFFFFFD90]  }
0x1b7: {  	[tilespmem:s13+$0xFFFFFD60] =	vst v4;
	v4 =	vmul.f32 v13, v11  }
0x1b8: {  	v17 =	vld [tilespmem:s13+$0xFFFFFDA0]  }
0x1b9: {  	v16 =	vbroadcast v3, $0x6;
	[tilespmem:s13+$0xFFFFFD70] =	vst v4;
	v4 =	vmul.f32 v14, v11  }
0x1ba: {  	v18 =	vld [tilespmem:s13+$0xFFFFFDB0]  }
0x1bb: {  	[tilespmem:s13+$0xFFFFFD80] =	vst v4;
	v4 =	vmul.f32 v15, v16  }
0x1bc: {  	v19 =	vld [tilespmem:s13+$0xFFFFFDC0]  }
0x1bd: {  	[tilespmem:s13+$0xFFFFFD90] =	vst v4;
	v4 =	vmul.f32 v17, v16  }
0x1be: {  	v20 =	vld [tilespmem:s13+$0xFFFFFDD0]  }
0x1bf: {  	[tilespmem:s13+$0xFFFFFDA0] =	vst v4;
	v4 =	vmul.f32 v18, v16  }
0x1c0: {  	v22 =	vld [tilespmem:s13+$0xFFFFFDE0]  }
0x1c1: {  	v21 =	vbroadcast v3, $0x7;
	[tilespmem:s13+$0xFFFFFDB0] =	vst v4;
	v4 =	vmul.f32 v19, v16  }
0x1c2: {  	v23 =	vld [tilespmem:s13+$0xFFFFFDF0]  }
0x1c3: {  	[tilespmem:s13+$0xFFFFFDC0] =	vst v4;
	v4 =	vmul.f32 v20, v21  }
0x1c4: {  	v24 =	vld [tilespmem:s13+$0xFFFFFE00]  }
0x1c5: {  	[tilespmem:s13+$0xFFFFFDD0] =	vst v4;
	v4 =	vmul.f32 v22, v21  }
0x1c6: {  	v25 =	vld [tilespmem:s13+$0xFFFFFE10]  }
0x1c7: {  	[tilespmem:s13+$0xFFFFFDE0] =	vst v4;
	v4 =	vmul.f32 v23, v21  }
0x1c8: {  	v27 =	vld [tilespmem:s13+$0xFFFFFE20]  }
0x1c9: {  	v26 =	vbroadcast v3, $0x8;
	[tilespmem:s13+$0xFFFFFDF0] =	vst v4;
	v4 =	vmul.f32 v24, v21  }
0x1ca: {  	v28 =	vld [tilespmem:s13+$0xFFFFFE30]  }
0x1cb: {  	[tilespmem:s13+$0xFFFFFE00] =	vst v4;
	v4 =	vmul.f32 v25, v26  }
0x1cc: {  	v29 =	vld [tilespmem:s13+$0xFFFFFE40]  }
0x1cd: {  	[tilespmem:s13+$0xFFFFFE10] =	vst v4;
	v4 =	vmul.f32 v27, v26  }
0x1ce: {  	v30 =	vld [tilespmem:s13+$0xFFFFFE50]  }
0x1cf: {  	[tilespmem:s13+$0xFFFFFE20] =	vst v4;
	v4 =	vmul.f32 v28, v26  }
0x1d0: {  	v32 =	vld [tilespmem:s13+$0xFFFFFE60]  }
0x1d1: {  	v31 =	vbroadcast v3, $0x9;
	[tilespmem:s13+$0xFFFFFE30] =	vst v4;
	v4 =	vmul.f32 v29, v26  }
0x1d2: {  	v33 =	vld [tilespmem:s13+$0xFFFFFE70]  }
0x1d3: {  	[tilespmem:s13+$0xFFFFFE40] =	vst v4;
	v4 =	vmul.f32 v30, v31  }
0x1d4: {  	v34 =	vld [tilespmem:s13+$0xFFFFFE80]  }
0x1d5: {  	[tilespmem:s13+$0xFFFFFE50] =	vst v4;
	v4 =	vmul.f32 v32, v31  }
0x1d6: {  	v35 =	vld [tilespmem:s13+$0xFFFFFE90]  }
0x1d7: {  	[tilespmem:s13+$0xFFFFFE60] =	vst v4;
	v4 =	vmul.f32 v33, v31  }
0x1d8: {  	v37 =	vld [tilespmem:s13+$0xFFFFFEA0]  }
0x1d9: {  	v36 =	vbroadcast v3, $0xA;
	[tilespmem:s13+$0xFFFFFE70] =	vst v4;
	v4 =	vmul.f32 v34, v31  }
0x1da: {  	v38 =	vld [tilespmem:s13+$0xFFFFFEB0]  }
0x1db: {  	[tilespmem:s13+$0xFFFFFE80] =	vst v4;
	v4 =	vmul.f32 v35, v36  }
0x1dc: {  	v39 =	vld [tilespmem:s13+$0xFFFFFEC0]  }
0x1dd: {  	[tilespmem:s13+$0xFFFFFE90] =	vst v4;
	v4 =	vmul.f32 v37, v36  }
0x1de: {  	v40 =	vld [tilespmem:s13+$0xFFFFFED0]  }
0x1df: {  	[tilespmem:s13+$0xFFFFFEA0] =	vst v4;
	v4 =	vmul.f32 v38, v36  }
0x1e0: {  	v42 =	vld [tilespmem:s13+$0xFFFFFEE0]  }
0x1e1: {  	v41 =	vbroadcast v3, $0xB;
	[tilespmem:s13+$0xFFFFFEB0] =	vst v4;
	v4 =	vmul.f32 v39, v36  }
0x1e2: {  	v43 =	vld [tilespmem:s13+$0xFFFFFEF0]  }
0x1e3: {  	[tilespmem:s13+$0xFFFFFEC0] =	vst v4;
	v4 =	vmul.f32 v40, v41  }
0x1e4: {  	v44 =	vld [tilespmem:s13+$0xFFFFFF00]  }
0x1e5: {  	[tilespmem:s13+$0xFFFFFED0] =	vst v4;
	v4 =	vmul.f32 v42, v41  }
0x1e6: {  	v45 =	vld [tilespmem:s13+$0xFFFFFF10]  }
0x1e7: {  	[tilespmem:s13+$0xFFFFFEE0] =	vst v4;
	v4 =	vmul.f32 v43, v41  }
0x1e8: {  	v47 =	vld [tilespmem:s13+$0xFFFFFF20]  }
0x1e9: {  	v46 =	vbroadcast v3, $0xC;
	[tilespmem:s13+$0xFFFFFEF0] =	vst v4;
	v4 =	vmul.f32 v44, v41  }
0x1ea: {  	v48 =	vld [tilespmem:s13+$0xFFFFFF30]  }
0x1eb: {  	[tilespmem:s13+$0xFFFFFF00] =	vst v4;
	v4 =	vmul.f32 v45, v46  }
0x1ec: {  	v49 =	vld [tilespmem:s13+$0xFFFFFF40]  }
0x1ed: {  	[tilespmem:s13+$0xFFFFFF10] =	vst v4;
	v4 =	vmul.f32 v47, v46  }
0x1ee: {  	v50 =	vld [tilespmem:s13+$0xFFFFFF50]  }
0x1ef: {  	[tilespmem:s13+$0xFFFFFF20] =	vst v4;
	v4 =	vmul.f32 v48, v46  }
0x1f0: {  	v52 =	vld [tilespmem:s13+$0xFFFFFF60]  }
0x1f1: {  	v51 =	vbroadcast v3, $0xD;
	[tilespmem:s13+$0xFFFFFF30] =	vst v4;
	v4 =	vmul.f32 v49, v46  }
0x1f2: {  	v53 =	vld [tilespmem:s13+$0xFFFFFF70]  }
0x1f3: {  	[tilespmem:s13+$0xFFFFFF40] =	vst v4;
	v4 =	vmul.f32 v50, v51  }
0x1f4: {  	v54 =	vld [tilespmem:s13+$0xFFFFFF80]  }
0x1f5: {  	[tilespmem:s13+$0xFFFFFF50] =	vst v4;
	v4 =	vmul.f32 v52, v51  }
0x1f6: {  	v55 =	vld [tilespmem:s13+$0xFFFFFF90]  }
0x1f7: {  	[tilespmem:s13+$0xFFFFFF60] =	vst v4;
	v4 =	vmul.f32 v53, v51  }
0x1f8: {  	v57 =	vld [tilespmem:s13+$0xFFFFFFA0]  }
0x1f9: {  	v56 =	vbroadcast v3, $0xE;
	[tilespmem:s13+$0xFFFFFF70] =	vst v4;
	v4 =	vmul.f32 v54, v51  }
0x1fa: {  	v58 =	vld [tilespmem:s13+$0xFFFFFFB0]  }
0x1fb: {  	[tilespmem:s13+$0xFFFFFF80] =	vst v4;
	v4 =	vmul.f32 v55, v56  }
0x1fc: {  	v59 =	vld [tilespmem:s13+$0xFFFFFFC0]  }
0x1fd: {  	[tilespmem:s13+$0xFFFFFF90] =	vst v4;
	v4 =	vmul.f32 v57, v56  }
0x1fe: {  	v60 =	vld [tilespmem:s13+$0xFFFFFFD0]  }
0x1ff: {  	[tilespmem:s13+$0xFFFFFFA0] =	vst v4;
	v4 =	vmul.f32 v58, v56  }
0x200: {  	v61 =	vld [tilespmem:s13+$0xFFFFFFE0]  }
0x201: {  	v3 =	vbroadcast v3, $0xF;
	[tilespmem:s13+$0xFFFFFFB0] =	vst v4;
	v4 =	vmul.f32 v59, v56  }
0x202: {  	v62 =	vld [tilespmem:s13+$0xFFFFFFF0]  }
0x203: {  	v63 =	vld [tilespmem:s13+$0x0];
	[tilespmem:s13+$0xFFFFFFC0] =	vst v4;
	v4 =	vmul.f32 v60, v3;
	_ =	sdelay $0x1  }
0x204: {  	p1 =	sne.s32 s12, $0x180;
	[tilespmem:s13+$0xFFFFFFD0] =	vst v4;
	v4 =	vmul.f32 v61, v3  }
.Ltmp4:
0x205: {  	_ = 	snop;
	(pc) =	sbr.rel @p1 .LBB2_11-.Ltmp4, $4  }
0x206: {  	[tilespmem:s13+$0xFFFFFFE0] =	vst v4;
	v4 =	vmul.f32 v62, v3  }
0x207: {  	v3 =	vmul.f32 v63, v3  }
0x208: {  	[tilespmem:s13+$0xFFFFFFF0] =	vst v4  }
0x209: {  	s12 =	sadd.s32 $0x40, s12;
	[tilespmem:s13+$0x0] =	vst v3;
	s13 =	sadd.s32 $0x400, s13  }
0x20a: {  	s9 =	sadd.s32 $0x4EC0, s9  }
0x20b: {  	[spmem:s3] =	stream.indirect.scatter.add.f32 [tilespmem:s22], [sflag:$0x7], $0x40, s9, s20, $0xb8;
	[tilespmem:$0x1FA40] =	vst v63  }
0x20c: {  	_ =	swait.ge [sflag:s29], $0x1C00  }
0x20d: {  	s12 =	simm.s32 @!p0 $0x10840;
	[sflag:s29] =	ssyncset.done $0x0  }
0x20e: {  	s9 =	sadd.s32 @!p0 $0x230, s11;
	s11 =	simm.s32 @!p0 $0x70;
	[sflag:s29] =	ssyncadd.s32 $0xFFFFE400  }
0x20f: {  	[tilespmem:s12], [sflag:$0x2] =	stream.indirect.gather @!p0 [hbm4b:s2+s11], $0x40, s9, s11, $0xb8;
	[tilespmem:$0x1FA40] =	vst v63  }
0x210: {  	_ =	swait.ge [sflag:s30], $0x1C00  }
0x211: {  	[sflag:s30] =	ssyncset.done $0x0  }
0x212: {  	s9 =	simm.s32 $0x0;
	s11 =	smov.u32 s7;
	[sflag:s30] =	ssyncadd.s32 $0xFFFFE400  }
.LBB2_13:
0x213: {  	v2 =	vld [tilespmem:s11+$0x0]  }
0x214: {  	s12 =	sshra.s32 s9, $0x2  }
0x215: {  	v3 =	vld [tilespmem:s12+$0x14040]  }
0x216: {  	v4 =	vld [tilespmem:s12+$0x14050]  }
0x217: {  	v5 =	vld [tilespmem:s12+$0x14060]  }
0x218: {  	v7 =	vld [tilespmem:s12+$0x14070];
	v6 =	vbroadcast v2, $0x0  }
0x219: {  	v8 =	vld [tilespmem:s12+$0x14080]  }
0x21a: {  	v9 =	vld [tilespmem:s12+$0x14090];
	v3 =	vmul.f32 v6, v3  }
0x21b: {  	v10 =	vld [tilespmem:s12+$0x140A0];
	v4 =	vmul.f32 v4, v6  }
0x21c: {  	v11 =	vld [tilespmem:s12+$0x140B0];
	v16 =	vbroadcast v2, $0x1;
	[tilespmem:s12+$0x14040] =	vst v3;
	v3 =	vmul.f32 v5, v6  }
0x21d: {  	v18 =	vld [tilespmem:s12+$0x140C0];
	v17 =	vmul.f32 v7, v6;
	[tilespmem:s12+$0x14050] =	vst v4  }
0x21e: {  	v19 =	vld [tilespmem:s12+$0x140D0];
	[tilespmem:s12+$0x14060] =	vst v3;
	v3 =	vmul.f32 v8, v16  }
0x21f: {  	v21 =	vld [tilespmem:s12+$0x140E0];
	v20 =	vmul.f32 v9, v16;
	[tilespmem:s12+$0x14070] =	vst v17  }
0x220: {  	v23 =	vld [tilespmem:s12+$0x140F0];
	v22 =	vbroadcast v2, $0x2;
	[tilespmem:s12+$0x14080] =	vst v3;
	v3 =	vmul.f32 v10, v16  }
0x221: {  	v25 =	vld [tilespmem:s12+$0x14100];
	v24 =	vmul.f32 v11, v16;
	[tilespmem:s12+$0x14090] =	vst v20  }
0x222: {  	v26 =	vld [tilespmem:s12+$0x14110];
	[tilespmem:s12+$0x140A0] =	vst v3;
	v3 =	vmul.f32 v18, v22  }
0x223: {  	v28 =	vld [tilespmem:s12+$0x14120];
	v27 =	vmul.f32 v19, v22;
	[tilespmem:s12+$0x140B0] =	vst v24  }
0x224: {  	v30 =	vld [tilespmem:s12+$0x14130];
	v29 =	vbroadcast v2, $0x3;
	[tilespmem:s12+$0x140C0] =	vst v3;
	v3 =	vmul.f32 v21, v22  }
0x225: {  	v32 =	vld [tilespmem:s12+$0x14140];
	v31 =	vmul.f32 v23, v22;
	[tilespmem:s12+$0x140D0] =	vst v27  }
0x226: {  	v33 =	vld [tilespmem:s12+$0x14150];
	[tilespmem:s12+$0x140E0] =	vst v3;
	v3 =	vmul.f32 v25, v29  }
0x227: {  	v35 =	vld [tilespmem:s12+$0x14160];
	v34 =	vmul.f32 v26, v29;
	[tilespmem:s12+$0x140F0] =	vst v31  }
0x228: {  	v37 =	vld [tilespmem:s12+$0x14170];
	v36 =	vbroadcast v2, $0x4;
	[tilespmem:s12+$0x14100] =	vst v3;
	v3 =	vmul.f32 v28, v29  }
0x229: {  	v39 =	vld [tilespmem:s12+$0x14180];
	v38 =	vmul.f32 v30, v29;
	[tilespmem:s12+$0x14110] =	vst v34  }
0x22a: {  	v40 =	vld [tilespmem:s12+$0x14190];
	[tilespmem:s12+$0x14120] =	vst v3;
	v3 =	vmul.f32 v32, v36  }
0x22b: {  	v42 =	vld [tilespmem:s12+$0x141A0];
	v41 =	vmul.f32 v33, v36;
	[tilespmem:s12+$0x14130] =	vst v38  }
0x22c: {  	v44 =	vld [tilespmem:s12+$0x141B0];
	v43 =	vbroadcast v2, $0x5;
	[tilespmem:s12+$0x14140] =	vst v3;
	v3 =	vmul.f32 v35, v36  }
0x22d: {  	v46 =	vld [tilespmem:s12+$0x141C0];
	v45 =	vmul.f32 v37, v36;
	[tilespmem:s12+$0x14150] =	vst v41  }
0x22e: {  	v47 =	vld [tilespmem:s12+$0x141D0];
	[tilespmem:s12+$0x14160] =	vst v3;
	v3 =	vmul.f32 v39, v43  }
0x22f: {  	v49 =	vld [tilespmem:s12+$0x141E0];
	v48 =	vmul.f32 v40, v43;
	[tilespmem:s12+$0x14170] =	vst v45  }
0x230: {  	v51 =	vld [tilespmem:s12+$0x141F0];
	v50 =	vbroadcast v2, $0x6;
	[tilespmem:s12+$0x14180] =	vst v3;
	v3 =	vmul.f32 v42, v43  }
0x231: {  	v53 =	vld [tilespmem:s12+$0x14200];
	v52 =	vmul.f32 v44, v43;
	[tilespmem:s12+$0x14190] =	vst v48  }
0x232: {  	v54 =	vld [tilespmem:s12+$0x14210];
	[tilespmem:s12+$0x141A0] =	vst v3;
	v3 =	vmul.f32 v46, v50  }
0x233: {  	v56 =	vld [tilespmem:s12+$0x14220];
	v55 =	vmul.f32 v47, v50;
	[tilespmem:s12+$0x141B0] =	vst v52  }
0x234: {  	v58 =	vld [tilespmem:s12+$0x14230];
	v57 =	vbroadcast v2, $0x7;
	[tilespmem:s12+$0x141C0] =	vst v3;
	v3 =	vmul.f32 v49, v50  }
0x235: {  	v60 =	vld [tilespmem:s12+$0x14240];
	v59 =	vmul.f32 v51, v50;
	[tilespmem:s12+$0x141D0] =	vst v55  }
0x236: {  	v61 =	vld [tilespmem:s12+$0x14250];
	[tilespmem:s12+$0x141E0] =	vst v3;
	v3 =	vmul.f32 v53, v57  }
0x237: {  	v63 =	vld [tilespmem:s12+$0x14260];
	v62 =	vmul.f32 v54, v57;
	[tilespmem:s12+$0x141F0] =	vst v59  }
0x238: {  	v12 =	vbroadcast v2, $0x8;
	v23 =	vld [tilespmem:s12+$0x142D0];
	[tilespmem:s12+$0x14200] =	vst v3;
	v3 =	vmul.f32 v56, v57  }
0x239: {  	v15 =	vld [tilespmem:s12+$0x14280];
	v14 =	vmul.f32 v58, v57;
	[tilespmem:s12+$0x14210] =	vst v62  }
0x23a: {  	v30 =	vld [tilespmem:s12+$0x14310];
	[tilespmem:s12+$0x14220] =	vst v3;
	v3 =	vmul.f32 v60, v12  }
0x23b: {  	v26 =	vbroadcast v2, $0xA;
	[tilespmem:s12+$0x14230] =	vst v14;
	v17 =	vmul.f32 v61, v12;
	v18 =	vld [tilespmem:s12+$0x142A0]  }
0x23c: {  	v19 =	vbroadcast v2, $0x9;
	v37 =	vld [tilespmem:s12+$0x14350];
	[tilespmem:s12+$0x14240] =	vst v3;
	v3 =	vmul.f32 v63, v12  }
0x23d: {  	v33 =	vbroadcast v2, $0xB;
	[tilespmem:s12+$0x14250] =	vst v17;
	v31 =	vmul.f32 v23, v26;
	v22 =	vld [tilespmem:s12+$0x142C0]  }
0x23e: {  	v44 =	vld [tilespmem:s12+$0x14390];
	[tilespmem:s12+$0x14260] =	vst v3;
	v3 =	vmul.f32 v15, v19  }
0x23f: {  	v40 =	vbroadcast v2, $0xC;
	v38 =	vmul.f32 v30, v33;
	[tilespmem:s12+$0x142D0] =	vst v31;
	v25 =	vld [tilespmem:s12+$0x142E0]  }
0x240: {  	v51 =	vld [tilespmem:s12+$0x143D0];
	[tilespmem:s12+$0x14280] =	vst v3;
	v3 =	vmul.f32 v18, v19  }
0x241: {  	v47 =	vbroadcast v2, $0xD;
	v45 =	vmul.f32 v37, v40;
	[tilespmem:s12+$0x14310] =	vst v38;
	v29 =	vld [tilespmem:s12+$0x14300]  }
0x242: {  	v55 =	vld [tilespmem:s12+$0x143F0];
	[tilespmem:s12+$0x142A0] =	vst v3;
	v3 =	vmul.f32 v22, v26  }
0x243: {  	v54 =	vbroadcast v2, $0xE;
	v52 =	vmul.f32 v44, v47;
	[tilespmem:s12+$0x14350] =	vst v45;
	v32 =	vld [tilespmem:s12+$0x14320]  }
0x244: {  	v13 =	vld [tilespmem:s12+$0x14270];
	[tilespmem:s12+$0x142C0] =	vst v3;
	v3 =	vmul.f32 v25, v26  }
0x245: {  	v59 =	vmul.f32 v51, v54;
	[tilespmem:s12+$0x14390] =	vst v52;
	v36 =	vld [tilespmem:s12+$0x14340]  }
0x246: {  	v16 =	vld [tilespmem:s12+$0x14290];
	[tilespmem:s12+$0x142E0] =	vst v3;
	v3 =	vmul.f32 v29, v33  }
0x247: {  	[tilespmem:s12+$0x143D0] =	vst v59;
	v62 =	vmul.f32 v55, v54;
	v39 =	vld [tilespmem:s12+$0x14360]  }
0x248: {  	v20 =	vld [tilespmem:s12+$0x142B0];
	[tilespmem:s12+$0x14300] =	vst v3;
	v3 =	vmul.f32 v32, v33  }
0x249: {  	[tilespmem:s12+$0x143F0] =	vst v62;
	v21 =	vmul.f32 v13, v12;
	v43 =	vld [tilespmem:s12+$0x14380]  }
0x24a: {  	v27 =	vld [tilespmem:s12+$0x142F0];
	[tilespmem:s12+$0x14320] =	vst v3;
	v3 =	vmul.f32 v36, v40  }
0x24b: {  	v24 =	vmul.f32 v16, v19;
	[tilespmem:s12+$0x14270] =	vst v21;
	v46 =	vld [tilespmem:s12+$0x143A0]  }
0x24c: {  	v34 =	vld [tilespmem:s12+$0x14330];
	[tilespmem:s12+$0x14340] =	vst v3;
	v3 =	vmul.f32 v39, v40  }
0x24d: {  	[tilespmem:s12+$0x14290] =	vst v24;
	v28 =	vmul.f32 v20, v19;
	v50 =	vld [tilespmem:s12+$0x143C0]  }
0x24e: {  	v41 =	vld [tilespmem:s12+$0x14370];
	[tilespmem:s12+$0x14360] =	vst v3;
	v3 =	vmul.f32 v43, v47  }
0x24f: {  	[tilespmem:s12+$0x142B0] =	vst v28;
	v35 =	vmul.f32 v27, v26;
	v53 =	vld [tilespmem:s12+$0x143E0]  }
0x250: {  	v48 =	vld [tilespmem:s12+$0x143B0];
	[tilespmem:s12+$0x14380] =	vst v3;
	v3 =	vmul.f32 v46, v47  }
0x251: {  	[tilespmem:s12+$0x142F0] =	vst v35;
	v42 =	vmul.f32 v34, v33;
	v57 =	vld [tilespmem:s12+$0x14400]  }
0x252: {  	v58 =	vld [tilespmem:s12+$0x14410];
	[tilespmem:s12+$0x143A0] =	vst v3;
	v3 =	vmul.f32 v50, v54  }
0x253: {  	[tilespmem:s12+$0x14330] =	vst v42;
	v49 =	vmul.f32 v41, v40;
	v60 =	vld [tilespmem:s12+$0x14420]  }
0x254: {  	v2 =	vbroadcast v2, $0xF;
	v61 =	vld [tilespmem:s12+$0x14430];
	[tilespmem:s12+$0x143C0] =	vst v3;
	v3 =	vmul.f32 v53, v54  }
0x255: {  	[tilespmem:s12+$0x14370] =	vst v49;
	v56 =	vmul.f32 v48, v47  }
0x256: {  	p0 =	sne.s32 s9, $0x6000;
	[tilespmem:s12+$0x143E0] =	vst v3;
	v3 =	vmul.f32 v57, v2  }
.Ltmp5:
0x257: {  	[tilespmem:s12+$0x143B0] =	vst v56;
	v63 =	vmul.f32 v58, v2;
	(pc) =	sbr.rel @p0 .LBB2_13-.Ltmp5, $4  }
0x258: {  	[tilespmem:s12+$0x14400] =	vst v3;
	v3 =	vmul.f32 v60, v2  }
0x259: {  	[tilespmem:s12+$0x14410] =	vst v63;
	v2 =	vmul.f32 v61, v2  }
0x25a: {  	[tilespmem:s12+$0x14420] =	vst v3  }
0x25b: {  	s11 =	sadd.s32 $0x10, s11;
	s9 =	sadd.s32 $0x1000, s9;
	[tilespmem:s12+$0x14430] =	vst v2  }
0x25c: {  	s18 =	sadd.s32 $0x1, s18  }
0x25d: {  	p0 =	sne.s32 s18, $0x2D  }
.Ltmp6:
0x25e: {  	_ = 	snop;
	(pc) =	sbr.rel @p0 .LBB2_6-.Ltmp6, $4  }
0x25f: {  	_ = 	snop  }
0x260: {  	s9 =	sadd.s32 $0x4EC0, s10;
	s1 =	sadd.s32 $0x1C0, s1  }
0x261: {  	s5 =	sadd.s32 $0x1C0, s5;
	s6 =	sadd.s32 $0x1C0, s6;
	s7 =	sadd.s32 $0x1C0, s7  }
0x262: {  	[spmem:s3] =	stream.indirect.scatter.add.f32 [tilespmem:s24], [sflag:$0x8], $0x40, s9, s20, $0xb8;
	[tilespmem:$0x1FA40] =	vst v63  }
0x263: {  	_ =	swait.ge [sflag:s31], $0x1C00  }
0x264: {  	[sflag:s31] =	ssyncset.done $0x0  }
0x265: {  	[sflag:s31] =	ssyncadd.s32 $0xFFFFE400  }
0x266: {  	_ =	swait.ge [sflag:s0], $0x1C00  }
0x267: {  	[sflag:s0] =	ssyncset.done $0x0  }
0x268: {  	s1 =	stileid.u32;
	[sflag:s0] =	ssyncadd.s32 $0xFFFFE400  }
0x269: {  	s1 =	sshll.u32 s1, $0x6;
	[bflag:$0x0] =	sbarrier.arrive $0xFFFF  }
0x26a: {  	s5 =	sshrl.u32 s8, $0x3;
	s1 =	sor.u32 $0x1C09, s1;
	s6 =	rddreg [dreg:$0xc]  }
0x26b: {  	[hbm:s6], [sflag:s1] =	dma.local [spmem:s5], $0x13C0  }
0x26c: {  	_ =	swait.ge [sflag:s16], $0x13C0  }
0x26d: {  	s17 =	sadd.s32 $0x1, s17;
	s18 =	rddreg [dreg:$0xd]  }
0x26e: {  	p0 =	sne.s32 s17, s18  }
.Ltmp7:
0x26f: {  	_ = 	snop;
	(pc) =	sbr.rel @p0 .LBB2_1-.Ltmp7, $3  }
0x270: {  	_ =	sdelay $0x1  }
0x271: {  	[sflag:s16] =	ssyncset.done $0x0  }
0x272: {  	[sflag:s16] =	ssyncadd.s32 $0xFFFFEC40  }
0x273: {  	_ =	sfence.sel $0x180000  }
0x274: {  	[bflag:$0x0] =	sbarrier.arrive $0xFFFF  }
0x275: {  	_ =	strace $0x90000047  }
0x276: {  	s0 =	stileid.u32;
	[bflag:$0x2] =	sbarrier.arrive $0xFFFF  }
0x277: {  	p0 =	sne.s32 s0, $0x0;
	s0 =	rddreg [dreg:$0x3]  }
0x278: {  	s0 =	sadd.s32 @!p0 $0x100000, s0  }
0x279: {  	[sflag:s0] =	ssyncadd.tile.s32 @!p0 $0x1;
	_ =	shalt  }
.Lfunc_end2:
_tile_overlayer_lowered:
.L_overlay_start_2:
0x27a: {  	(tag) =	ssettag $0x2  }
0x27b: {  	s0 =	rddreg [dreg:$0x0];
	s2 =	stileid.u32  }
0x27c: {  	s1 =	rddreg [dreg:$0x1];
	p0 =	sne.s32 s2, $0x0  }
0x27d: {  	s3 =	rddreg [dreg:$0x2];
	[bflag:$0x3] =	sbarrier.arrive $0xFFFF;
	s2 =	simm.s32 @!p0 $0x1C09  }
0x27e: {  	[timem:s3], [sflag:s2] =	dma.local @!p0 [hbm:s0], s1  }
0x27f: {  	s0 =	simm.s32 @!p0 $0x9  }
0x280: {  	_ =	swait.ge @!p0 [sflag:s0], s1  }
0x281: {  	s1 =	ssub.s32 @!p0 $0x0, s1;
	[sflag:s0] =	ssyncset.done @!p0 $0x0  }
0x282: {  	[sflag:s0] =	ssyncadd.s32 @!p0 s1  }
0x283: {  	[bflag:$0x3] =	sbarrier.arrive $0xFFFF  }
0x284: {  	_ =	shalt  }

</sc_bundles>
